<compile_context>
chip_gen: v7x
topology: tpu7x:2x2x1
jax: 0.10.2.dev20260603
libtpu: 0.0.44.dev20260713+nightly
codegen_flags: <defaults>
</compile_context>

<pallas_src>
import functools

import jax
import jax.numpy as jnp
from jax import lax
from jax.experimental import pallas as pl
from jax.experimental.pallas import tpu as pltpu
from jax.experimental.pallas import tpu_sc as plsc

N = 320000
D = 128
G = 1024
HID = 128

NC = 2
NS = 16
RCHUNKS = 16
HALVES = 2
DH = D // HALVES
RPW = N // RCHUNKS
C = 160
NCH = RPW // C
GPC = C // 16
CL = 16



def _seg_pool_sc(x, ids):
    mesh = plsc.VectorSubcoreMesh(core_axis_name="c", subcore_axis_name="s")

    @functools.partial(
        pl.kernel,
        out_type=(
            jax.ShapeDtypeStruct((RCHUNKS, G, D), jnp.float32),
            jax.ShapeDtypeStruct((RCHUNKS, G, CL), jnp.float32),
        ),
        mesh=mesh,
        compiler_params=pltpu.CompilerParams(use_tc_tiling_on_sc=False, needs_layout_passes=False),
        scratch_types=(
            pltpu.VMEM((G, DH), jnp.float32),
            pltpu.VMEM((G, CL), jnp.float32),
            pltpu.VMEM((2, C, DH), jnp.float32),
            pltpu.VMEM((RPW,), jnp.int32),
            pltpu.SemaphoreType.DMA,
            pltpu.SemaphoreType.DMA,
            pltpu.SemaphoreType.DMA,
        ),
    )
    def seg_kernel(x_hbm, ids_hbm, sums_hbm, cnts_hbm,
                   acc, cacc, xbuf, idbuf, xs0, xs1, isem):
        cid = lax.axis_index("c")
        sid = lax.axis_index("s")
        iota16 = lax.iota(jnp.int32, 16)
        cols = [iota16 + 16 * j for j in range(DH // 16)]
        ones16 = jnp.full((16,), 1.0, jnp.float32)
        zeros16 = jnp.full((16,), 0.0, jnp.float32)
        row0 = sid * RPW
        col0 = cid * DH
        xsem = (xs0, xs1)

        def dma_x(chunk, b):
            base = row0 + chunk * C
            return pltpu.make_async_copy(
                x_hbm.at[pl.ds(base, C), pl.ds(col0, DH)], xbuf.at[b], xsem[b])

        def dma_ids():
            return pltpu.make_async_copy(
                ids_hbm.at[pl.ds(row0, RPW)], idbuf, isem)

        def bcast(vec16, lane):
            dn = lax.GatherDimensionNumbers(
                offset_dims=(), collapsed_slice_dims=(0,), start_index_map=(0,))
            return lax.gather(
                vec16, jnp.full((16, 1), lane, jnp.int32), dn,
                slice_sizes=(1,),
                mode=lax.GatherScatterMode.PROMISE_IN_BOUNDS)

        def tree_sum(vals):
            while len(vals) > 1:
                nxt = [vals[k] + vals[k + 1] for k in range(0, len(vals) - 1, 2)]
                if len(vals) % 2:
                    nxt.append(vals[-1])
                vals = nxt
            return vals[0]

        def process(chunk, b):
            @pl.loop(0, GPC)
            def _group(g):
                base = g * 16
                ids16 = jnp.minimum(
                    idbuf[pl.ds(chunk * C + base, 16)], G - 1)
                plsc.addupdate_scatter(cacc, [ids16, iota16], ones16)
                idsp0 = bcast(ids16, 0)
                uniform = ids16[0] == ids16[15]

                @pl.when(uniform)
                def _fast():
                    for j in range(DH // 16):
                        sj = tree_sum(
                            [xbuf[b, base + i, pl.ds(16 * j, 16)]
                             for i in range(16)])
                        plsc.addupdate_scatter(acc, [idsp0, cols[j]], sj)

                @pl.when(jnp.logical_not(uniform))
                def _slow():
                    for i in range(16):
                        idsp = bcast(ids16, i)
                        for j in range(DH // 16):
                            v = xbuf[b, base + i, pl.ds(16 * j, 16)]
                            plsc.addupdate_scatter(acc, [idsp, cols[j]], v)

        dma_ids().start()
        dma_x(0, 0).start()
        dma_x(1, 1).start()

        @pl.loop(0, G)
        def _zero(i):
            risp = jnp.full((16,), i, jnp.int32)
            for j in range(DH // 16):
                plsc.store_scatter(acc, [risp, cols[j]], zeros16)
            plsc.store_scatter(cacc, [risp, cols[0]], zeros16)

        dma_ids().wait()

        @pl.loop(0, NCH // 2)
        def _chunk_pair(i2):
            for b in range(2):
                chunk = i2 * 2 + b
                dma_x(chunk, b).wait()
                process(chunk, b)
                nxt = chunk + 2

                @pl.when(nxt < NCH)
                def _start_next():
                    dma_x(nxt, b).start()

        dma_x(NCH - 1, 0).wait()
        process(NCH - 1, 0)

        pltpu.sync_copy(acc, sums_hbm.at[sid, :, pl.ds(col0, DH)])

        @pl.when(cid == 0)
        def _write_counts():
            pltpu.sync_copy(cacc, cnts_hbm.at[sid])

    return seg_kernel(x, ids)


def _head_tc(sums_part, cnt_part, W1, b1, W2, b2):

    def body(sp_ref, cp_ref, w1_ref, b1_ref, w2_ref, b2_ref, out_ref):
        sum_pool = jnp.sum(sp_ref[...], axis=0)
        counts = jnp.sum(cp_ref[...], axis=(0, 2))
        counts = jnp.maximum(counts, 1.0)
        mean_pool = sum_pool / counts[:, None]
        w1a = w1_ref[pl.ds(0, D), :]
        w1b = w1_ref[pl.ds(D, D), :]
        h1 = (jnp.dot(sum_pool, w1a, preferred_element_type=jnp.float32)
              + jnp.dot(mean_pool, w1b, preferred_element_type=jnp.float32)
              + b1_ref[...])
        h1 = jnp.maximum(h1, 0.0)
        out_ref[...] = (jnp.dot(h1, w2_ref[...],
                                preferred_element_type=jnp.float32)
                        + b2_ref[...])

    return pl.pallas_call(
        body,
        out_shape=jax.ShapeDtypeStruct((G, 1), jnp.float32),
    )(sums_part, cnt_part, W1, b1, W2, b2)


def kernel(x, segment_ids, num_graphs, W1, b1, W2, b2):
    ids = segment_ids.astype(jnp.int32)
    sums_part, cnt_part = _seg_pool_sc(x, ids)
    return _head_tc(sums_part, cnt_part, W1, b1, W2, b2)

# --- scband reference (transcript-rebuilt; emitter-appended) ---
"""Pipeline reference for scband-model-class-6219112644857 (READ-ONLY COPY).

The authoritative reference and input builder live on the scoring server;
editing this copy changes nothing except your own understanding.
"""

import jax, jax.numpy as jnp
import numpy as np

N = 320000
D = 128
G = 1024
HID = 128

def setup_inputs(seed: int = 0) -> dict:
    key = jax.random.key(seed)
    k1, k2, k3, k4, k5 = jax.random.split(key, 5)
    x = jax.random.normal(k1, (N, D), dtype=jnp.float32)
    segment_ids = jnp.sort(jax.random.randint(k2, (N,), 0, G, dtype=jnp.int64))
    W1 = jax.random.normal(k3, (2 * D, HID), dtype=jnp.float32) * (1.0 / np.sqrt(2 * D))
    b1 = jnp.zeros((HID,), dtype=jnp.float32)
    W2 = jax.random.normal(k4, (HID, 1), dtype=jnp.float32) * (1.0 / np.sqrt(HID))
    b2 = jnp.zeros((1,), dtype=jnp.float32)
    return {"x": x, "segment_ids": segment_ids, "num_graphs": G, "W1": W1, "b1": b1, "W2": W2, "b2": b2}

def reference(x, segment_ids, num_graphs, W1, b1, W2, b2):
    segment_ids = jnp.minimum(segment_ids, num_graphs - 1)
    # global_add_pool: segment sum of node features per graph
    sum_pool = jax.ops.segment_sum(x, segment_ids, num_segments=G)
    # global_mean_pool: segment sum / counts
    counts = jax.ops.segment_sum(jnp.ones((x.shape[0],), dtype=x.dtype), segment_ids, num_segments=G)
    counts = jnp.maximum(counts, 1.0)
    mean_pool = sum_pool / counts[:, None]
    # hstack
    h = jnp.concatenate([sum_pool, mean_pool], axis=1)
    # hlv_dnn: FFN(2*n_features -> hidden -> 1), identity last activation
    h1 = jnp.maximum(h @ W1 + b1, 0.0)
    out = h1 @ W2 + b2
    return out

if __name__ == "__main__":
    import jax
    _d = setup_inputs()
    print(jax.jit(kernel)(*tuple(_d.values())))

</pallas_src>

<mosaic_0001>
#map = affine_map<(d0, d1) -> (0, 0)>
#map1 = affine_map<(d0, d1) -> (0)>
#map2 = affine_map<(d0, d1) -> (0, 0, 0)>
module attributes {stable_mosaic.version = 14 : i64} {
  func.func @seg_kernel(%arg0: i32, %arg1: i32, %arg2: memref<320000x128xf32, #tpu.memory_space<hbm>>, %arg3: memref<320000xi32, #tpu.memory_space<hbm>>, %arg4: memref<16x1024x128xf32, #tpu.memory_space<hbm>>, %arg5: memref<16x1024x16xf32, #tpu.memory_space<hbm>>, %arg6: memref<1024x64xf32, #tpu.memory_space<vmem>>, %arg7: memref<1024x16xf32, #tpu.memory_space<vmem>>, %arg8: memref<2x160x64xf32, #tpu.memory_space<vmem>>, %arg9: memref<20000xi32, #tpu.memory_space<vmem>>, %arg10: memref<!tpu.dma_semaphore, #tpu.memory_space<semaphore_mem>>, %arg11: memref<!tpu.dma_semaphore, #tpu.memory_space<semaphore_mem>>, %arg12: memref<!tpu.dma_semaphore, #tpu.memory_space<semaphore_mem>>) attributes {dimension_semantics = [#tpu.dimension_semantics<core_parallel>, #tpu.dimension_semantics<subcore_parallel>], iteration_bounds = array<i64: 2, 16>, scalar_prefetch = 0 : i64, scratch_operands = 7 : i64, tpu.core_type = #tpu.core_type<sc_vector_subcore>, window_params = [{transform_indices = #map}, {transform_indices = #map1}, {transform_indices = #map2}, {transform_indices = #map2}]} {
    %iota3A = tpu.iota {dimensions = array<i32: 0>} : vector<16xi32>
    %add3A = arith.constant 0 : i32
    %add3A_0 = vector.broadcast %add3A : i32 to vector<16xi32>
    %add3A_1 = arith.addi %iota3A, %add3A_0 : vector<16xi32>
    %add3A_2 = arith.constant 16 : i32
    %add3A_3 = vector.broadcast %add3A_2 : i32 to vector<16xi32>
    %add3A_4 = arith.addi %iota3A, %add3A_3 : vector<16xi32>
    %add3A_5 = arith.constant 32 : i32
    %add3A_6 = vector.broadcast %add3A_5 : i32 to vector<16xi32>
    %add3A_7 = arith.addi %iota3A, %add3A_6 : vector<16xi32>
    %add3A_8 = arith.constant 48 : i32
    %add3A_9 = vector.broadcast %add3A_8 : i32 to vector<16xi32>
    %add3A_10 = arith.addi %iota3A, %add3A_9 : vector<16xi32>
    %broadcast_in_dim3A = arith.constant 1.000000e+00 : f32
    %broadcast_in_dim3A_11 = vector.broadcast %broadcast_in_dim3A : f32 to vector<16xf32>
    %broadcast_in_dim3A_12 = arith.constant 0.000000e+00 : f32
    %broadcast_in_dim3A_13 = vector.broadcast %broadcast_in_dim3A_12 : f32 to vector<16xf32>
    %mul3A = arith.constant 20000 : i32
    %mul3A_14 = arith.muli %arg1, %mul3A : i32
    %mul3A_15 = arith.constant 64 : i32
    %mul3A_16 = arith.muli %arg0, %mul3A_15 : i32
    %dma_start3A = tpu.memref_slice %arg3[%mul3A_14] : memref<320000xi32, #tpu.memory_space<hbm>> -> memref<20000xi32, #tpu.memory_space<hbm>>
    %dma_start3A_17 = tpu.memref_slice %arg3[%mul3A_14] : memref<320000xi32, #tpu.memory_space<hbm>> -> memref<20000xi32, #tpu.memory_space<hbm>>
    tpu.enqueue_dma source(%dma_start3A_17 : memref<20000xi32, #tpu.memory_space<hbm>>) target(%arg9 : memref<20000xi32, #tpu.memory_space<vmem>>) target_semaphore(%arg12 : memref<!tpu.dma_semaphore, #tpu.memory_space<semaphore_mem>>)
    %add3A_18 = arith.constant 0 : i32
    %add3A_19 = arith.addi %mul3A_14, %add3A_18 : i32
    %dma_start3A_20 = arith.constant 0 : i32
    %dma_start3A_21 = arith.constant 0 : i32
    %dma_start3A_22 = arith.constant 0 : i32
    %dma_start3A_23 = tpu.memref_slice %arg8[%dma_start3A_20, %dma_start3A_21, %dma_start3A_22] : memref<2x160x64xf32, #tpu.memory_space<vmem>> -> memref<1x160x64xf32, #tpu.memory_space<vmem>>
    %dma_start3A_24 = tpu.memref_squeeze %dma_start3A_23 : memref<1x160x64xf32, #tpu.memory_space<vmem>> -> memref<160x64xf32, #tpu.memory_space<vmem>>
    %dma_start3A_25 = tpu.memref_slice %arg2[%add3A_19, %mul3A_16] : memref<320000x128xf32, #tpu.memory_space<hbm>> -> memref<160x64xf32, #tpu.memory_space<hbm>>
    %dma_start3A_26 = arith.constant 0 : i32
    %dma_start3A_27 = arith.constant 0 : i32
    %dma_start3A_28 = tpu.memref_slice %arg8[%dma_start3A_20, %dma_start3A_26, %dma_start3A_27] : memref<2x160x64xf32, #tpu.memory_space<vmem>> -> memref<1x160x64xf32, #tpu.memory_space<vmem>>
    %dma_start3A_29 = tpu.memref_squeeze %dma_start3A_28 : memref<1x160x64xf32, #tpu.memory_space<vmem>> -> memref<160x64xf32, #tpu.memory_space<vmem>>
    %dma_start3A_30 = tpu.memref_slice %arg2[%add3A_19, %mul3A_16] : memref<320000x128xf32, #tpu.memory_space<hbm>> -> memref<160x64xf32, #tpu.memory_space<hbm>>
    tpu.enqueue_dma source(%dma_start3A_30 : memref<160x64xf32, #tpu.memory_space<hbm>>) target(%dma_start3A_29 : memref<160x64xf32, #tpu.memory_space<vmem>>) target_semaphore(%arg10 : memref<!tpu.dma_semaphore, #tpu.memory_space<semaphore_mem>>)
    %add3A_31 = arith.constant 160 : i32
    %add3A_32 = arith.addi %mul3A_14, %add3A_31 : i32
    %dma_start3A_33 = arith.constant 1 : i32
    %dma_start3A_34 = arith.constant 0 : i32
    %dma_start3A_35 = arith.constant 0 : i32
    %dma_start3A_36 = tpu.memref_slice %arg8[%dma_start3A_33, %dma_start3A_34, %dma_start3A_35] : memref<2x160x64xf32, #tpu.memory_space<vmem>> -> memref<1x160x64xf32, #tpu.memory_space<vmem>>
    %dma_start3A_37 = tpu.memref_squeeze %dma_start3A_36 : memref<1x160x64xf32, #tpu.memory_space<vmem>> -> memref<160x64xf32, #tpu.memory_space<vmem>>
    %dma_start3A_38 = tpu.memref_slice %arg2[%add3A_32, %mul3A_16] : memref<320000x128xf32, #tpu.memory_space<hbm>> -> memref<160x64xf32, #tpu.memory_space<hbm>>
    %dma_start3A_39 = arith.constant 0 : i32
    %dma_start3A_40 = arith.constant 0 : i32
    %dma_start3A_41 = tpu.memref_slice %arg8[%dma_start3A_33, %dma_start3A_39, %dma_start3A_40] : memref<2x160x64xf32, #tpu.memory_space<vmem>> -> memref<1x160x64xf32, #tpu.memory_space<vmem>>
    %dma_start3A_42 = tpu.memref_squeeze %dma_start3A_41 : memref<1x160x64xf32, #tpu.memory_space<vmem>> -> memref<160x64xf32, #tpu.memory_space<vmem>>
    %dma_start3A_43 = tpu.memref_slice %arg2[%add3A_32, %mul3A_16] : memref<320000x128xf32, #tpu.memory_space<hbm>> -> memref<160x64xf32, #tpu.memory_space<hbm>>
    tpu.enqueue_dma source(%dma_start3A_43 : memref<160x64xf32, #tpu.memory_space<hbm>>) target(%dma_start3A_42 : memref<160x64xf32, #tpu.memory_space<vmem>>) target_semaphore(%arg11 : memref<!tpu.dma_semaphore, #tpu.memory_space<semaphore_mem>>)
    %scan3A = arith.constant 0 : i32
    %scan3A_44 = arith.constant 1024 : i32
    %scan3A_45 = arith.addi %scan3A, %scan3A_44 : i32
    %scan3A_46 = arith.constant 1 : i32
    scf.for %scan3A_74 = %scan3A to %scan3A_45 step %scan3A_46  : i32 {
      %mul3A_75 = arith.constant 1 : i32
      %mul3A_76 = arith.muli %scan3A_74, %mul3A_75 : i32
      %add3A_77 = arith.constant 0 : i32
      %add3A_78 = arith.addi %add3A_77, %mul3A_76 : i32
      %broadcast_in_dim3A_79 = vector.broadcast %add3A_78 : i32 to vector<16xi32>
      tpu.vector_store_idx %arg6[%broadcast_in_dim3A_79, %add3A_1], %broadcast_in_dim3A_13 : memref<1024x64xf32, #tpu.memory_space<vmem>>[vector<16xi32>, vector<16xi32>], vector<16xf32>,
      tpu.vector_store_idx %arg6[%broadcast_in_dim3A_79, %add3A_4], %broadcast_in_dim3A_13 : memref<1024x64xf32, #tpu.memory_space<vmem>>[vector<16xi32>, vector<16xi32>], vector<16xf32>,
      tpu.vector_store_idx %arg6[%broadcast_in_dim3A_79, %add3A_7], %broadcast_in_dim3A_13 : memref<1024x64xf32, #tpu.memory_space<vmem>>[vector<16xi32>, vector<16xi32>], vector<16xf32>,
      tpu.vector_store_idx %arg6[%broadcast_in_dim3A_79, %add3A_10], %broadcast_in_dim3A_13 : memref<1024x64xf32, #tpu.memory_space<vmem>>[vector<16xi32>, vector<16xi32>], vector<16xf32>,
      tpu.vector_store_idx %arg7[%broadcast_in_dim3A_79, %add3A_1], %broadcast_in_dim3A_13 : memref<1024x16xf32, #tpu.memory_space<vmem>>[vector<16xi32>, vector<16xi32>], vector<16xf32>,
    }
    %scan3A_47 = arith.constant 1024 : i32
    %dma_wait3A = tpu.memref_slice %arg3[%mul3A_14] : memref<320000xi32, #tpu.memory_space<hbm>> -> memref<20000xi32, #tpu.memory_space<hbm>>
    %dma_wait3A_48 = tpu.memref_slice %arg3[%mul3A_14] : memref<320000xi32, #tpu.memory_space<hbm>> -> memref<20000xi32, #tpu.memory_space<hbm>>
    tpu.wait_dma2 semaphore(%arg12 : memref<!tpu.dma_semaphore, #tpu.memory_space<semaphore_mem>>) src(%dma_wait3A_48 : memref<20000xi32, #tpu.memory_space<hbm>>) dst(%arg9 : memref<20000xi32, #tpu.memory_space<vmem>>)
    %scan3A_49 = arith.constant 0 : i32
    %scan3A_50 = arith.constant 62 : i32
    %scan3A_51 = arith.addi %scan3A_49, %scan3A_50 : i32
    %scan3A_52 = arith.constant 1 : i32
    scf.for %scan3A_74 = %scan3A_49 to %scan3A_51 step %scan3A_52  : i32 {
      %mul3A_75 = arith.constant 1 : i32
      %mul3A_76 = arith.muli %scan3A_74, %mul3A_75 : i32
      %add3A_77 = arith.constant 0 : i32
      %add3A_78 = arith.addi %add3A_77, %mul3A_76 : i32
      %mul3A_79 = arith.constant 2 : i32
      %mul3A_80 = arith.muli %add3A_78, %mul3A_79 : i32
      %add3A_81 = arith.constant 0 : i32
      %add3A_82 = arith.addi %mul3A_80, %add3A_81 : i32
      %mul3A_83 = arith.constant 160 : i32
      %mul3A_84 = arith.muli %add3A_82, %mul3A_83 : i32
      %add3A_85 = arith.addi %mul3A_14, %mul3A_84 : i32
      %dma_wait3A_86 = arith.constant 0 : i32
      %dma_wait3A_87 = arith.constant 0 : i32
      %dma_wait3A_88 = arith.constant 0 : i32
      %dma_wait3A_89 = tpu.memref_slice %arg8[%dma_wait3A_86, %dma_wait3A_87, %dma_wait3A_88] : memref<2x160x64xf32, #tpu.memory_space<vmem>> -> memref<1x160x64xf32, #tpu.memory_space<vmem>>
      %dma_wait3A_90 = tpu.memref_squeeze %dma_wait3A_89 : memref<1x160x64xf32, #tpu.memory_space<vmem>> -> memref<160x64xf32, #tpu.memory_space<vmem>>
      %dma_wait3A_91 = tpu.memref_slice %arg2[%add3A_85, %mul3A_16] : memref<320000x128xf32, #tpu.memory_space<hbm>> -> memref<160x64xf32, #tpu.memory_space<hbm>>
      %dma_wait3A_92 = arith.constant 0 : i32
      %dma_wait3A_93 = arith.constant 0 : i32
      %dma_wait3A_94 = tpu.memref_slice %arg8[%dma_wait3A_86, %dma_wait3A_92, %dma_wait3A_93] : memref<2x160x64xf32, #tpu.memory_space<vmem>> -> memref<1x160x64xf32, #tpu.memory_space<vmem>>
      %dma_wait3A_95 = tpu.memref_squeeze %dma_wait3A_94 : memref<1x160x64xf32, #tpu.memory_space<vmem>> -> memref<160x64xf32, #tpu.memory_space<vmem>>
      %dma_wait3A_96 = tpu.memref_slice %arg2[%add3A_85, %mul3A_16] : memref<320000x128xf32, #tpu.memory_space<hbm>> -> memref<160x64xf32, #tpu.memory_space<hbm>>
      tpu.wait_dma2 semaphore(%arg10 : memref<!tpu.dma_semaphore, #tpu.memory_space<semaphore_mem>>) src(%dma_wait3A_96 : memref<160x64xf32, #tpu.memory_space<hbm>>) dst(%dma_wait3A_95 : memref<160x64xf32, #tpu.memory_space<vmem>>)
      %scan3A_97 = arith.constant 0 : i32
      %scan3A_98 = arith.constant 10 : i32
      %scan3A_99 = arith.addi %scan3A_97, %scan3A_98 : i32
      %scan3A_100 = arith.constant 1 : i32
      scf.for %scan3A_138 = %scan3A_97 to %scan3A_99 step %scan3A_100  : i32 {
        %mul3A_139 = arith.constant 1 : i32
        %mul3A_140 = arith.muli %scan3A_138, %mul3A_139 : i32
        %add3A_141 = arith.constant 0 : i32
        %add3A_142 = arith.addi %add3A_141, %mul3A_140 : i32
        %mul3A_143 = arith.constant 16 : i32
        %mul3A_144 = arith.muli %add3A_142, %mul3A_143 : i32
        %mul3A_145 = arith.constant 160 : i32
        %mul3A_146 = arith.muli %add3A_82, %mul3A_145 : i32
        %add3A_147 = arith.addi %mul3A_146, %mul3A_144 : i32
        %get3A = arith.index_cast %add3A_147 : i32 to index
        %get3A_148 = tpu.vector_load %arg9[%get3A] {strides = array<i32>} : memref<20000xi32, #tpu.memory_space<vmem>>, vector<16xi32>,
        %min3A = arith.constant 1023 : i32
        %min3A_149 = vector.broadcast %min3A : i32 to vector<16xi32>
        %min3A_150 = arith.minsi %get3A_148, %min3A_149 : vector<16xi32>
        tpu.vector_store_idx %arg7[%min3A_150, %iota3A], %broadcast_in_dim3A_11 {add = true} : memref<1024x16xf32, #tpu.memory_space<vmem>>[vector<16xi32>, vector<16xi32>], vector<16xf32>,
        %broadcast_in_dim3A_151 = arith.constant 0 : i32
        %broadcast_in_dim3A_152 = vector.broadcast %broadcast_in_dim3A_151 : i32 to vector<16x1xi32>
        %gather3A = vector.shape_cast %broadcast_in_dim3A_152 : vector<16x1xi32> to vector<16xi32>
        %gather3A_153 = tpu.dynamic_gather %min3A_150[%gather3A] in [0] : vector<16xi32>, vector<16xi32> -> vector<16xi32>
        %slice3A = vector.extract_strided_slice %min3A_150 {offsets = [0], sizes = [1], strides = [1]} : vector<16xi32> to vector<1xi32>
        %squeeze3A = vector.extract %slice3A[0] : i32 from vector<1xi32>
        %slice3A_154 = vector.extract_strided_slice %min3A_150 {offsets = [15], sizes = [1], strides = [1]} : vector<16xi32> to vector<1xi32>
        %squeeze3A_155 = vector.extract %slice3A_154[0] : i32 from vector<1xi32>
        %eq3A_156 = arith.cmpi eq, %squeeze3A, %squeeze3A_155 : i32
        %convert_element_type3A_157 = arith.extui %eq3A_156 : i1 to i32
        %cond3A_158 = arith.constant 0 : i32
        %cond3A_159 = arith.cmpi ne, %convert_element_type3A_157, %cond3A_158 : i32
        scf.if %cond3A_159 {
          %add3A_164 = arith.constant 0 : i32
          %add3A_165 = arith.addi %mul3A_144, %add3A_164 : i32
          %get3A_166 = arith.constant 0 : i32
          %get3A_167 = arith.index_cast %get3A_166 : i32 to index
          %get3A_168 = arith.index_cast %add3A_165 : i32 to index
          %get3A_169 = arith.constant 0 : index
          %get3A_170 = tpu.vector_load %arg8[%get3A_167, %get3A_168, %get3A_169] {strides = array<i32>} : memref<2x160x64xf32, #tpu.memory_space<vmem>>, vector<16xf32>,
          %add3A_171 = arith.constant 1 : i32
          %add3A_172 = arith.addi %mul3A_144, %add3A_171 : i32
          %get3A_173 = arith.constant 0 : i32
          %get3A_174 = arith.index_cast %get3A_173 : i32 to index
          %get3A_175 = arith.index_cast %add3A_172 : i32 to index
          %get3A_176 = arith.constant 0 : index
          %get3A_177 = tpu.vector_load %arg8[%get3A_174, %get3A_175, %get3A_176] {strides = array<i32>} : memref<2x160x64xf32, #tpu.memory_space<vmem>>, vector<16xf32>,
          %add3A_178 = arith.constant 2 : i32
          %add3A_179 = arith.addi %mul3A_144, %add3A_178 : i32
          %get3A_180 = arith.constant 0 : i32
          %get3A_181 = arith.index_cast %get3A_180 : i32 to index
          %get3A_182 = arith.index_cast %add3A_179 : i32 to index
          %get3A_183 = arith.constant 0 : index
          %get3A_184 = tpu.vector_load %arg8[%get3A_181, %get3A_182, %get3A_183] {strides = array<i32>} : memref<2x160x64xf32, #tpu.memory_space<vmem>>, vector<16xf32>,
          %add3A_185 = arith.constant 3 : i32
          %add3A_186 = arith.addi %mul3A_144, %add3A_185 : i32
          %get3A_187 = arith.constant 0 : i32
          %get3A_188 = arith.index_cast %get3A_187 : i32 to index
          %get3A_189 = arith.index_cast %add3A_186 : i32 to index
          %get3A_190 = arith.constant 0 : index
          %get3A_191 = tpu.vector_load %arg8[%get3A_188, %get3A_189, %get3A_190] {strides = array<i32>} : memref<2x160x64xf32, #tpu.memory_space<vmem>>, vector<16xf32>,
          %add3A_192 = arith.constant 4 : i32
          %add3A_193 = arith.addi %mul3A_144, %add3A_192 : i32
          %get3A_194 = arith.constant 0 : i32
          %get3A_195 = arith.index_cast %get3A_194 : i32 to index
          %get3A_196 = arith.index_cast %add3A_193 : i32 to index
          %get3A_197 = arith.constant 0 : index
          %get3A_198 = tpu.vector_load %arg8[%get3A_195, %get3A_196, %get3A_197] {strides = array<i32>} : memref<2x160x64xf32, #tpu.memory_space<vmem>>, vector<16xf32>,
          %add3A_199 = arith.constant 5 : i32
          %add3A_200 = arith.addi %mul3A_144, %add3A_199 : i32
          %get3A_201 = arith.constant 0 : i32
          %get3A_202 = arith.index_cast %get3A_201 : i32 to index
          %get3A_203 = arith.index_cast %add3A_200 : i32 to index
          %get3A_204 = arith.constant 0 : index
          %get3A_205 = tpu.vector_load %arg8[%get3A_202, %get3A_203, %get3A_204] {strides = array<i32>} : memref<2x160x64xf32, #tpu.memory_space<vmem>>, vector<16xf32>,
          %add3A_206 = arith.constant 6 : i32
          %add3A_207 = arith.addi %mul3A_144, %add3A_206 : i32
          %get3A_208 = arith.constant 0 : i32
          %get3A_209 = arith.index_cast %get3A_208 : i32 to index
          %get3A_210 = arith.index_cast %add3A_207 : i32 to index
          %get3A_211 = arith.constant 0 : index
          %get3A_212 = tpu.vector_load %arg8[%get3A_209, %get3A_210, %get3A_211] {strides = array<i32>} : memref<2x160x64xf32, #tpu.memory_space<vmem>>, vector<16xf32>,
          %add3A_213 = arith.constant 7 : i32
          %add3A_214 = arith.addi %mul3A_144, %add3A_213 : i32
          %get3A_215 = arith.constant 0 : i32
          %get3A_216 = arith.index_cast %get3A_215 : i32 to index
          %get3A_217 = arith.index_cast %add3A_214 : i32 to index
          %get3A_218 = arith.constant 0 : index
          %get3A_219 = tpu.vector_load %arg8[%get3A_216, %get3A_217, %get3A_218] {strides = array<i32>} : memref<2x160x64xf32, #tpu.memory_space<vmem>>, vector<16xf32>,
          %add3A_220 = arith.constant 8 : i32
          %add3A_221 = arith.addi %mul3A_144, %add3A_220 : i32
          %get3A_222 = arith.constant 0 : i32
          %get3A_223 = arith.index_cast %get3A_222 : i32 to index
          %get3A_224 = arith.index_cast %add3A_221 : i32 to index
          %get3A_225 = arith.constant 0 : index
          %get3A_226 = tpu.vector_load %arg8[%get3A_223, %get3A_224, %get3A_225] {strides = array<i32>} : memref<2x160x64xf32, #tpu.memory_space<vmem>>, vector<16xf32>,
          %add3A_227 = arith.constant 9 : i32
          %add3A_228 = arith.addi %mul3A_144, %add3A_227 : i32
          %get3A_229 = arith.constant 0 : i32
          %get3A_230 = arith.index_cast %get3A_229 : i32 to index
          %get3A_231 = arith.index_cast %add3A_228 : i32 to index
          %get3A_232 = arith.constant 0 : index
          %get3A_233 = tpu.vector_load %arg8[%get3A_230, %get3A_231, %get3A_232] {strides = array<i32>} : memref<2x160x64xf32, #tpu.memory_space<vmem>>, vector<16xf32>,
          %add3A_234 = arith.constant 10 : i32
          %add3A_235 = arith.addi %mul3A_144, %add3A_234 : i32
          %get3A_236 = arith.constant 0 : i32
          %get3A_237 = arith.index_cast %get3A_236 : i32 to index
          %get3A_238 = arith.index_cast %add3A_235 : i32 to index
          %get3A_239 = arith.constant 0 : index
          %get3A_240 = tpu.vector_load %arg8[%get3A_237, %get3A_238, %get3A_239] {strides = array<i32>} : memref<2x160x64xf32, #tpu.memory_space<vmem>>, vector<16xf32>,
          %add3A_241 = arith.constant 11 : i32
          %add3A_242 = arith.addi %mul3A_144, %add3A_241 : i32
          %get3A_243 = arith.constant 0 : i32
          %get3A_244 = arith.index_cast %get3A_243 : i32 to index
          %get3A_245 = arith.index_cast %add3A_242 : i32 to index
          %get3A_246 = arith.constant 0 : index
          %get3A_247 = tpu.vector_load %arg8[%get3A_244, %get3A_245, %get3A_246] {strides = array<i32>} : memref<2x160x64xf32, #tpu.memory_space<vmem>>, vector<16xf32>,
          %add3A_248 = arith.constant 12 : i32
          %add3A_249 = arith.addi %mul3A_144, %add3A_248 : i32
          %get3A_250 = arith.constant 0 : i32
          %get3A_251 = arith.index_cast %get3A_250 : i32 to index
          %get3A_252 = arith.index_cast %add3A_249 : i32 to index
          %get3A_253 = arith.constant 0 : index
          %get3A_254 = tpu.vector_load %arg8[%get3A_251, %get3A_252, %get3A_253] {strides = array<i32>} : memref<2x160x64xf32, #tpu.memory_space<vmem>>, vector<16xf32>,
          %add3A_255 = arith.constant 13 : i32
          %add3A_256 = arith.addi %mul3A_144, %add3A_255 : i32
          %get3A_257 = arith.constant 0 : i32
          %get3A_258 = arith.index_cast %get3A_257 : i32 to index
          %get3A_259 = arith.index_cast %add3A_256 : i32 to index
          %get3A_260 = arith.constant 0 : index
          %get3A_261 = tpu.vector_load %arg8[%get3A_258, %get3A_259, %get3A_260] {strides = array<i32>} : memref<2x160x64xf32, #tpu.memory_space<vmem>>, vector<16xf32>,
          %add3A_262 = arith.constant 14 : i32
          %add3A_263 = arith.addi %mul3A_144, %add3A_262 : i32
          %get3A_264 = arith.constant 0 : i32
          %get3A_265 = arith.index_cast %get3A_264 : i32 to index
          %get3A_266 = arith.index_cast %add3A_263 : i32 to index
          %get3A_267 = arith.constant 0 : index
          %get3A_268 = tpu.vector_load %arg8[%get3A_265, %get3A_266, %get3A_267] {strides = array<i32>} : memref<2x160x64xf32, #tpu.memory_space<vmem>>, vector<16xf32>,
          %add3A_269 = arith.constant 15 : i32
          %add3A_270 = arith.addi %mul3A_144, %add3A_269 : i32
          %get3A_271 = arith.constant 0 : i32
          %get3A_272 = arith.index_cast %get3A_271 : i32 to index
          %get3A_273 = arith.index_cast %add3A_270 : i32 to index
          %get3A_274 = arith.constant 0 : index
          %get3A_275 = tpu.vector_load %arg8[%get3A_272, %get3A_273, %get3A_274] {strides = array<i32>} : memref<2x160x64xf32, #tpu.memory_space<vmem>>, vector<16xf32>,
          %add3A_276 = arith.addf %get3A_170, %get3A_177 : vector<16xf32>
          %add3A_277 = arith.addf %get3A_184, %get3A_191 : vector<16xf32>
          %add3A_278 = arith.addf %get3A_198, %get3A_205 : vector<16xf32>
          %add3A_279 = arith.addf %get3A_212, %get3A_219 : vector<16xf32>
          %add3A_280 = arith.addf %get3A_226, %get3A_233 : vector<16xf32>
          %add3A_281 = arith.addf %get3A_240, %get3A_247 : vector<16xf32>
          %add3A_282 = arith.addf %get3A_254, %get3A_261 : vector<16xf32>
          %add3A_283 = arith.addf %get3A_268, %get3A_275 : vector<16xf32>
          %add3A_284 = arith.addf %add3A_276, %add3A_277 : vector<16xf32>
          %add3A_285 = arith.addf %add3A_278, %add3A_279 : vector<16xf32>
          %add3A_286 = arith.addf %add3A_280, %add3A_281 : vector<16xf32>
          %add3A_287 = arith.addf %add3A_282, %add3A_283 : vector<16xf32>
          %add3A_288 = arith.addf %add3A_284, %add3A_285 : vector<16xf32>
          %add3A_289 = arith.addf %add3A_286, %add3A_287 : vector<16xf32>
          %add3A_290 = arith.addf %add3A_288, %add3A_289 : vector<16xf32>
          tpu.vector_store_idx %arg6[%gather3A_153, %add3A_1], %add3A_290 {add = true} : memref<1024x64xf32, #tpu.memory_space<vmem>>[vector<16xi32>, vector<16xi32>], vector<16xf32>,
          %add3A_291 = arith.constant 0 : i32
          %add3A_292 = arith.addi %mul3A_144, %add3A_291 : i32
          %get3A_293 = arith.constant 0 : i32
          %get3A_294 = arith.index_cast %get3A_293 : i32 to index
          %get3A_295 = arith.index_cast %add3A_292 : i32 to index
          %get3A_296 = arith.constant 16 : index
          %get3A_297 = tpu.vector_load %arg8[%get3A_294, %get3A_295, %get3A_296] {strides = array<i32>} : memref<2x160x64xf32, #tpu.memory_space<vmem>>, vector<16xf32>,
          %add3A_298 = arith.constant 1 : i32
          %add3A_299 = arith.addi %mul3A_144, %add3A_298 : i32
          %get3A_300 = arith.constant 0 : i32
          %get3A_301 = arith.index_cast %get3A_300 : i32 to index
          %get3A_302 = arith.index_cast %add3A_299 : i32 to index
          %get3A_303 = arith.constant 16 : index
          %get3A_304 = tpu.vector_load %arg8[%get3A_301, %get3A_302, %get3A_303] {strides = array<i32>} : memref<2x160x64xf32, #tpu.memory_space<vmem>>, vector<16xf32>,
          %add3A_305 = arith.constant 2 : i32
          %add3A_306 = arith.addi %mul3A_144, %add3A_305 : i32
          %get3A_307 = arith.constant 0 : i32
          %get3A_308 = arith.index_cast %get3A_307 : i32 to index
          %get3A_309 = arith.index_cast %add3A_306 : i32 to index
          %get3A_310 = arith.constant 16 : index
          %get3A_311 = tpu.vector_load %arg8[%get3A_308, %get3A_309, %get3A_310] {strides = array<i32>} : memref<2x160x64xf32, #tpu.memory_space<vmem>>, vector<16xf32>,
          %add3A_312 = arith.constant 3 : i32
          %add3A_313 = arith.addi %mul3A_144, %add3A_312 : i32
          %get3A_314 = arith.constant 0 : i32
          %get3A_315 = arith.index_cast %get3A_314 : i32 to index
          %get3A_316 = arith.index_cast %add3A_313 : i32 to index
          %get3A_317 = arith.constant 16 : index
          %get3A_318 = tpu.vector_load %arg8[%get3A_315, %get3A_316, %get3A_317] {strides = array<i32>} : memref<2x160x64xf32, #tpu.memory_space<vmem>>, vector<16xf32>,
          %add3A_319 = arith.constant 4 : i32
          %add3A_320 = arith.addi %mul3A_144, %add3A_319 : i32
          %get3A_321 = arith.constant 0 : i32
          %get3A_322 = arith.index_cast %get3A_321 : i32 to index
          %get3A_323 = arith.index_cast %add3A_320 : i32 to index
          %get3A_324 = arith.constant 16 : index
          %get3A_325 = tpu.vector_load %arg8[%get3A_322, %get3A_323, %get3A_324] {strides = array<i32>} : memref<2x160x64xf32, #tpu.memory_space<vmem>>, vector<16xf32>,
          %add3A_326 = arith.constant 5 : i32
          %add3A_327 = arith.addi %mul3A_144, %add3A_326 : i32
          %get3A_328 = arith.constant 0 : i32
          %get3A_329 = arith.index_cast %get3A_328 : i32 to index
          %get3A_330 = arith.index_cast %add3A_327 : i32 to index
          %get3A_331 = arith.constant 16 : index
          %get3A_332 = tpu.vector_load %arg8[%get3A_329, %get3A_330, %get3A_331] {strides = array<i32>} : memref<2x160x64xf32, #tpu.memory_space<vmem>>, vector<16xf32>,
          %add3A_333 = arith.constant 6 : i32
          %add3A_334 = arith.addi %mul3A_144, %add3A_333 : i32
          %get3A_335 = arith.constant 0 : i32
          %get3A_336 = arith.index_cast %get3A_335 : i32 to index
          %get3A_337 = arith.index_cast %add3A_334 : i32 to index
          %get3A_338 = arith.constant 16 : index
          %get3A_339 = tpu.vector_load %arg8[%get3A_336, %get3A_337, %get3A_338] {strides = array<i32>} : memref<2x160x64xf32, #tpu.memory_space<vmem>>, vector<16xf32>,
          %add3A_340 = arith.constant 7 : i32
          %add3A_341 = arith.addi %mul3A_144, %add3A_340 : i32
          %get3A_342 = arith.constant 0 : i32
          %get3A_343 = arith.index_cast %get3A_342 : i32 to index
          %get3A_344 = arith.index_cast %add3A_341 : i32 to index
          %get3A_345 = arith.constant 16 : index
          %get3A_346 = tpu.vector_load %arg8[%get3A_343, %get3A_344, %get3A_345] {strides = array<i32>} : memref<2x160x64xf32, #tpu.memory_space<vmem>>, vector<16xf32>,
          %add3A_347 = arith.constant 8 : i32
          %add3A_348 = arith.addi %mul3A_144, %add3A_347 : i32
          %get3A_349 = arith.constant 0 : i32
          %get3A_350 = arith.index_cast %get3A_349 : i32 to index
          %get3A_351 = arith.index_cast %add3A_348 : i32 to index
          %get3A_352 = arith.constant 16 : index
          %get3A_353 = tpu.vector_load %arg8[%get3A_350, %get3A_351, %get3A_352] {strides = array<i32>} : memref<2x160x64xf32, #tpu.memory_space<vmem>>, vector<16xf32>,
          %add3A_354 = arith.constant 9 : i32
          %add3A_355 = arith.addi %mul3A_144, %add3A_354 : i32
          %get3A_356 = arith.constant 0 : i32
          %get3A_357 = arith.index_cast %get3A_356 : i32 to index
          %get3A_358 = arith.index_cast %add3A_355 : i32 to index
          %get3A_359 = arith.constant 16 : index
          %get3A_360 = tpu.vector_load %arg8[%get3A_357, %get3A_358, %get3A_359] {strides = array<i32>} : memref<2x160x64xf32, #tpu.memory_space<vmem>>, vector<16xf32>,
          %add3A_361 = arith.constant 10 : i32
          %add3A_362 = arith.addi %mul3A_144, %add3A_361 : i32
          %get3A_363 = arith.constant 0 : i32
          %get3A_364 = arith.index_cast %get3A_363 : i32 to index
          %get3A_365 = arith.index_cast %add3A_362 : i32 to index
          %get3A_366 = arith.constant 16 : index
          %get3A_367 = tpu.vector_load %arg8[%get3A_364, %get3A_365, %get3A_366] {strides = array<i32>} : memref<2x160x64xf32, #tpu.memory_space<vmem>>, vector<16xf32>,
          %add3A_368 = arith.constant 11 : i32
          %add3A_369 = arith.addi %mul3A_144, %add3A_368 : i32
          %get3A_370 = arith.constant 0 : i32
          %get3A_371 = arith.index_cast %get3A_370 : i32 to index
          %get3A_372 = arith.index_cast %add3A_369 : i32 to index
          %get3A_373 = arith.constant 16 : index
          %get3A_374 = tpu.vector_load %arg8[%get3A_371, %get3A_372, %get3A_373] {strides = array<i32>} : memref<2x160x64xf32, #tpu.memory_space<vmem>>, vector<16xf32>,
          %add3A_375 = arith.constant 12 : i32
          %add3A_376 = arith.addi %mul3A_144, %add3A_375 : i32
          %get3A_377 = arith.constant 0 : i32
          %get3A_378 = arith.index_cast %get3A_377 : i32 to index
          %get3A_379 = arith.index_cast %add3A_376 : i32 to index
          %get3A_380 = arith.constant 16 : index
          %get3A_381 = tpu.vector_load %arg8[%get3A_378, %get3A_379, %get3A_380] {strides = array<i32>} : memref<2x160x64xf32, #tpu.memory_space<vmem>>, vector<16xf32>,
          %add3A_382 = arith.constant 13 : i32
          %add3A_383 = arith.addi %mul3A_144, %add3A_382 : i32
          %get3A_384 = arith.constant 0 : i32
          %get3A_385 = arith.index_cast %get3A_384 : i32 to index
          %get3A_386 = arith.index_cast %add3A_383 : i32 to index
          %get3A_387 = arith.constant 16 : index
          %get3A_388 = tpu.vector_load %arg8[%get3A_385, %get3A_386, %get3A_387] {strides = array<i32>} : memref<2x160x64xf32, #tpu.memory_space<vmem>>, vector<16xf32>,
          %add3A_389 = arith.constant 14 : i32
          %add3A_390 = arith.addi %mul3A_144, %add3A_389 : i32
          %get3A_391 = arith.constant 0 : i32
          %get3A_392 = arith.index_cast %get3A_391 : i32 to index
          %get3A_393 = arith.index_cast %add3A_390 : i32 to index
          %get3A_394 = arith.constant 16 : index
          %get3A_395 = tpu.vector_load %arg8[%get3A_392, %get3A_393, %get3A_394] {strides = array<i32>} : memref<2x160x64xf32, #tpu.memory_space<vmem>>, vector<16xf32>,
          %add3A_396 = arith.constant 15 : i32
          %add3A_397 = arith.addi %mul3A_144, %add3A_396 : i32
          %get3A_398 = arith.constant 0 : i32
          %get3A_399 = arith.index_cast %get3A_398 : i32 to index
          %get3A_400 = arith.index_cast %add3A_397 : i32 to index
          %get3A_401 = arith.constant 16 : index
          %get3A_402 = tpu.vector_load %arg8[%get3A_399, %get3A_400, %get3A_401] {strides = array<i32>} : memref<2x160x64xf32, #tpu.memory_space<vmem>>, vector<16xf32>,
          %add3A_403 = arith.addf %get3A_297, %get3A_304 : vector<16xf32>
          %add3A_404 = arith.addf %get3A_311, %get3A_318 : vector<16xf32>
          %add3A_405 = arith.addf %get3A_325, %get3A_332 : vector<16xf32>
          %add3A_406 = arith.addf %get3A_339, %get3A_346 : vector<16xf32>
          %add3A_407 = arith.addf %get3A_353, %get3A_360 : vector<16xf32>
          %add3A_408 = arith.addf %get3A_367, %get3A_374 : vector<16xf32>
          %add3A_409 = arith.addf %get3A_381, %get3A_388 : vector<16xf32>
          %add3A_410 = arith.addf %get3A_395, %get3A_402 : vector<16xf32>
          %add3A_411 = arith.addf %add3A_403, %add3A_404 : vector<16xf32>
          %add3A_412 = arith.addf %add3A_405, %add3A_406 : vector<16xf32>
          %add3A_413 = arith.addf %add3A_407, %add3A_408 : vector<16xf32>
          %add3A_414 = arith.addf %add3A_409, %add3A_410 : vector<16xf32>
          %add3A_415 = arith.addf %add3A_411, %add3A_412 : vector<16xf32>
          %add3A_416 = arith.addf %add3A_413, %add3A_414 : vector<16xf32>
          %add3A_417 = arith.addf %add3A_415, %add3A_416 : vector<16xf32>
          tpu.vector_store_idx %arg6[%gather3A_153, %add3A_4], %add3A_417 {add = true} : memref<1024x64xf32, #tpu.memory_space<vmem>>[vector<16xi32>, vector<16xi32>], vector<16xf32>,
          %add3A_418 = arith.constant 0 : i32
          %add3A_419 = arith.addi %mul3A_144, %add3A_418 : i32
          %get3A_420 = arith.constant 0 : i32
          %get3A_421 = arith.index_cast %get3A_420 : i32 to index
          %get3A_422 = arith.index_cast %add3A_419 : i32 to index
          %get3A_423 = arith.constant 32 : index
          %get3A_424 = tpu.vector_load %arg8[%get3A_421, %get3A_422, %get3A_423] {strides = array<i32>} : memref<2x160x64xf32, #tpu.memory_space<vmem>>, vector<16xf32>,
          %add3A_425 = arith.constant 1 : i32
          %add3A_426 = arith.addi %mul3A_144, %add3A_425 : i32
          %get3A_427 = arith.constant 0 : i32
          %get3A_428 = arith.index_cast %get3A_427 : i32 to index
          %get3A_429 = arith.index_cast %add3A_426 : i32 to index
          %get3A_430 = arith.constant 32 : index
          %get3A_431 = tpu.vector_load %arg8[%get3A_428, %get3A_429, %get3A_430] {strides = array<i32>} : memref<2x160x64xf32, #tpu.memory_space<vmem>>, vector<16xf32>,
          %add3A_432 = arith.constant 2 : i32
          %add3A_433 = arith.addi %mul3A_144, %add3A_432 : i32
          %get3A_434 = arith.constant 0 : i32
          %get3A_435 = arith.index_cast %get3A_434 : i32 to index
          %get3A_436 = arith.index_cast %add3A_433 : i32 to index
          %get3A_437 = arith.constant 32 : index
          %get3A_438 = tpu.vector_load %arg8[%get3A_435, %get3A_436, %get3A_437] {strides = array<i32>} : memref<2x160x64xf32, #tpu.memory_space<vmem>>, vector<16xf32>,
          %add3A_439 = arith.constant 3 : i32
          %add3A_440 = arith.addi %mul3A_144, %add3A_439 : i32
          %get3A_441 = arith.constant 0 : i32
          %get3A_442 = arith.index_cast %get3A_441 : i32 to index
          %get3A_443 = arith.index_cast %add3A_440 : i32 to index
          %get3A_444 = arith.constant 32 : index
          %get3A_445 = tpu.vector_load %arg8[%get3A_442, %get3A_443, %get3A_444] {strides = array<i32>} : memref<2x160x64xf32, #tpu.memory_space<vmem>>, vector<16xf32>,
          %add3A_446 = arith.constant 4 : i32
          %add3A_447 = arith.addi %mul3A_144, %add3A_446 : i32
          %get3A_448 = arith.constant 0 : i32
          %get3A_449 = arith.index_cast %get3A_448 : i32 to index
          %get3A_450 = arith.index_cast %add3A_447 : i32 to index
          %get3A_451 = arith.constant 32 : index
          %get3A_452 = tpu.vector_load %arg8[%get3A_449, %get3A_450, %get3A_451] {strides = array<i32>} : memref<2x160x64xf32, #tpu.memory_space<vmem>>, vector<16xf32>,
          %add3A_453 = arith.constant 5 : i32
          %add3A_454 = arith.addi %mul3A_144, %add3A_453 : i32
          %get3A_455 = arith.constant 0 : i32
          %get3A_456 = arith.index_cast %get3A_455 : i32 to index
          %get3A_457 = arith.index_cast %add3A_454 : i32 to index
          %get3A_458 = arith.constant 32 : index
          %get3A_459 = tpu.vector_load %arg8[%get3A_456, %get3A_457, %get3A_458] {strides = array<i32>} : memref<2x160x64xf32, #tpu.memory_space<vmem>>, vector<16xf32>,
          %add3A_460 = arith.constant 6 : i32
          %add3A_461 = arith.addi %mul3A_144, %add3A_460 : i32
          %get3A_462 = arith.constant 0 : i32
          %get3A_463 = arith.index_cast %get3A_462 : i32 to index
          %get3A_464 = arith.index_cast %add3A_461 : i32 to index
          %get3A_465 = arith.constant 32 : index
          %get3A_466 = tpu.vector_load %arg8[%get3A_463, %get3A_464, %get3A_465] {strides = array<i32>} : memref<2x160x64xf32, #tpu.memory_space<vmem>>, vector<16xf32>,
          %add3A_467 = arith.constant 7 : i32
          %add3A_468 = arith.addi %mul3A_144, %add3A_467 : i32
          %get3A_469 = arith.constant 0 : i32
          %get3A_470 = arith.index_cast %get3A_469 : i32 to index
          %get3A_471 = arith.index_cast %add3A_468 : i32 to index
          %get3A_472 = arith.constant 32 : index
          %get3A_473 = tpu.vector_load %arg8[%get3A_470, %get3A_471, %get3A_472] {strides = array<i32>} : memref<2x160x64xf32, #tpu.memory_space<vmem>>, vector<16xf32>,
          %add3A_474 = arith.constant 8 : i32
          %add3A_475 = arith.addi %mul3A_144, %add3A_474 : i32
          %get3A_476 = arith.constant 0 : i32
          %get3A_477 = arith.index_cast %get3A_476 : i32 to index
          %get3A_478 = arith.index_cast %add3A_475 : i32 to index
          %get3A_479 = arith.constant 32 : index
          %get3A_480 = tpu.vector_load %arg8[%get3A_477, %get3A_478, %get3A_479] {strides = array<i32>} : memref<2x160x64xf32, #tpu.memory_space<vmem>>, vector<16xf32>,
          %add3A_481 = arith.constant 9 : i32
          %add3A_482 = arith.addi %mul3A_144, %add3A_481 : i32
          %get3A_483 = arith.constant 0 : i32
          %get3A_484 = arith.index_cast %get3A_483 : i32 to index
          %get3A_485 = arith.index_cast %add3A_482 : i32 to index
          %get3A_486 = arith.constant 32 : index
          %get3A_487 = tpu.vector_load %arg8[%get3A_484, %get3A_485, %get3A_486] {strides = array<i32>} : memref<2x160x64xf32, #tpu.memory_space<vmem>>, vector<16xf32>,
          %add3A_488 = arith.constant 10 : i32
          %add3A_489 = arith.addi %mul3A_144, %add3A_488 : i32
          %get3A_490 = arith.constant 0 : i32
          %get3A_491 = arith.index_cast %get3A_490 : i32 to index
          %get3A_492 = arith.index_cast %add3A_489 : i32 to index
          %get3A_493 = arith.constant 32 : index
          %get3A_494 = tpu.vector_load %arg8[%get3A_491, %get3A_492, %get3A_493] {strides = array<i32>} : memref<2x160x64xf32, #tpu.memory_space<vmem>>, vector<16xf32>,
          %add3A_495 = arith.constant 11 : i32
          %add3A_496 = arith.addi %mul3A_144, %add3A_495 : i32
          %get3A_497 = arith.constant 0 : i32
          %get3A_498 = arith.index_cast %get3A_497 : i32 to index
          %get3A_499 = arith.index_cast %add3A_496 : i32 to index
          %get3A_500 = arith.constant 32 : index
          %get3A_501 = tpu.vector_load %arg8[%get3A_498, %get3A_499, %get3A_500] {strides = array<i32>} : memref<2x160x64xf32, #tpu.memory_space<vmem>>, vector<16xf32>,
          %add3A_502 = arith.constant 12 : i32
          %add3A_503 = arith.addi %mul3A_144, %add3A_502 : i32
          %get3A_504 = arith.constant 0 : i32
          %get3A_505 = arith.index_cast %get3A_504 : i32 to index
          %get3A_506 = arith.index_cast %add3A_503 : i32 to index
          %get3A_507 = arith.constant 32 : index
          %get3A_508 = tpu.vector_load %arg8[%get3A_505, %get3A_506, %get3A_507] {strides = array<i32>} : memref<2x160x64xf32, #tpu.memory_space<vmem>>, vector<16xf32>,
          %add3A_509 = arith.constant 13 : i32
          %add3A_510 = arith.addi %mul3A_144, %add3A_509 : i32
          %get3A_511 = arith.constant 0 : i32
          %get3A_512 = arith.index_cast %get3A_511 : i32 to index
          %get3A_513 = arith.index_cast %add3A_510 : i32 to index
          %get3A_514 = arith.constant 32 : index
          %get3A_515 = tpu.vector_load %arg8[%get3A_512, %get3A_513, %get3A_514] {strides = array<i32>} : memref<2x160x64xf32, #tpu.memory_space<vmem>>, vector<16xf32>,
          %add3A_516 = arith.constant 14 : i32
          %add3A_517 = arith.addi %mul3A_144, %add3A_516 : i32
          %get3A_518 = arith.constant 0 : i32
          %get3A_519 = arith.index_cast %get3A_518 : i32 to index
          %get3A_520 = arith.index_cast %add3A_517 : i32 to index
          %get3A_521 = arith.constant 32 : index
          %get3A_522 = tpu.vector_load %arg8[%get3A_519, %get3A_520, %get3A_521] {strides = array<i32>} : memref<2x160x64xf32, #tpu.memory_space<vmem>>, vector<16xf32>,
          %add3A_523 = arith.constant 15 : i32
          %add3A_524 = arith.addi %mul3A_144, %add3A_523 : i32
          %get3A_525 = arith.constant 0 : i32
          %get3A_526 = arith.index_cast %get3A_525 : i32 to index
          %get3A_527 = arith.index_cast %add3A_524 : i32 to index
          %get3A_528 = arith.constant 32 : index
          %get3A_529 = tpu.vector_load %arg8[%get3A_526, %get3A_527, %get3A_528] {strides = array<i32>} : memref<2x160x64xf32, #tpu.memory_space<vmem>>, vector<16xf32>,
          %add3A_530 = arith.addf %get3A_424, %get3A_431 : vector<16xf32>
          %add3A_531 = arith.addf %get3A_438, %get3A_445 : vector<16xf32>
          %add3A_532 = arith.addf %get3A_452, %get3A_459 : vector<16xf32>
          %add3A_533 = arith.addf %get3A_466, %get3A_473 : vector<16xf32>
          %add3A_534 = arith.addf %get3A_480, %get3A_487 : vector<16xf32>
          %add3A_535 = arith.addf %get3A_494, %get3A_501 : vector<16xf32>
          %add3A_536 = arith.addf %get3A_508, %get3A_515 : vector<16xf32>
          %add3A_537 = arith.addf %get3A_522, %get3A_529 : vector<16xf32>
          %add3A_538 = arith.addf %add3A_530, %add3A_531 : vector<16xf32>
          %add3A_539 = arith.addf %add3A_532, %add3A_533 : vector<16xf32>
          %add3A_540 = arith.addf %add3A_534, %add3A_535 : vector<16xf32>
          %add3A_541 = arith.addf %add3A_536, %add3A_537 : vector<16xf32>
          %add3A_542 = arith.addf %add3A_538, %add3A_539 : vector<16xf32>
          %add3A_543 = arith.addf %add3A_540, %add3A_541 : vector<16xf32>
          %add3A_544 = arith.addf %add3A_542, %add3A_543 : vector<16xf32>
          tpu.vector_store_idx %arg6[%gather3A_153, %add3A_7], %add3A_544 {add = true} : memref<1024x64xf32, #tpu.memory_space<vmem>>[vector<16xi32>, vector<16xi32>], vector<16xf32>,
          %add3A_545 = arith.constant 0 : i32
          %add3A_546 = arith.addi %mul3A_144, %add3A_545 : i32
          %get3A_547 = arith.constant 0 : i32
          %get3A_548 = arith.index_cast %get3A_547 : i32 to index
          %get3A_549 = arith.index_cast %add3A_546 : i32 to index
          %get3A_550 = arith.constant 48 : index
          %get3A_551 = tpu.vector_load %arg8[%get3A_548, %get3A_549, %get3A_550] {strides = array<i32>} : memref<2x160x64xf32, #tpu.memory_space<vmem>>, vector<16xf32>,
          %add3A_552 = arith.constant 1 : i32
          %add3A_553 = arith.addi %mul3A_144, %add3A_552 : i32
          %get3A_554 = arith.constant 0 : i32
          %get3A_555 = arith.index_cast %get3A_554 : i32 to index
          %get3A_556 = arith.index_cast %add3A_553 : i32 to index
          %get3A_557 = arith.constant 48 : index
          %get3A_558 = tpu.vector_load %arg8[%get3A_555, %get3A_556, %get3A_557] {strides = array<i32>} : memref<2x160x64xf32, #tpu.memory_space<vmem>>, vector<16xf32>,
          %add3A_559 = arith.constant 2 : i32
          %add3A_560 = arith.addi %mul3A_144, %add3A_559 : i32
          %get3A_561 = arith.constant 0 : i32
          %get3A_562 = arith.index_cast %get3A_561 : i32 to index
          %get3A_563 = arith.index_cast %add3A_560 : i32 to index
          %get3A_564 = arith.constant 48 : index
          %get3A_565 = tpu.vector_load %arg8[%get3A_562, %get3A_563, %get3A_564] {strides = array<i32>} : memref<2x160x64xf32, #tpu.memory_space<vmem>>, vector<16xf32>,
          %add3A_566 = arith.constant 3 : i32
          %add3A_567 = arith.addi %mul3A_144, %add3A_566 : i32
          %get3A_568 = arith.constant 0 : i32
          %get3A_569 = arith.index_cast %get3A_568 : i32 to index
          %get3A_570 = arith.index_cast %add3A_567 : i32 to index
          %get3A_571 = arith.constant 48 : index
          %get3A_572 = tpu.vector_load %arg8[%get3A_569, %get3A_570, %get3A_571] {strides = array<i32>} : memref<2x160x64xf32, #tpu.memory_space<vmem>>, vector<16xf32>,
          %add3A_573 = arith.constant 4 : i32
          %add3A_574 = arith.addi %mul3A_144, %add3A_573 : i32
          %get3A_575 = arith.constant 0 : i32
          %get3A_576 = arith.index_cast %get3A_575 : i32 to index
          %get3A_577 = arith.index_cast %add3A_574 : i32 to index
          %get3A_578 = arith.constant 48 : index
          %get3A_579 = tpu.vector_load %arg8[%get3A_576, %get3A_577, %get3A_578] {strides = array<i32>} : memref<2x160x64xf32, #tpu.memory_space<vmem>>, vector<16xf32>,
          %add3A_580 = arith.constant 5 : i32
          %add3A_581 = arith.addi %mul3A_144, %add3A_580 : i32
          %get3A_582 = arith.constant 0 : i32
          %get3A_583 = arith.index_cast %get3A_582 : i32 to index
          %get3A_584 = arith.index_cast %add3A_581 : i32 to index
          %get3A_585 = arith.constant 48 : index
          %get3A_586 = tpu.vector_load %arg8[%get3A_583, %get3A_584, %get3A_585] {strides = array<i32>} : memref<2x160x64xf32, #tpu.memory_space<vmem>>, vector<16xf32>,
          %add3A_587 = arith.constant 6 : i32
          %add3A_588 = arith.addi %mul3A_144, %add3A_587 : i32
          %get3A_589 = arith.constant 0 : i32
          %get3A_590 = arith.index_cast %get3A_589 : i32 to index
          %get3A_591 = arith.index_cast %add3A_588 : i32 to index
          %get3A_592 = arith.constant 48 : index
          %get3A_593 = tpu.vector_load %arg8[%get3A_590, %get3A_591, %get3A_592] {strides = array<i32>} : memref<2x160x64xf32, #tpu.memory_space<vmem>>, vector<16xf32>,
          %add3A_594 = arith.constant 7 : i32
          %add3A_595 = arith.addi %mul3A_144, %add3A_594 : i32
          %get3A_596 = arith.constant 0 : i32
          %get3A_597 = arith.index_cast %get3A_596 : i32 to index
          %get3A_598 = arith.index_cast %add3A_595 : i32 to index
          %get3A_599 = arith.constant 48 : index
          %get3A_600 = tpu.vector_load %arg8[%get3A_597, %get3A_598, %get3A_599] {strides = array<i32>} : memref<2x160x64xf32, #tpu.memory_space<vmem>>, vector<16xf32>,
          %add3A_601 = arith.constant 8 : i32
          %add3A_602 = arith.addi %mul3A_144, %add3A_601 : i32
          %get3A_603 = arith.constant 0 : i32
          %get3A_604 = arith.index_cast %get3A_603 : i32 to index
          %get3A_605 = arith.index_cast %add3A_602 : i32 to index
          %get3A_606 = arith.constant 48 : index
          %get3A_607 = tpu.vector_load %arg8[%get3A_604, %get3A_605, %get3A_606] {strides = array<i32>} : memref<2x160x64xf32, #tpu.memory_space<vmem>>, vector<16xf32>,
          %add3A_608 = arith.constant 9 : i32
          %add3A_609 = arith.addi %mul3A_144, %add3A_608 : i32
          %get3A_610 = arith.constant 0 : i32
          %get3A_611 = arith.index_cast %get3A_610 : i32 to index
          %get3A_612 = arith.index_cast %add3A_609 : i32 to index
          %get3A_613 = arith.constant 48 : index
          %get3A_614 = tpu.vector_load %arg8[%get3A_611, %get3A_612, %get3A_613] {strides = array<i32>} : memref<2x160x64xf32, #tpu.memory_space<vmem>>, vector<16xf32>,
          %add3A_615 = arith.constant 10 : i32
          %add3A_616 = arith.addi %mul3A_144, %add3A_615 : i32
          %get3A_617 = arith.constant 0 : i32
          %get3A_618 = arith.index_cast %get3A_617 : i32 to index
          %get3A_619 = arith.index_cast %add3A_616 : i32 to index
          %get3A_620 = arith.constant 48 : index
          %get3A_621 = tpu.vector_load %arg8[%get3A_618, %get3A_619, %get3A_620] {strides = array<i32>} : memref<2x160x64xf32, #tpu.memory_space<vmem>>, vector<16xf32>,
          %add3A_622 = arith.constant 11 : i32
          %add3A_623 = arith.addi %mul3A_144, %add3A_622 : i32
          %get3A_624 = arith.constant 0 : i32
          %get3A_625 = arith.index_cast %get3A_624 : i32 to index
          %get3A_626 = arith.index_cast %add3A_623 : i32 to index
          %get3A_627 = arith.constant 48 : index
          %get3A_628 = tpu.vector_load %arg8[%get3A_625, %get3A_626, %get3A_627] {strides = array<i32>} : memref<2x160x64xf32, #tpu.memory_space<vmem>>, vector<16xf32>,
          %add3A_629 = arith.constant 12 : i32
          %add3A_630 = arith.addi %mul3A_144, %add3A_629 : i32
          %get3A_631 = arith.constant 0 : i32
          %get3A_632 = arith.index_cast %get3A_631 : i32 to index
          %get3A_633 = arith.index_cast %add3A_630 : i32 to index
          %get3A_634 = arith.constant 48 : index
          %get3A_635 = tpu.vector_load %arg8[%get3A_632, %get3A_633, %get3A_634] {strides = array<i32>} : memref<2x160x64xf32, #tpu.memory_space<vmem>>, vector<16xf32>,
          %add3A_636 = arith.constant 13 : i32
          %add3A_637 = arith.addi %mul3A_144, %add3A_636 : i32
          %get3A_638 = arith.constant 0 : i32
          %get3A_639 = arith.index_cast %get3A_638 : i32 to index
          %get3A_640 = arith.index_cast %add3A_637 : i32 to index
          %get3A_641 = arith.constant 48 : index
          %get3A_642 = tpu.vector_load %arg8[%get3A_639, %get3A_640, %get3A_641] {strides = array<i32>} : memref<2x160x64xf32, #tpu.memory_space<vmem>>, vector<16xf32>,
          %add3A_643 = arith.constant 14 : i32
          %add3A_644 = arith.addi %mul3A_144, %add3A_643 : i32
          %get3A_645 = arith.constant 0 : i32
          %get3A_646 = arith.index_cast %get3A_645 : i32 to index
          %get3A_647 = arith.index_cast %add3A_644 : i32 to index
          %get3A_648 = arith.constant 48 : index
          %get3A_649 = tpu.vector_load %arg8[%get3A_646, %get3A_647, %get3A_648] {strides = array<i32>} : memref<2x160x64xf32, #tpu.memory_space<vmem>>, vector<16xf32>,
          %add3A_650 = arith.constant 15 : i32
          %add3A_651 = arith.addi %mul3A_144, %add3A_650 : i32
          %get3A_652 = arith.constant 0 : i32
          %get3A_653 = arith.index_cast %get3A_652 : i32 to index
          %get3A_654 = arith.index_cast %add3A_651 : i32 to index
          %get3A_655 = arith.constant 48 : index
          %get3A_656 = tpu.vector_load %arg8[%get3A_653, %get3A_654, %get3A_655] {strides = array<i32>} : memref<2x160x64xf32, #tpu.memory_space<vmem>>, vector<16xf32>,
          %add3A_657 = arith.addf %get3A_551, %get3A_558 : vector<16xf32>
          %add3A_658 = arith.addf %get3A_565, %get3A_572 : vector<16xf32>
          %add3A_659 = arith.addf %get3A_579, %get3A_586 : vector<16xf32>
          %add3A_660 = arith.addf %get3A_593, %get3A_600 : vector<16xf32>
          %add3A_661 = arith.addf %get3A_607, %get3A_614 : vector<16xf32>
          %add3A_662 = arith.addf %get3A_621, %get3A_628 : vector<16xf32>
          %add3A_663 = arith.addf %get3A_635, %get3A_642 : vector<16xf32>
          %add3A_664 = arith.addf %get3A_649, %get3A_656 : vector<16xf32>
          %add3A_665 = arith.addf %add3A_657, %add3A_658 : vector<16xf32>
          %add3A_666 = arith.addf %add3A_659, %add3A_660 : vector<16xf32>
          %add3A_667 = arith.addf %add3A_661, %add3A_662 : vector<16xf32>
          %add3A_668 = arith.addf %add3A_663, %add3A_664 : vector<16xf32>
          %add3A_669 = arith.addf %add3A_665, %add3A_666 : vector<16xf32>
          %add3A_670 = arith.addf %add3A_667, %add3A_668 : vector<16xf32>
          %add3A_671 = arith.addf %add3A_669, %add3A_670 : vector<16xf32>
          tpu.vector_store_idx %arg6[%gather3A_153, %add3A_10], %add3A_671 {add = true} : memref<1024x64xf32, #tpu.memory_space<vmem>>[vector<16xi32>, vector<16xi32>], vector<16xf32>,
        } else {
        }
        %not3A = arith.constant true
        %not3A_160 = arith.xori %eq3A_156, %not3A : i1
        %convert_element_type3A_161 = arith.extui %not3A_160 : i1 to i32
        %cond3A_162 = arith.constant 0 : i32
        %cond3A_163 = arith.cmpi ne, %convert_element_type3A_161, %cond3A_162 : i32
        scf.if %cond3A_163 {
          %broadcast_in_dim3A_164 = arith.constant 0 : i32
          %broadcast_in_dim3A_165 = vector.broadcast %broadcast_in_dim3A_164 : i32 to vector<16x1xi32>
          %gather3A_166 = vector.shape_cast %broadcast_in_dim3A_165 : vector<16x1xi32> to vector<16xi32>
          %gather3A_167 = tpu.dynamic_gather %min3A_150[%gather3A_166] in [0] : vector<16xi32>, vector<16xi32> -> vector<16xi32>
          %add3A_168 = arith.constant 0 : i32
          %add3A_169 = arith.addi %mul3A_144, %add3A_168 : i32
          %get3A_170 = arith.constant 0 : i32
          %get3A_171 = arith.index_cast %get3A_170 : i32 to index
          %get3A_172 = arith.index_cast %add3A_169 : i32 to index
          %get3A_173 = arith.constant 0 : index
          %get3A_174 = tpu.vector_load %arg8[%get3A_171, %get3A_172, %get3A_173] {strides = array<i32>} : memref<2x160x64xf32, #tpu.memory_space<vmem>>, vector<16xf32>,
          tpu.vector_store_idx %arg6[%gather3A_167, %add3A_1], %get3A_174 {add = true} : memref<1024x64xf32, #tpu.memory_space<vmem>>[vector<16xi32>, vector<16xi32>], vector<16xf32>,
          %add3A_175 = arith.constant 0 : i32
          %add3A_176 = arith.addi %mul3A_144, %add3A_175 : i32
          %get3A_177 = arith.constant 0 : i32
          %get3A_178 = arith.index_cast %get3A_177 : i32 to index
          %get3A_179 = arith.index_cast %add3A_176 : i32 to index
          %get3A_180 = arith.constant 16 : index
          %get3A_181 = tpu.vector_load %arg8[%get3A_178, %get3A_179, %get3A_180] {strides = array<i32>} : memref<2x160x64xf32, #tpu.memory_space<vmem>>, vector<16xf32>,
          tpu.vector_store_idx %arg6[%gather3A_167, %add3A_4], %get3A_181 {add = true} : memref<1024x64xf32, #tpu.memory_space<vmem>>[vector<16xi32>, vector<16xi32>], vector<16xf32>,
          %add3A_182 = arith.constant 0 : i32
          %add3A_183 = arith.addi %mul3A_144, %add3A_182 : i32
          %get3A_184 = arith.constant 0 : i32
          %get3A_185 = arith.index_cast %get3A_184 : i32 to index
          %get3A_186 = arith.index_cast %add3A_183 : i32 to index
          %get3A_187 = arith.constant 32 : index
          %get3A_188 = tpu.vector_load %arg8[%get3A_185, %get3A_186, %get3A_187] {strides = array<i32>} : memref<2x160x64xf32, #tpu.memory_space<vmem>>, vector<16xf32>,
          tpu.vector_store_idx %arg6[%gather3A_167, %add3A_7], %get3A_188 {add = true} : memref<1024x64xf32, #tpu.memory_space<vmem>>[vector<16xi32>, vector<16xi32>], vector<16xf32>,
          %add3A_189 = arith.constant 0 : i32
          %add3A_190 = arith.addi %mul3A_144, %add3A_189 : i32
          %get3A_191 = arith.constant 0 : i32
          %get3A_192 = arith.index_cast %get3A_191 : i32 to index
          %get3A_193 = arith.index_cast %add3A_190 : i32 to index
          %get3A_194 = arith.constant 48 : index
          %get3A_195 = tpu.vector_load %arg8[%get3A_192, %get3A_193, %get3A_194] {strides = array<i32>} : memref<2x160x64xf32, #tpu.memory_space<vmem>>, vector<16xf32>,
          tpu.vector_store_idx %arg6[%gather3A_167, %add3A_10], %get3A_195 {add = true} : memref<1024x64xf32, #tpu.memory_space<vmem>>[vector<16xi32>, vector<16xi32>], vector<16xf32>,
          %broadcast_in_dim3A_196 = arith.constant 1 : i32
          %broadcast_in_dim3A_197 = vector.broadcast %broadcast_in_dim3A_196 : i32 to vector<16x1xi32>
          %gather3A_198 = vector.shape_cast %broadcast_in_dim3A_197 : vector<16x1xi32> to vector<16xi32>
          %gather3A_199 = tpu.dynamic_gather %min3A_150[%gather3A_198] in [0] : vector<16xi32>, vector<16xi32> -> vector<16xi32>
          %add3A_200 = arith.constant 1 : i32
          %add3A_201 = arith.addi %mul3A_144, %add3A_200 : i32
          %get3A_202 = arith.constant 0 : i32
          %get3A_203 = arith.index_cast %get3A_202 : i32 to index
          %get3A_204 = arith.index_cast %add3A_201 : i32 to index
          %get3A_205 = arith.constant 0 : index
          %get3A_206 = tpu.vector_load %arg8[%get3A_203, %get3A_204, %get3A_205] {strides = array<i32>} : memref<2x160x64xf32, #tpu.memory_space<vmem>>, vector<16xf32>,
          tpu.vector_store_idx %arg6[%gather3A_199, %add3A_1], %get3A_206 {add = true} : memref<1024x64xf32, #tpu.memory_space<vmem>>[vector<16xi32>, vector<16xi32>], vector<16xf32>,
          %add3A_207 = arith.constant 1 : i32
          %add3A_208 = arith.addi %mul3A_144, %add3A_207 : i32
          %get3A_209 = arith.constant 0 : i32
          %get3A_210 = arith.index_cast %get3A_209 : i32 to index
          %get3A_211 = arith.index_cast %add3A_208 : i32 to index
          %get3A_212 = arith.constant 16 : index
          %get3A_213 = tpu.vector_load %arg8[%get3A_210, %get3A_211, %get3A_212] {strides = array<i32>} : memref<2x160x64xf32, #tpu.memory_space<vmem>>, vector<16xf32>,
          tpu.vector_store_idx %arg6[%gather3A_199, %add3A_4], %get3A_213 {add = true} : memref<1024x64xf32, #tpu.memory_space<vmem>>[vector<16xi32>, vector<16xi32>], vector<16xf32>,
          %add3A_214 = arith.constant 1 : i32
          %add3A_215 = arith.addi %mul3A_144, %add3A_214 : i32
          %get3A_216 = arith.constant 0 : i32
          %get3A_217 = arith.index_cast %get3A_216 : i32 to index
          %get3A_218 = arith.index_cast %add3A_215 : i32 to index
          %get3A_219 = arith.constant 32 : index
          %get3A_220 = tpu.vector_load %arg8[%get3A_217, %get3A_218, %get3A_219] {strides = array<i32>} : memref<2x160x64xf32, #tpu.memory_space<vmem>>, vector<16xf32>,
          tpu.vector_store_idx %arg6[%gather3A_199, %add3A_7], %get3A_220 {add = true} : memref<1024x64xf32, #tpu.memory_space<vmem>>[vector<16xi32>, vector<16xi32>], vector<16xf32>,
          %add3A_221 = arith.constant 1 : i32
          %add3A_222 = arith.addi %mul3A_144, %add3A_221 : i32
          %get3A_223 = arith.constant 0 : i32
          %get3A_224 = arith.index_cast %get3A_223 : i32 to index
          %get3A_225 = arith.index_cast %add3A_222 : i32 to index
          %get3A_226 = arith.constant 48 : index
          %get3A_227 = tpu.vector_load %arg8[%get3A_224, %get3A_225, %get3A_226] {strides = array<i32>} : memref<2x160x64xf32, #tpu.memory_space<vmem>>, vector<16xf32>,
          tpu.vector_store_idx %arg6[%gather3A_199, %add3A_10], %get3A_227 {add = true} : memref<1024x64xf32, #tpu.memory_space<vmem>>[vector<16xi32>, vector<16xi32>], vector<16xf32>,
          %broadcast_in_dim3A_228 = arith.constant 2 : i32
          %broadcast_in_dim3A_229 = vector.broadcast %broadcast_in_dim3A_228 : i32 to vector<16x1xi32>
          %gather3A_230 = vector.shape_cast %broadcast_in_dim3A_229 : vector<16x1xi32> to vector<16xi32>
          %gather3A_231 = tpu.dynamic_gather %min3A_150[%gather3A_230] in [0] : vector<16xi32>, vector<16xi32> -> vector<16xi32>
          %add3A_232 = arith.constant 2 : i32
          %add3A_233 = arith.addi %mul3A_144, %add3A_232 : i32
          %get3A_234 = arith.constant 0 : i32
          %get3A_235 = arith.index_cast %get3A_234 : i32 to index
          %get3A_236 = arith.index_cast %add3A_233 : i32 to index
          %get3A_237 = arith.constant 0 : index
          %get3A_238 = tpu.vector_load %arg8[%get3A_235, %get3A_236, %get3A_237] {strides = array<i32>} : memref<2x160x64xf32, #tpu.memory_space<vmem>>, vector<16xf32>,
          tpu.vector_store_idx %arg6[%gather3A_231, %add3A_1], %get3A_238 {add = true} : memref<1024x64xf32, #tpu.memory_space<vmem>>[vector<16xi32>, vector<16xi32>], vector<16xf32>,
          %add3A_239 = arith.constant 2 : i32
          %add3A_240 = arith.addi %mul3A_144, %add3A_239 : i32
          %get3A_241 = arith.constant 0 : i32
          %get3A_242 = arith.index_cast %get3A_241 : i32 to index
          %get3A_243 = arith.index_cast %add3A_240 : i32 to index
          %get3A_244 = arith.constant 16 : index
          %get3A_245 = tpu.vector_load %arg8[%get3A_242, %get3A_243, %get3A_244] {strides = array<i32>} : memref<2x160x64xf32, #tpu.memory_space<vmem>>, vector<16xf32>,
          tpu.vector_store_idx %arg6[%gather3A_231, %add3A_4], %get3A_245 {add = true} : memref<1024x64xf32, #tpu.memory_space<vmem>>[vector<16xi32>, vector<16xi32>], vector<16xf32>,
          %add3A_246 = arith.constant 2 : i32
          %add3A_247 = arith.addi %mul3A_144, %add3A_246 : i32
          %get3A_248 = arith.constant 0 : i32
          %get3A_249 = arith.index_cast %get3A_248 : i32 to index
          %get3A_250 = arith.index_cast %add3A_247 : i32 to index
          %get3A_251 = arith.constant 32 : index
          %get3A_252 = tpu.vector_load %arg8[%get3A_249, %get3A_250, %get3A_251] {strides = array<i32>} : memref<2x160x64xf32, #tpu.memory_space<vmem>>, vector<16xf32>,
          tpu.vector_store_idx %arg6[%gather3A_231, %add3A_7], %get3A_252 {add = true} : memref<1024x64xf32, #tpu.memory_space<vmem>>[vector<16xi32>, vector<16xi32>], vector<16xf32>,
          %add3A_253 = arith.constant 2 : i32
          %add3A_254 = arith.addi %mul3A_144, %add3A_253 : i32
          %get3A_255 = arith.constant 0 : i32
          %get3A_256 = arith.index_cast %get3A_255 : i32 to index
          %get3A_257 = arith.index_cast %add3A_254 : i32 to index
          %get3A_258 = arith.constant 48 : index
          %get3A_259 = tpu.vector_load %arg8[%get3A_256, %get3A_257, %get3A_258] {strides = array<i32>} : memref<2x160x64xf32, #tpu.memory_space<vmem>>, vector<16xf32>,
          tpu.vector_store_idx %arg6[%gather3A_231, %add3A_10], %get3A_259 {add = true} : memref<1024x64xf32, #tpu.memory_space<vmem>>[vector<16xi32>, vector<16xi32>], vector<16xf32>,
          %broadcast_in_dim3A_260 = arith.constant 3 : i32
          %broadcast_in_dim3A_261 = vector.broadcast %broadcast_in_dim3A_260 : i32 to vector<16x1xi32>
          %gather3A_262 = vector.shape_cast %broadcast_in_dim3A_261 : vector<16x1xi32> to vector<16xi32>
          %gather3A_263 = tpu.dynamic_gather %min3A_150[%gather3A_262] in [0] : vector<16xi32>, vector<16xi32> -> vector<16xi32>
          %add3A_264 = arith.constant 3 : i32
          %add3A_265 = arith.addi %mul3A_144, %add3A_264 : i32
          %get3A_266 = arith.constant 0 : i32
          %get3A_267 = arith.index_cast %get3A_266 : i32 to index
          %get3A_268 = arith.index_cast %add3A_265 : i32 to index
          %get3A_269 = arith.constant 0 : index
          %get3A_270 = tpu.vector_load %arg8[%get3A_267, %get3A_268, %get3A_269] {strides = array<i32>} : memref<2x160x64xf32, #tpu.memory_space<vmem>>, vector<16xf32>,
          tpu.vector_store_idx %arg6[%gather3A_263, %add3A_1], %get3A_270 {add = true} : memref<1024x64xf32, #tpu.memory_space<vmem>>[vector<16xi32>, vector<16xi32>], vector<16xf32>,
          %add3A_271 = arith.constant 3 : i32
          %add3A_272 = arith.addi %mul3A_144, %add3A_271 : i32
          %get3A_273 = arith.constant 0 : i32
          %get3A_274 = arith.index_cast %get3A_273 : i32 to index
          %get3A_275 = arith.index_cast %add3A_272 : i32 to index
          %get3A_276 = arith.constant 16 : index
          %get3A_277 = tpu.vector_load %arg8[%get3A_274, %get3A_275, %get3A_276] {strides = array<i32>} : memref<2x160x64xf32, #tpu.memory_space<vmem>>, vector<16xf32>,
          tpu.vector_store_idx %arg6[%gather3A_263, %add3A_4], %get3A_277 {add = true} : memref<1024x64xf32, #tpu.memory_space<vmem>>[vector<16xi32>, vector<16xi32>], vector<16xf32>,
          %add3A_278 = arith.constant 3 : i32
          %add3A_279 = arith.addi %mul3A_144, %add3A_278 : i32
          %get3A_280 = arith.constant 0 : i32
          %get3A_281 = arith.index_cast %get3A_280 : i32 to index
          %get3A_282 = arith.index_cast %add3A_279 : i32 to index
          %get3A_283 = arith.constant 32 : index
          %get3A_284 = tpu.vector_load %arg8[%get3A_281, %get3A_282, %get3A_283] {strides = array<i32>} : memref<2x160x64xf32, #tpu.memory_space<vmem>>, vector<16xf32>,
          tpu.vector_store_idx %arg6[%gather3A_263, %add3A_7], %get3A_284 {add = true} : memref<1024x64xf32, #tpu.memory_space<vmem>>[vector<16xi32>, vector<16xi32>], vector<16xf32>,
          %add3A_285 = arith.constant 3 : i32
          %add3A_286 = arith.addi %mul3A_144, %add3A_285 : i32
          %get3A_287 = arith.constant 0 : i32
          %get3A_288 = arith.index_cast %get3A_287 : i32 to index
          %get3A_289 = arith.index_cast %add3A_286 : i32 to index
          %get3A_290 = arith.constant 48 : index
          %get3A_291 = tpu.vector_load %arg8[%get3A_288, %get3A_289, %get3A_290] {strides = array<i32>} : memref<2x160x64xf32, #tpu.memory_space<vmem>>, vector<16xf32>,
          tpu.vector_store_idx %arg6[%gather3A_263, %add3A_10], %get3A_291 {add = true} : memref<1024x64xf32, #tpu.memory_space<vmem>>[vector<16xi32>, vector<16xi32>], vector<16xf32>,
          %broadcast_in_dim3A_292 = arith.constant 4 : i32
          %broadcast_in_dim3A_293 = vector.broadcast %broadcast_in_dim3A_292 : i32 to vector<16x1xi32>
          %gather3A_294 = vector.shape_cast %broadcast_in_dim3A_293 : vector<16x1xi32> to vector<16xi32>
          %gather3A_295 = tpu.dynamic_gather %min3A_150[%gather3A_294] in [0] : vector<16xi32>, vector<16xi32> -> vector<16xi32>
          %add3A_296 = arith.constant 4 : i32
          %add3A_297 = arith.addi %mul3A_144, %add3A_296 : i32
          %get3A_298 = arith.constant 0 : i32
          %get3A_299 = arith.index_cast %get3A_298 : i32 to index
          %get3A_300 = arith.index_cast %add3A_297 : i32 to index
          %get3A_301 = arith.constant 0 : index
          %get3A_302 = tpu.vector_load %arg8[%get3A_299, %get3A_300, %get3A_301] {strides = array<i32>} : memref<2x160x64xf32, #tpu.memory_space<vmem>>, vector<16xf32>,
          tpu.vector_store_idx %arg6[%gather3A_295, %add3A_1], %get3A_302 {add = true} : memref<1024x64xf32, #tpu.memory_space<vmem>>[vector<16xi32>, vector<16xi32>], vector<16xf32>,
          %add3A_303 = arith.constant 4 : i32
          %add3A_304 = arith.addi %mul3A_144, %add3A_303 : i32
          %get3A_305 = arith.constant 0 : i32
          %get3A_306 = arith.index_cast %get3A_305 : i32 to index
          %get3A_307 = arith.index_cast %add3A_304 : i32 to index
          %get3A_308 = arith.constant 16 : index
          %get3A_309 = tpu.vector_load %arg8[%get3A_306, %get3A_307, %get3A_308] {strides = array<i32>} : memref<2x160x64xf32, #tpu.memory_space<vmem>>, vector<16xf32>,
          tpu.vector_store_idx %arg6[%gather3A_295, %add3A_4], %get3A_309 {add = true} : memref<1024x64xf32, #tpu.memory_space<vmem>>[vector<16xi32>, vector<16xi32>], vector<16xf32>,
          %add3A_310 = arith.constant 4 : i32
          %add3A_311 = arith.addi %mul3A_144, %add3A_310 : i32
          %get3A_312 = arith.constant 0 : i32
          %get3A_313 = arith.index_cast %get3A_312 : i32 to index
          %get3A_314 = arith.index_cast %add3A_311 : i32 to index
          %get3A_315 = arith.constant 32 : index
          %get3A_316 = tpu.vector_load %arg8[%get3A_313, %get3A_314, %get3A_315] {strides = array<i32>} : memref<2x160x64xf32, #tpu.memory_space<vmem>>, vector<16xf32>,
          tpu.vector_store_idx %arg6[%gather3A_295, %add3A_7], %get3A_316 {add = true} : memref<1024x64xf32, #tpu.memory_space<vmem>>[vector<16xi32>, vector<16xi32>], vector<16xf32>,
          %add3A_317 = arith.constant 4 : i32
          %add3A_318 = arith.addi %mul3A_144, %add3A_317 : i32
          %get3A_319 = arith.constant 0 : i32
          %get3A_320 = arith.index_cast %get3A_319 : i32 to index
          %get3A_321 = arith.index_cast %add3A_318 : i32 to index
          %get3A_322 = arith.constant 48 : index
          %get3A_323 = tpu.vector_load %arg8[%get3A_320, %get3A_321, %get3A_322] {strides = array<i32>} : memref<2x160x64xf32, #tpu.memory_space<vmem>>, vector<16xf32>,
          tpu.vector_store_idx %arg6[%gather3A_295, %add3A_10], %get3A_323 {add = true} : memref<1024x64xf32, #tpu.memory_space<vmem>>[vector<16xi32>, vector<16xi32>], vector<16xf32>,
          %broadcast_in_dim3A_324 = arith.constant 5 : i32
          %broadcast_in_dim3A_325 = vector.broadcast %broadcast_in_dim3A_324 : i32 to vector<16x1xi32>
          %gather3A_326 = vector.shape_cast %broadcast_in_dim3A_325 : vector<16x1xi32> to vector<16xi32>
          %gather3A_327 = tpu.dynamic_gather %min3A_150[%gather3A_326] in [0] : vector<16xi32>, vector<16xi32> -> vector<16xi32>
          %add3A_328 = arith.constant 5 : i32
          %add3A_329 = arith.addi %mul3A_144, %add3A_328 : i32
          %get3A_330 = arith.constant 0 : i32
          %get3A_331 = arith.index_cast %get3A_330 : i32 to index
          %get3A_332 = arith.index_cast %add3A_329 : i32 to index
          %get3A_333 = arith.constant 0 : index
          %get3A_334 = tpu.vector_load %arg8[%get3A_331, %get3A_332, %get3A_333] {strides = array<i32>} : memref<2x160x64xf32, #tpu.memory_space<vmem>>, vector<16xf32>,
          tpu.vector_store_idx %arg6[%gather3A_327, %add3A_1], %get3A_334 {add = true} : memref<1024x64xf32, #tpu.memory_space<vmem>>[vector<16xi32>, vector<16xi32>], vector<16xf32>,
          %add3A_335 = arith.constant 5 : i32
          %add3A_336 = arith.addi %mul3A_144, %add3A_335 : i32
          %get3A_337 = arith.constant 0 : i32
          %get3A_338 = arith.index_cast %get3A_337 : i32 to index
          %get3A_339 = arith.index_cast %add3A_336 : i32 to index
          %get3A_340 = arith.constant 16 : index
          %get3A_341 = tpu.vector_load %arg8[%get3A_338, %get3A_339, %get3A_340] {strides = array<i32>} : memref<2x160x64xf32, #tpu.memory_space<vmem>>, vector<16xf32>,
          tpu.vector_store_idx %arg6[%gather3A_327, %add3A_4], %get3A_341 {add = true} : memref<1024x64xf32, #tpu.memory_space<vmem>>[vector<16xi32>, vector<16xi32>], vector<16xf32>,
          %add3A_342 = arith.constant 5 : i32
          %add3A_343 = arith.addi %mul3A_144, %add3A_342 : i32
          %get3A_344 = arith.constant 0 : i32
          %get3A_345 = arith.index_cast %get3A_344 : i32 to index
          %get3A_346 = arith.index_cast %add3A_343 : i32 to index
          %get3A_347 = arith.constant 32 : index
          %get3A_348 = tpu.vector_load %arg8[%get3A_345, %get3A_346, %get3A_347] {strides = array<i32>} : memref<2x160x64xf32, #tpu.memory_space<vmem>>, vector<16xf32>,
          tpu.vector_store_idx %arg6[%gather3A_327, %add3A_7], %get3A_348 {add = true} : memref<1024x64xf32, #tpu.memory_space<vmem>>[vector<16xi32>, vector<16xi32>], vector<16xf32>,
          %add3A_349 = arith.constant 5 : i32
          %add3A_350 = arith.addi %mul3A_144, %add3A_349 : i32
          %get3A_351 = arith.constant 0 : i32
          %get3A_352 = arith.index_cast %get3A_351 : i32 to index
          %get3A_353 = arith.index_cast %add3A_350 : i32 to index
          %get3A_354 = arith.constant 48 : index
          %get3A_355 = tpu.vector_load %arg8[%get3A_352, %get3A_353, %get3A_354] {strides = array<i32>} : memref<2x160x64xf32, #tpu.memory_space<vmem>>, vector<16xf32>,
          tpu.vector_store_idx %arg6[%gather3A_327, %add3A_10], %get3A_355 {add = true} : memref<1024x64xf32, #tpu.memory_space<vmem>>[vector<16xi32>, vector<16xi32>], vector<16xf32>,
          %broadcast_in_dim3A_356 = arith.constant 6 : i32
          %broadcast_in_dim3A_357 = vector.broadcast %broadcast_in_dim3A_356 : i32 to vector<16x1xi32>
          %gather3A_358 = vector.shape_cast %broadcast_in_dim3A_357 : vector<16x1xi32> to vector<16xi32>
          %gather3A_359 = tpu.dynamic_gather %min3A_150[%gather3A_358] in [0] : vector<16xi32>, vector<16xi32> -> vector<16xi32>
          %add3A_360 = arith.constant 6 : i32
          %add3A_361 = arith.addi %mul3A_144, %add3A_360 : i32
          %get3A_362 = arith.constant 0 : i32
          %get3A_363 = arith.index_cast %get3A_362 : i32 to index
          %get3A_364 = arith.index_cast %add3A_361 : i32 to index
          %get3A_365 = arith.constant 0 : index
          %get3A_366 = tpu.vector_load %arg8[%get3A_363, %get3A_364, %get3A_365] {strides = array<i32>} : memref<2x160x64xf32, #tpu.memory_space<vmem>>, vector<16xf32>,
          tpu.vector_store_idx %arg6[%gather3A_359, %add3A_1], %get3A_366 {add = true} : memref<1024x64xf32, #tpu.memory_space<vmem>>[vector<16xi32>, vector<16xi32>], vector<16xf32>,
          %add3A_367 = arith.constant 6 : i32
          %add3A_368 = arith.addi %mul3A_144, %add3A_367 : i32
          %get3A_369 = arith.constant 0 : i32
          %get3A_370 = arith.index_cast %get3A_369 : i32 to index
          %get3A_371 = arith.index_cast %add3A_368 : i32 to index
          %get3A_372 = arith.constant 16 : index
          %get3A_373 = tpu.vector_load %arg8[%get3A_370, %get3A_371, %get3A_372] {strides = array<i32>} : memref<2x160x64xf32, #tpu.memory_space<vmem>>, vector<16xf32>,
          tpu.vector_store_idx %arg6[%gather3A_359, %add3A_4], %get3A_373 {add = true} : memref<1024x64xf32, #tpu.memory_space<vmem>>[vector<16xi32>, vector<16xi32>], vector<16xf32>,
          %add3A_374 = arith.constant 6 : i32
          %add3A_375 = arith.addi %mul3A_144, %add3A_374 : i32
          %get3A_376 = arith.constant 0 : i32
          %get3A_377 = arith.index_cast %get3A_376 : i32 to index
          %get3A_378 = arith.index_cast %add3A_375 : i32 to index
          %get3A_379 = arith.constant 32 : index
          %get3A_380 = tpu.vector_load %arg8[%get3A_377, %get3A_378, %get3A_379] {strides = array<i32>} : memref<2x160x64xf32, #tpu.memory_space<vmem>>, vector<16xf32>,
          tpu.vector_store_idx %arg6[%gather3A_359, %add3A_7], %get3A_380 {add = true} : memref<1024x64xf32, #tpu.memory_space<vmem>>[vector<16xi32>, vector<16xi32>], vector<16xf32>,
          %add3A_381 = arith.constant 6 : i32
          %add3A_382 = arith.addi %mul3A_144, %add3A_381 : i32
          %get3A_383 = arith.constant 0 : i32
          %get3A_384 = arith.index_cast %get3A_383 : i32 to index
          %get3A_385 = arith.index_cast %add3A_382 : i32 to index
          %get3A_386 = arith.constant 48 : index
          %get3A_387 = tpu.vector_load %arg8[%get3A_384, %get3A_385, %get3A_386] {strides = array<i32>} : memref<2x160x64xf32, #tpu.memory_space<vmem>>, vector<16xf32>,
          tpu.vector_store_idx %arg6[%gather3A_359, %add3A_10], %get3A_387 {add = true} : memref<1024x64xf32, #tpu.memory_space<vmem>>[vector<16xi32>, vector<16xi32>], vector<16xf32>,
          %broadcast_in_dim3A_388 = arith.constant 7 : i32
          %broadcast_in_dim3A_389 = vector.broadcast %broadcast_in_dim3A_388 : i32 to vector<16x1xi32>
          %gather3A_390 = vector.shape_cast %broadcast_in_dim3A_389 : vector<16x1xi32> to vector<16xi32>
          %gather3A_391 = tpu.dynamic_gather %min3A_150[%gather3A_390] in [0] : vector<16xi32>, vector<16xi32> -> vector<16xi32>
          %add3A_392 = arith.constant 7 : i32
          %add3A_393 = arith.addi %mul3A_144, %add3A_392 : i32
          %get3A_394 = arith.constant 0 : i32
          %get3A_395 = arith.index_cast %get3A_394 : i32 to index
          %get3A_396 = arith.index_cast %add3A_393 : i32 to index
          %get3A_397 = arith.constant 0 : index
          %get3A_398 = tpu.vector_load %arg8[%get3A_395, %get3A_396, %get3A_397] {strides = array<i32>} : memref<2x160x64xf32, #tpu.memory_space<vmem>>, vector<16xf32>,
          tpu.vector_store_idx %arg6[%gather3A_391, %add3A_1], %get3A_398 {add = true} : memref<1024x64xf32, #tpu.memory_space<vmem>>[vector<16xi32>, vector<16xi32>], vector<16xf32>,
          %add3A_399 = arith.constant 7 : i32
          %add3A_400 = arith.addi %mul3A_144, %add3A_399 : i32
          %get3A_401 = arith.constant 0 : i32
          %get3A_402 = arith.index_cast %get3A_401 : i32 to index
          %get3A_403 = arith.index_cast %add3A_400 : i32 to index
          %get3A_404 = arith.constant 16 : index
          %get3A_405 = tpu.vector_load %arg8[%get3A_402, %get3A_403, %get3A_404] {strides = array<i32>} : memref<2x160x64xf32, #tpu.memory_space<vmem>>, vector<16xf32>,
          tpu.vector_store_idx %arg6[%gather3A_391, %add3A_4], %get3A_405 {add = true} : memref<1024x64xf32, #tpu.memory_space<vmem>>[vector<16xi32>, vector<16xi32>], vector<16xf32>,
          %add3A_406 = arith.constant 7 : i32
          %add3A_407 = arith.addi %mul3A_144, %add3A_406 : i32
          %get3A_408 = arith.constant 0 : i32
          %get3A_409 = arith.index_cast %get3A_408 : i32 to index
          %get3A_410 = arith.index_cast %add3A_407 : i32 to index
          %get3A_411 = arith.constant 32 : index
          %get3A_412 = tpu.vector_load %arg8[%get3A_409, %get3A_410, %get3A_411] {strides = array<i32>} : memref<2x160x64xf32, #tpu.memory_space<vmem>>, vector<16xf32>,
          tpu.vector_store_idx %arg6[%gather3A_391, %add3A_7], %get3A_412 {add = true} : memref<1024x64xf32, #tpu.memory_space<vmem>>[vector<16xi32>, vector<16xi32>], vector<16xf32>,
          %add3A_413 = arith.constant 7 : i32
          %add3A_414 = arith.addi %mul3A_144, %add3A_413 : i32
          %get3A_415 = arith.constant 0 : i32
          %get3A_416 = arith.index_cast %get3A_415 : i32 to index
          %get3A_417 = arith.index_cast %add3A_414 : i32 to index
          %get3A_418 = arith.constant 48 : index
          %get3A_419 = tpu.vector_load %arg8[%get3A_416, %get3A_417, %get3A_418] {strides = array<i32>} : memref<2x160x64xf32, #tpu.memory_space<vmem>>, vector<16xf32>,
          tpu.vector_store_idx %arg6[%gather3A_391, %add3A_10], %get3A_419 {add = true} : memref<1024x64xf32, #tpu.memory_space<vmem>>[vector<16xi32>, vector<16xi32>], vector<16xf32>,
          %broadcast_in_dim3A_420 = arith.constant 8 : i32
          %broadcast_in_dim3A_421 = vector.broadcast %broadcast_in_dim3A_420 : i32 to vector<16x1xi32>
          %gather3A_422 = vector.shape_cast %broadcast_in_dim3A_421 : vector<16x1xi32> to vector<16xi32>
          %gather3A_423 = tpu.dynamic_gather %min3A_150[%gather3A_422] in [0] : vector<16xi32>, vector<16xi32> -> vector<16xi32>
          %add3A_424 = arith.constant 8 : i32
          %add3A_425 = arith.addi %mul3A_144, %add3A_424 : i32
          %get3A_426 = arith.constant 0 : i32
          %get3A_427 = arith.index_cast %get3A_426 : i32 to index
          %get3A_428 = arith.index_cast %add3A_425 : i32 to index
          %get3A_429 = arith.constant 0 : index
          %get3A_430 = tpu.vector_load %arg8[%get3A_427, %get3A_428, %get3A_429] {strides = array<i32>} : memref<2x160x64xf32, #tpu.memory_space<vmem>>, vector<16xf32>,
          tpu.vector_store_idx %arg6[%gather3A_423, %add3A_1], %get3A_430 {add = true} : memref<1024x64xf32, #tpu.memory_space<vmem>>[vector<16xi32>, vector<16xi32>], vector<16xf32>,
          %add3A_431 = arith.constant 8 : i32
          %add3A_432 = arith.addi %mul3A_144, %add3A_431 : i32
          %get3A_433 = arith.constant 0 : i32
          %get3A_434 = arith.index_cast %get3A_433 : i32 to index
          %get3A_435 = arith.index_cast %add3A_432 : i32 to index
          %get3A_436 = arith.constant 16 : index
          %get3A_437 = tpu.vector_load %arg8[%get3A_434, %get3A_435, %get3A_436] {strides = array<i32>} : memref<2x160x64xf32, #tpu.memory_space<vmem>>, vector<16xf32>,
          tpu.vector_store_idx %arg6[%gather3A_423, %add3A_4], %get3A_437 {add = true} : memref<1024x64xf32, #tpu.memory_space<vmem>>[vector<16xi32>, vector<16xi32>], vector<16xf32>,
          %add3A_438 = arith.constant 8 : i32
          %add3A_439 = arith.addi %mul3A_144, %add3A_438 : i32
          %get3A_440 = arith.constant 0 : i32
          %get3A_441 = arith.index_cast %get3A_440 : i32 to index
          %get3A_442 = arith.index_cast %add3A_439 : i32 to index
          %get3A_443 = arith.constant 32 : index
          %get3A_444 = tpu.vector_load %arg8[%get3A_441, %get3A_442, %get3A_443] {strides = array<i32>} : memref<2x160x64xf32, #tpu.memory_space<vmem>>, vector<16xf32>,
          tpu.vector_store_idx %arg6[%gather3A_423, %add3A_7], %get3A_444 {add = true} : memref<1024x64xf32, #tpu.memory_space<vmem>>[vector<16xi32>, vector<16xi32>], vector<16xf32>,
          %add3A_445 = arith.constant 8 : i32
          %add3A_446 = arith.addi %mul3A_144, %add3A_445 : i32
          %get3A_447 = arith.constant 0 : i32
          %get3A_448 = arith.index_cast %get3A_447 : i32 to index
          %get3A_449 = arith.index_cast %add3A_446 : i32 to index
          %get3A_450 = arith.constant 48 : index
          %get3A_451 = tpu.vector_load %arg8[%get3A_448, %get3A_449, %get3A_450] {strides = array<i32>} : memref<2x160x64xf32, #tpu.memory_space<vmem>>, vector<16xf32>,
          tpu.vector_store_idx %arg6[%gather3A_423, %add3A_10], %get3A_451 {add = true} : memref<1024x64xf32, #tpu.memory_space<vmem>>[vector<16xi32>, vector<16xi32>], vector<16xf32>,
          %broadcast_in_dim3A_452 = arith.constant 9 : i32
          %broadcast_in_dim3A_453 = vector.broadcast %broadcast_in_dim3A_452 : i32 to vector<16x1xi32>
          %gather3A_454 = vector.shape_cast %broadcast_in_dim3A_453 : vector<16x1xi32> to vector<16xi32>
          %gather3A_455 = tpu.dynamic_gather %min3A_150[%gather3A_454] in [0] : vector<16xi32>, vector<16xi32> -> vector<16xi32>
          %add3A_456 = arith.constant 9 : i32
          %add3A_457 = arith.addi %mul3A_144, %add3A_456 : i32
          %get3A_458 = arith.constant 0 : i32
          %get3A_459 = arith.index_cast %get3A_458 : i32 to index
          %get3A_460 = arith.index_cast %add3A_457 : i32 to index
          %get3A_461 = arith.constant 0 : index
          %get3A_462 = tpu.vector_load %arg8[%get3A_459, %get3A_460, %get3A_461] {strides = array<i32>} : memref<2x160x64xf32, #tpu.memory_space<vmem>>, vector<16xf32>,
          tpu.vector_store_idx %arg6[%gather3A_455, %add3A_1], %get3A_462 {add = true} : memref<1024x64xf32, #tpu.memory_space<vmem>>[vector<16xi32>, vector<16xi32>], vector<16xf32>,
          %add3A_463 = arith.constant 9 : i32
          %add3A_464 = arith.addi %mul3A_144, %add3A_463 : i32
          %get3A_465 = arith.constant 0 : i32
          %get3A_466 = arith.index_cast %get3A_465 : i32 to index
          %get3A_467 = arith.index_cast %add3A_464 : i32 to index
          %get3A_468 = arith.constant 16 : index
          %get3A_469 = tpu.vector_load %arg8[%get3A_466, %get3A_467, %get3A_468] {strides = array<i32>} : memref<2x160x64xf32, #tpu.memory_space<vmem>>, vector<16xf32>,
          tpu.vector_store_idx %arg6[%gather3A_455, %add3A_4], %get3A_469 {add = true} : memref<1024x64xf32, #tpu.memory_space<vmem>>[vector<16xi32>, vector<16xi32>], vector<16xf32>,
          %add3A_470 = arith.constant 9 : i32
          %add3A_471 = arith.addi %mul3A_144, %add3A_470 : i32
          %get3A_472 = arith.constant 0 : i32
          %get3A_473 = arith.index_cast %get3A_472 : i32 to index
          %get3A_474 = arith.index_cast %add3A_471 : i32 to index
          %get3A_475 = arith.constant 32 : index
          %get3A_476 = tpu.vector_load %arg8[%get3A_473, %get3A_474, %get3A_475] {strides = array<i32>} : memref<2x160x64xf32, #tpu.memory_space<vmem>>, vector<16xf32>,
          tpu.vector_store_idx %arg6[%gather3A_455, %add3A_7], %get3A_476 {add = true} : memref<1024x64xf32, #tpu.memory_space<vmem>>[vector<16xi32>, vector<16xi32>], vector<16xf32>,
          %add3A_477 = arith.constant 9 : i32
          %add3A_478 = arith.addi %mul3A_144, %add3A_477 : i32
          %get3A_479 = arith.constant 0 : i32
          %get3A_480 = arith.index_cast %get3A_479 : i32 to index
          %get3A_481 = arith.index_cast %add3A_478 : i32 to index
          %get3A_482 = arith.constant 48 : index
          %get3A_483 = tpu.vector_load %arg8[%get3A_480, %get3A_481, %get3A_482] {strides = array<i32>} : memref<2x160x64xf32, #tpu.memory_space<vmem>>, vector<16xf32>,
          tpu.vector_store_idx %arg6[%gather3A_455, %add3A_10], %get3A_483 {add = true} : memref<1024x64xf32, #tpu.memory_space<vmem>>[vector<16xi32>, vector<16xi32>], vector<16xf32>,
          %broadcast_in_dim3A_484 = arith.constant 10 : i32
          %broadcast_in_dim3A_485 = vector.broadcast %broadcast_in_dim3A_484 : i32 to vector<16x1xi32>
          %gather3A_486 = vector.shape_cast %broadcast_in_dim3A_485 : vector<16x1xi32> to vector<16xi32>
          %gather3A_487 = tpu.dynamic_gather %min3A_150[%gather3A_486] in [0] : vector<16xi32>, vector<16xi32> -> vector<16xi32>
          %add3A_488 = arith.constant 10 : i32
          %add3A_489 = arith.addi %mul3A_144, %add3A_488 : i32
          %get3A_490 = arith.constant 0 : i32
          %get3A_491 = arith.index_cast %get3A_490 : i32 to index
          %get3A_492 = arith.index_cast %add3A_489 : i32 to index
          %get3A_493 = arith.constant 0 : index
          %get3A_494 = tpu.vector_load %arg8[%get3A_491, %get3A_492, %get3A_493] {strides = array<i32>} : memref<2x160x64xf32, #tpu.memory_space<vmem>>, vector<16xf32>,
          tpu.vector_store_idx %arg6[%gather3A_487, %add3A_1], %get3A_494 {add = true} : memref<1024x64xf32, #tpu.memory_space<vmem>>[vector<16xi32>, vector<16xi32>], vector<16xf32>,
          %add3A_495 = arith.constant 10 : i32
          %add3A_496 = arith.addi %mul3A_144, %add3A_495 : i32
          %get3A_497 = arith.constant 0 : i32
          %get3A_498 = arith.index_cast %get3A_497 : i32 to index
          %get3A_499 = arith.index_cast %add3A_496 : i32 to index
          %get3A_500 = arith.constant 16 : index
          %get3A_501 = tpu.vector_load %arg8[%get3A_498, %get3A_499, %get3A_500] {strides = array<i32>} : memref<2x160x64xf32, #tpu.memory_space<vmem>>, vector<16xf32>,
          tpu.vector_store_idx %arg6[%gather3A_487, %add3A_4], %get3A_501 {add = true} : memref<1024x64xf32, #tpu.memory_space<vmem>>[vector<16xi32>, vector<16xi32>], vector<16xf32>,
          %add3A_502 = arith.constant 10 : i32
          %add3A_503 = arith.addi %mul3A_144, %add3A_502 : i32
          %get3A_504 = arith.constant 0 : i32
          %get3A_505 = arith.index_cast %get3A_504 : i32 to index
          %get3A_506 = arith.index_cast %add3A_503 : i32 to index
          %get3A_507 = arith.constant 32 : index
          %get3A_508 = tpu.vector_load %arg8[%get3A_505, %get3A_506, %get3A_507] {strides = array<i32>} : memref<2x160x64xf32, #tpu.memory_space<vmem>>, vector<16xf32>,
          tpu.vector_store_idx %arg6[%gather3A_487, %add3A_7], %get3A_508 {add = true} : memref<1024x64xf32, #tpu.memory_space<vmem>>[vector<16xi32>, vector<16xi32>], vector<16xf32>,
          %add3A_509 = arith.constant 10 : i32
          %add3A_510 = arith.addi %mul3A_144, %add3A_509 : i32
          %get3A_511 = arith.constant 0 : i32
          %get3A_512 = arith.index_cast %get3A_511 : i32 to index
          %get3A_513 = arith.index_cast %add3A_510 : i32 to index
          %get3A_514 = arith.constant 48 : index
          %get3A_515 = tpu.vector_load %arg8[%get3A_512, %get3A_513, %get3A_514] {strides = array<i32>} : memref<2x160x64xf32, #tpu.memory_space<vmem>>, vector<16xf32>,
          tpu.vector_store_idx %arg6[%gather3A_487, %add3A_10], %get3A_515 {add = true} : memref<1024x64xf32, #tpu.memory_space<vmem>>[vector<16xi32>, vector<16xi32>], vector<16xf32>,
          %broadcast_in_dim3A_516 = arith.constant 11 : i32
          %broadcast_in_dim3A_517 = vector.broadcast %broadcast_in_dim3A_516 : i32 to vector<16x1xi32>
          %gather3A_518 = vector.shape_cast %broadcast_in_dim3A_517 : vector<16x1xi32> to vector<16xi32>
          %gather3A_519 = tpu.dynamic_gather %min3A_150[%gather3A_518] in [0] : vector<16xi32>, vector<16xi32> -> vector<16xi32>
          %add3A_520 = arith.constant 11 : i32
          %add3A_521 = arith.addi %mul3A_144, %add3A_520 : i32
          %get3A_522 = arith.constant 0 : i32
          %get3A_523 = arith.index_cast %get3A_522 : i32 to index
          %get3A_524 = arith.index_cast %add3A_521 : i32 to index
          %get3A_525 = arith.constant 0 : index
          %get3A_526 = tpu.vector_load %arg8[%get3A_523, %get3A_524, %get3A_525] {strides = array<i32>} : memref<2x160x64xf32, #tpu.memory_space<vmem>>, vector<16xf32>,
          tpu.vector_store_idx %arg6[%gather3A_519, %add3A_1], %get3A_526 {add = true} : memref<1024x64xf32, #tpu.memory_space<vmem>>[vector<16xi32>, vector<16xi32>], vector<16xf32>,
          %add3A_527 = arith.constant 11 : i32
          %add3A_528 = arith.addi %mul3A_144, %add3A_527 : i32
          %get3A_529 = arith.constant 0 : i32
          %get3A_530 = arith.index_cast %get3A_529 : i32 to index
          %get3A_531 = arith.index_cast %add3A_528 : i32 to index
          %get3A_532 = arith.constant 16 : index
          %get3A_533 = tpu.vector_load %arg8[%get3A_530, %get3A_531, %get3A_532] {strides = array<i32>} : memref<2x160x64xf32, #tpu.memory_space<vmem>>, vector<16xf32>,
          tpu.vector_store_idx %arg6[%gather3A_519, %add3A_4], %get3A_533 {add = true} : memref<1024x64xf32, #tpu.memory_space<vmem>>[vector<16xi32>, vector<16xi32>], vector<16xf32>,
          %add3A_534 = arith.constant 11 : i32
          %add3A_535 = arith.addi %mul3A_144, %add3A_534 : i32
          %get3A_536 = arith.constant 0 : i32
          %get3A_537 = arith.index_cast %get3A_536 : i32 to index
          %get3A_538 = arith.index_cast %add3A_535 : i32 to index
          %get3A_539 = arith.constant 32 : index
          %get3A_540 = tpu.vector_load %arg8[%get3A_537, %get3A_538, %get3A_539] {strides = array<i32>} : memref<2x160x64xf32, #tpu.memory_space<vmem>>, vector<16xf32>,
          tpu.vector_store_idx %arg6[%gather3A_519, %add3A_7], %get3A_540 {add = true} : memref<1024x64xf32, #tpu.memory_space<vmem>>[vector<16xi32>, vector<16xi32>], vector<16xf32>,
          %add3A_541 = arith.constant 11 : i32
          %add3A_542 = arith.addi %mul3A_144, %add3A_541 : i32
          %get3A_543 = arith.constant 0 : i32
          %get3A_544 = arith.index_cast %get3A_543 : i32 to index
          %get3A_545 = arith.index_cast %add3A_542 : i32 to index
          %get3A_546 = arith.constant 48 : index
          %get3A_547 = tpu.vector_load %arg8[%get3A_544, %get3A_545, %get3A_546] {strides = array<i32>} : memref<2x160x64xf32, #tpu.memory_space<vmem>>, vector<16xf32>,
          tpu.vector_store_idx %arg6[%gather3A_519, %add3A_10], %get3A_547 {add = true} : memref<1024x64xf32, #tpu.memory_space<vmem>>[vector<16xi32>, vector<16xi32>], vector<16xf32>,
          %broadcast_in_dim3A_548 = arith.constant 12 : i32
          %broadcast_in_dim3A_549 = vector.broadcast %broadcast_in_dim3A_548 : i32 to vector<16x1xi32>
          %gather3A_550 = vector.shape_cast %broadcast_in_dim3A_549 : vector<16x1xi32> to vector<16xi32>
          %gather3A_551 = tpu.dynamic_gather %min3A_150[%gather3A_550] in [0] : vector<16xi32>, vector<16xi32> -> vector<16xi32>
          %add3A_552 = arith.constant 12 : i32
          %add3A_553 = arith.addi %mul3A_144, %add3A_552 : i32
          %get3A_554 = arith.constant 0 : i32
          %get3A_555 = arith.index_cast %get3A_554 : i32 to index
          %get3A_556 = arith.index_cast %add3A_553 : i32 to index
          %get3A_557 = arith.constant 0 : index
          %get3A_558 = tpu.vector_load %arg8[%get3A_555, %get3A_556, %get3A_557] {strides = array<i32>} : memref<2x160x64xf32, #tpu.memory_space<vmem>>, vector<16xf32>,
          tpu.vector_store_idx %arg6[%gather3A_551, %add3A_1], %get3A_558 {add = true} : memref<1024x64xf32, #tpu.memory_space<vmem>>[vector<16xi32>, vector<16xi32>], vector<16xf32>,
          %add3A_559 = arith.constant 12 : i32
          %add3A_560 = arith.addi %mul3A_144, %add3A_559 : i32
          %get3A_561 = arith.constant 0 : i32
          %get3A_562 = arith.index_cast %get3A_561 : i32 to index
          %get3A_563 = arith.index_cast %add3A_560 : i32 to index
          %get3A_564 = arith.constant 16 : index
          %get3A_565 = tpu.vector_load %arg8[%get3A_562, %get3A_563, %get3A_564] {strides = array<i32>} : memref<2x160x64xf32, #tpu.memory_space<vmem>>, vector<16xf32>,
          tpu.vector_store_idx %arg6[%gather3A_551, %add3A_4], %get3A_565 {add = true} : memref<1024x64xf32, #tpu.memory_space<vmem>>[vector<16xi32>, vector<16xi32>], vector<16xf32>,
          %add3A_566 = arith.constant 12 : i32
          %add3A_567 = arith.addi %mul3A_144, %add3A_566 : i32
          %get3A_568 = arith.constant 0 : i32
          %get3A_569 = arith.index_cast %get3A_568 : i32 to index
          %get3A_570 = arith.index_cast %add3A_567 : i32 to index
          %get3A_571 = arith.constant 32 : index
          %get3A_572 = tpu.vector_load %arg8[%get3A_569, %get3A_570, %get3A_571] {strides = array<i32>} : memref<2x160x64xf32, #tpu.memory_space<vmem>>, vector<16xf32>,
          tpu.vector_store_idx %arg6[%gather3A_551, %add3A_7], %get3A_572 {add = true} : memref<1024x64xf32, #tpu.memory_space<vmem>>[vector<16xi32>, vector<16xi32>], vector<16xf32>,
          %add3A_573 = arith.constant 12 : i32
          %add3A_574 = arith.addi %mul3A_144, %add3A_573 : i32
          %get3A_575 = arith.constant 0 : i32
          %get3A_576 = arith.index_cast %get3A_575 : i32 to index
          %get3A_577 = arith.index_cast %add3A_574 : i32 to index
          %get3A_578 = arith.constant 48 : index
          %get3A_579 = tpu.vector_load %arg8[%get3A_576, %get3A_577, %get3A_578] {strides = array<i32>} : memref<2x160x64xf32, #tpu.memory_space<vmem>>, vector<16xf32>,
          tpu.vector_store_idx %arg6[%gather3A_551, %add3A_10], %get3A_579 {add = true} : memref<1024x64xf32, #tpu.memory_space<vmem>>[vector<16xi32>, vector<16xi32>], vector<16xf32>,
          %broadcast_in_dim3A_580 = arith.constant 13 : i32
          %broadcast_in_dim3A_581 = vector.broadcast %broadcast_in_dim3A_580 : i32 to vector<16x1xi32>
          %gather3A_582 = vector.shape_cast %broadcast_in_dim3A_581 : vector<16x1xi32> to vector<16xi32>
          %gather3A_583 = tpu.dynamic_gather %min3A_150[%gather3A_582] in [0] : vector<16xi32>, vector<16xi32> -> vector<16xi32>
          %add3A_584 = arith.constant 13 : i32
          %add3A_585 = arith.addi %mul3A_144, %add3A_584 : i32
          %get3A_586 = arith.constant 0 : i32
          %get3A_587 = arith.index_cast %get3A_586 : i32 to index
          %get3A_588 = arith.index_cast %add3A_585 : i32 to index
          %get3A_589 = arith.constant 0 : index
          %get3A_590 = tpu.vector_load %arg8[%get3A_587, %get3A_588, %get3A_589] {strides = array<i32>} : memref<2x160x64xf32, #tpu.memory_space<vmem>>, vector<16xf32>,
          tpu.vector_store_idx %arg6[%gather3A_583, %add3A_1], %get3A_590 {add = true} : memref<1024x64xf32, #tpu.memory_space<vmem>>[vector<16xi32>, vector<16xi32>], vector<16xf32>,
          %add3A_591 = arith.constant 13 : i32
          %add3A_592 = arith.addi %mul3A_144, %add3A_591 : i32
          %get3A_593 = arith.constant 0 : i32
          %get3A_594 = arith.index_cast %get3A_593 : i32 to index
          %get3A_595 = arith.index_cast %add3A_592 : i32 to index
          %get3A_596 = arith.constant 16 : index
          %get3A_597 = tpu.vector_load %arg8[%get3A_594, %get3A_595, %get3A_596] {strides = array<i32>} : memref<2x160x64xf32, #tpu.memory_space<vmem>>, vector<16xf32>,
          tpu.vector_store_idx %arg6[%gather3A_583, %add3A_4], %get3A_597 {add = true} : memref<1024x64xf32, #tpu.memory_space<vmem>>[vector<16xi32>, vector<16xi32>], vector<16xf32>,
          %add3A_598 = arith.constant 13 : i32
          %add3A_599 = arith.addi %mul3A_144, %add3A_598 : i32
          %get3A_600 = arith.constant 0 : i32
          %get3A_601 = arith.index_cast %get3A_600 : i32 to index
          %get3A_602 = arith.index_cast %add3A_599 : i32 to index
          %get3A_603 = arith.constant 32 : index
          %get3A_604 = tpu.vector_load %arg8[%get3A_601, %get3A_602, %get3A_603] {strides = array<i32>} : memref<2x160x64xf32, #tpu.memory_space<vmem>>, vector<16xf32>,
          tpu.vector_store_idx %arg6[%gather3A_583, %add3A_7], %get3A_604 {add = true} : memref<1024x64xf32, #tpu.memory_space<vmem>>[vector<16xi32>, vector<16xi32>], vector<16xf32>,
          %add3A_605 = arith.constant 13 : i32
          %add3A_606 = arith.addi %mul3A_144, %add3A_605 : i32
          %get3A_607 = arith.constant 0 : i32
          %get3A_608 = arith.index_cast %get3A_607 : i32 to index
          %get3A_609 = arith.index_cast %add3A_606 : i32 to index
          %get3A_610 = arith.constant 48 : index
          %get3A_611 = tpu.vector_load %arg8[%get3A_608, %get3A_609, %get3A_610] {strides = array<i32>} : memref<2x160x64xf32, #tpu.memory_space<vmem>>, vector<16xf32>,
          tpu.vector_store_idx %arg6[%gather3A_583, %add3A_10], %get3A_611 {add = true} : memref<1024x64xf32, #tpu.memory_space<vmem>>[vector<16xi32>, vector<16xi32>], vector<16xf32>,
          %broadcast_in_dim3A_612 = arith.constant 14 : i32
          %broadcast_in_dim3A_613 = vector.broadcast %broadcast_in_dim3A_612 : i32 to vector<16x1xi32>
          %gather3A_614 = vector.shape_cast %broadcast_in_dim3A_613 : vector<16x1xi32> to vector<16xi32>
          %gather3A_615 = tpu.dynamic_gather %min3A_150[%gather3A_614] in [0] : vector<16xi32>, vector<16xi32> -> vector<16xi32>
          %add3A_616 = arith.constant 14 : i32
          %add3A_617 = arith.addi %mul3A_144, %add3A_616 : i32
          %get3A_618 = arith.constant 0 : i32
          %get3A_619 = arith.index_cast %get3A_618 : i32 to index
          %get3A_620 = arith.index_cast %add3A_617 : i32 to index
          %get3A_621 = arith.constant 0 : index
          %get3A_622 = tpu.vector_load %arg8[%get3A_619, %get3A_620, %get3A_621] {strides = array<i32>} : memref<2x160x64xf32, #tpu.memory_space<vmem>>, vector<16xf32>,
          tpu.vector_store_idx %arg6[%gather3A_615, %add3A_1], %get3A_622 {add = true} : memref<1024x64xf32, #tpu.memory_space<vmem>>[vector<16xi32>, vector<16xi32>], vector<16xf32>,
          %add3A_623 = arith.constant 14 : i32
          %add3A_624 = arith.addi %mul3A_144, %add3A_623 : i32
          %get3A_625 = arith.constant 0 : i32
          %get3A_626 = arith.index_cast %get3A_625 : i32 to index
          %get3A_627 = arith.index_cast %add3A_624 : i32 to index
          %get3A_628 = arith.constant 16 : index
          %get3A_629 = tpu.vector_load %arg8[%get3A_626, %get3A_627, %get3A_628] {strides = array<i32>} : memref<2x160x64xf32, #tpu.memory_space<vmem>>, vector<16xf32>,
          tpu.vector_store_idx %arg6[%gather3A_615, %add3A_4], %get3A_629 {add = true} : memref<1024x64xf32, #tpu.memory_space<vmem>>[vector<16xi32>, vector<16xi32>], vector<16xf32>,
          %add3A_630 = arith.constant 14 : i32
          %add3A_631 = arith.addi %mul3A_144, %add3A_630 : i32
          %get3A_632 = arith.constant 0 : i32
          %get3A_633 = arith.index_cast %get3A_632 : i32 to index
          %get3A_634 = arith.index_cast %add3A_631 : i32 to index
          %get3A_635 = arith.constant 32 : index
          %get3A_636 = tpu.vector_load %arg8[%get3A_633, %get3A_634, %get3A_635] {strides = array<i32>} : memref<2x160x64xf32, #tpu.memory_space<vmem>>, vector<16xf32>,
          tpu.vector_store_idx %arg6[%gather3A_615, %add3A_7], %get3A_636 {add = true} : memref<1024x64xf32, #tpu.memory_space<vmem>>[vector<16xi32>, vector<16xi32>], vector<16xf32>,
          %add3A_637 = arith.constant 14 : i32
          %add3A_638 = arith.addi %mul3A_144, %add3A_637 : i32
          %get3A_639 = arith.constant 0 : i32
          %get3A_640 = arith.index_cast %get3A_639 : i32 to index
          %get3A_641 = arith.index_cast %add3A_638 : i32 to index
          %get3A_642 = arith.constant 48 : index
          %get3A_643 = tpu.vector_load %arg8[%get3A_640, %get3A_641, %get3A_642] {strides = array<i32>} : memref<2x160x64xf32, #tpu.memory_space<vmem>>, vector<16xf32>,
          tpu.vector_store_idx %arg6[%gather3A_615, %add3A_10], %get3A_643 {add = true} : memref<1024x64xf32, #tpu.memory_space<vmem>>[vector<16xi32>, vector<16xi32>], vector<16xf32>,
          %broadcast_in_dim3A_644 = arith.constant 15 : i32
          %broadcast_in_dim3A_645 = vector.broadcast %broadcast_in_dim3A_644 : i32 to vector<16x1xi32>
          %gather3A_646 = vector.shape_cast %broadcast_in_dim3A_645 : vector<16x1xi32> to vector<16xi32>
          %gather3A_647 = tpu.dynamic_gather %min3A_150[%gather3A_646] in [0] : vector<16xi32>, vector<16xi32> -> vector<16xi32>
          %add3A_648 = arith.constant 15 : i32
          %add3A_649 = arith.addi %mul3A_144, %add3A_648 : i32
          %get3A_650 = arith.constant 0 : i32
          %get3A_651 = arith.index_cast %get3A_650 : i32 to index
          %get3A_652 = arith.index_cast %add3A_649 : i32 to index
          %get3A_653 = arith.constant 0 : index
          %get3A_654 = tpu.vector_load %arg8[%get3A_651, %get3A_652, %get3A_653] {strides = array<i32>} : memref<2x160x64xf32, #tpu.memory_space<vmem>>, vector<16xf32>,
          tpu.vector_store_idx %arg6[%gather3A_647, %add3A_1], %get3A_654 {add = true} : memref<1024x64xf32, #tpu.memory_space<vmem>>[vector<16xi32>, vector<16xi32>], vector<16xf32>,
          %add3A_655 = arith.constant 15 : i32
          %add3A_656 = arith.addi %mul3A_144, %add3A_655 : i32
          %get3A_657 = arith.constant 0 : i32
          %get3A_658 = arith.index_cast %get3A_657 : i32 to index
          %get3A_659 = arith.index_cast %add3A_656 : i32 to index
          %get3A_660 = arith.constant 16 : index
          %get3A_661 = tpu.vector_load %arg8[%get3A_658, %get3A_659, %get3A_660] {strides = array<i32>} : memref<2x160x64xf32, #tpu.memory_space<vmem>>, vector<16xf32>,
          tpu.vector_store_idx %arg6[%gather3A_647, %add3A_4], %get3A_661 {add = true} : memref<1024x64xf32, #tpu.memory_space<vmem>>[vector<16xi32>, vector<16xi32>], vector<16xf32>,
          %add3A_662 = arith.constant 15 : i32
          %add3A_663 = arith.addi %mul3A_144, %add3A_662 : i32
          %get3A_664 = arith.constant 0 : i32
          %get3A_665 = arith.index_cast %get3A_664 : i32 to index
          %get3A_666 = arith.index_cast %add3A_663 : i32 to index
          %get3A_667 = arith.constant 32 : index
          %get3A_668 = tpu.vector_load %arg8[%get3A_665, %get3A_666, %get3A_667] {strides = array<i32>} : memref<2x160x64xf32, #tpu.memory_space<vmem>>, vector<16xf32>,
          tpu.vector_store_idx %arg6[%gather3A_647, %add3A_7], %get3A_668 {add = true} : memref<1024x64xf32, #tpu.memory_space<vmem>>[vector<16xi32>, vector<16xi32>], vector<16xf32>,
          %add3A_669 = arith.constant 15 : i32
          %add3A_670 = arith.addi %mul3A_144, %add3A_669 : i32
          %get3A_671 = arith.constant 0 : i32
          %get3A_672 = arith.index_cast %get3A_671 : i32 to index
          %get3A_673 = arith.index_cast %add3A_670 : i32 to index
          %get3A_674 = arith.constant 48 : index
          %get3A_675 = tpu.vector_load %arg8[%get3A_672, %get3A_673, %get3A_674] {strides = array<i32>} : memref<2x160x64xf32, #tpu.memory_space<vmem>>, vector<16xf32>,
          tpu.vector_store_idx %arg6[%gather3A_647, %add3A_10], %get3A_675 {add = true} : memref<1024x64xf32, #tpu.memory_space<vmem>>[vector<16xi32>, vector<16xi32>], vector<16xf32>,
        } else {
        }
      }
      %scan3A_101 = arith.constant 10 : i32
      %add3A_102 = arith.constant 2 : i32
      %add3A_103 = arith.addi %add3A_82, %add3A_102 : i32
      %lt3A = arith.constant 125 : i32
      %lt3A_104 = arith.cmpi slt, %add3A_103, %lt3A : i32
      %convert_element_type3A_105 = arith.extui %lt3A_104 : i1 to i32
      %cond3A_106 = arith.constant 0 : i32
      %cond3A_107 = arith.cmpi ne, %convert_element_type3A_105, %cond3A_106 : i32
      scf.if %cond3A_107 {
        %mul3A_138 = arith.constant 160 : i32
        %mul3A_139 = arith.muli %add3A_103, %mul3A_138 : i32
        %add3A_140 = arith.addi %mul3A_14, %mul3A_139 : i32
        %dma_start3A_141 = arith.constant 0 : i32
        %dma_start3A_142 = arith.constant 0 : i32
        %dma_start3A_143 = arith.constant 0 : i32
        %dma_start3A_144 = tpu.memref_slice %arg8[%dma_start3A_141, %dma_start3A_142, %dma_start3A_143] : memref<2x160x64xf32, #tpu.memory_space<vmem>> -> memref<1x160x64xf32, #tpu.memory_space<vmem>>
        %dma_start3A_145 = tpu.memref_squeeze %dma_start3A_144 : memref<1x160x64xf32, #tpu.memory_space<vmem>> -> memref<160x64xf32, #tpu.memory_space<vmem>>
        %dma_start3A_146 = tpu.memref_slice %arg2[%add3A_140, %mul3A_16] : memref<320000x128xf32, #tpu.memory_space<hbm>> -> memref<160x64xf32, #tpu.memory_space<hbm>>
        %dma_start3A_147 = arith.constant 0 : i32
        %dma_start3A_148 = arith.constant 0 : i32
        %dma_start3A_149 = tpu.memref_slice %arg8[%dma_start3A_141, %dma_start3A_147, %dma_start3A_148] : memref<2x160x64xf32, #tpu.memory_space<vmem>> -> memref<1x160x64xf32, #tpu.memory_space<vmem>>
        %dma_start3A_150 = tpu.memref_squeeze %dma_start3A_149 : memref<1x160x64xf32, #tpu.memory_space<vmem>> -> memref<160x64xf32, #tpu.memory_space<vmem>>
        %dma_start3A_151 = tpu.memref_slice %arg2[%add3A_140, %mul3A_16] : memref<320000x128xf32, #tpu.memory_space<hbm>> -> memref<160x64xf32, #tpu.memory_space<hbm>>
        tpu.enqueue_dma source(%dma_start3A_151 : memref<160x64xf32, #tpu.memory_space<hbm>>) target(%dma_start3A_150 : memref<160x64xf32, #tpu.memory_space<vmem>>) target_semaphore(%arg10 : memref<!tpu.dma_semaphore, #tpu.memory_space<semaphore_mem>>)
      } else {
      }
      %mul3A_108 = arith.constant 2 : i32
      %mul3A_109 = arith.muli %add3A_78, %mul3A_108 : i32
      %add3A_110 = arith.constant 1 : i32
      %add3A_111 = arith.addi %mul3A_109, %add3A_110 : i32
      %mul3A_112 = arith.constant 160 : i32
      %mul3A_113 = arith.muli %add3A_111, %mul3A_112 : i32
      %add3A_114 = arith.addi %mul3A_14, %mul3A_113 : i32
      %dma_wait3A_115 = arith.constant 1 : i32
      %dma_wait3A_116 = arith.constant 0 : i32
      %dma_wait3A_117 = arith.constant 0 : i32
      %dma_wait3A_118 = tpu.memref_slice %arg8[%dma_wait3A_115, %dma_wait3A_116, %dma_wait3A_117] : memref<2x160x64xf32, #tpu.memory_space<vmem>> -> memref<1x160x64xf32, #tpu.memory_space<vmem>>
      %dma_wait3A_119 = tpu.memref_squeeze %dma_wait3A_118 : memref<1x160x64xf32, #tpu.memory_space<vmem>> -> memref<160x64xf32, #tpu.memory_space<vmem>>
      %dma_wait3A_120 = tpu.memref_slice %arg2[%add3A_114, %mul3A_16] : memref<320000x128xf32, #tpu.memory_space<hbm>> -> memref<160x64xf32, #tpu.memory_space<hbm>>
      %dma_wait3A_121 = arith.constant 0 : i32
      %dma_wait3A_122 = arith.constant 0 : i32
      %dma_wait3A_123 = tpu.memref_slice %arg8[%dma_wait3A_115, %dma_wait3A_121, %dma_wait3A_122] : memref<2x160x64xf32, #tpu.memory_space<vmem>> -> memref<1x160x64xf32, #tpu.memory_space<vmem>>
      %dma_wait3A_124 = tpu.memref_squeeze %dma_wait3A_123 : memref<1x160x64xf32, #tpu.memory_space<vmem>> -> memref<160x64xf32, #tpu.memory_space<vmem>>
      %dma_wait3A_125 = tpu.memref_slice %arg2[%add3A_114, %mul3A_16] : memref<320000x128xf32, #tpu.memory_space<hbm>> -> memref<160x64xf32, #tpu.memory_space<hbm>>
      tpu.wait_dma2 semaphore(%arg11 : memref<!tpu.dma_semaphore, #tpu.memory_space<semaphore_mem>>) src(%dma_wait3A_125 : memref<160x64xf32, #tpu.memory_space<hbm>>) dst(%dma_wait3A_124 : memref<160x64xf32, #tpu.memory_space<vmem>>)
      %scan3A_126 = arith.constant 0 : i32
      %scan3A_127 = arith.constant 10 : i32
      %scan3A_128 = arith.addi %scan3A_126, %scan3A_127 : i32
      %scan3A_129 = arith.constant 1 : i32
      scf.for %scan3A_138 = %scan3A_126 to %scan3A_128 step %scan3A_129  : i32 {
        %mul3A_139 = arith.constant 1 : i32
        %mul3A_140 = arith.muli %scan3A_138, %mul3A_139 : i32
        %add3A_141 = arith.constant 0 : i32
        %add3A_142 = arith.addi %add3A_141, %mul3A_140 : i32
        %mul3A_143 = arith.constant 16 : i32
        %mul3A_144 = arith.muli %add3A_142, %mul3A_143 : i32
        %mul3A_145 = arith.constant 160 : i32
        %mul3A_146 = arith.muli %add3A_111, %mul3A_145 : i32
        %add3A_147 = arith.addi %mul3A_146, %mul3A_144 : i32
        %get3A = arith.index_cast %add3A_147 : i32 to index
        %get3A_148 = tpu.vector_load %arg9[%get3A] {strides = array<i32>} : memref<20000xi32, #tpu.memory_space<vmem>>, vector<16xi32>,
        %min3A = arith.constant 1023 : i32
        %min3A_149 = vector.broadcast %min3A : i32 to vector<16xi32>
        %min3A_150 = arith.minsi %get3A_148, %min3A_149 : vector<16xi32>
        tpu.vector_store_idx %arg7[%min3A_150, %iota3A], %broadcast_in_dim3A_11 {add = true} : memref<1024x16xf32, #tpu.memory_space<vmem>>[vector<16xi32>, vector<16xi32>], vector<16xf32>,
        %broadcast_in_dim3A_151 = arith.constant 0 : i32
        %broadcast_in_dim3A_152 = vector.broadcast %broadcast_in_dim3A_151 : i32 to vector<16x1xi32>
        %gather3A = vector.shape_cast %broadcast_in_dim3A_152 : vector<16x1xi32> to vector<16xi32>
        %gather3A_153 = tpu.dynamic_gather %min3A_150[%gather3A] in [0] : vector<16xi32>, vector<16xi32> -> vector<16xi32>
        %slice3A = vector.extract_strided_slice %min3A_150 {offsets = [0], sizes = [1], strides = [1]} : vector<16xi32> to vector<1xi32>
        %squeeze3A = vector.extract %slice3A[0] : i32 from vector<1xi32>
        %slice3A_154 = vector.extract_strided_slice %min3A_150 {offsets = [15], sizes = [1], strides = [1]} : vector<16xi32> to vector<1xi32>
        %squeeze3A_155 = vector.extract %slice3A_154[0] : i32 from vector<1xi32>
        %eq3A_156 = arith.cmpi eq, %squeeze3A, %squeeze3A_155 : i32
        %convert_element_type3A_157 = arith.extui %eq3A_156 : i1 to i32
        %cond3A_158 = arith.constant 0 : i32
        %cond3A_159 = arith.cmpi ne, %convert_element_type3A_157, %cond3A_158 : i32
        scf.if %cond3A_159 {
          %add3A_164 = arith.constant 0 : i32
          %add3A_165 = arith.addi %mul3A_144, %add3A_164 : i32
          %get3A_166 = arith.constant 1 : i32
          %get3A_167 = arith.index_cast %get3A_166 : i32 to index
          %get3A_168 = arith.index_cast %add3A_165 : i32 to index
          %get3A_169 = arith.constant 0 : index
          %get3A_170 = tpu.vector_load %arg8[%get3A_167, %get3A_168, %get3A_169] {strides = array<i32>} : memref<2x160x64xf32, #tpu.memory_space<vmem>>, vector<16xf32>,
          %add3A_171 = arith.constant 1 : i32
          %add3A_172 = arith.addi %mul3A_144, %add3A_171 : i32
          %get3A_173 = arith.constant 1 : i32
          %get3A_174 = arith.index_cast %get3A_173 : i32 to index
          %get3A_175 = arith.index_cast %add3A_172 : i32 to index
          %get3A_176 = arith.constant 0 : index
          %get3A_177 = tpu.vector_load %arg8[%get3A_174, %get3A_175, %get3A_176] {strides = array<i32>} : memref<2x160x64xf32, #tpu.memory_space<vmem>>, vector<16xf32>,
          %add3A_178 = arith.constant 2 : i32
          %add3A_179 = arith.addi %mul3A_144, %add3A_178 : i32
          %get3A_180 = arith.constant 1 : i32
          %get3A_181 = arith.index_cast %get3A_180 : i32 to index
          %get3A_182 = arith.index_cast %add3A_179 : i32 to index
          %get3A_183 = arith.constant 0 : index
          %get3A_184 = tpu.vector_load %arg8[%get3A_181, %get3A_182, %get3A_183] {strides = array<i32>} : memref<2x160x64xf32, #tpu.memory_space<vmem>>, vector<16xf32>,
          %add3A_185 = arith.constant 3 : i32
          %add3A_186 = arith.addi %mul3A_144, %add3A_185 : i32
          %get3A_187 = arith.constant 1 : i32
          %get3A_188 = arith.index_cast %get3A_187 : i32 to index
          %get3A_189 = arith.index_cast %add3A_186 : i32 to index
          %get3A_190 = arith.constant 0 : index
          %get3A_191 = tpu.vector_load %arg8[%get3A_188, %get3A_189, %get3A_190] {strides = array<i32>} : memref<2x160x64xf32, #tpu.memory_space<vmem>>, vector<16xf32>,
          %add3A_192 = arith.constant 4 : i32
          %add3A_193 = arith.addi %mul3A_144, %add3A_192 : i32
          %get3A_194 = arith.constant 1 : i32
          %get3A_195 = arith.index_cast %get3A_194 : i32 to index
          %get3A_196 = arith.index_cast %add3A_193 : i32 to index
          %get3A_197 = arith.constant 0 : index
          %get3A_198 = tpu.vector_load %arg8[%get3A_195, %get3A_196, %get3A_197] {strides = array<i32>} : memref<2x160x64xf32, #tpu.memory_space<vmem>>, vector<16xf32>,
          %add3A_199 = arith.constant 5 : i32
          %add3A_200 = arith.addi %mul3A_144, %add3A_199 : i32
          %get3A_201 = arith.constant 1 : i32
          %get3A_202 = arith.index_cast %get3A_201 : i32 to index
          %get3A_203 = arith.index_cast %add3A_200 : i32 to index
          %get3A_204 = arith.constant 0 : index
          %get3A_205 = tpu.vector_load %arg8[%get3A_202, %get3A_203, %get3A_204] {strides = array<i32>} : memref<2x160x64xf32, #tpu.memory_space<vmem>>, vector<16xf32>,
          %add3A_206 = arith.constant 6 : i32
          %add3A_207 = arith.addi %mul3A_144, %add3A_206 : i32
          %get3A_208 = arith.constant 1 : i32
          %get3A_209 = arith.index_cast %get3A_208 : i32 to index
          %get3A_210 = arith.index_cast %add3A_207 : i32 to index
          %get3A_211 = arith.constant 0 : index
          %get3A_212 = tpu.vector_load %arg8[%get3A_209, %get3A_210, %get3A_211] {strides = array<i32>} : memref<2x160x64xf32, #tpu.memory_space<vmem>>, vector<16xf32>,
          %add3A_213 = arith.constant 7 : i32
          %add3A_214 = arith.addi %mul3A_144, %add3A_213 : i32
          %get3A_215 = arith.constant 1 : i32
          %get3A_216 = arith.index_cast %get3A_215 : i32 to index
          %get3A_217 = arith.index_cast %add3A_214 : i32 to index
          %get3A_218 = arith.constant 0 : index
          %get3A_219 = tpu.vector_load %arg8[%get3A_216, %get3A_217, %get3A_218] {strides = array<i32>} : memref<2x160x64xf32, #tpu.memory_space<vmem>>, vector<16xf32>,
          %add3A_220 = arith.constant 8 : i32
          %add3A_221 = arith.addi %mul3A_144, %add3A_220 : i32
          %get3A_222 = arith.constant 1 : i32
          %get3A_223 = arith.index_cast %get3A_222 : i32 to index
          %get3A_224 = arith.index_cast %add3A_221 : i32 to index
          %get3A_225 = arith.constant 0 : index
          %get3A_226 = tpu.vector_load %arg8[%get3A_223, %get3A_224, %get3A_225] {strides = array<i32>} : memref<2x160x64xf32, #tpu.memory_space<vmem>>, vector<16xf32>,
          %add3A_227 = arith.constant 9 : i32
          %add3A_228 = arith.addi %mul3A_144, %add3A_227 : i32
          %get3A_229 = arith.constant 1 : i32
          %get3A_230 = arith.index_cast %get3A_229 : i32 to index
          %get3A_231 = arith.index_cast %add3A_228 : i32 to index
          %get3A_232 = arith.constant 0 : index
          %get3A_233 = tpu.vector_load %arg8[%get3A_230, %get3A_231, %get3A_232] {strides = array<i32>} : memref<2x160x64xf32, #tpu.memory_space<vmem>>, vector<16xf32>,
          %add3A_234 = arith.constant 10 : i32
          %add3A_235 = arith.addi %mul3A_144, %add3A_234 : i32
          %get3A_236 = arith.constant 1 : i32
          %get3A_237 = arith.index_cast %get3A_236 : i32 to index
          %get3A_238 = arith.index_cast %add3A_235 : i32 to index
          %get3A_239 = arith.constant 0 : index
          %get3A_240 = tpu.vector_load %arg8[%get3A_237, %get3A_238, %get3A_239] {strides = array<i32>} : memref<2x160x64xf32, #tpu.memory_space<vmem>>, vector<16xf32>,
          %add3A_241 = arith.constant 11 : i32
          %add3A_242 = arith.addi %mul3A_144, %add3A_241 : i32
          %get3A_243 = arith.constant 1 : i32
          %get3A_244 = arith.index_cast %get3A_243 : i32 to index
          %get3A_245 = arith.index_cast %add3A_242 : i32 to index
          %get3A_246 = arith.constant 0 : index
          %get3A_247 = tpu.vector_load %arg8[%get3A_244, %get3A_245, %get3A_246] {strides = array<i32>} : memref<2x160x64xf32, #tpu.memory_space<vmem>>, vector<16xf32>,
          %add3A_248 = arith.constant 12 : i32
          %add3A_249 = arith.addi %mul3A_144, %add3A_248 : i32
          %get3A_250 = arith.constant 1 : i32
          %get3A_251 = arith.index_cast %get3A_250 : i32 to index
          %get3A_252 = arith.index_cast %add3A_249 : i32 to index
          %get3A_253 = arith.constant 0 : index
          %get3A_254 = tpu.vector_load %arg8[%get3A_251, %get3A_252, %get3A_253] {strides = array<i32>} : memref<2x160x64xf32, #tpu.memory_space<vmem>>, vector<16xf32>,
          %add3A_255 = arith.constant 13 : i32
          %add3A_256 = arith.addi %mul3A_144, %add3A_255 : i32
          %get3A_257 = arith.constant 1 : i32
          %get3A_258 = arith.index_cast %get3A_257 : i32 to index
          %get3A_259 = arith.index_cast %add3A_256 : i32 to index
          %get3A_260 = arith.constant 0 : index
          %get3A_261 = tpu.vector_load %arg8[%get3A_258, %get3A_259, %get3A_260] {strides = array<i32>} : memref<2x160x64xf32, #tpu.memory_space<vmem>>, vector<16xf32>,
          %add3A_262 = arith.constant 14 : i32
          %add3A_263 = arith.addi %mul3A_144, %add3A_262 : i32
          %get3A_264 = arith.constant 1 : i32
          %get3A_265 = arith.index_cast %get3A_264 : i32 to index
          %get3A_266 = arith.index_cast %add3A_263 : i32 to index
          %get3A_267 = arith.constant 0 : index
          %get3A_268 = tpu.vector_load %arg8[%get3A_265, %get3A_266, %get3A_267] {strides = array<i32>} : memref<2x160x64xf32, #tpu.memory_space<vmem>>, vector<16xf32>,
          %add3A_269 = arith.constant 15 : i32
          %add3A_270 = arith.addi %mul3A_144, %add3A_269 : i32
          %get3A_271 = arith.constant 1 : i32
          %get3A_272 = arith.index_cast %get3A_271 : i32 to index
          %get3A_273 = arith.index_cast %add3A_270 : i32 to index
          %get3A_274 = arith.constant 0 : index
          %get3A_275 = tpu.vector_load %arg8[%get3A_272, %get3A_273, %get3A_274] {strides = array<i32>} : memref<2x160x64xf32, #tpu.memory_space<vmem>>, vector<16xf32>,
          %add3A_276 = arith.addf %get3A_170, %get3A_177 : vector<16xf32>
          %add3A_277 = arith.addf %get3A_184, %get3A_191 : vector<16xf32>
          %add3A_278 = arith.addf %get3A_198, %get3A_205 : vector<16xf32>
          %add3A_279 = arith.addf %get3A_212, %get3A_219 : vector<16xf32>
          %add3A_280 = arith.addf %get3A_226, %get3A_233 : vector<16xf32>
          %add3A_281 = arith.addf %get3A_240, %get3A_247 : vector<16xf32>
          %add3A_282 = arith.addf %get3A_254, %get3A_261 : vector<16xf32>
          %add3A_283 = arith.addf %get3A_268, %get3A_275 : vector<16xf32>
          %add3A_284 = arith.addf %add3A_276, %add3A_277 : vector<16xf32>
          %add3A_285 = arith.addf %add3A_278, %add3A_279 : vector<16xf32>
          %add3A_286 = arith.addf %add3A_280, %add3A_281 : vector<16xf32>
          %add3A_287 = arith.addf %add3A_282, %add3A_283 : vector<16xf32>
          %add3A_288 = arith.addf %add3A_284, %add3A_285 : vector<16xf32>
          %add3A_289 = arith.addf %add3A_286, %add3A_287 : vector<16xf32>
          %add3A_290 = arith.addf %add3A_288, %add3A_289 : vector<16xf32>
          tpu.vector_store_idx %arg6[%gather3A_153, %add3A_1], %add3A_290 {add = true} : memref<1024x64xf32, #tpu.memory_space<vmem>>[vector<16xi32>, vector<16xi32>], vector<16xf32>,
          %add3A_291 = arith.constant 0 : i32
          %add3A_292 = arith.addi %mul3A_144, %add3A_291 : i32
          %get3A_293 = arith.constant 1 : i32
          %get3A_294 = arith.index_cast %get3A_293 : i32 to index
          %get3A_295 = arith.index_cast %add3A_292 : i32 to index
          %get3A_296 = arith.constant 16 : index
          %get3A_297 = tpu.vector_load %arg8[%get3A_294, %get3A_295, %get3A_296] {strides = array<i32>} : memref<2x160x64xf32, #tpu.memory_space<vmem>>, vector<16xf32>,
          %add3A_298 = arith.constant 1 : i32
          %add3A_299 = arith.addi %mul3A_144, %add3A_298 : i32
          %get3A_300 = arith.constant 1 : i32
          %get3A_301 = arith.index_cast %get3A_300 : i32 to index
          %get3A_302 = arith.index_cast %add3A_299 : i32 to index
          %get3A_303 = arith.constant 16 : index
          %get3A_304 = tpu.vector_load %arg8[%get3A_301, %get3A_302, %get3A_303] {strides = array<i32>} : memref<2x160x64xf32, #tpu.memory_space<vmem>>, vector<16xf32>,
          %add3A_305 = arith.constant 2 : i32
          %add3A_306 = arith.addi %mul3A_144, %add3A_305 : i32
          %get3A_307 = arith.constant 1 : i32
          %get3A_308 = arith.index_cast %get3A_307 : i32 to index
          %get3A_309 = arith.index_cast %add3A_306 : i32 to index
          %get3A_310 = arith.constant 16 : index
          %get3A_311 = tpu.vector_load %arg8[%get3A_308, %get3A_309, %get3A_310] {strides = array<i32>} : memref<2x160x64xf32, #tpu.memory_space<vmem>>, vector<16xf32>,
          %add3A_312 = arith.constant 3 : i32
          %add3A_313 = arith.addi %mul3A_144, %add3A_312 : i32
          %get3A_314 = arith.constant 1 : i32
          %get3A_315 = arith.index_cast %get3A_314 : i32 to index
          %get3A_316 = arith.index_cast %add3A_313 : i32 to index
          %get3A_317 = arith.constant 16 : index
          %get3A_318 = tpu.vector_load %arg8[%get3A_315, %get3A_316, %get3A_317] {strides = array<i32>} : memref<2x160x64xf32, #tpu.memory_space<vmem>>, vector<16xf32>,
          %add3A_319 = arith.constant 4 : i32
          %add3A_320 = arith.addi %mul3A_144, %add3A_319 : i32
          %get3A_321 = arith.constant 1 : i32
          %get3A_322 = arith.index_cast %get3A_321 : i32 to index
          %get3A_323 = arith.index_cast %add3A_320 : i32 to index
          %get3A_324 = arith.constant 16 : index
          %get3A_325 = tpu.vector_load %arg8[%get3A_322, %get3A_323, %get3A_324] {strides = array<i32>} : memref<2x160x64xf32, #tpu.memory_space<vmem>>, vector<16xf32>,
          %add3A_326 = arith.constant 5 : i32
          %add3A_327 = arith.addi %mul3A_144, %add3A_326 : i32
          %get3A_328 = arith.constant 1 : i32
          %get3A_329 = arith.index_cast %get3A_328 : i32 to index
          %get3A_330 = arith.index_cast %add3A_327 : i32 to index
          %get3A_331 = arith.constant 16 : index
          %get3A_332 = tpu.vector_load %arg8[%get3A_329, %get3A_330, %get3A_331] {strides = array<i32>} : memref<2x160x64xf32, #tpu.memory_space<vmem>>, vector<16xf32>,
          %add3A_333 = arith.constant 6 : i32
          %add3A_334 = arith.addi %mul3A_144, %add3A_333 : i32
          %get3A_335 = arith.constant 1 : i32
          %get3A_336 = arith.index_cast %get3A_335 : i32 to index
          %get3A_337 = arith.index_cast %add3A_334 : i32 to index
          %get3A_338 = arith.constant 16 : index
          %get3A_339 = tpu.vector_load %arg8[%get3A_336, %get3A_337, %get3A_338] {strides = array<i32>} : memref<2x160x64xf32, #tpu.memory_space<vmem>>, vector<16xf32>,
          %add3A_340 = arith.constant 7 : i32
          %add3A_341 = arith.addi %mul3A_144, %add3A_340 : i32
          %get3A_342 = arith.constant 1 : i32
          %get3A_343 = arith.index_cast %get3A_342 : i32 to index
          %get3A_344 = arith.index_cast %add3A_341 : i32 to index
          %get3A_345 = arith.constant 16 : index
          %get3A_346 = tpu.vector_load %arg8[%get3A_343, %get3A_344, %get3A_345] {strides = array<i32>} : memref<2x160x64xf32, #tpu.memory_space<vmem>>, vector<16xf32>,
          %add3A_347 = arith.constant 8 : i32
          %add3A_348 = arith.addi %mul3A_144, %add3A_347 : i32
          %get3A_349 = arith.constant 1 : i32
          %get3A_350 = arith.index_cast %get3A_349 : i32 to index
          %get3A_351 = arith.index_cast %add3A_348 : i32 to index
          %get3A_352 = arith.constant 16 : index
          %get3A_353 = tpu.vector_load %arg8[%get3A_350, %get3A_351, %get3A_352] {strides = array<i32>} : memref<2x160x64xf32, #tpu.memory_space<vmem>>, vector<16xf32>,
          %add3A_354 = arith.constant 9 : i32
          %add3A_355 = arith.addi %mul3A_144, %add3A_354 : i32
          %get3A_356 = arith.constant 1 : i32
          %get3A_357 = arith.index_cast %get3A_356 : i32 to index
          %get3A_358 = arith.index_cast %add3A_355 : i32 to index
          %get3A_359 = arith.constant 16 : index
          %get3A_360 = tpu.vector_load %arg8[%get3A_357, %get3A_358, %get3A_359] {strides = array<i32>} : memref<2x160x64xf32, #tpu.memory_space<vmem>>, vector<16xf32>,
          %add3A_361 = arith.constant 10 : i32
          %add3A_362 = arith.addi %mul3A_144, %add3A_361 : i32
          %get3A_363 = arith.constant 1 : i32
          %get3A_364 = arith.index_cast %get3A_363 : i32 to index
          %get3A_365 = arith.index_cast %add3A_362 : i32 to index
          %get3A_366 = arith.constant 16 : index
          %get3A_367 = tpu.vector_load %arg8[%get3A_364, %get3A_365, %get3A_366] {strides = array<i32>} : memref<2x160x64xf32, #tpu.memory_space<vmem>>, vector<16xf32>,
          %add3A_368 = arith.constant 11 : i32
          %add3A_369 = arith.addi %mul3A_144, %add3A_368 : i32
          %get3A_370 = arith.constant 1 : i32
          %get3A_371 = arith.index_cast %get3A_370 : i32 to index
          %get3A_372 = arith.index_cast %add3A_369 : i32 to index
          %get3A_373 = arith.constant 16 : index
          %get3A_374 = tpu.vector_load %arg8[%get3A_371, %get3A_372, %get3A_373] {strides = array<i32>} : memref<2x160x64xf32, #tpu.memory_space<vmem>>, vector<16xf32>,
          %add3A_375 = arith.constant 12 : i32
          %add3A_376 = arith.addi %mul3A_144, %add3A_375 : i32
          %get3A_377 = arith.constant 1 : i32
          %get3A_378 = arith.index_cast %get3A_377 : i32 to index
          %get3A_379 = arith.index_cast %add3A_376 : i32 to index
          %get3A_380 = arith.constant 16 : index
          %get3A_381 = tpu.vector_load %arg8[%get3A_378, %get3A_379, %get3A_380] {strides = array<i32>} : memref<2x160x64xf32, #tpu.memory_space<vmem>>, vector<16xf32>,
          %add3A_382 = arith.constant 13 : i32
          %add3A_383 = arith.addi %mul3A_144, %add3A_382 : i32
          %get3A_384 = arith.constant 1 : i32
          %get3A_385 = arith.index_cast %get3A_384 : i32 to index
          %get3A_386 = arith.index_cast %add3A_383 : i32 to index
          %get3A_387 = arith.constant 16 : index
          %get3A_388 = tpu.vector_load %arg8[%get3A_385, %get3A_386, %get3A_387] {strides = array<i32>} : memref<2x160x64xf32, #tpu.memory_space<vmem>>, vector<16xf32>,
          %add3A_389 = arith.constant 14 : i32
          %add3A_390 = arith.addi %mul3A_144, %add3A_389 : i32
          %get3A_391 = arith.constant 1 : i32
          %get3A_392 = arith.index_cast %get3A_391 : i32 to index
          %get3A_393 = arith.index_cast %add3A_390 : i32 to index
          %get3A_394 = arith.constant 16 : index
          %get3A_395 = tpu.vector_load %arg8[%get3A_392, %get3A_393, %get3A_394] {strides = array<i32>} : memref<2x160x64xf32, #tpu.memory_space<vmem>>, vector<16xf32>,
          %add3A_396 = arith.constant 15 : i32
          %add3A_397 = arith.addi %mul3A_144, %add3A_396 : i32
          %get3A_398 = arith.constant 1 : i32
          %get3A_399 = arith.index_cast %get3A_398 : i32 to index
          %get3A_400 = arith.index_cast %add3A_397 : i32 to index
          %get3A_401 = arith.constant 16 : index
          %get3A_402 = tpu.vector_load %arg8[%get3A_399, %get3A_400, %get3A_401] {strides = array<i32>} : memref<2x160x64xf32, #tpu.memory_space<vmem>>, vector<16xf32>,
          %add3A_403 = arith.addf %get3A_297, %get3A_304 : vector<16xf32>
          %add3A_404 = arith.addf %get3A_311, %get3A_318 : vector<16xf32>
          %add3A_405 = arith.addf %get3A_325, %get3A_332 : vector<16xf32>
          %add3A_406 = arith.addf %get3A_339, %get3A_346 : vector<16xf32>
          %add3A_407 = arith.addf %get3A_353, %get3A_360 : vector<16xf32>
          %add3A_408 = arith.addf %get3A_367, %get3A_374 : vector<16xf32>
          %add3A_409 = arith.addf %get3A_381, %get3A_388 : vector<16xf32>
          %add3A_410 = arith.addf %get3A_395, %get3A_402 : vector<16xf32>
          %add3A_411 = arith.addf %add3A_403, %add3A_404 : vector<16xf32>
          %add3A_412 = arith.addf %add3A_405, %add3A_406 : vector<16xf32>
          %add3A_413 = arith.addf %add3A_407, %add3A_408 : vector<16xf32>
          %add3A_414 = arith.addf %add3A_409, %add3A_410 : vector<16xf32>
          %add3A_415 = arith.addf %add3A_411, %add3A_412 : vector<16xf32>
          %add3A_416 = arith.addf %add3A_413, %add3A_414 : vector<16xf32>
          %add3A_417 = arith.addf %add3A_415, %add3A_416 : vector<16xf32>
          tpu.vector_store_idx %arg6[%gather3A_153, %add3A_4], %add3A_417 {add = true} : memref<1024x64xf32, #tpu.memory_space<vmem>>[vector<16xi32>, vector<16xi32>], vector<16xf32>,
          %add3A_418 = arith.constant 0 : i32
          %add3A_419 = arith.addi %mul3A_144, %add3A_418 : i32
          %get3A_420 = arith.constant 1 : i32
          %get3A_421 = arith.index_cast %get3A_420 : i32 to index
          %get3A_422 = arith.index_cast %add3A_419 : i32 to index
          %get3A_423 = arith.constant 32 : index
          %get3A_424 = tpu.vector_load %arg8[%get3A_421, %get3A_422, %get3A_423] {strides = array<i32>} : memref<2x160x64xf32, #tpu.memory_space<vmem>>, vector<16xf32>,
          %add3A_425 = arith.constant 1 : i32
          %add3A_426 = arith.addi %mul3A_144, %add3A_425 : i32
          %get3A_427 = arith.constant 1 : i32
          %get3A_428 = arith.index_cast %get3A_427 : i32 to index
          %get3A_429 = arith.index_cast %add3A_426 : i32 to index
          %get3A_430 = arith.constant 32 : index
          %get3A_431 = tpu.vector_load %arg8[%get3A_428, %get3A_429, %get3A_430] {strides = array<i32>} : memref<2x160x64xf32, #tpu.memory_space<vmem>>, vector<16xf32>,
          %add3A_432 = arith.constant 2 : i32
          %add3A_433 = arith.addi %mul3A_144, %add3A_432 : i32
          %get3A_434 = arith.constant 1 : i32
          %get3A_435 = arith.index_cast %get3A_434 : i32 to index
          %get3A_436 = arith.index_cast %add3A_433 : i32 to index
          %get3A_437 = arith.constant 32 : index
          %get3A_438 = tpu.vector_load %arg8[%get3A_435, %get3A_436, %get3A_437] {strides = array<i32>} : memref<2x160x64xf32, #tpu.memory_space<vmem>>, vector<16xf32>,
          %add3A_439 = arith.constant 3 : i32
          %add3A_440 = arith.addi %mul3A_144, %add3A_439 : i32
          %get3A_441 = arith.constant 1 : i32
          %get3A_442 = arith.index_cast %get3A_441 : i32 to index
          %get3A_443 = arith.index_cast %add3A_440 : i32 to index
          %get3A_444 = arith.constant 32 : index
          %get3A_445 = tpu.vector_load %arg8[%get3A_442, %get3A_443, %get3A_444] {strides = array<i32>} : memref<2x160x64xf32, #tpu.memory_space<vmem>>, vector<16xf32>,
          %add3A_446 = arith.constant 4 : i32
          %add3A_447 = arith.addi %mul3A_144, %add3A_446 : i32
          %get3A_448 = arith.constant 1 : i32
          %get3A_449 = arith.index_cast %get3A_448 : i32 to index
          %get3A_450 = arith.index_cast %add3A_447 : i32 to index
          %get3A_451 = arith.constant 32 : index
          %get3A_452 = tpu.vector_load %arg8[%get3A_449, %get3A_450, %get3A_451] {strides = array<i32>} : memref<2x160x64xf32, #tpu.memory_space<vmem>>, vector<16xf32>,
          %add3A_453 = arith.constant 5 : i32
          %add3A_454 = arith.addi %mul3A_144, %add3A_453 : i32
          %get3A_455 = arith.constant 1 : i32
          %get3A_456 = arith.index_cast %get3A_455 : i32 to index
          %get3A_457 = arith.index_cast %add3A_454 : i32 to index
          %get3A_458 = arith.constant 32 : index
          %get3A_459 = tpu.vector_load %arg8[%get3A_456, %get3A_457, %get3A_458] {strides = array<i32>} : memref<2x160x64xf32, #tpu.memory_space<vmem>>, vector<16xf32>,
          %add3A_460 = arith.constant 6 : i32
          %add3A_461 = arith.addi %mul3A_144, %add3A_460 : i32
          %get3A_462 = arith.constant 1 : i32
          %get3A_463 = arith.index_cast %get3A_462 : i32 to index
          %get3A_464 = arith.index_cast %add3A_461 : i32 to index
          %get3A_465 = arith.constant 32 : index
          %get3A_466 = tpu.vector_load %arg8[%get3A_463, %get3A_464, %get3A_465] {strides = array<i32>} : memref<2x160x64xf32, #tpu.memory_space<vmem>>, vector<16xf32>,
          %add3A_467 = arith.constant 7 : i32
          %add3A_468 = arith.addi %mul3A_144, %add3A_467 : i32
          %get3A_469 = arith.constant 1 : i32
          %get3A_470 = arith.index_cast %get3A_469 : i32 to index
          %get3A_471 = arith.index_cast %add3A_468 : i32 to index
          %get3A_472 = arith.constant 32 : index
          %get3A_473 = tpu.vector_load %arg8[%get3A_470, %get3A_471, %get3A_472] {strides = array<i32>} : memref<2x160x64xf32, #tpu.memory_space<vmem>>, vector<16xf32>,
          %add3A_474 = arith.constant 8 : i32
          %add3A_475 = arith.addi %mul3A_144, %add3A_474 : i32
          %get3A_476 = arith.constant 1 : i32
          %get3A_477 = arith.index_cast %get3A_476 : i32 to index
          %get3A_478 = arith.index_cast %add3A_475 : i32 to index
          %get3A_479 = arith.constant 32 : index
          %get3A_480 = tpu.vector_load %arg8[%get3A_477, %get3A_478, %get3A_479] {strides = array<i32>} : memref<2x160x64xf32, #tpu.memory_space<vmem>>, vector<16xf32>,
          %add3A_481 = arith.constant 9 : i32
          %add3A_482 = arith.addi %mul3A_144, %add3A_481 : i32
          %get3A_483 = arith.constant 1 : i32
          %get3A_484 = arith.index_cast %get3A_483 : i32 to index
          %get3A_485 = arith.index_cast %add3A_482 : i32 to index
          %get3A_486 = arith.constant 32 : index
          %get3A_487 = tpu.vector_load %arg8[%get3A_484, %get3A_485, %get3A_486] {strides = array<i32>} : memref<2x160x64xf32, #tpu.memory_space<vmem>>, vector<16xf32>,
          %add3A_488 = arith.constant 10 : i32
          %add3A_489 = arith.addi %mul3A_144, %add3A_488 : i32
          %get3A_490 = arith.constant 1 : i32
          %get3A_491 = arith.index_cast %get3A_490 : i32 to index
          %get3A_492 = arith.index_cast %add3A_489 : i32 to index
          %get3A_493 = arith.constant 32 : index
          %get3A_494 = tpu.vector_load %arg8[%get3A_491, %get3A_492, %get3A_493] {strides = array<i32>} : memref<2x160x64xf32, #tpu.memory_space<vmem>>, vector<16xf32>,
          %add3A_495 = arith.constant 11 : i32
          %add3A_496 = arith.addi %mul3A_144, %add3A_495 : i32
          %get3A_497 = arith.constant 1 : i32
          %get3A_498 = arith.index_cast %get3A_497 : i32 to index
          %get3A_499 = arith.index_cast %add3A_496 : i32 to index
          %get3A_500 = arith.constant 32 : index
          %get3A_501 = tpu.vector_load %arg8[%get3A_498, %get3A_499, %get3A_500] {strides = array<i32>} : memref<2x160x64xf32, #tpu.memory_space<vmem>>, vector<16xf32>,
          %add3A_502 = arith.constant 12 : i32
          %add3A_503 = arith.addi %mul3A_144, %add3A_502 : i32
          %get3A_504 = arith.constant 1 : i32
          %get3A_505 = arith.index_cast %get3A_504 : i32 to index
          %get3A_506 = arith.index_cast %add3A_503 : i32 to index
          %get3A_507 = arith.constant 32 : index
          %get3A_508 = tpu.vector_load %arg8[%get3A_505, %get3A_506, %get3A_507] {strides = array<i32>} : memref<2x160x64xf32, #tpu.memory_space<vmem>>, vector<16xf32>,
          %add3A_509 = arith.constant 13 : i32
          %add3A_510 = arith.addi %mul3A_144, %add3A_509 : i32
          %get3A_511 = arith.constant 1 : i32
          %get3A_512 = arith.index_cast %get3A_511 : i32 to index
          %get3A_513 = arith.index_cast %add3A_510 : i32 to index
          %get3A_514 = arith.constant 32 : index
          %get3A_515 = tpu.vector_load %arg8[%get3A_512, %get3A_513, %get3A_514] {strides = array<i32>} : memref<2x160x64xf32, #tpu.memory_space<vmem>>, vector<16xf32>,
          %add3A_516 = arith.constant 14 : i32
          %add3A_517 = arith.addi %mul3A_144, %add3A_516 : i32
          %get3A_518 = arith.constant 1 : i32
          %get3A_519 = arith.index_cast %get3A_518 : i32 to index
          %get3A_520 = arith.index_cast %add3A_517 : i32 to index
          %get3A_521 = arith.constant 32 : index
          %get3A_522 = tpu.vector_load %arg8[%get3A_519, %get3A_520, %get3A_521] {strides = array<i32>} : memref<2x160x64xf32, #tpu.memory_space<vmem>>, vector<16xf32>,
          %add3A_523 = arith.constant 15 : i32
          %add3A_524 = arith.addi %mul3A_144, %add3A_523 : i32
          %get3A_525 = arith.constant 1 : i32
          %get3A_526 = arith.index_cast %get3A_525 : i32 to index
          %get3A_527 = arith.index_cast %add3A_524 : i32 to index
          %get3A_528 = arith.constant 32 : index
          %get3A_529 = tpu.vector_load %arg8[%get3A_526, %get3A_527, %get3A_528] {strides = array<i32>} : memref<2x160x64xf32, #tpu.memory_space<vmem>>, vector<16xf32>,
          %add3A_530 = arith.addf %get3A_424, %get3A_431 : vector<16xf32>
          %add3A_531 = arith.addf %get3A_438, %get3A_445 : vector<16xf32>
          %add3A_532 = arith.addf %get3A_452, %get3A_459 : vector<16xf32>
          %add3A_533 = arith.addf %get3A_466, %get3A_473 : vector<16xf32>
          %add3A_534 = arith.addf %get3A_480, %get3A_487 : vector<16xf32>
          %add3A_535 = arith.addf %get3A_494, %get3A_501 : vector<16xf32>
          %add3A_536 = arith.addf %get3A_508, %get3A_515 : vector<16xf32>
          %add3A_537 = arith.addf %get3A_522, %get3A_529 : vector<16xf32>
          %add3A_538 = arith.addf %add3A_530, %add3A_531 : vector<16xf32>
          %add3A_539 = arith.addf %add3A_532, %add3A_533 : vector<16xf32>
          %add3A_540 = arith.addf %add3A_534, %add3A_535 : vector<16xf32>
          %add3A_541 = arith.addf %add3A_536, %add3A_537 : vector<16xf32>
          %add3A_542 = arith.addf %add3A_538, %add3A_539 : vector<16xf32>
          %add3A_543 = arith.addf %add3A_540, %add3A_541 : vector<16xf32>
          %add3A_544 = arith.addf %add3A_542, %add3A_543 : vector<16xf32>
          tpu.vector_store_idx %arg6[%gather3A_153, %add3A_7], %add3A_544 {add = true} : memref<1024x64xf32, #tpu.memory_space<vmem>>[vector<16xi32>, vector<16xi32>], vector<16xf32>,
          %add3A_545 = arith.constant 0 : i32
          %add3A_546 = arith.addi %mul3A_144, %add3A_545 : i32
          %get3A_547 = arith.constant 1 : i32
          %get3A_548 = arith.index_cast %get3A_547 : i32 to index
          %get3A_549 = arith.index_cast %add3A_546 : i32 to index
          %get3A_550 = arith.constant 48 : index
          %get3A_551 = tpu.vector_load %arg8[%get3A_548, %get3A_549, %get3A_550] {strides = array<i32>} : memref<2x160x64xf32, #tpu.memory_space<vmem>>, vector<16xf32>,
          %add3A_552 = arith.constant 1 : i32
          %add3A_553 = arith.addi %mul3A_144, %add3A_552 : i32
          %get3A_554 = arith.constant 1 : i32
          %get3A_555 = arith.index_cast %get3A_554 : i32 to index
          %get3A_556 = arith.index_cast %add3A_553 : i32 to index
          %get3A_557 = arith.constant 48 : index
          %get3A_558 = tpu.vector_load %arg8[%get3A_555, %get3A_556, %get3A_557] {strides = array<i32>} : memref<2x160x64xf32, #tpu.memory_space<vmem>>, vector<16xf32>,
          %add3A_559 = arith.constant 2 : i32
          %add3A_560 = arith.addi %mul3A_144, %add3A_559 : i32
          %get3A_561 = arith.constant 1 : i32
          %get3A_562 = arith.index_cast %get3A_561 : i32 to index
          %get3A_563 = arith.index_cast %add3A_560 : i32 to index
          %get3A_564 = arith.constant 48 : index
          %get3A_565 = tpu.vector_load %arg8[%get3A_562, %get3A_563, %get3A_564] {strides = array<i32>} : memref<2x160x64xf32, #tpu.memory_space<vmem>>, vector<16xf32>,
          %add3A_566 = arith.constant 3 : i32
          %add3A_567 = arith.addi %mul3A_144, %add3A_566 : i32
          %get3A_568 = arith.constant 1 : i32
          %get3A_569 = arith.index_cast %get3A_568 : i32 to index
          %get3A_570 = arith.index_cast %add3A_567 : i32 to index
          %get3A_571 = arith.constant 48 : index
          %get3A_572 = tpu.vector_load %arg8[%get3A_569, %get3A_570, %get3A_571] {strides = array<i32>} : memref<2x160x64xf32, #tpu.memory_space<vmem>>, vector<16xf32>,
          %add3A_573 = arith.constant 4 : i32
          %add3A_574 = arith.addi %mul3A_144, %add3A_573 : i32
          %get3A_575 = arith.constant 1 : i32
          %get3A_576 = arith.index_cast %get3A_575 : i32 to index
          %get3A_577 = arith.index_cast %add3A_574 : i32 to index
          %get3A_578 = arith.constant 48 : index
          %get3A_579 = tpu.vector_load %arg8[%get3A_576, %get3A_577, %get3A_578] {strides = array<i32>} : memref<2x160x64xf32, #tpu.memory_space<vmem>>, vector<16xf32>,
          %add3A_580 = arith.constant 5 : i32
          %add3A_581 = arith.addi %mul3A_144, %add3A_580 : i32
          %get3A_582 = arith.constant 1 : i32
          %get3A_583 = arith.index_cast %get3A_582 : i32 to index
          %get3A_584 = arith.index_cast %add3A_581 : i32 to index
          %get3A_585 = arith.constant 48 : index
          %get3A_586 = tpu.vector_load %arg8[%get3A_583, %get3A_584, %get3A_585] {strides = array<i32>} : memref<2x160x64xf32, #tpu.memory_space<vmem>>, vector<16xf32>,
          %add3A_587 = arith.constant 6 : i32
          %add3A_588 = arith.addi %mul3A_144, %add3A_587 : i32
          %get3A_589 = arith.constant 1 : i32
          %get3A_590 = arith.index_cast %get3A_589 : i32 to index
          %get3A_591 = arith.index_cast %add3A_588 : i32 to index
          %get3A_592 = arith.constant 48 : index
          %get3A_593 = tpu.vector_load %arg8[%get3A_590, %get3A_591, %get3A_592] {strides = array<i32>} : memref<2x160x64xf32, #tpu.memory_space<vmem>>, vector<16xf32>,
          %add3A_594 = arith.constant 7 : i32
          %add3A_595 = arith.addi %mul3A_144, %add3A_594 : i32
          %get3A_596 = arith.constant 1 : i32
          %get3A_597 = arith.index_cast %get3A_596 : i32 to index
          %get3A_598 = arith.index_cast %add3A_595 : i32 to index
          %get3A_599 = arith.constant 48 : index
          %get3A_600 = tpu.vector_load %arg8[%get3A_597, %get3A_598, %get3A_599] {strides = array<i32>} : memref<2x160x64xf32, #tpu.memory_space<vmem>>, vector<16xf32>,
          %add3A_601 = arith.constant 8 : i32
          %add3A_602 = arith.addi %mul3A_144, %add3A_601 : i32
          %get3A_603 = arith.constant 1 : i32
          %get3A_604 = arith.index_cast %get3A_603 : i32 to index
          %get3A_605 = arith.index_cast %add3A_602 : i32 to index
          %get3A_606 = arith.constant 48 : index
          %get3A_607 = tpu.vector_load %arg8[%get3A_604, %get3A_605, %get3A_606] {strides = array<i32>} : memref<2x160x64xf32, #tpu.memory_space<vmem>>, vector<16xf32>,
          %add3A_608 = arith.constant 9 : i32
          %add3A_609 = arith.addi %mul3A_144, %add3A_608 : i32
          %get3A_610 = arith.constant 1 : i32
          %get3A_611 = arith.index_cast %get3A_610 : i32 to index
          %get3A_612 = arith.index_cast %add3A_609 : i32 to index
          %get3A_613 = arith.constant 48 : index
          %get3A_614 = tpu.vector_load %arg8[%get3A_611, %get3A_612, %get3A_613] {strides = array<i32>} : memref<2x160x64xf32, #tpu.memory_space<vmem>>, vector<16xf32>,
          %add3A_615 = arith.constant 10 : i32
          %add3A_616 = arith.addi %mul3A_144, %add3A_615 : i32
          %get3A_617 = arith.constant 1 : i32
          %get3A_618 = arith.index_cast %get3A_617 : i32 to index
          %get3A_619 = arith.index_cast %add3A_616 : i32 to index
          %get3A_620 = arith.constant 48 : index
          %get3A_621 = tpu.vector_load %arg8[%get3A_618, %get3A_619, %get3A_620] {strides = array<i32>} : memref<2x160x64xf32, #tpu.memory_space<vmem>>, vector<16xf32>,
          %add3A_622 = arith.constant 11 : i32
          %add3A_623 = arith.addi %mul3A_144, %add3A_622 : i32
          %get3A_624 = arith.constant 1 : i32
          %get3A_625 = arith.index_cast %get3A_624 : i32 to index
          %get3A_626 = arith.index_cast %add3A_623 : i32 to index
          %get3A_627 = arith.constant 48 : index
          %get3A_628 = tpu.vector_load %arg8[%get3A_625, %get3A_626, %get3A_627] {strides = array<i32>} : memref<2x160x64xf32, #tpu.memory_space<vmem>>, vector<16xf32>,
          %add3A_629 = arith.constant 12 : i32
          %add3A_630 = arith.addi %mul3A_144, %add3A_629 : i32
          %get3A_631 = arith.constant 1 : i32
          %get3A_632 = arith.index_cast %get3A_631 : i32 to index
          %get3A_633 = arith.index_cast %add3A_630 : i32 to index
          %get3A_634 = arith.constant 48 : index
          %get3A_635 = tpu.vector_load %arg8[%get3A_632, %get3A_633, %get3A_634] {strides = array<i32>} : memref<2x160x64xf32, #tpu.memory_space<vmem>>, vector<16xf32>,
          %add3A_636 = arith.constant 13 : i32
          %add3A_637 = arith.addi %mul3A_144, %add3A_636 : i32
          %get3A_638 = arith.constant 1 : i32
          %get3A_639 = arith.index_cast %get3A_638 : i32 to index
          %get3A_640 = arith.index_cast %add3A_637 : i32 to index
          %get3A_641 = arith.constant 48 : index
          %get3A_642 = tpu.vector_load %arg8[%get3A_639, %get3A_640, %get3A_641] {strides = array<i32>} : memref<2x160x64xf32, #tpu.memory_space<vmem>>, vector<16xf32>,
          %add3A_643 = arith.constant 14 : i32
          %add3A_644 = arith.addi %mul3A_144, %add3A_643 : i32
          %get3A_645 = arith.constant 1 : i32
          %get3A_646 = arith.index_cast %get3A_645 : i32 to index
          %get3A_647 = arith.index_cast %add3A_644 : i32 to index
          %get3A_648 = arith.constant 48 : index
          %get3A_649 = tpu.vector_load %arg8[%get3A_646, %get3A_647, %get3A_648] {strides = array<i32>} : memref<2x160x64xf32, #tpu.memory_space<vmem>>, vector<16xf32>,
          %add3A_650 = arith.constant 15 : i32
          %add3A_651 = arith.addi %mul3A_144, %add3A_650 : i32
          %get3A_652 = arith.constant 1 : i32
          %get3A_653 = arith.index_cast %get3A_652 : i32 to index
          %get3A_654 = arith.index_cast %add3A_651 : i32 to index
          %get3A_655 = arith.constant 48 : index
          %get3A_656 = tpu.vector_load %arg8[%get3A_653, %get3A_654, %get3A_655] {strides = array<i32>} : memref<2x160x64xf32, #tpu.memory_space<vmem>>, vector<16xf32>,
          %add3A_657 = arith.addf %get3A_551, %get3A_558 : vector<16xf32>
          %add3A_658 = arith.addf %get3A_565, %get3A_572 : vector<16xf32>
          %add3A_659 = arith.addf %get3A_579, %get3A_586 : vector<16xf32>
          %add3A_660 = arith.addf %get3A_593, %get3A_600 : vector<16xf32>
          %add3A_661 = arith.addf %get3A_607, %get3A_614 : vector<16xf32>
          %add3A_662 = arith.addf %get3A_621, %get3A_628 : vector<16xf32>
          %add3A_663 = arith.addf %get3A_635, %get3A_642 : vector<16xf32>
          %add3A_664 = arith.addf %get3A_649, %get3A_656 : vector<16xf32>
          %add3A_665 = arith.addf %add3A_657, %add3A_658 : vector<16xf32>
          %add3A_666 = arith.addf %add3A_659, %add3A_660 : vector<16xf32>
          %add3A_667 = arith.addf %add3A_661, %add3A_662 : vector<16xf32>
          %add3A_668 = arith.addf %add3A_663, %add3A_664 : vector<16xf32>
          %add3A_669 = arith.addf %add3A_665, %add3A_666 : vector<16xf32>
          %add3A_670 = arith.addf %add3A_667, %add3A_668 : vector<16xf32>
          %add3A_671 = arith.addf %add3A_669, %add3A_670 : vector<16xf32>
          tpu.vector_store_idx %arg6[%gather3A_153, %add3A_10], %add3A_671 {add = true} : memref<1024x64xf32, #tpu.memory_space<vmem>>[vector<16xi32>, vector<16xi32>], vector<16xf32>,
        } else {
        }
        %not3A = arith.constant true
        %not3A_160 = arith.xori %eq3A_156, %not3A : i1
        %convert_element_type3A_161 = arith.extui %not3A_160 : i1 to i32
        %cond3A_162 = arith.constant 0 : i32
        %cond3A_163 = arith.cmpi ne, %convert_element_type3A_161, %cond3A_162 : i32
        scf.if %cond3A_163 {
          %broadcast_in_dim3A_164 = arith.constant 0 : i32
          %broadcast_in_dim3A_165 = vector.broadcast %broadcast_in_dim3A_164 : i32 to vector<16x1xi32>
          %gather3A_166 = vector.shape_cast %broadcast_in_dim3A_165 : vector<16x1xi32> to vector<16xi32>
          %gather3A_167 = tpu.dynamic_gather %min3A_150[%gather3A_166] in [0] : vector<16xi32>, vector<16xi32> -> vector<16xi32>
          %add3A_168 = arith.constant 0 : i32
          %add3A_169 = arith.addi %mul3A_144, %add3A_168 : i32
          %get3A_170 = arith.constant 1 : i32
          %get3A_171 = arith.index_cast %get3A_170 : i32 to index
          %get3A_172 = arith.index_cast %add3A_169 : i32 to index
          %get3A_173 = arith.constant 0 : index
          %get3A_174 = tpu.vector_load %arg8[%get3A_171, %get3A_172, %get3A_173] {strides = array<i32>} : memref<2x160x64xf32, #tpu.memory_space<vmem>>, vector<16xf32>,
          tpu.vector_store_idx %arg6[%gather3A_167, %add3A_1], %get3A_174 {add = true} : memref<1024x64xf32, #tpu.memory_space<vmem>>[vector<16xi32>, vector<16xi32>], vector<16xf32>,
          %add3A_175 = arith.constant 0 : i32
          %add3A_176 = arith.addi %mul3A_144, %add3A_175 : i32
          %get3A_177 = arith.constant 1 : i32
          %get3A_178 = arith.index_cast %get3A_177 : i32 to index
          %get3A_179 = arith.index_cast %add3A_176 : i32 to index
          %get3A_180 = arith.constant 16 : index
          %get3A_181 = tpu.vector_load %arg8[%get3A_178, %get3A_179, %get3A_180] {strides = array<i32>} : memref<2x160x64xf32, #tpu.memory_space<vmem>>, vector<16xf32>,
          tpu.vector_store_idx %arg6[%gather3A_167, %add3A_4], %get3A_181 {add = true} : memref<1024x64xf32, #tpu.memory_space<vmem>>[vector<16xi32>, vector<16xi32>], vector<16xf32>,
          %add3A_182 = arith.constant 0 : i32
          %add3A_183 = arith.addi %mul3A_144, %add3A_182 : i32
          %get3A_184 = arith.constant 1 : i32
          %get3A_185 = arith.index_cast %get3A_184 : i32 to index
          %get3A_186 = arith.index_cast %add3A_183 : i32 to index
          %get3A_187 = arith.constant 32 : index
          %get3A_188 = tpu.vector_load %arg8[%get3A_185, %get3A_186, %get3A_187] {strides = array<i32>} : memref<2x160x64xf32, #tpu.memory_space<vmem>>, vector<16xf32>,
          tpu.vector_store_idx %arg6[%gather3A_167, %add3A_7], %get3A_188 {add = true} : memref<1024x64xf32, #tpu.memory_space<vmem>>[vector<16xi32>, vector<16xi32>], vector<16xf32>,
          %add3A_189 = arith.constant 0 : i32
          %add3A_190 = arith.addi %mul3A_144, %add3A_189 : i32
          %get3A_191 = arith.constant 1 : i32
          %get3A_192 = arith.index_cast %get3A_191 : i32 to index
          %get3A_193 = arith.index_cast %add3A_190 : i32 to index
          %get3A_194 = arith.constant 48 : index
          %get3A_195 = tpu.vector_load %arg8[%get3A_192, %get3A_193, %get3A_194] {strides = array<i32>} : memref<2x160x64xf32, #tpu.memory_space<vmem>>, vector<16xf32>,
          tpu.vector_store_idx %arg6[%gather3A_167, %add3A_10], %get3A_195 {add = true} : memref<1024x64xf32, #tpu.memory_space<vmem>>[vector<16xi32>, vector<16xi32>], vector<16xf32>,
          %broadcast_in_dim3A_196 = arith.constant 1 : i32
          %broadcast_in_dim3A_197 = vector.broadcast %broadcast_in_dim3A_196 : i32 to vector<16x1xi32>
          %gather3A_198 = vector.shape_cast %broadcast_in_dim3A_197 : vector<16x1xi32> to vector<16xi32>
          %gather3A_199 = tpu.dynamic_gather %min3A_150[%gather3A_198] in [0] : vector<16xi32>, vector<16xi32> -> vector<16xi32>
          %add3A_200 = arith.constant 1 : i32
          %add3A_201 = arith.addi %mul3A_144, %add3A_200 : i32
          %get3A_202 = arith.constant 1 : i32
          %get3A_203 = arith.index_cast %get3A_202 : i32 to index
          %get3A_204 = arith.index_cast %add3A_201 : i32 to index
          %get3A_205 = arith.constant 0 : index
          %get3A_206 = tpu.vector_load %arg8[%get3A_203, %get3A_204, %get3A_205] {strides = array<i32>} : memref<2x160x64xf32, #tpu.memory_space<vmem>>, vector<16xf32>,
          tpu.vector_store_idx %arg6[%gather3A_199, %add3A_1], %get3A_206 {add = true} : memref<1024x64xf32, #tpu.memory_space<vmem>>[vector<16xi32>, vector<16xi32>], vector<16xf32>,
          %add3A_207 = arith.constant 1 : i32
          %add3A_208 = arith.addi %mul3A_144, %add3A_207 : i32
          %get3A_209 = arith.constant 1 : i32
          %get3A_210 = arith.index_cast %get3A_209 : i32 to index
          %get3A_211 = arith.index_cast %add3A_208 : i32 to index
          %get3A_212 = arith.constant 16 : index
          %get3A_213 = tpu.vector_load %arg8[%get3A_210, %get3A_211, %get3A_212] {strides = array<i32>} : memref<2x160x64xf32, #tpu.memory_space<vmem>>, vector<16xf32>,
          tpu.vector_store_idx %arg6[%gather3A_199, %add3A_4], %get3A_213 {add = true} : memref<1024x64xf32, #tpu.memory_space<vmem>>[vector<16xi32>, vector<16xi32>], vector<16xf32>,
          %add3A_214 = arith.constant 1 : i32
          %add3A_215 = arith.addi %mul3A_144, %add3A_214 : i32
          %get3A_216 = arith.constant 1 : i32
          %get3A_217 = arith.index_cast %get3A_216 : i32 to index
          %get3A_218 = arith.index_cast %add3A_215 : i32 to index
          %get3A_219 = arith.constant 32 : index
          %get3A_220 = tpu.vector_load %arg8[%get3A_217, %get3A_218, %get3A_219] {strides = array<i32>} : memref<2x160x64xf32, #tpu.memory_space<vmem>>, vector<16xf32>,
          tpu.vector_store_idx %arg6[%gather3A_199, %add3A_7], %get3A_220 {add = true} : memref<1024x64xf32, #tpu.memory_space<vmem>>[vector<16xi32>, vector<16xi32>], vector<16xf32>,
          %add3A_221 = arith.constant 1 : i32
          %add3A_222 = arith.addi %mul3A_144, %add3A_221 : i32
          %get3A_223 = arith.constant 1 : i32
          %get3A_224 = arith.index_cast %get3A_223 : i32 to index
          %get3A_225 = arith.index_cast %add3A_222 : i32 to index
          %get3A_226 = arith.constant 48 : index
          %get3A_227 = tpu.vector_load %arg8[%get3A_224, %get3A_225, %get3A_226] {strides = array<i32>} : memref<2x160x64xf32, #tpu.memory_space<vmem>>, vector<16xf32>,
          tpu.vector_store_idx %arg6[%gather3A_199, %add3A_10], %get3A_227 {add = true} : memref<1024x64xf32, #tpu.memory_space<vmem>>[vector<16xi32>, vector<16xi32>], vector<16xf32>,
          %broadcast_in_dim3A_228 = arith.constant 2 : i32
          %broadcast_in_dim3A_229 = vector.broadcast %broadcast_in_dim3A_228 : i32 to vector<16x1xi32>
          %gather3A_230 = vector.shape_cast %broadcast_in_dim3A_229 : vector<16x1xi32> to vector<16xi32>
          %gather3A_231 = tpu.dynamic_gather %min3A_150[%gather3A_230] in [0] : vector<16xi32>, vector<16xi32> -> vector<16xi32>
          %add3A_232 = arith.constant 2 : i32
          %add3A_233 = arith.addi %mul3A_144, %add3A_232 : i32
          %get3A_234 = arith.constant 1 : i32
          %get3A_235 = arith.index_cast %get3A_234 : i32 to index
          %get3A_236 = arith.index_cast %add3A_233 : i32 to index
          %get3A_237 = arith.constant 0 : index
          %get3A_238 = tpu.vector_load %arg8[%get3A_235, %get3A_236, %get3A_237] {strides = array<i32>} : memref<2x160x64xf32, #tpu.memory_space<vmem>>, vector<16xf32>,
          tpu.vector_store_idx %arg6[%gather3A_231, %add3A_1], %get3A_238 {add = true} : memref<1024x64xf32, #tpu.memory_space<vmem>>[vector<16xi32>, vector<16xi32>], vector<16xf32>,
          %add3A_239 = arith.constant 2 : i32
          %add3A_240 = arith.addi %mul3A_144, %add3A_239 : i32
          %get3A_241 = arith.constant 1 : i32
          %get3A_242 = arith.index_cast %get3A_241 : i32 to index
          %get3A_243 = arith.index_cast %add3A_240 : i32 to index
          %get3A_244 = arith.constant 16 : index
          %get3A_245 = tpu.vector_load %arg8[%get3A_242, %get3A_243, %get3A_244] {strides = array<i32>} : memref<2x160x64xf32, #tpu.memory_space<vmem>>, vector<16xf32>,
          tpu.vector_store_idx %arg6[%gather3A_231, %add3A_4], %get3A_245 {add = true} : memref<1024x64xf32, #tpu.memory_space<vmem>>[vector<16xi32>, vector<16xi32>], vector<16xf32>,
          %add3A_246 = arith.constant 2 : i32
          %add3A_247 = arith.addi %mul3A_144, %add3A_246 : i32
          %get3A_248 = arith.constant 1 : i32
          %get3A_249 = arith.index_cast %get3A_248 : i32 to index
          %get3A_250 = arith.index_cast %add3A_247 : i32 to index
          %get3A_251 = arith.constant 32 : index
          %get3A_252 = tpu.vector_load %arg8[%get3A_249, %get3A_250, %get3A_251] {strides = array<i32>} : memref<2x160x64xf32, #tpu.memory_space<vmem>>, vector<16xf32>,
          tpu.vector_store_idx %arg6[%gather3A_231, %add3A_7], %get3A_252 {add = true} : memref<1024x64xf32, #tpu.memory_space<vmem>>[vector<16xi32>, vector<16xi32>], vector<16xf32>,
          %add3A_253 = arith.constant 2 : i32
          %add3A_254 = arith.addi %mul3A_144, %add3A_253 : i32
          %get3A_255 = arith.constant 1 : i32
          %get3A_256 = arith.index_cast %get3A_255 : i32 to index
          %get3A_257 = arith.index_cast %add3A_254 : i32 to index
          %get3A_258 = arith.constant 48 : index
          %get3A_259 = tpu.vector_load %arg8[%get3A_256, %get3A_257, %get3A_258] {strides = array<i32>} : memref<2x160x64xf32, #tpu.memory_space<vmem>>, vector<16xf32>,
          tpu.vector_store_idx %arg6[%gather3A_231, %add3A_10], %get3A_259 {add = true} : memref<1024x64xf32, #tpu.memory_space<vmem>>[vector<16xi32>, vector<16xi32>], vector<16xf32>,
          %broadcast_in_dim3A_260 = arith.constant 3 : i32
          %broadcast_in_dim3A_261 = vector.broadcast %broadcast_in_dim3A_260 : i32 to vector<16x1xi32>
          %gather3A_262 = vector.shape_cast %broadcast_in_dim3A_261 : vector<16x1xi32> to vector<16xi32>
          %gather3A_263 = tpu.dynamic_gather %min3A_150[%gather3A_262] in [0] : vector<16xi32>, vector<16xi32> -> vector<16xi32>
          %add3A_264 = arith.constant 3 : i32
          %add3A_265 = arith.addi %mul3A_144, %add3A_264 : i32
          %get3A_266 = arith.constant 1 : i32
          %get3A_267 = arith.index_cast %get3A_266 : i32 to index
          %get3A_268 = arith.index_cast %add3A_265 : i32 to index
          %get3A_269 = arith.constant 0 : index
          %get3A_270 = tpu.vector_load %arg8[%get3A_267, %get3A_268, %get3A_269] {strides = array<i32>} : memref<2x160x64xf32, #tpu.memory_space<vmem>>, vector<16xf32>,
          tpu.vector_store_idx %arg6[%gather3A_263, %add3A_1], %get3A_270 {add = true} : memref<1024x64xf32, #tpu.memory_space<vmem>>[vector<16xi32>, vector<16xi32>], vector<16xf32>,
          %add3A_271 = arith.constant 3 : i32
          %add3A_272 = arith.addi %mul3A_144, %add3A_271 : i32
          %get3A_273 = arith.constant 1 : i32
          %get3A_274 = arith.index_cast %get3A_273 : i32 to index
          %get3A_275 = arith.index_cast %add3A_272 : i32 to index
          %get3A_276 = arith.constant 16 : index
          %get3A_277 = tpu.vector_load %arg8[%get3A_274, %get3A_275, %get3A_276] {strides = array<i32>} : memref<2x160x64xf32, #tpu.memory_space<vmem>>, vector<16xf32>,
          tpu.vector_store_idx %arg6[%gather3A_263, %add3A_4], %get3A_277 {add = true} : memref<1024x64xf32, #tpu.memory_space<vmem>>[vector<16xi32>, vector<16xi32>], vector<16xf32>,
          %add3A_278 = arith.constant 3 : i32
          %add3A_279 = arith.addi %mul3A_144, %add3A_278 : i32
          %get3A_280 = arith.constant 1 : i32
          %get3A_281 = arith.index_cast %get3A_280 : i32 to index
          %get3A_282 = arith.index_cast %add3A_279 : i32 to index
          %get3A_283 = arith.constant 32 : index
          %get3A_284 = tpu.vector_load %arg8[%get3A_281, %get3A_282, %get3A_283] {strides = array<i32>} : memref<2x160x64xf32, #tpu.memory_space<vmem>>, vector<16xf32>,
          tpu.vector_store_idx %arg6[%gather3A_263, %add3A_7], %get3A_284 {add = true} : memref<1024x64xf32, #tpu.memory_space<vmem>>[vector<16xi32>, vector<16xi32>], vector<16xf32>,
          %add3A_285 = arith.constant 3 : i32
          %add3A_286 = arith.addi %mul3A_144, %add3A_285 : i32
          %get3A_287 = arith.constant 1 : i32
          %get3A_288 = arith.index_cast %get3A_287 : i32 to index
          %get3A_289 = arith.index_cast %add3A_286 : i32 to index
          %get3A_290 = arith.constant 48 : index
          %get3A_291 = tpu.vector_load %arg8[%get3A_288, %get3A_289, %get3A_290] {strides = array<i32>} : memref<2x160x64xf32, #tpu.memory_space<vmem>>, vector<16xf32>,
          tpu.vector_store_idx %arg6[%gather3A_263, %add3A_10], %get3A_291 {add = true} : memref<1024x64xf32, #tpu.memory_space<vmem>>[vector<16xi32>, vector<16xi32>], vector<16xf32>,
          %broadcast_in_dim3A_292 = arith.constant 4 : i32
          %broadcast_in_dim3A_293 = vector.broadcast %broadcast_in_dim3A_292 : i32 to vector<16x1xi32>
          %gather3A_294 = vector.shape_cast %broadcast_in_dim3A_293 : vector<16x1xi32> to vector<16xi32>
          %gather3A_295 = tpu.dynamic_gather %min3A_150[%gather3A_294] in [0] : vector<16xi32>, vector<16xi32> -> vector<16xi32>
          %add3A_296 = arith.constant 4 : i32
          %add3A_297 = arith.addi %mul3A_144, %add3A_296 : i32
          %get3A_298 = arith.constant 1 : i32
          %get3A_299 = arith.index_cast %get3A_298 : i32 to index
          %get3A_300 = arith.index_cast %add3A_297 : i32 to index
          %get3A_301 = arith.constant 0 : index
          %get3A_302 = tpu.vector_load %arg8[%get3A_299, %get3A_300, %get3A_301] {strides = array<i32>} : memref<2x160x64xf32, #tpu.memory_space<vmem>>, vector<16xf32>,
          tpu.vector_store_idx %arg6[%gather3A_295, %add3A_1], %get3A_302 {add = true} : memref<1024x64xf32, #tpu.memory_space<vmem>>[vector<16xi32>, vector<16xi32>], vector<16xf32>,
          %add3A_303 = arith.constant 4 : i32
          %add3A_304 = arith.addi %mul3A_144, %add3A_303 : i32
          %get3A_305 = arith.constant 1 : i32
          %get3A_306 = arith.index_cast %get3A_305 : i32 to index
          %get3A_307 = arith.index_cast %add3A_304 : i32 to index
          %get3A_308 = arith.constant 16 : index
          %get3A_309 = tpu.vector_load %arg8[%get3A_306, %get3A_307, %get3A_308] {strides = array<i32>} : memref<2x160x64xf32, #tpu.memory_space<vmem>>, vector<16xf32>,
          tpu.vector_store_idx %arg6[%gather3A_295, %add3A_4], %get3A_309 {add = true} : memref<1024x64xf32, #tpu.memory_space<vmem>>[vector<16xi32>, vector<16xi32>], vector<16xf32>,
          %add3A_310 = arith.constant 4 : i32
          %add3A_311 = arith.addi %mul3A_144, %add3A_310 : i32
          %get3A_312 = arith.constant 1 : i32
          %get3A_313 = arith.index_cast %get3A_312 : i32 to index
          %get3A_314 = arith.index_cast %add3A_311 : i32 to index
          %get3A_315 = arith.constant 32 : index
          %get3A_316 = tpu.vector_load %arg8[%get3A_313, %get3A_314, %get3A_315] {strides = array<i32>} : memref<2x160x64xf32, #tpu.memory_space<vmem>>, vector<16xf32>,
          tpu.vector_store_idx %arg6[%gather3A_295, %add3A_7], %get3A_316 {add = true} : memref<1024x64xf32, #tpu.memory_space<vmem>>[vector<16xi32>, vector<16xi32>], vector<16xf32>,
          %add3A_317 = arith.constant 4 : i32
          %add3A_318 = arith.addi %mul3A_144, %add3A_317 : i32
          %get3A_319 = arith.constant 1 : i32
          %get3A_320 = arith.index_cast %get3A_319 : i32 to index
          %get3A_321 = arith.index_cast %add3A_318 : i32 to index
          %get3A_322 = arith.constant 48 : index
          %get3A_323 = tpu.vector_load %arg8[%get3A_320, %get3A_321, %get3A_322] {strides = array<i32>} : memref<2x160x64xf32, #tpu.memory_space<vmem>>, vector<16xf32>,
          tpu.vector_store_idx %arg6[%gather3A_295, %add3A_10], %get3A_323 {add = true} : memref<1024x64xf32, #tpu.memory_space<vmem>>[vector<16xi32>, vector<16xi32>], vector<16xf32>,
          %broadcast_in_dim3A_324 = arith.constant 5 : i32
          %broadcast_in_dim3A_325 = vector.broadcast %broadcast_in_dim3A_324 : i32 to vector<16x1xi32>
          %gather3A_326 = vector.shape_cast %broadcast_in_dim3A_325 : vector<16x1xi32> to vector<16xi32>
          %gather3A_327 = tpu.dynamic_gather %min3A_150[%gather3A_326] in [0] : vector<16xi32>, vector<16xi32> -> vector<16xi32>
          %add3A_328 = arith.constant 5 : i32
          %add3A_329 = arith.addi %mul3A_144, %add3A_328 : i32
          %get3A_330 = arith.constant 1 : i32
          %get3A_331 = arith.index_cast %get3A_330 : i32 to index
          %get3A_332 = arith.index_cast %add3A_329 : i32 to index
          %get3A_333 = arith.constant 0 : index
          %get3A_334 = tpu.vector_load %arg8[%get3A_331, %get3A_332, %get3A_333] {strides = array<i32>} : memref<2x160x64xf32, #tpu.memory_space<vmem>>, vector<16xf32>,
          tpu.vector_store_idx %arg6[%gather3A_327, %add3A_1], %get3A_334 {add = true} : memref<1024x64xf32, #tpu.memory_space<vmem>>[vector<16xi32>, vector<16xi32>], vector<16xf32>,
          %add3A_335 = arith.constant 5 : i32
          %add3A_336 = arith.addi %mul3A_144, %add3A_335 : i32
          %get3A_337 = arith.constant 1 : i32
          %get3A_338 = arith.index_cast %get3A_337 : i32 to index
          %get3A_339 = arith.index_cast %add3A_336 : i32 to index
          %get3A_340 = arith.constant 16 : index
          %get3A_341 = tpu.vector_load %arg8[%get3A_338, %get3A_339, %get3A_340] {strides = array<i32>} : memref<2x160x64xf32, #tpu.memory_space<vmem>>, vector<16xf32>,
          tpu.vector_store_idx %arg6[%gather3A_327, %add3A_4], %get3A_341 {add = true} : memref<1024x64xf32, #tpu.memory_space<vmem>>[vector<16xi32>, vector<16xi32>], vector<16xf32>,
          %add3A_342 = arith.constant 5 : i32
          %add3A_343 = arith.addi %mul3A_144, %add3A_342 : i32
          %get3A_344 = arith.constant 1 : i32
          %get3A_345 = arith.index_cast %get3A_344 : i32 to index
          %get3A_346 = arith.index_cast %add3A_343 : i32 to index
          %get3A_347 = arith.constant 32 : index
          %get3A_348 = tpu.vector_load %arg8[%get3A_345, %get3A_346, %get3A_347] {strides = array<i32>} : memref<2x160x64xf32, #tpu.memory_space<vmem>>, vector<16xf32>,
          tpu.vector_store_idx %arg6[%gather3A_327, %add3A_7], %get3A_348 {add = true} : memref<1024x64xf32, #tpu.memory_space<vmem>>[vector<16xi32>, vector<16xi32>], vector<16xf32>,
          %add3A_349 = arith.constant 5 : i32
          %add3A_350 = arith.addi %mul3A_144, %add3A_349 : i32
          %get3A_351 = arith.constant 1 : i32
          %get3A_352 = arith.index_cast %get3A_351 : i32 to index
          %get3A_353 = arith.index_cast %add3A_350 : i32 to index
          %get3A_354 = arith.constant 48 : index
          %get3A_355 = tpu.vector_load %arg8[%get3A_352, %get3A_353, %get3A_354] {strides = array<i32>} : memref<2x160x64xf32, #tpu.memory_space<vmem>>, vector<16xf32>,
          tpu.vector_store_idx %arg6[%gather3A_327, %add3A_10], %get3A_355 {add = true} : memref<1024x64xf32, #tpu.memory_space<vmem>>[vector<16xi32>, vector<16xi32>], vector<16xf32>,
          %broadcast_in_dim3A_356 = arith.constant 6 : i32
          %broadcast_in_dim3A_357 = vector.broadcast %broadcast_in_dim3A_356 : i32 to vector<16x1xi32>
          %gather3A_358 = vector.shape_cast %broadcast_in_dim3A_357 : vector<16x1xi32> to vector<16xi32>
          %gather3A_359 = tpu.dynamic_gather %min3A_150[%gather3A_358] in [0] : vector<16xi32>, vector<16xi32> -> vector<16xi32>
          %add3A_360 = arith.constant 6 : i32
          %add3A_361 = arith.addi %mul3A_144, %add3A_360 : i32
          %get3A_362 = arith.constant 1 : i32
          %get3A_363 = arith.index_cast %get3A_362 : i32 to index
          %get3A_364 = arith.index_cast %add3A_361 : i32 to index
          %get3A_365 = arith.constant 0 : index
          %get3A_366 = tpu.vector_load %arg8[%get3A_363, %get3A_364, %get3A_365] {strides = array<i32>} : memref<2x160x64xf32, #tpu.memory_space<vmem>>, vector<16xf32>,
          tpu.vector_store_idx %arg6[%gather3A_359, %add3A_1], %get3A_366 {add = true} : memref<1024x64xf32, #tpu.memory_space<vmem>>[vector<16xi32>, vector<16xi32>], vector<16xf32>,
          %add3A_367 = arith.constant 6 : i32
          %add3A_368 = arith.addi %mul3A_144, %add3A_367 : i32
          %get3A_369 = arith.constant 1 : i32
          %get3A_370 = arith.index_cast %get3A_369 : i32 to index
          %get3A_371 = arith.index_cast %add3A_368 : i32 to index
          %get3A_372 = arith.constant 16 : index
          %get3A_373 = tpu.vector_load %arg8[%get3A_370, %get3A_371, %get3A_372] {strides = array<i32>} : memref<2x160x64xf32, #tpu.memory_space<vmem>>, vector<16xf32>,
          tpu.vector_store_idx %arg6[%gather3A_359, %add3A_4], %get3A_373 {add = true} : memref<1024x64xf32, #tpu.memory_space<vmem>>[vector<16xi32>, vector<16xi32>], vector<16xf32>,
          %add3A_374 = arith.constant 6 : i32
          %add3A_375 = arith.addi %mul3A_144, %add3A_374 : i32
          %get3A_376 = arith.constant 1 : i32
          %get3A_377 = arith.index_cast %get3A_376 : i32 to index
          %get3A_378 = arith.index_cast %add3A_375 : i32 to index
          %get3A_379 = arith.constant 32 : index
          %get3A_380 = tpu.vector_load %arg8[%get3A_377, %get3A_378, %get3A_379] {strides = array<i32>} : memref<2x160x64xf32, #tpu.memory_space<vmem>>, vector<16xf32>,
          tpu.vector_store_idx %arg6[%gather3A_359, %add3A_7], %get3A_380 {add = true} : memref<1024x64xf32, #tpu.memory_space<vmem>>[vector<16xi32>, vector<16xi32>], vector<16xf32>,
          %add3A_381 = arith.constant 6 : i32
          %add3A_382 = arith.addi %mul3A_144, %add3A_381 : i32
          %get3A_383 = arith.constant 1 : i32
          %get3A_384 = arith.index_cast %get3A_383 : i32 to index
          %get3A_385 = arith.index_cast %add3A_382 : i32 to index
          %get3A_386 = arith.constant 48 : index
          %get3A_387 = tpu.vector_load %arg8[%get3A_384, %get3A_385, %get3A_386] {strides = array<i32>} : memref<2x160x64xf32, #tpu.memory_space<vmem>>, vector<16xf32>,
          tpu.vector_store_idx %arg6[%gather3A_359, %add3A_10], %get3A_387 {add = true} : memref<1024x64xf32, #tpu.memory_space<vmem>>[vector<16xi32>, vector<16xi32>], vector<16xf32>,
          %broadcast_in_dim3A_388 = arith.constant 7 : i32
          %broadcast_in_dim3A_389 = vector.broadcast %broadcast_in_dim3A_388 : i32 to vector<16x1xi32>
          %gather3A_390 = vector.shape_cast %broadcast_in_dim3A_389 : vector<16x1xi32> to vector<16xi32>
          %gather3A_391 = tpu.dynamic_gather %min3A_150[%gather3A_390] in [0] : vector<16xi32>, vector<16xi32> -> vector<16xi32>
          %add3A_392 = arith.constant 7 : i32
          %add3A_393 = arith.addi %mul3A_144, %add3A_392 : i32
          %get3A_394 = arith.constant 1 : i32
          %get3A_395 = arith.index_cast %get3A_394 : i32 to index
          %get3A_396 = arith.index_cast %add3A_393 : i32 to index
          %get3A_397 = arith.constant 0 : index
          %get3A_398 = tpu.vector_load %arg8[%get3A_395, %get3A_396, %get3A_397] {strides = array<i32>} : memref<2x160x64xf32, #tpu.memory_space<vmem>>, vector<16xf32>,
          tpu.vector_store_idx %arg6[%gather3A_391, %add3A_1], %get3A_398 {add = true} : memref<1024x64xf32, #tpu.memory_space<vmem>>[vector<16xi32>, vector<16xi32>], vector<16xf32>,
          %add3A_399 = arith.constant 7 : i32
          %add3A_400 = arith.addi %mul3A_144, %add3A_399 : i32
          %get3A_401 = arith.constant 1 : i32
          %get3A_402 = arith.index_cast %get3A_401 : i32 to index
          %get3A_403 = arith.index_cast %add3A_400 : i32 to index
          %get3A_404 = arith.constant 16 : index
          %get3A_405 = tpu.vector_load %arg8[%get3A_402, %get3A_403, %get3A_404] {strides = array<i32>} : memref<2x160x64xf32, #tpu.memory_space<vmem>>, vector<16xf32>,
          tpu.vector_store_idx %arg6[%gather3A_391, %add3A_4], %get3A_405 {add = true} : memref<1024x64xf32, #tpu.memory_space<vmem>>[vector<16xi32>, vector<16xi32>], vector<16xf32>,
          %add3A_406 = arith.constant 7 : i32
          %add3A_407 = arith.addi %mul3A_144, %add3A_406 : i32
          %get3A_408 = arith.constant 1 : i32
          %get3A_409 = arith.index_cast %get3A_408 : i32 to index
          %get3A_410 = arith.index_cast %add3A_407 : i32 to index
          %get3A_411 = arith.constant 32 : index
          %get3A_412 = tpu.vector_load %arg8[%get3A_409, %get3A_410, %get3A_411] {strides = array<i32>} : memref<2x160x64xf32, #tpu.memory_space<vmem>>, vector<16xf32>,
          tpu.vector_store_idx %arg6[%gather3A_391, %add3A_7], %get3A_412 {add = true} : memref<1024x64xf32, #tpu.memory_space<vmem>>[vector<16xi32>, vector<16xi32>], vector<16xf32>,
          %add3A_413 = arith.constant 7 : i32
          %add3A_414 = arith.addi %mul3A_144, %add3A_413 : i32
          %get3A_415 = arith.constant 1 : i32
          %get3A_416 = arith.index_cast %get3A_415 : i32 to index
          %get3A_417 = arith.index_cast %add3A_414 : i32 to index
          %get3A_418 = arith.constant 48 : index
          %get3A_419 = tpu.vector_load %arg8[%get3A_416, %get3A_417, %get3A_418] {strides = array<i32>} : memref<2x160x64xf32, #tpu.memory_space<vmem>>, vector<16xf32>,
          tpu.vector_store_idx %arg6[%gather3A_391, %add3A_10], %get3A_419 {add = true} : memref<1024x64xf32, #tpu.memory_space<vmem>>[vector<16xi32>, vector<16xi32>], vector<16xf32>,
          %broadcast_in_dim3A_420 = arith.constant 8 : i32
          %broadcast_in_dim3A_421 = vector.broadcast %broadcast_in_dim3A_420 : i32 to vector<16x1xi32>
          %gather3A_422 = vector.shape_cast %broadcast_in_dim3A_421 : vector<16x1xi32> to vector<16xi32>
          %gather3A_423 = tpu.dynamic_gather %min3A_150[%gather3A_422] in [0] : vector<16xi32>, vector<16xi32> -> vector<16xi32>
          %add3A_424 = arith.constant 8 : i32
          %add3A_425 = arith.addi %mul3A_144, %add3A_424 : i32
          %get3A_426 = arith.constant 1 : i32
          %get3A_427 = arith.index_cast %get3A_426 : i32 to index
          %get3A_428 = arith.index_cast %add3A_425 : i32 to index
          %get3A_429 = arith.constant 0 : index
          %get3A_430 = tpu.vector_load %arg8[%get3A_427, %get3A_428, %get3A_429] {strides = array<i32>} : memref<2x160x64xf32, #tpu.memory_space<vmem>>, vector<16xf32>,
          tpu.vector_store_idx %arg6[%gather3A_423, %add3A_1], %get3A_430 {add = true} : memref<1024x64xf32, #tpu.memory_space<vmem>>[vector<16xi32>, vector<16xi32>], vector<16xf32>,
          %add3A_431 = arith.constant 8 : i32
          %add3A_432 = arith.addi %mul3A_144, %add3A_431 : i32
          %get3A_433 = arith.constant 1 : i32
          %get3A_434 = arith.index_cast %get3A_433 : i32 to index
          %get3A_435 = arith.index_cast %add3A_432 : i32 to index
          %get3A_436 = arith.constant 16 : index
          %get3A_437 = tpu.vector_load %arg8[%get3A_434, %get3A_435, %get3A_436] {strides = array<i32>} : memref<2x160x64xf32, #tpu.memory_space<vmem>>, vector<16xf32>,
          tpu.vector_store_idx %arg6[%gather3A_423, %add3A_4], %get3A_437 {add = true} : memref<1024x64xf32, #tpu.memory_space<vmem>>[vector<16xi32>, vector<16xi32>], vector<16xf32>,
          %add3A_438 = arith.constant 8 : i32
          %add3A_439 = arith.addi %mul3A_144, %add3A_438 : i32
          %get3A_440 = arith.constant 1 : i32
          %get3A_441 = arith.index_cast %get3A_440 : i32 to index
          %get3A_442 = arith.index_cast %add3A_439 : i32 to index
          %get3A_443 = arith.constant 32 : index
          %get3A_444 = tpu.vector_load %arg8[%get3A_441, %get3A_442, %get3A_443] {strides = array<i32>} : memref<2x160x64xf32, #tpu.memory_space<vmem>>, vector<16xf32>,
          tpu.vector_store_idx %arg6[%gather3A_423, %add3A_7], %get3A_444 {add = true} : memref<1024x64xf32, #tpu.memory_space<vmem>>[vector<16xi32>, vector<16xi32>], vector<16xf32>,
          %add3A_445 = arith.constant 8 : i32
          %add3A_446 = arith.addi %mul3A_144, %add3A_445 : i32
          %get3A_447 = arith.constant 1 : i32
          %get3A_448 = arith.index_cast %get3A_447 : i32 to index
          %get3A_449 = arith.index_cast %add3A_446 : i32 to index
          %get3A_450 = arith.constant 48 : index
          %get3A_451 = tpu.vector_load %arg8[%get3A_448, %get3A_449, %get3A_450] {strides = array<i32>} : memref<2x160x64xf32, #tpu.memory_space<vmem>>, vector<16xf32>,
          tpu.vector_store_idx %arg6[%gather3A_423, %add3A_10], %get3A_451 {add = true} : memref<1024x64xf32, #tpu.memory_space<vmem>>[vector<16xi32>, vector<16xi32>], vector<16xf32>,
          %broadcast_in_dim3A_452 = arith.constant 9 : i32
          %broadcast_in_dim3A_453 = vector.broadcast %broadcast_in_dim3A_452 : i32 to vector<16x1xi32>
          %gather3A_454 = vector.shape_cast %broadcast_in_dim3A_453 : vector<16x1xi32> to vector<16xi32>
          %gather3A_455 = tpu.dynamic_gather %min3A_150[%gather3A_454] in [0] : vector<16xi32>, vector<16xi32> -> vector<16xi32>
          %add3A_456 = arith.constant 9 : i32
          %add3A_457 = arith.addi %mul3A_144, %add3A_456 : i32
          %get3A_458 = arith.constant 1 : i32
          %get3A_459 = arith.index_cast %get3A_458 : i32 to index
          %get3A_460 = arith.index_cast %add3A_457 : i32 to index
          %get3A_461 = arith.constant 0 : index
          %get3A_462 = tpu.vector_load %arg8[%get3A_459, %get3A_460, %get3A_461] {strides = array<i32>} : memref<2x160x64xf32, #tpu.memory_space<vmem>>, vector<16xf32>,
          tpu.vector_store_idx %arg6[%gather3A_455, %add3A_1], %get3A_462 {add = true} : memref<1024x64xf32, #tpu.memory_space<vmem>>[vector<16xi32>, vector<16xi32>], vector<16xf32>,
          %add3A_463 = arith.constant 9 : i32
          %add3A_464 = arith.addi %mul3A_144, %add3A_463 : i32
          %get3A_465 = arith.constant 1 : i32
          %get3A_466 = arith.index_cast %get3A_465 : i32 to index
          %get3A_467 = arith.index_cast %add3A_464 : i32 to index
          %get3A_468 = arith.constant 16 : index
          %get3A_469 = tpu.vector_load %arg8[%get3A_466, %get3A_467, %get3A_468] {strides = array<i32>} : memref<2x160x64xf32, #tpu.memory_space<vmem>>, vector<16xf32>,
          tpu.vector_store_idx %arg6[%gather3A_455, %add3A_4], %get3A_469 {add = true} : memref<1024x64xf32, #tpu.memory_space<vmem>>[vector<16xi32>, vector<16xi32>], vector<16xf32>,
          %add3A_470 = arith.constant 9 : i32
          %add3A_471 = arith.addi %mul3A_144, %add3A_470 : i32
          %get3A_472 = arith.constant 1 : i32
          %get3A_473 = arith.index_cast %get3A_472 : i32 to index
          %get3A_474 = arith.index_cast %add3A_471 : i32 to index
          %get3A_475 = arith.constant 32 : index
          %get3A_476 = tpu.vector_load %arg8[%get3A_473, %get3A_474, %get3A_475] {strides = array<i32>} : memref<2x160x64xf32, #tpu.memory_space<vmem>>, vector<16xf32>,
          tpu.vector_store_idx %arg6[%gather3A_455, %add3A_7], %get3A_476 {add = true} : memref<1024x64xf32, #tpu.memory_space<vmem>>[vector<16xi32>, vector<16xi32>], vector<16xf32>,
          %add3A_477 = arith.constant 9 : i32
          %add3A_478 = arith.addi %mul3A_144, %add3A_477 : i32
          %get3A_479 = arith.constant 1 : i32
          %get3A_480 = arith.index_cast %get3A_479 : i32 to index
          %get3A_481 = arith.index_cast %add3A_478 : i32 to index
          %get3A_482 = arith.constant 48 : index
          %get3A_483 = tpu.vector_load %arg8[%get3A_480, %get3A_481, %get3A_482] {strides = array<i32>} : memref<2x160x64xf32, #tpu.memory_space<vmem>>, vector<16xf32>,
          tpu.vector_store_idx %arg6[%gather3A_455, %add3A_10], %get3A_483 {add = true} : memref<1024x64xf32, #tpu.memory_space<vmem>>[vector<16xi32>, vector<16xi32>], vector<16xf32>,
          %broadcast_in_dim3A_484 = arith.constant 10 : i32
          %broadcast_in_dim3A_485 = vector.broadcast %broadcast_in_dim3A_484 : i32 to vector<16x1xi32>
          %gather3A_486 = vector.shape_cast %broadcast_in_dim3A_485 : vector<16x1xi32> to vector<16xi32>
          %gather3A_487 = tpu.dynamic_gather %min3A_150[%gather3A_486] in [0] : vector<16xi32>, vector<16xi32> -> vector<16xi32>
          %add3A_488 = arith.constant 10 : i32
          %add3A_489 = arith.addi %mul3A_144, %add3A_488 : i32
          %get3A_490 = arith.constant 1 : i32
          %get3A_491 = arith.index_cast %get3A_490 : i32 to index
          %get3A_492 = arith.index_cast %add3A_489 : i32 to index
          %get3A_493 = arith.constant 0 : index
          %get3A_494 = tpu.vector_load %arg8[%get3A_491, %get3A_492, %get3A_493] {strides = array<i32>} : memref<2x160x64xf32, #tpu.memory_space<vmem>>, vector<16xf32>,
          tpu.vector_store_idx %arg6[%gather3A_487, %add3A_1], %get3A_494 {add = true} : memref<1024x64xf32, #tpu.memory_space<vmem>>[vector<16xi32>, vector<16xi32>], vector<16xf32>,
          %add3A_495 = arith.constant 10 : i32
          %add3A_496 = arith.addi %mul3A_144, %add3A_495 : i32
          %get3A_497 = arith.constant 1 : i32
          %get3A_498 = arith.index_cast %get3A_497 : i32 to index
          %get3A_499 = arith.index_cast %add3A_496 : i32 to index
          %get3A_500 = arith.constant 16 : index
          %get3A_501 = tpu.vector_load %arg8[%get3A_498, %get3A_499, %get3A_500] {strides = array<i32>} : memref<2x160x64xf32, #tpu.memory_space<vmem>>, vector<16xf32>,
          tpu.vector_store_idx %arg6[%gather3A_487, %add3A_4], %get3A_501 {add = true} : memref<1024x64xf32, #tpu.memory_space<vmem>>[vector<16xi32>, vector<16xi32>], vector<16xf32>,
          %add3A_502 = arith.constant 10 : i32
          %add3A_503 = arith.addi %mul3A_144, %add3A_502 : i32
          %get3A_504 = arith.constant 1 : i32
          %get3A_505 = arith.index_cast %get3A_504 : i32 to index
          %get3A_506 = arith.index_cast %add3A_503 : i32 to index
          %get3A_507 = arith.constant 32 : index
          %get3A_508 = tpu.vector_load %arg8[%get3A_505, %get3A_506, %get3A_507] {strides = array<i32>} : memref<2x160x64xf32, #tpu.memory_space<vmem>>, vector<16xf32>,
          tpu.vector_store_idx %arg6[%gather3A_487, %add3A_7], %get3A_508 {add = true} : memref<1024x64xf32, #tpu.memory_space<vmem>>[vector<16xi32>, vector<16xi32>], vector<16xf32>,
          %add3A_509 = arith.constant 10 : i32
          %add3A_510 = arith.addi %mul3A_144, %add3A_509 : i32
          %get3A_511 = arith.constant 1 : i32
          %get3A_512 = arith.index_cast %get3A_511 : i32 to index
          %get3A_513 = arith.index_cast %add3A_510 : i32 to index
          %get3A_514 = arith.constant 48 : index
          %get3A_515 = tpu.vector_load %arg8[%get3A_512, %get3A_513, %get3A_514] {strides = array<i32>} : memref<2x160x64xf32, #tpu.memory_space<vmem>>, vector<16xf32>,
          tpu.vector_store_idx %arg6[%gather3A_487, %add3A_10], %get3A_515 {add = true} : memref<1024x64xf32, #tpu.memory_space<vmem>>[vector<16xi32>, vector<16xi32>], vector<16xf32>,
          %broadcast_in_dim3A_516 = arith.constant 11 : i32
          %broadcast_in_dim3A_517 = vector.broadcast %broadcast_in_dim3A_516 : i32 to vector<16x1xi32>
          %gather3A_518 = vector.shape_cast %broadcast_in_dim3A_517 : vector<16x1xi32> to vector<16xi32>
          %gather3A_519 = tpu.dynamic_gather %min3A_150[%gather3A_518] in [0] : vector<16xi32>, vector<16xi32> -> vector<16xi32>
          %add3A_520 = arith.constant 11 : i32
          %add3A_521 = arith.addi %mul3A_144, %add3A_520 : i32
          %get3A_522 = arith.constant 1 : i32
          %get3A_523 = arith.index_cast %get3A_522 : i32 to index
          %get3A_524 = arith.index_cast %add3A_521 : i32 to index
          %get3A_525 = arith.constant 0 : index
          %get3A_526 = tpu.vector_load %arg8[%get3A_523, %get3A_524, %get3A_525] {strides = array<i32>} : memref<2x160x64xf32, #tpu.memory_space<vmem>>, vector<16xf32>,
          tpu.vector_store_idx %arg6[%gather3A_519, %add3A_1], %get3A_526 {add = true} : memref<1024x64xf32, #tpu.memory_space<vmem>>[vector<16xi32>, vector<16xi32>], vector<16xf32>,
          %add3A_527 = arith.constant 11 : i32
          %add3A_528 = arith.addi %mul3A_144, %add3A_527 : i32
          %get3A_529 = arith.constant 1 : i32
          %get3A_530 = arith.index_cast %get3A_529 : i32 to index
          %get3A_531 = arith.index_cast %add3A_528 : i32 to index
          %get3A_532 = arith.constant 16 : index
          %get3A_533 = tpu.vector_load %arg8[%get3A_530, %get3A_531, %get3A_532] {strides = array<i32>} : memref<2x160x64xf32, #tpu.memory_space<vmem>>, vector<16xf32>,
          tpu.vector_store_idx %arg6[%gather3A_519, %add3A_4], %get3A_533 {add = true} : memref<1024x64xf32, #tpu.memory_space<vmem>>[vector<16xi32>, vector<16xi32>], vector<16xf32>,
          %add3A_534 = arith.constant 11 : i32
          %add3A_535 = arith.addi %mul3A_144, %add3A_534 : i32
          %get3A_536 = arith.constant 1 : i32
          %get3A_537 = arith.index_cast %get3A_536 : i32 to index
          %get3A_538 = arith.index_cast %add3A_535 : i32 to index
          %get3A_539 = arith.constant 32 : index
          %get3A_540 = tpu.vector_load %arg8[%get3A_537, %get3A_538, %get3A_539] {strides = array<i32>} : memref<2x160x64xf32, #tpu.memory_space<vmem>>, vector<16xf32>,
          tpu.vector_store_idx %arg6[%gather3A_519, %add3A_7], %get3A_540 {add = true} : memref<1024x64xf32, #tpu.memory_space<vmem>>[vector<16xi32>, vector<16xi32>], vector<16xf32>,
          %add3A_541 = arith.constant 11 : i32
          %add3A_542 = arith.addi %mul3A_144, %add3A_541 : i32
          %get3A_543 = arith.constant 1 : i32
          %get3A_544 = arith.index_cast %get3A_543 : i32 to index
          %get3A_545 = arith.index_cast %add3A_542 : i32 to index
          %get3A_546 = arith.constant 48 : index
          %get3A_547 = tpu.vector_load %arg8[%get3A_544, %get3A_545, %get3A_546] {strides = array<i32>} : memref<2x160x64xf32, #tpu.memory_space<vmem>>, vector<16xf32>,
          tpu.vector_store_idx %arg6[%gather3A_519, %add3A_10], %get3A_547 {add = true} : memref<1024x64xf32, #tpu.memory_space<vmem>>[vector<16xi32>, vector<16xi32>], vector<16xf32>,
          %broadcast_in_dim3A_548 = arith.constant 12 : i32
          %broadcast_in_dim3A_549 = vector.broadcast %broadcast_in_dim3A_548 : i32 to vector<16x1xi32>
          %gather3A_550 = vector.shape_cast %broadcast_in_dim3A_549 : vector<16x1xi32> to vector<16xi32>
          %gather3A_551 = tpu.dynamic_gather %min3A_150[%gather3A_550] in [0] : vector<16xi32>, vector<16xi32> -> vector<16xi32>
          %add3A_552 = arith.constant 12 : i32
          %add3A_553 = arith.addi %mul3A_144, %add3A_552 : i32
          %get3A_554 = arith.constant 1 : i32
          %get3A_555 = arith.index_cast %get3A_554 : i32 to index
          %get3A_556 = arith.index_cast %add3A_553 : i32 to index
          %get3A_557 = arith.constant 0 : index
          %get3A_558 = tpu.vector_load %arg8[%get3A_555, %get3A_556, %get3A_557] {strides = array<i32>} : memref<2x160x64xf32, #tpu.memory_space<vmem>>, vector<16xf32>,
          tpu.vector_store_idx %arg6[%gather3A_551, %add3A_1], %get3A_558 {add = true} : memref<1024x64xf32, #tpu.memory_space<vmem>>[vector<16xi32>, vector<16xi32>], vector<16xf32>,
          %add3A_559 = arith.constant 12 : i32
          %add3A_560 = arith.addi %mul3A_144, %add3A_559 : i32
          %get3A_561 = arith.constant 1 : i32
          %get3A_562 = arith.index_cast %get3A_561 : i32 to index
          %get3A_563 = arith.index_cast %add3A_560 : i32 to index
          %get3A_564 = arith.constant 16 : index
          %get3A_565 = tpu.vector_load %arg8[%get3A_562, %get3A_563, %get3A_564] {strides = array<i32>} : memref<2x160x64xf32, #tpu.memory_space<vmem>>, vector<16xf32>,
          tpu.vector_store_idx %arg6[%gather3A_551, %add3A_4], %get3A_565 {add = true} : memref<1024x64xf32, #tpu.memory_space<vmem>>[vector<16xi32>, vector<16xi32>], vector<16xf32>,
          %add3A_566 = arith.constant 12 : i32
          %add3A_567 = arith.addi %mul3A_144, %add3A_566 : i32
          %get3A_568 = arith.constant 1 : i32
          %get3A_569 = arith.index_cast %get3A_568 : i32 to index
          %get3A_570 = arith.index_cast %add3A_567 : i32 to index
          %get3A_571 = arith.constant 32 : index
          %get3A_572 = tpu.vector_load %arg8[%get3A_569, %get3A_570, %get3A_571] {strides = array<i32>} : memref<2x160x64xf32, #tpu.memory_space<vmem>>, vector<16xf32>,
          tpu.vector_store_idx %arg6[%gather3A_551, %add3A_7], %get3A_572 {add = true} : memref<1024x64xf32, #tpu.memory_space<vmem>>[vector<16xi32>, vector<16xi32>], vector<16xf32>,
          %add3A_573 = arith.constant 12 : i32
          %add3A_574 = arith.addi %mul3A_144, %add3A_573 : i32
          %get3A_575 = arith.constant 1 : i32
          %get3A_576 = arith.index_cast %get3A_575 : i32 to index
          %get3A_577 = arith.index_cast %add3A_574 : i32 to index
          %get3A_578 = arith.constant 48 : index
          %get3A_579 = tpu.vector_load %arg8[%get3A_576, %get3A_577, %get3A_578] {strides = array<i32>} : memref<2x160x64xf32, #tpu.memory_space<vmem>>, vector<16xf32>,
          tpu.vector_store_idx %arg6[%gather3A_551, %add3A_10], %get3A_579 {add = true} : memref<1024x64xf32, #tpu.memory_space<vmem>>[vector<16xi32>, vector<16xi32>], vector<16xf32>,
          %broadcast_in_dim3A_580 = arith.constant 13 : i32
          %broadcast_in_dim3A_581 = vector.broadcast %broadcast_in_dim3A_580 : i32 to vector<16x1xi32>
          %gather3A_582 = vector.shape_cast %broadcast_in_dim3A_581 : vector<16x1xi32> to vector<16xi32>
          %gather3A_583 = tpu.dynamic_gather %min3A_150[%gather3A_582] in [0] : vector<16xi32>, vector<16xi32> -> vector<16xi32>
          %add3A_584 = arith.constant 13 : i32
          %add3A_585 = arith.addi %mul3A_144, %add3A_584 : i32
          %get3A_586 = arith.constant 1 : i32
          %get3A_587 = arith.index_cast %get3A_586 : i32 to index
          %get3A_588 = arith.index_cast %add3A_585 : i32 to index
          %get3A_589 = arith.constant 0 : index
          %get3A_590 = tpu.vector_load %arg8[%get3A_587, %get3A_588, %get3A_589] {strides = array<i32>} : memref<2x160x64xf32, #tpu.memory_space<vmem>>, vector<16xf32>,
          tpu.vector_store_idx %arg6[%gather3A_583, %add3A_1], %get3A_590 {add = true} : memref<1024x64xf32, #tpu.memory_space<vmem>>[vector<16xi32>, vector<16xi32>], vector<16xf32>,
          %add3A_591 = arith.constant 13 : i32
          %add3A_592 = arith.addi %mul3A_144, %add3A_591 : i32
          %get3A_593 = arith.constant 1 : i32
          %get3A_594 = arith.index_cast %get3A_593 : i32 to index
          %get3A_595 = arith.index_cast %add3A_592 : i32 to index
          %get3A_596 = arith.constant 16 : index
          %get3A_597 = tpu.vector_load %arg8[%get3A_594, %get3A_595, %get3A_596] {strides = array<i32>} : memref<2x160x64xf32, #tpu.memory_space<vmem>>, vector<16xf32>,
          tpu.vector_store_idx %arg6[%gather3A_583, %add3A_4], %get3A_597 {add = true} : memref<1024x64xf32, #tpu.memory_space<vmem>>[vector<16xi32>, vector<16xi32>], vector<16xf32>,
          %add3A_598 = arith.constant 13 : i32
          %add3A_599 = arith.addi %mul3A_144, %add3A_598 : i32
          %get3A_600 = arith.constant 1 : i32
          %get3A_601 = arith.index_cast %get3A_600 : i32 to index
          %get3A_602 = arith.index_cast %add3A_599 : i32 to index
          %get3A_603 = arith.constant 32 : index
          %get3A_604 = tpu.vector_load %arg8[%get3A_601, %get3A_602, %get3A_603] {strides = array<i32>} : memref<2x160x64xf32, #tpu.memory_space<vmem>>, vector<16xf32>,
          tpu.vector_store_idx %arg6[%gather3A_583, %add3A_7], %get3A_604 {add = true} : memref<1024x64xf32, #tpu.memory_space<vmem>>[vector<16xi32>, vector<16xi32>], vector<16xf32>,
          %add3A_605 = arith.constant 13 : i32
          %add3A_606 = arith.addi %mul3A_144, %add3A_605 : i32
          %get3A_607 = arith.constant 1 : i32
          %get3A_608 = arith.index_cast %get3A_607 : i32 to index
          %get3A_609 = arith.index_cast %add3A_606 : i32 to index
          %get3A_610 = arith.constant 48 : index
          %get3A_611 = tpu.vector_load %arg8[%get3A_608, %get3A_609, %get3A_610] {strides = array<i32>} : memref<2x160x64xf32, #tpu.memory_space<vmem>>, vector<16xf32>,
          tpu.vector_store_idx %arg6[%gather3A_583, %add3A_10], %get3A_611 {add = true} : memref<1024x64xf32, #tpu.memory_space<vmem>>[vector<16xi32>, vector<16xi32>], vector<16xf32>,
          %broadcast_in_dim3A_612 = arith.constant 14 : i32
          %broadcast_in_dim3A_613 = vector.broadcast %broadcast_in_dim3A_612 : i32 to vector<16x1xi32>
          %gather3A_614 = vector.shape_cast %broadcast_in_dim3A_613 : vector<16x1xi32> to vector<16xi32>
          %gather3A_615 = tpu.dynamic_gather %min3A_150[%gather3A_614] in [0] : vector<16xi32>, vector<16xi32> -> vector<16xi32>
          %add3A_616 = arith.constant 14 : i32
          %add3A_617 = arith.addi %mul3A_144, %add3A_616 : i32
          %get3A_618 = arith.constant 1 : i32
          %get3A_619 = arith.index_cast %get3A_618 : i32 to index
          %get3A_620 = arith.index_cast %add3A_617 : i32 to index
          %get3A_621 = arith.constant 0 : index
          %get3A_622 = tpu.vector_load %arg8[%get3A_619, %get3A_620, %get3A_621] {strides = array<i32>} : memref<2x160x64xf32, #tpu.memory_space<vmem>>, vector<16xf32>,
          tpu.vector_store_idx %arg6[%gather3A_615, %add3A_1], %get3A_622 {add = true} : memref<1024x64xf32, #tpu.memory_space<vmem>>[vector<16xi32>, vector<16xi32>], vector<16xf32>,
          %add3A_623 = arith.constant 14 : i32
          %add3A_624 = arith.addi %mul3A_144, %add3A_623 : i32
          %get3A_625 = arith.constant 1 : i32
          %get3A_626 = arith.index_cast %get3A_625 : i32 to index
          %get3A_627 = arith.index_cast %add3A_624 : i32 to index
          %get3A_628 = arith.constant 16 : index
          %get3A_629 = tpu.vector_load %arg8[%get3A_626, %get3A_627, %get3A_628] {strides = array<i32>} : memref<2x160x64xf32, #tpu.memory_space<vmem>>, vector<16xf32>,
          tpu.vector_store_idx %arg6[%gather3A_615, %add3A_4], %get3A_629 {add = true} : memref<1024x64xf32, #tpu.memory_space<vmem>>[vector<16xi32>, vector<16xi32>], vector<16xf32>,
          %add3A_630 = arith.constant 14 : i32
          %add3A_631 = arith.addi %mul3A_144, %add3A_630 : i32
          %get3A_632 = arith.constant 1 : i32
          %get3A_633 = arith.index_cast %get3A_632 : i32 to index
          %get3A_634 = arith.index_cast %add3A_631 : i32 to index
          %get3A_635 = arith.constant 32 : index
          %get3A_636 = tpu.vector_load %arg8[%get3A_633, %get3A_634, %get3A_635] {strides = array<i32>} : memref<2x160x64xf32, #tpu.memory_space<vmem>>, vector<16xf32>,
          tpu.vector_store_idx %arg6[%gather3A_615, %add3A_7], %get3A_636 {add = true} : memref<1024x64xf32, #tpu.memory_space<vmem>>[vector<16xi32>, vector<16xi32>], vector<16xf32>,
          %add3A_637 = arith.constant 14 : i32
          %add3A_638 = arith.addi %mul3A_144, %add3A_637 : i32
          %get3A_639 = arith.constant 1 : i32
          %get3A_640 = arith.index_cast %get3A_639 : i32 to index
          %get3A_641 = arith.index_cast %add3A_638 : i32 to index
          %get3A_642 = arith.constant 48 : index
          %get3A_643 = tpu.vector_load %arg8[%get3A_640, %get3A_641, %get3A_642] {strides = array<i32>} : memref<2x160x64xf32, #tpu.memory_space<vmem>>, vector<16xf32>,
          tpu.vector_store_idx %arg6[%gather3A_615, %add3A_10], %get3A_643 {add = true} : memref<1024x64xf32, #tpu.memory_space<vmem>>[vector<16xi32>, vector<16xi32>], vector<16xf32>,
          %broadcast_in_dim3A_644 = arith.constant 15 : i32
          %broadcast_in_dim3A_645 = vector.broadcast %broadcast_in_dim3A_644 : i32 to vector<16x1xi32>
          %gather3A_646 = vector.shape_cast %broadcast_in_dim3A_645 : vector<16x1xi32> to vector<16xi32>
          %gather3A_647 = tpu.dynamic_gather %min3A_150[%gather3A_646] in [0] : vector<16xi32>, vector<16xi32> -> vector<16xi32>
          %add3A_648 = arith.constant 15 : i32
          %add3A_649 = arith.addi %mul3A_144, %add3A_648 : i32
          %get3A_650 = arith.constant 1 : i32
          %get3A_651 = arith.index_cast %get3A_650 : i32 to index
          %get3A_652 = arith.index_cast %add3A_649 : i32 to index
          %get3A_653 = arith.constant 0 : index
          %get3A_654 = tpu.vector_load %arg8[%get3A_651, %get3A_652, %get3A_653] {strides = array<i32>} : memref<2x160x64xf32, #tpu.memory_space<vmem>>, vector<16xf32>,
          tpu.vector_store_idx %arg6[%gather3A_647, %add3A_1], %get3A_654 {add = true} : memref<1024x64xf32, #tpu.memory_space<vmem>>[vector<16xi32>, vector<16xi32>], vector<16xf32>,
          %add3A_655 = arith.constant 15 : i32
          %add3A_656 = arith.addi %mul3A_144, %add3A_655 : i32
          %get3A_657 = arith.constant 1 : i32
          %get3A_658 = arith.index_cast %get3A_657 : i32 to index
          %get3A_659 = arith.index_cast %add3A_656 : i32 to index
          %get3A_660 = arith.constant 16 : index
          %get3A_661 = tpu.vector_load %arg8[%get3A_658, %get3A_659, %get3A_660] {strides = array<i32>} : memref<2x160x64xf32, #tpu.memory_space<vmem>>, vector<16xf32>,
          tpu.vector_store_idx %arg6[%gather3A_647, %add3A_4], %get3A_661 {add = true} : memref<1024x64xf32, #tpu.memory_space<vmem>>[vector<16xi32>, vector<16xi32>], vector<16xf32>,
          %add3A_662 = arith.constant 15 : i32
          %add3A_663 = arith.addi %mul3A_144, %add3A_662 : i32
          %get3A_664 = arith.constant 1 : i32
          %get3A_665 = arith.index_cast %get3A_664 : i32 to index
          %get3A_666 = arith.index_cast %add3A_663 : i32 to index
          %get3A_667 = arith.constant 32 : index
          %get3A_668 = tpu.vector_load %arg8[%get3A_665, %get3A_666, %get3A_667] {strides = array<i32>} : memref<2x160x64xf32, #tpu.memory_space<vmem>>, vector<16xf32>,
          tpu.vector_store_idx %arg6[%gather3A_647, %add3A_7], %get3A_668 {add = true} : memref<1024x64xf32, #tpu.memory_space<vmem>>[vector<16xi32>, vector<16xi32>], vector<16xf32>,
          %add3A_669 = arith.constant 15 : i32
          %add3A_670 = arith.addi %mul3A_144, %add3A_669 : i32
          %get3A_671 = arith.constant 1 : i32
          %get3A_672 = arith.index_cast %get3A_671 : i32 to index
          %get3A_673 = arith.index_cast %add3A_670 : i32 to index
          %get3A_674 = arith.constant 48 : index
          %get3A_675 = tpu.vector_load %arg8[%get3A_672, %get3A_673, %get3A_674] {strides = array<i32>} : memref<2x160x64xf32, #tpu.memory_space<vmem>>, vector<16xf32>,
          tpu.vector_store_idx %arg6[%gather3A_647, %add3A_10], %get3A_675 {add = true} : memref<1024x64xf32, #tpu.memory_space<vmem>>[vector<16xi32>, vector<16xi32>], vector<16xf32>,
        } else {
        }
      }
      %scan3A_130 = arith.constant 10 : i32
      %add3A_131 = arith.constant 2 : i32
      %add3A_132 = arith.addi %add3A_111, %add3A_131 : i32
      %lt3A_133 = arith.constant 125 : i32
      %lt3A_134 = arith.cmpi slt, %add3A_132, %lt3A_133 : i32
      %convert_element_type3A_135 = arith.extui %lt3A_134 : i1 to i32
      %cond3A_136 = arith.constant 0 : i32
      %cond3A_137 = arith.cmpi ne, %convert_element_type3A_135, %cond3A_136 : i32
      scf.if %cond3A_137 {
        %mul3A_138 = arith.constant 160 : i32
        %mul3A_139 = arith.muli %add3A_132, %mul3A_138 : i32
        %add3A_140 = arith.addi %mul3A_14, %mul3A_139 : i32
        %dma_start3A_141 = arith.constant 1 : i32
        %dma_start3A_142 = arith.constant 0 : i32
        %dma_start3A_143 = arith.constant 0 : i32
        %dma_start3A_144 = tpu.memref_slice %arg8[%dma_start3A_141, %dma_start3A_142, %dma_start3A_143] : memref<2x160x64xf32, #tpu.memory_space<vmem>> -> memref<1x160x64xf32, #tpu.memory_space<vmem>>
        %dma_start3A_145 = tpu.memref_squeeze %dma_start3A_144 : memref<1x160x64xf32, #tpu.memory_space<vmem>> -> memref<160x64xf32, #tpu.memory_space<vmem>>
        %dma_start3A_146 = tpu.memref_slice %arg2[%add3A_140, %mul3A_16] : memref<320000x128xf32, #tpu.memory_space<hbm>> -> memref<160x64xf32, #tpu.memory_space<hbm>>
        %dma_start3A_147 = arith.constant 0 : i32
        %dma_start3A_148 = arith.constant 0 : i32
        %dma_start3A_149 = tpu.memref_slice %arg8[%dma_start3A_141, %dma_start3A_147, %dma_start3A_148] : memref<2x160x64xf32, #tpu.memory_space<vmem>> -> memref<1x160x64xf32, #tpu.memory_space<vmem>>
        %dma_start3A_150 = tpu.memref_squeeze %dma_start3A_149 : memref<1x160x64xf32, #tpu.memory_space<vmem>> -> memref<160x64xf32, #tpu.memory_space<vmem>>
        %dma_start3A_151 = tpu.memref_slice %arg2[%add3A_140, %mul3A_16] : memref<320000x128xf32, #tpu.memory_space<hbm>> -> memref<160x64xf32, #tpu.memory_space<hbm>>
        tpu.enqueue_dma source(%dma_start3A_151 : memref<160x64xf32, #tpu.memory_space<hbm>>) target(%dma_start3A_150 : memref<160x64xf32, #tpu.memory_space<vmem>>) target_semaphore(%arg11 : memref<!tpu.dma_semaphore, #tpu.memory_space<semaphore_mem>>)
      } else {
      }
    }
    %scan3A_53 = arith.constant 62 : i32
    %add3A_54 = arith.constant 19840 : i32
    %add3A_55 = arith.addi %mul3A_14, %add3A_54 : i32
    %dma_wait3A_56 = arith.constant 0 : i32
    %dma_wait3A_57 = arith.constant 0 : i32
    %dma_wait3A_58 = arith.constant 0 : i32
    %dma_wait3A_59 = tpu.memref_slice %arg8[%dma_wait3A_56, %dma_wait3A_57, %dma_wait3A_58] : memref<2x160x64xf32, #tpu.memory_space<vmem>> -> memref<1x160x64xf32, #tpu.memory_space<vmem>>
    %dma_wait3A_60 = tpu.memref_squeeze %dma_wait3A_59 : memref<1x160x64xf32, #tpu.memory_space<vmem>> -> memref<160x64xf32, #tpu.memory_space<vmem>>
    %dma_wait3A_61 = tpu.memref_slice %arg2[%add3A_55, %mul3A_16] : memref<320000x128xf32, #tpu.memory_space<hbm>> -> memref<160x64xf32, #tpu.memory_space<hbm>>
    %dma_wait3A_62 = arith.constant 0 : i32
    %dma_wait3A_63 = arith.constant 0 : i32
    %dma_wait3A_64 = tpu.memref_slice %arg8[%dma_wait3A_56, %dma_wait3A_62, %dma_wait3A_63] : memref<2x160x64xf32, #tpu.memory_space<vmem>> -> memref<1x160x64xf32, #tpu.memory_space<vmem>>
    %dma_wait3A_65 = tpu.memref_squeeze %dma_wait3A_64 : memref<1x160x64xf32, #tpu.memory_space<vmem>> -> memref<160x64xf32, #tpu.memory_space<vmem>>
    %dma_wait3A_66 = tpu.memref_slice %arg2[%add3A_55, %mul3A_16] : memref<320000x128xf32, #tpu.memory_space<hbm>> -> memref<160x64xf32, #tpu.memory_space<hbm>>
    tpu.wait_dma2 semaphore(%arg10 : memref<!tpu.dma_semaphore, #tpu.memory_space<semaphore_mem>>) src(%dma_wait3A_66 : memref<160x64xf32, #tpu.memory_space<hbm>>) dst(%dma_wait3A_65 : memref<160x64xf32, #tpu.memory_space<vmem>>)
    %scan3A_67 = arith.constant 0 : i32
    %scan3A_68 = arith.constant 10 : i32
    %scan3A_69 = arith.addi %scan3A_67, %scan3A_68 : i32
    %scan3A_70 = arith.constant 1 : i32
    scf.for %scan3A_74 = %scan3A_67 to %scan3A_69 step %scan3A_70  : i32 {
      %mul3A_75 = arith.constant 1 : i32
      %mul3A_76 = arith.muli %scan3A_74, %mul3A_75 : i32
      %add3A_77 = arith.constant 0 : i32
      %add3A_78 = arith.addi %add3A_77, %mul3A_76 : i32
      %mul3A_79 = arith.constant 16 : i32
      %mul3A_80 = arith.muli %add3A_78, %mul3A_79 : i32
      %add3A_81 = arith.constant 19840 : i32
      %add3A_82 = arith.addi %add3A_81, %mul3A_80 : i32
      %get3A = arith.index_cast %add3A_82 : i32 to index
      %get3A_83 = tpu.vector_load %arg9[%get3A] {strides = array<i32>} : memref<20000xi32, #tpu.memory_space<vmem>>, vector<16xi32>,
      %min3A = arith.constant 1023 : i32
      %min3A_84 = vector.broadcast %min3A : i32 to vector<16xi32>
      %min3A_85 = arith.minsi %get3A_83, %min3A_84 : vector<16xi32>
      tpu.vector_store_idx %arg7[%min3A_85, %iota3A], %broadcast_in_dim3A_11 {add = true} : memref<1024x16xf32, #tpu.memory_space<vmem>>[vector<16xi32>, vector<16xi32>], vector<16xf32>,
      %broadcast_in_dim3A_86 = arith.constant 0 : i32
      %broadcast_in_dim3A_87 = vector.broadcast %broadcast_in_dim3A_86 : i32 to vector<16x1xi32>
      %gather3A = vector.shape_cast %broadcast_in_dim3A_87 : vector<16x1xi32> to vector<16xi32>
      %gather3A_88 = tpu.dynamic_gather %min3A_85[%gather3A] in [0] : vector<16xi32>, vector<16xi32> -> vector<16xi32>
      %slice3A = vector.extract_strided_slice %min3A_85 {offsets = [0], sizes = [1], strides = [1]} : vector<16xi32> to vector<1xi32>
      %squeeze3A = vector.extract %slice3A[0] : i32 from vector<1xi32>
      %slice3A_89 = vector.extract_strided_slice %min3A_85 {offsets = [15], sizes = [1], strides = [1]} : vector<16xi32> to vector<1xi32>
      %squeeze3A_90 = vector.extract %slice3A_89[0] : i32 from vector<1xi32>
      %eq3A_91 = arith.cmpi eq, %squeeze3A, %squeeze3A_90 : i32
      %convert_element_type3A_92 = arith.extui %eq3A_91 : i1 to i32
      %cond3A_93 = arith.constant 0 : i32
      %cond3A_94 = arith.cmpi ne, %convert_element_type3A_92, %cond3A_93 : i32
      scf.if %cond3A_94 {
        %add3A_99 = arith.constant 0 : i32
        %add3A_100 = arith.addi %mul3A_80, %add3A_99 : i32
        %get3A_101 = arith.constant 0 : i32
        %get3A_102 = arith.index_cast %get3A_101 : i32 to index
        %get3A_103 = arith.index_cast %add3A_100 : i32 to index
        %get3A_104 = arith.constant 0 : index
        %get3A_105 = tpu.vector_load %arg8[%get3A_102, %get3A_103, %get3A_104] {strides = array<i32>} : memref<2x160x64xf32, #tpu.memory_space<vmem>>, vector<16xf32>,
        %add3A_106 = arith.constant 1 : i32
        %add3A_107 = arith.addi %mul3A_80, %add3A_106 : i32
        %get3A_108 = arith.constant 0 : i32
        %get3A_109 = arith.index_cast %get3A_108 : i32 to index
        %get3A_110 = arith.index_cast %add3A_107 : i32 to index
        %get3A_111 = arith.constant 0 : index
        %get3A_112 = tpu.vector_load %arg8[%get3A_109, %get3A_110, %get3A_111] {strides = array<i32>} : memref<2x160x64xf32, #tpu.memory_space<vmem>>, vector<16xf32>,
        %add3A_113 = arith.constant 2 : i32
        %add3A_114 = arith.addi %mul3A_80, %add3A_113 : i32
        %get3A_115 = arith.constant 0 : i32
        %get3A_116 = arith.index_cast %get3A_115 : i32 to index
        %get3A_117 = arith.index_cast %add3A_114 : i32 to index
        %get3A_118 = arith.constant 0 : index
        %get3A_119 = tpu.vector_load %arg8[%get3A_116, %get3A_117, %get3A_118] {strides = array<i32>} : memref<2x160x64xf32, #tpu.memory_space<vmem>>, vector<16xf32>,
        %add3A_120 = arith.constant 3 : i32
        %add3A_121 = arith.addi %mul3A_80, %add3A_120 : i32
        %get3A_122 = arith.constant 0 : i32
        %get3A_123 = arith.index_cast %get3A_122 : i32 to index
        %get3A_124 = arith.index_cast %add3A_121 : i32 to index
        %get3A_125 = arith.constant 0 : index
        %get3A_126 = tpu.vector_load %arg8[%get3A_123, %get3A_124, %get3A_125] {strides = array<i32>} : memref<2x160x64xf32, #tpu.memory_space<vmem>>, vector<16xf32>,
        %add3A_127 = arith.constant 4 : i32
        %add3A_128 = arith.addi %mul3A_80, %add3A_127 : i32
        %get3A_129 = arith.constant 0 : i32
        %get3A_130 = arith.index_cast %get3A_129 : i32 to index
        %get3A_131 = arith.index_cast %add3A_128 : i32 to index
        %get3A_132 = arith.constant 0 : index
        %get3A_133 = tpu.vector_load %arg8[%get3A_130, %get3A_131, %get3A_132] {strides = array<i32>} : memref<2x160x64xf32, #tpu.memory_space<vmem>>, vector<16xf32>,
        %add3A_134 = arith.constant 5 : i32
        %add3A_135 = arith.addi %mul3A_80, %add3A_134 : i32
        %get3A_136 = arith.constant 0 : i32
        %get3A_137 = arith.index_cast %get3A_136 : i32 to index
        %get3A_138 = arith.index_cast %add3A_135 : i32 to index
        %get3A_139 = arith.constant 0 : index
        %get3A_140 = tpu.vector_load %arg8[%get3A_137, %get3A_138, %get3A_139] {strides = array<i32>} : memref<2x160x64xf32, #tpu.memory_space<vmem>>, vector<16xf32>,
        %add3A_141 = arith.constant 6 : i32
        %add3A_142 = arith.addi %mul3A_80, %add3A_141 : i32
        %get3A_143 = arith.constant 0 : i32
        %get3A_144 = arith.index_cast %get3A_143 : i32 to index
        %get3A_145 = arith.index_cast %add3A_142 : i32 to index
        %get3A_146 = arith.constant 0 : index
        %get3A_147 = tpu.vector_load %arg8[%get3A_144, %get3A_145, %get3A_146] {strides = array<i32>} : memref<2x160x64xf32, #tpu.memory_space<vmem>>, vector<16xf32>,
        %add3A_148 = arith.constant 7 : i32
        %add3A_149 = arith.addi %mul3A_80, %add3A_148 : i32
        %get3A_150 = arith.constant 0 : i32
        %get3A_151 = arith.index_cast %get3A_150 : i32 to index
        %get3A_152 = arith.index_cast %add3A_149 : i32 to index
        %get3A_153 = arith.constant 0 : index
        %get3A_154 = tpu.vector_load %arg8[%get3A_151, %get3A_152, %get3A_153] {strides = array<i32>} : memref<2x160x64xf32, #tpu.memory_space<vmem>>, vector<16xf32>,
        %add3A_155 = arith.constant 8 : i32
        %add3A_156 = arith.addi %mul3A_80, %add3A_155 : i32
        %get3A_157 = arith.constant 0 : i32
        %get3A_158 = arith.index_cast %get3A_157 : i32 to index
        %get3A_159 = arith.index_cast %add3A_156 : i32 to index
        %get3A_160 = arith.constant 0 : index
        %get3A_161 = tpu.vector_load %arg8[%get3A_158, %get3A_159, %get3A_160] {strides = array<i32>} : memref<2x160x64xf32, #tpu.memory_space<vmem>>, vector<16xf32>,
        %add3A_162 = arith.constant 9 : i32
        %add3A_163 = arith.addi %mul3A_80, %add3A_162 : i32
        %get3A_164 = arith.constant 0 : i32
        %get3A_165 = arith.index_cast %get3A_164 : i32 to index
        %get3A_166 = arith.index_cast %add3A_163 : i32 to index
        %get3A_167 = arith.constant 0 : index
        %get3A_168 = tpu.vector_load %arg8[%get3A_165, %get3A_166, %get3A_167] {strides = array<i32>} : memref<2x160x64xf32, #tpu.memory_space<vmem>>, vector<16xf32>,
        %add3A_169 = arith.constant 10 : i32
        %add3A_170 = arith.addi %mul3A_80, %add3A_169 : i32
        %get3A_171 = arith.constant 0 : i32
        %get3A_172 = arith.index_cast %get3A_171 : i32 to index
        %get3A_173 = arith.index_cast %add3A_170 : i32 to index
        %get3A_174 = arith.constant 0 : index
        %get3A_175 = tpu.vector_load %arg8[%get3A_172, %get3A_173, %get3A_174] {strides = array<i32>} : memref<2x160x64xf32, #tpu.memory_space<vmem>>, vector<16xf32>,
        %add3A_176 = arith.constant 11 : i32
        %add3A_177 = arith.addi %mul3A_80, %add3A_176 : i32
        %get3A_178 = arith.constant 0 : i32
        %get3A_179 = arith.index_cast %get3A_178 : i32 to index
        %get3A_180 = arith.index_cast %add3A_177 : i32 to index
        %get3A_181 = arith.constant 0 : index
        %get3A_182 = tpu.vector_load %arg8[%get3A_179, %get3A_180, %get3A_181] {strides = array<i32>} : memref<2x160x64xf32, #tpu.memory_space<vmem>>, vector<16xf32>,
        %add3A_183 = arith.constant 12 : i32
        %add3A_184 = arith.addi %mul3A_80, %add3A_183 : i32
        %get3A_185 = arith.constant 0 : i32
        %get3A_186 = arith.index_cast %get3A_185 : i32 to index
        %get3A_187 = arith.index_cast %add3A_184 : i32 to index
        %get3A_188 = arith.constant 0 : index
        %get3A_189 = tpu.vector_load %arg8[%get3A_186, %get3A_187, %get3A_188] {strides = array<i32>} : memref<2x160x64xf32, #tpu.memory_space<vmem>>, vector<16xf32>,
        %add3A_190 = arith.constant 13 : i32
        %add3A_191 = arith.addi %mul3A_80, %add3A_190 : i32
        %get3A_192 = arith.constant 0 : i32
        %get3A_193 = arith.index_cast %get3A_192 : i32 to index
        %get3A_194 = arith.index_cast %add3A_191 : i32 to index
        %get3A_195 = arith.constant 0 : index
        %get3A_196 = tpu.vector_load %arg8[%get3A_193, %get3A_194, %get3A_195] {strides = array<i32>} : memref<2x160x64xf32, #tpu.memory_space<vmem>>, vector<16xf32>,
        %add3A_197 = arith.constant 14 : i32
        %add3A_198 = arith.addi %mul3A_80, %add3A_197 : i32
        %get3A_199 = arith.constant 0 : i32
        %get3A_200 = arith.index_cast %get3A_199 : i32 to index
        %get3A_201 = arith.index_cast %add3A_198 : i32 to index
        %get3A_202 = arith.constant 0 : index
        %get3A_203 = tpu.vector_load %arg8[%get3A_200, %get3A_201, %get3A_202] {strides = array<i32>} : memref<2x160x64xf32, #tpu.memory_space<vmem>>, vector<16xf32>,
        %add3A_204 = arith.constant 15 : i32
        %add3A_205 = arith.addi %mul3A_80, %add3A_204 : i32
        %get3A_206 = arith.constant 0 : i32
        %get3A_207 = arith.index_cast %get3A_206 : i32 to index
        %get3A_208 = arith.index_cast %add3A_205 : i32 to index
        %get3A_209 = arith.constant 0 : index
        %get3A_210 = tpu.vector_load %arg8[%get3A_207, %get3A_208, %get3A_209] {strides = array<i32>} : memref<2x160x64xf32, #tpu.memory_space<vmem>>, vector<16xf32>,
        %add3A_211 = arith.addf %get3A_105, %get3A_112 : vector<16xf32>
        %add3A_212 = arith.addf %get3A_119, %get3A_126 : vector<16xf32>
        %add3A_213 = arith.addf %get3A_133, %get3A_140 : vector<16xf32>
        %add3A_214 = arith.addf %get3A_147, %get3A_154 : vector<16xf32>
        %add3A_215 = arith.addf %get3A_161, %get3A_168 : vector<16xf32>
        %add3A_216 = arith.addf %get3A_175, %get3A_182 : vector<16xf32>
        %add3A_217 = arith.addf %get3A_189, %get3A_196 : vector<16xf32>
        %add3A_218 = arith.addf %get3A_203, %get3A_210 : vector<16xf32>
        %add3A_219 = arith.addf %add3A_211, %add3A_212 : vector<16xf32>
        %add3A_220 = arith.addf %add3A_213, %add3A_214 : vector<16xf32>
        %add3A_221 = arith.addf %add3A_215, %add3A_216 : vector<16xf32>
        %add3A_222 = arith.addf %add3A_217, %add3A_218 : vector<16xf32>
        %add3A_223 = arith.addf %add3A_219, %add3A_220 : vector<16xf32>
        %add3A_224 = arith.addf %add3A_221, %add3A_222 : vector<16xf32>
        %add3A_225 = arith.addf %add3A_223, %add3A_224 : vector<16xf32>
        tpu.vector_store_idx %arg6[%gather3A_88, %add3A_1], %add3A_225 {add = true} : memref<1024x64xf32, #tpu.memory_space<vmem>>[vector<16xi32>, vector<16xi32>], vector<16xf32>,
        %add3A_226 = arith.constant 0 : i32
        %add3A_227 = arith.addi %mul3A_80, %add3A_226 : i32
        %get3A_228 = arith.constant 0 : i32
        %get3A_229 = arith.index_cast %get3A_228 : i32 to index
        %get3A_230 = arith.index_cast %add3A_227 : i32 to index
        %get3A_231 = arith.constant 16 : index
        %get3A_232 = tpu.vector_load %arg8[%get3A_229, %get3A_230, %get3A_231] {strides = array<i32>} : memref<2x160x64xf32, #tpu.memory_space<vmem>>, vector<16xf32>,
        %add3A_233 = arith.constant 1 : i32
        %add3A_234 = arith.addi %mul3A_80, %add3A_233 : i32
        %get3A_235 = arith.constant 0 : i32
        %get3A_236 = arith.index_cast %get3A_235 : i32 to index
        %get3A_237 = arith.index_cast %add3A_234 : i32 to index
        %get3A_238 = arith.constant 16 : index
        %get3A_239 = tpu.vector_load %arg8[%get3A_236, %get3A_237, %get3A_238] {strides = array<i32>} : memref<2x160x64xf32, #tpu.memory_space<vmem>>, vector<16xf32>,
        %add3A_240 = arith.constant 2 : i32
        %add3A_241 = arith.addi %mul3A_80, %add3A_240 : i32
        %get3A_242 = arith.constant 0 : i32
        %get3A_243 = arith.index_cast %get3A_242 : i32 to index
        %get3A_244 = arith.index_cast %add3A_241 : i32 to index
        %get3A_245 = arith.constant 16 : index
        %get3A_246 = tpu.vector_load %arg8[%get3A_243, %get3A_244, %get3A_245] {strides = array<i32>} : memref<2x160x64xf32, #tpu.memory_space<vmem>>, vector<16xf32>,
        %add3A_247 = arith.constant 3 : i32
        %add3A_248 = arith.addi %mul3A_80, %add3A_247 : i32
        %get3A_249 = arith.constant 0 : i32
        %get3A_250 = arith.index_cast %get3A_249 : i32 to index
        %get3A_251 = arith.index_cast %add3A_248 : i32 to index
        %get3A_252 = arith.constant 16 : index
        %get3A_253 = tpu.vector_load %arg8[%get3A_250, %get3A_251, %get3A_252] {strides = array<i32>} : memref<2x160x64xf32, #tpu.memory_space<vmem>>, vector<16xf32>,
        %add3A_254 = arith.constant 4 : i32
        %add3A_255 = arith.addi %mul3A_80, %add3A_254 : i32
        %get3A_256 = arith.constant 0 : i32
        %get3A_257 = arith.index_cast %get3A_256 : i32 to index
        %get3A_258 = arith.index_cast %add3A_255 : i32 to index
        %get3A_259 = arith.constant 16 : index
        %get3A_260 = tpu.vector_load %arg8[%get3A_257, %get3A_258, %get3A_259] {strides = array<i32>} : memref<2x160x64xf32, #tpu.memory_space<vmem>>, vector<16xf32>,
        %add3A_261 = arith.constant 5 : i32
        %add3A_262 = arith.addi %mul3A_80, %add3A_261 : i32
        %get3A_263 = arith.constant 0 : i32
        %get3A_264 = arith.index_cast %get3A_263 : i32 to index
        %get3A_265 = arith.index_cast %add3A_262 : i32 to index
        %get3A_266 = arith.constant 16 : index
        %get3A_267 = tpu.vector_load %arg8[%get3A_264, %get3A_265, %get3A_266] {strides = array<i32>} : memref<2x160x64xf32, #tpu.memory_space<vmem>>, vector<16xf32>,
        %add3A_268 = arith.constant 6 : i32
        %add3A_269 = arith.addi %mul3A_80, %add3A_268 : i32
        %get3A_270 = arith.constant 0 : i32
        %get3A_271 = arith.index_cast %get3A_270 : i32 to index
        %get3A_272 = arith.index_cast %add3A_269 : i32 to index
        %get3A_273 = arith.constant 16 : index
        %get3A_274 = tpu.vector_load %arg8[%get3A_271, %get3A_272, %get3A_273] {strides = array<i32>} : memref<2x160x64xf32, #tpu.memory_space<vmem>>, vector<16xf32>,
        %add3A_275 = arith.constant 7 : i32
        %add3A_276 = arith.addi %mul3A_80, %add3A_275 : i32
        %get3A_277 = arith.constant 0 : i32
        %get3A_278 = arith.index_cast %get3A_277 : i32 to index
        %get3A_279 = arith.index_cast %add3A_276 : i32 to index
        %get3A_280 = arith.constant 16 : index
        %get3A_281 = tpu.vector_load %arg8[%get3A_278, %get3A_279, %get3A_280] {strides = array<i32>} : memref<2x160x64xf32, #tpu.memory_space<vmem>>, vector<16xf32>,
        %add3A_282 = arith.constant 8 : i32
        %add3A_283 = arith.addi %mul3A_80, %add3A_282 : i32
        %get3A_284 = arith.constant 0 : i32
        %get3A_285 = arith.index_cast %get3A_284 : i32 to index
        %get3A_286 = arith.index_cast %add3A_283 : i32 to index
        %get3A_287 = arith.constant 16 : index
        %get3A_288 = tpu.vector_load %arg8[%get3A_285, %get3A_286, %get3A_287] {strides = array<i32>} : memref<2x160x64xf32, #tpu.memory_space<vmem>>, vector<16xf32>,
        %add3A_289 = arith.constant 9 : i32
        %add3A_290 = arith.addi %mul3A_80, %add3A_289 : i32
        %get3A_291 = arith.constant 0 : i32
        %get3A_292 = arith.index_cast %get3A_291 : i32 to index
        %get3A_293 = arith.index_cast %add3A_290 : i32 to index
        %get3A_294 = arith.constant 16 : index
        %get3A_295 = tpu.vector_load %arg8[%get3A_292, %get3A_293, %get3A_294] {strides = array<i32>} : memref<2x160x64xf32, #tpu.memory_space<vmem>>, vector<16xf32>,
        %add3A_296 = arith.constant 10 : i32
        %add3A_297 = arith.addi %mul3A_80, %add3A_296 : i32
        %get3A_298 = arith.constant 0 : i32
        %get3A_299 = arith.index_cast %get3A_298 : i32 to index
        %get3A_300 = arith.index_cast %add3A_297 : i32 to index
        %get3A_301 = arith.constant 16 : index
        %get3A_302 = tpu.vector_load %arg8[%get3A_299, %get3A_300, %get3A_301] {strides = array<i32>} : memref<2x160x64xf32, #tpu.memory_space<vmem>>, vector<16xf32>,
        %add3A_303 = arith.constant 11 : i32
        %add3A_304 = arith.addi %mul3A_80, %add3A_303 : i32
        %get3A_305 = arith.constant 0 : i32
        %get3A_306 = arith.index_cast %get3A_305 : i32 to index
        %get3A_307 = arith.index_cast %add3A_304 : i32 to index
        %get3A_308 = arith.constant 16 : index
        %get3A_309 = tpu.vector_load %arg8[%get3A_306, %get3A_307, %get3A_308] {strides = array<i32>} : memref<2x160x64xf32, #tpu.memory_space<vmem>>, vector<16xf32>,
        %add3A_310 = arith.constant 12 : i32
        %add3A_311 = arith.addi %mul3A_80, %add3A_310 : i32
        %get3A_312 = arith.constant 0 : i32
        %get3A_313 = arith.index_cast %get3A_312 : i32 to index
        %get3A_314 = arith.index_cast %add3A_311 : i32 to index
        %get3A_315 = arith.constant 16 : index
        %get3A_316 = tpu.vector_load %arg8[%get3A_313, %get3A_314, %get3A_315] {strides = array<i32>} : memref<2x160x64xf32, #tpu.memory_space<vmem>>, vector<16xf32>,
        %add3A_317 = arith.constant 13 : i32
        %add3A_318 = arith.addi %mul3A_80, %add3A_317 : i32
        %get3A_319 = arith.constant 0 : i32
        %get3A_320 = arith.index_cast %get3A_319 : i32 to index
        %get3A_321 = arith.index_cast %add3A_318 : i32 to index
        %get3A_322 = arith.constant 16 : index
        %get3A_323 = tpu.vector_load %arg8[%get3A_320, %get3A_321, %get3A_322] {strides = array<i32>} : memref<2x160x64xf32, #tpu.memory_space<vmem>>, vector<16xf32>,
        %add3A_324 = arith.constant 14 : i32
        %add3A_325 = arith.addi %mul3A_80, %add3A_324 : i32
        %get3A_326 = arith.constant 0 : i32
        %get3A_327 = arith.index_cast %get3A_326 : i32 to index
        %get3A_328 = arith.index_cast %add3A_325 : i32 to index
        %get3A_329 = arith.constant 16 : index
        %get3A_330 = tpu.vector_load %arg8[%get3A_327, %get3A_328, %get3A_329] {strides = array<i32>} : memref<2x160x64xf32, #tpu.memory_space<vmem>>, vector<16xf32>,
        %add3A_331 = arith.constant 15 : i32
        %add3A_332 = arith.addi %mul3A_80, %add3A_331 : i32
        %get3A_333 = arith.constant 0 : i32
        %get3A_334 = arith.index_cast %get3A_333 : i32 to index
        %get3A_335 = arith.index_cast %add3A_332 : i32 to index
        %get3A_336 = arith.constant 16 : index
        %get3A_337 = tpu.vector_load %arg8[%get3A_334, %get3A_335, %get3A_336] {strides = array<i32>} : memref<2x160x64xf32, #tpu.memory_space<vmem>>, vector<16xf32>,
        %add3A_338 = arith.addf %get3A_232, %get3A_239 : vector<16xf32>
        %add3A_339 = arith.addf %get3A_246, %get3A_253 : vector<16xf32>
        %add3A_340 = arith.addf %get3A_260, %get3A_267 : vector<16xf32>
        %add3A_341 = arith.addf %get3A_274, %get3A_281 : vector<16xf32>
        %add3A_342 = arith.addf %get3A_288, %get3A_295 : vector<16xf32>
        %add3A_343 = arith.addf %get3A_302, %get3A_309 : vector<16xf32>
        %add3A_344 = arith.addf %get3A_316, %get3A_323 : vector<16xf32>
        %add3A_345 = arith.addf %get3A_330, %get3A_337 : vector<16xf32>
        %add3A_346 = arith.addf %add3A_338, %add3A_339 : vector<16xf32>
        %add3A_347 = arith.addf %add3A_340, %add3A_341 : vector<16xf32>
        %add3A_348 = arith.addf %add3A_342, %add3A_343 : vector<16xf32>
        %add3A_349 = arith.addf %add3A_344, %add3A_345 : vector<16xf32>
        %add3A_350 = arith.addf %add3A_346, %add3A_347 : vector<16xf32>
        %add3A_351 = arith.addf %add3A_348, %add3A_349 : vector<16xf32>
        %add3A_352 = arith.addf %add3A_350, %add3A_351 : vector<16xf32>
        tpu.vector_store_idx %arg6[%gather3A_88, %add3A_4], %add3A_352 {add = true} : memref<1024x64xf32, #tpu.memory_space<vmem>>[vector<16xi32>, vector<16xi32>], vector<16xf32>,
        %add3A_353 = arith.constant 0 : i32
        %add3A_354 = arith.addi %mul3A_80, %add3A_353 : i32
        %get3A_355 = arith.constant 0 : i32
        %get3A_356 = arith.index_cast %get3A_355 : i32 to index
        %get3A_357 = arith.index_cast %add3A_354 : i32 to index
        %get3A_358 = arith.constant 32 : index
        %get3A_359 = tpu.vector_load %arg8[%get3A_356, %get3A_357, %get3A_358] {strides = array<i32>} : memref<2x160x64xf32, #tpu.memory_space<vmem>>, vector<16xf32>,
        %add3A_360 = arith.constant 1 : i32
        %add3A_361 = arith.addi %mul3A_80, %add3A_360 : i32
        %get3A_362 = arith.constant 0 : i32
        %get3A_363 = arith.index_cast %get3A_362 : i32 to index
        %get3A_364 = arith.index_cast %add3A_361 : i32 to index
        %get3A_365 = arith.constant 32 : index
        %get3A_366 = tpu.vector_load %arg8[%get3A_363, %get3A_364, %get3A_365] {strides = array<i32>} : memref<2x160x64xf32, #tpu.memory_space<vmem>>, vector<16xf32>,
        %add3A_367 = arith.constant 2 : i32
        %add3A_368 = arith.addi %mul3A_80, %add3A_367 : i32
        %get3A_369 = arith.constant 0 : i32
        %get3A_370 = arith.index_cast %get3A_369 : i32 to index
        %get3A_371 = arith.index_cast %add3A_368 : i32 to index
        %get3A_372 = arith.constant 32 : index
        %get3A_373 = tpu.vector_load %arg8[%get3A_370, %get3A_371, %get3A_372] {strides = array<i32>} : memref<2x160x64xf32, #tpu.memory_space<vmem>>, vector<16xf32>,
        %add3A_374 = arith.constant 3 : i32
        %add3A_375 = arith.addi %mul3A_80, %add3A_374 : i32
        %get3A_376 = arith.constant 0 : i32
        %get3A_377 = arith.index_cast %get3A_376 : i32 to index
        %get3A_378 = arith.index_cast %add3A_375 : i32 to index
        %get3A_379 = arith.constant 32 : index
        %get3A_380 = tpu.vector_load %arg8[%get3A_377, %get3A_378, %get3A_379] {strides = array<i32>} : memref<2x160x64xf32, #tpu.memory_space<vmem>>, vector<16xf32>,
        %add3A_381 = arith.constant 4 : i32
        %add3A_382 = arith.addi %mul3A_80, %add3A_381 : i32
        %get3A_383 = arith.constant 0 : i32
        %get3A_384 = arith.index_cast %get3A_383 : i32 to index
        %get3A_385 = arith.index_cast %add3A_382 : i32 to index
        %get3A_386 = arith.constant 32 : index
        %get3A_387 = tpu.vector_load %arg8[%get3A_384, %get3A_385, %get3A_386] {strides = array<i32>} : memref<2x160x64xf32, #tpu.memory_space<vmem>>, vector<16xf32>,
        %add3A_388 = arith.constant 5 : i32
        %add3A_389 = arith.addi %mul3A_80, %add3A_388 : i32
        %get3A_390 = arith.constant 0 : i32
        %get3A_391 = arith.index_cast %get3A_390 : i32 to index
        %get3A_392 = arith.index_cast %add3A_389 : i32 to index
        %get3A_393 = arith.constant 32 : index
        %get3A_394 = tpu.vector_load %arg8[%get3A_391, %get3A_392, %get3A_393] {strides = array<i32>} : memref<2x160x64xf32, #tpu.memory_space<vmem>>, vector<16xf32>,
        %add3A_395 = arith.constant 6 : i32
        %add3A_396 = arith.addi %mul3A_80, %add3A_395 : i32
        %get3A_397 = arith.constant 0 : i32
        %get3A_398 = arith.index_cast %get3A_397 : i32 to index
        %get3A_399 = arith.index_cast %add3A_396 : i32 to index
        %get3A_400 = arith.constant 32 : index
        %get3A_401 = tpu.vector_load %arg8[%get3A_398, %get3A_399, %get3A_400] {strides = array<i32>} : memref<2x160x64xf32, #tpu.memory_space<vmem>>, vector<16xf32>,
        %add3A_402 = arith.constant 7 : i32
        %add3A_403 = arith.addi %mul3A_80, %add3A_402 : i32
        %get3A_404 = arith.constant 0 : i32
        %get3A_405 = arith.index_cast %get3A_404 : i32 to index
        %get3A_406 = arith.index_cast %add3A_403 : i32 to index
        %get3A_407 = arith.constant 32 : index
        %get3A_408 = tpu.vector_load %arg8[%get3A_405, %get3A_406, %get3A_407] {strides = array<i32>} : memref<2x160x64xf32, #tpu.memory_space<vmem>>, vector<16xf32>,
        %add3A_409 = arith.constant 8 : i32
        %add3A_410 = arith.addi %mul3A_80, %add3A_409 : i32
        %get3A_411 = arith.constant 0 : i32
        %get3A_412 = arith.index_cast %get3A_411 : i32 to index
        %get3A_413 = arith.index_cast %add3A_410 : i32 to index
        %get3A_414 = arith.constant 32 : index
        %get3A_415 = tpu.vector_load %arg8[%get3A_412, %get3A_413, %get3A_414] {strides = array<i32>} : memref<2x160x64xf32, #tpu.memory_space<vmem>>, vector<16xf32>,
        %add3A_416 = arith.constant 9 : i32
        %add3A_417 = arith.addi %mul3A_80, %add3A_416 : i32
        %get3A_418 = arith.constant 0 : i32
        %get3A_419 = arith.index_cast %get3A_418 : i32 to index
        %get3A_420 = arith.index_cast %add3A_417 : i32 to index
        %get3A_421 = arith.constant 32 : index
        %get3A_422 = tpu.vector_load %arg8[%get3A_419, %get3A_420, %get3A_421] {strides = array<i32>} : memref<2x160x64xf32, #tpu.memory_space<vmem>>, vector<16xf32>,
        %add3A_423 = arith.constant 10 : i32
        %add3A_424 = arith.addi %mul3A_80, %add3A_423 : i32
        %get3A_425 = arith.constant 0 : i32
        %get3A_426 = arith.index_cast %get3A_425 : i32 to index
        %get3A_427 = arith.index_cast %add3A_424 : i32 to index
        %get3A_428 = arith.constant 32 : index
        %get3A_429 = tpu.vector_load %arg8[%get3A_426, %get3A_427, %get3A_428] {strides = array<i32>} : memref<2x160x64xf32, #tpu.memory_space<vmem>>, vector<16xf32>,
        %add3A_430 = arith.constant 11 : i32
        %add3A_431 = arith.addi %mul3A_80, %add3A_430 : i32
        %get3A_432 = arith.constant 0 : i32
        %get3A_433 = arith.index_cast %get3A_432 : i32 to index
        %get3A_434 = arith.index_cast %add3A_431 : i32 to index
        %get3A_435 = arith.constant 32 : index
        %get3A_436 = tpu.vector_load %arg8[%get3A_433, %get3A_434, %get3A_435] {strides = array<i32>} : memref<2x160x64xf32, #tpu.memory_space<vmem>>, vector<16xf32>,
        %add3A_437 = arith.constant 12 : i32
        %add3A_438 = arith.addi %mul3A_80, %add3A_437 : i32
        %get3A_439 = arith.constant 0 : i32
        %get3A_440 = arith.index_cast %get3A_439 : i32 to index
        %get3A_441 = arith.index_cast %add3A_438 : i32 to index
        %get3A_442 = arith.constant 32 : index
        %get3A_443 = tpu.vector_load %arg8[%get3A_440, %get3A_441, %get3A_442] {strides = array<i32>} : memref<2x160x64xf32, #tpu.memory_space<vmem>>, vector<16xf32>,
        %add3A_444 = arith.constant 13 : i32
        %add3A_445 = arith.addi %mul3A_80, %add3A_444 : i32
        %get3A_446 = arith.constant 0 : i32
        %get3A_447 = arith.index_cast %get3A_446 : i32 to index
        %get3A_448 = arith.index_cast %add3A_445 : i32 to index
        %get3A_449 = arith.constant 32 : index
        %get3A_450 = tpu.vector_load %arg8[%get3A_447, %get3A_448, %get3A_449] {strides = array<i32>} : memref<2x160x64xf32, #tpu.memory_space<vmem>>, vector<16xf32>,
        %add3A_451 = arith.constant 14 : i32
        %add3A_452 = arith.addi %mul3A_80, %add3A_451 : i32
        %get3A_453 = arith.constant 0 : i32
        %get3A_454 = arith.index_cast %get3A_453 : i32 to index
        %get3A_455 = arith.index_cast %add3A_452 : i32 to index
        %get3A_456 = arith.constant 32 : index
        %get3A_457 = tpu.vector_load %arg8[%get3A_454, %get3A_455, %get3A_456] {strides = array<i32>} : memref<2x160x64xf32, #tpu.memory_space<vmem>>, vector<16xf32>,
        %add3A_458 = arith.constant 15 : i32
        %add3A_459 = arith.addi %mul3A_80, %add3A_458 : i32
        %get3A_460 = arith.constant 0 : i32
        %get3A_461 = arith.index_cast %get3A_460 : i32 to index
        %get3A_462 = arith.index_cast %add3A_459 : i32 to index
        %get3A_463 = arith.constant 32 : index
        %get3A_464 = tpu.vector_load %arg8[%get3A_461, %get3A_462, %get3A_463] {strides = array<i32>} : memref<2x160x64xf32, #tpu.memory_space<vmem>>, vector<16xf32>,
        %add3A_465 = arith.addf %get3A_359, %get3A_366 : vector<16xf32>
        %add3A_466 = arith.addf %get3A_373, %get3A_380 : vector<16xf32>
        %add3A_467 = arith.addf %get3A_387, %get3A_394 : vector<16xf32>
        %add3A_468 = arith.addf %get3A_401, %get3A_408 : vector<16xf32>
        %add3A_469 = arith.addf %get3A_415, %get3A_422 : vector<16xf32>
        %add3A_470 = arith.addf %get3A_429, %get3A_436 : vector<16xf32>
        %add3A_471 = arith.addf %get3A_443, %get3A_450 : vector<16xf32>
        %add3A_472 = arith.addf %get3A_457, %get3A_464 : vector<16xf32>
        %add3A_473 = arith.addf %add3A_465, %add3A_466 : vector<16xf32>
        %add3A_474 = arith.addf %add3A_467, %add3A_468 : vector<16xf32>
        %add3A_475 = arith.addf %add3A_469, %add3A_470 : vector<16xf32>
        %add3A_476 = arith.addf %add3A_471, %add3A_472 : vector<16xf32>
        %add3A_477 = arith.addf %add3A_473, %add3A_474 : vector<16xf32>
        %add3A_478 = arith.addf %add3A_475, %add3A_476 : vector<16xf32>
        %add3A_479 = arith.addf %add3A_477, %add3A_478 : vector<16xf32>
        tpu.vector_store_idx %arg6[%gather3A_88, %add3A_7], %add3A_479 {add = true} : memref<1024x64xf32, #tpu.memory_space<vmem>>[vector<16xi32>, vector<16xi32>], vector<16xf32>,
        %add3A_480 = arith.constant 0 : i32
        %add3A_481 = arith.addi %mul3A_80, %add3A_480 : i32
        %get3A_482 = arith.constant 0 : i32
        %get3A_483 = arith.index_cast %get3A_482 : i32 to index
        %get3A_484 = arith.index_cast %add3A_481 : i32 to index
        %get3A_485 = arith.constant 48 : index
        %get3A_486 = tpu.vector_load %arg8[%get3A_483, %get3A_484, %get3A_485] {strides = array<i32>} : memref<2x160x64xf32, #tpu.memory_space<vmem>>, vector<16xf32>,
        %add3A_487 = arith.constant 1 : i32
        %add3A_488 = arith.addi %mul3A_80, %add3A_487 : i32
        %get3A_489 = arith.constant 0 : i32
        %get3A_490 = arith.index_cast %get3A_489 : i32 to index
        %get3A_491 = arith.index_cast %add3A_488 : i32 to index
        %get3A_492 = arith.constant 48 : index
        %get3A_493 = tpu.vector_load %arg8[%get3A_490, %get3A_491, %get3A_492] {strides = array<i32>} : memref<2x160x64xf32, #tpu.memory_space<vmem>>, vector<16xf32>,
        %add3A_494 = arith.constant 2 : i32
        %add3A_495 = arith.addi %mul3A_80, %add3A_494 : i32
        %get3A_496 = arith.constant 0 : i32
        %get3A_497 = arith.index_cast %get3A_496 : i32 to index
        %get3A_498 = arith.index_cast %add3A_495 : i32 to index
        %get3A_499 = arith.constant 48 : index
        %get3A_500 = tpu.vector_load %arg8[%get3A_497, %get3A_498, %get3A_499] {strides = array<i32>} : memref<2x160x64xf32, #tpu.memory_space<vmem>>, vector<16xf32>,
        %add3A_501 = arith.constant 3 : i32
        %add3A_502 = arith.addi %mul3A_80, %add3A_501 : i32
        %get3A_503 = arith.constant 0 : i32
        %get3A_504 = arith.index_cast %get3A_503 : i32 to index
        %get3A_505 = arith.index_cast %add3A_502 : i32 to index
        %get3A_506 = arith.constant 48 : index
        %get3A_507 = tpu.vector_load %arg8[%get3A_504, %get3A_505, %get3A_506] {strides = array<i32>} : memref<2x160x64xf32, #tpu.memory_space<vmem>>, vector<16xf32>,
        %add3A_508 = arith.constant 4 : i32
        %add3A_509 = arith.addi %mul3A_80, %add3A_508 : i32
        %get3A_510 = arith.constant 0 : i32
        %get3A_511 = arith.index_cast %get3A_510 : i32 to index
        %get3A_512 = arith.index_cast %add3A_509 : i32 to index
        %get3A_513 = arith.constant 48 : index
        %get3A_514 = tpu.vector_load %arg8[%get3A_511, %get3A_512, %get3A_513] {strides = array<i32>} : memref<2x160x64xf32, #tpu.memory_space<vmem>>, vector<16xf32>,
        %add3A_515 = arith.constant 5 : i32
        %add3A_516 = arith.addi %mul3A_80, %add3A_515 : i32
        %get3A_517 = arith.constant 0 : i32
        %get3A_518 = arith.index_cast %get3A_517 : i32 to index
        %get3A_519 = arith.index_cast %add3A_516 : i32 to index
        %get3A_520 = arith.constant 48 : index
        %get3A_521 = tpu.vector_load %arg8[%get3A_518, %get3A_519, %get3A_520] {strides = array<i32>} : memref<2x160x64xf32, #tpu.memory_space<vmem>>, vector<16xf32>,
        %add3A_522 = arith.constant 6 : i32
        %add3A_523 = arith.addi %mul3A_80, %add3A_522 : i32
        %get3A_524 = arith.constant 0 : i32
        %get3A_525 = arith.index_cast %get3A_524 : i32 to index
        %get3A_526 = arith.index_cast %add3A_523 : i32 to index
        %get3A_527 = arith.constant 48 : index
        %get3A_528 = tpu.vector_load %arg8[%get3A_525, %get3A_526, %get3A_527] {strides = array<i32>} : memref<2x160x64xf32, #tpu.memory_space<vmem>>, vector<16xf32>,
        %add3A_529 = arith.constant 7 : i32
        %add3A_530 = arith.addi %mul3A_80, %add3A_529 : i32
        %get3A_531 = arith.constant 0 : i32
        %get3A_532 = arith.index_cast %get3A_531 : i32 to index
        %get3A_533 = arith.index_cast %add3A_530 : i32 to index
        %get3A_534 = arith.constant 48 : index
        %get3A_535 = tpu.vector_load %arg8[%get3A_532, %get3A_533, %get3A_534] {strides = array<i32>} : memref<2x160x64xf32, #tpu.memory_space<vmem>>, vector<16xf32>,
        %add3A_536 = arith.constant 8 : i32
        %add3A_537 = arith.addi %mul3A_80, %add3A_536 : i32
        %get3A_538 = arith.constant 0 : i32
        %get3A_539 = arith.index_cast %get3A_538 : i32 to index
        %get3A_540 = arith.index_cast %add3A_537 : i32 to index
        %get3A_541 = arith.constant 48 : index
        %get3A_542 = tpu.vector_load %arg8[%get3A_539, %get3A_540, %get3A_541] {strides = array<i32>} : memref<2x160x64xf32, #tpu.memory_space<vmem>>, vector<16xf32>,
        %add3A_543 = arith.constant 9 : i32
        %add3A_544 = arith.addi %mul3A_80, %add3A_543 : i32
        %get3A_545 = arith.constant 0 : i32
        %get3A_546 = arith.index_cast %get3A_545 : i32 to index
        %get3A_547 = arith.index_cast %add3A_544 : i32 to index
        %get3A_548 = arith.constant 48 : index
        %get3A_549 = tpu.vector_load %arg8[%get3A_546, %get3A_547, %get3A_548] {strides = array<i32>} : memref<2x160x64xf32, #tpu.memory_space<vmem>>, vector<16xf32>,
        %add3A_550 = arith.constant 10 : i32
        %add3A_551 = arith.addi %mul3A_80, %add3A_550 : i32
        %get3A_552 = arith.constant 0 : i32
        %get3A_553 = arith.index_cast %get3A_552 : i32 to index
        %get3A_554 = arith.index_cast %add3A_551 : i32 to index
        %get3A_555 = arith.constant 48 : index
        %get3A_556 = tpu.vector_load %arg8[%get3A_553, %get3A_554, %get3A_555] {strides = array<i32>} : memref<2x160x64xf32, #tpu.memory_space<vmem>>, vector<16xf32>,
        %add3A_557 = arith.constant 11 : i32
        %add3A_558 = arith.addi %mul3A_80, %add3A_557 : i32
        %get3A_559 = arith.constant 0 : i32
        %get3A_560 = arith.index_cast %get3A_559 : i32 to index
        %get3A_561 = arith.index_cast %add3A_558 : i32 to index
        %get3A_562 = arith.constant 48 : index
        %get3A_563 = tpu.vector_load %arg8[%get3A_560, %get3A_561, %get3A_562] {strides = array<i32>} : memref<2x160x64xf32, #tpu.memory_space<vmem>>, vector<16xf32>,
        %add3A_564 = arith.constant 12 : i32
        %add3A_565 = arith.addi %mul3A_80, %add3A_564 : i32
        %get3A_566 = arith.constant 0 : i32
        %get3A_567 = arith.index_cast %get3A_566 : i32 to index
        %get3A_568 = arith.index_cast %add3A_565 : i32 to index
        %get3A_569 = arith.constant 48 : index
        %get3A_570 = tpu.vector_load %arg8[%get3A_567, %get3A_568, %get3A_569] {strides = array<i32>} : memref<2x160x64xf32, #tpu.memory_space<vmem>>, vector<16xf32>,
        %add3A_571 = arith.constant 13 : i32
        %add3A_572 = arith.addi %mul3A_80, %add3A_571 : i32
        %get3A_573 = arith.constant 0 : i32
        %get3A_574 = arith.index_cast %get3A_573 : i32 to index
        %get3A_575 = arith.index_cast %add3A_572 : i32 to index
        %get3A_576 = arith.constant 48 : index
        %get3A_577 = tpu.vector_load %arg8[%get3A_574, %get3A_575, %get3A_576] {strides = array<i32>} : memref<2x160x64xf32, #tpu.memory_space<vmem>>, vector<16xf32>,
        %add3A_578 = arith.constant 14 : i32
        %add3A_579 = arith.addi %mul3A_80, %add3A_578 : i32
        %get3A_580 = arith.constant 0 : i32
        %get3A_581 = arith.index_cast %get3A_580 : i32 to index
        %get3A_582 = arith.index_cast %add3A_579 : i32 to index
        %get3A_583 = arith.constant 48 : index
        %get3A_584 = tpu.vector_load %arg8[%get3A_581, %get3A_582, %get3A_583] {strides = array<i32>} : memref<2x160x64xf32, #tpu.memory_space<vmem>>, vector<16xf32>,
        %add3A_585 = arith.constant 15 : i32
        %add3A_586 = arith.addi %mul3A_80, %add3A_585 : i32
        %get3A_587 = arith.constant 0 : i32
        %get3A_588 = arith.index_cast %get3A_587 : i32 to index
        %get3A_589 = arith.index_cast %add3A_586 : i32 to index
        %get3A_590 = arith.constant 48 : index
        %get3A_591 = tpu.vector_load %arg8[%get3A_588, %get3A_589, %get3A_590] {strides = array<i32>} : memref<2x160x64xf32, #tpu.memory_space<vmem>>, vector<16xf32>,
        %add3A_592 = arith.addf %get3A_486, %get3A_493 : vector<16xf32>
        %add3A_593 = arith.addf %get3A_500, %get3A_507 : vector<16xf32>
        %add3A_594 = arith.addf %get3A_514, %get3A_521 : vector<16xf32>
        %add3A_595 = arith.addf %get3A_528, %get3A_535 : vector<16xf32>
        %add3A_596 = arith.addf %get3A_542, %get3A_549 : vector<16xf32>
        %add3A_597 = arith.addf %get3A_556, %get3A_563 : vector<16xf32>
        %add3A_598 = arith.addf %get3A_570, %get3A_577 : vector<16xf32>
        %add3A_599 = arith.addf %get3A_584, %get3A_591 : vector<16xf32>
        %add3A_600 = arith.addf %add3A_592, %add3A_593 : vector<16xf32>
        %add3A_601 = arith.addf %add3A_594, %add3A_595 : vector<16xf32>
        %add3A_602 = arith.addf %add3A_596, %add3A_597 : vector<16xf32>
        %add3A_603 = arith.addf %add3A_598, %add3A_599 : vector<16xf32>
        %add3A_604 = arith.addf %add3A_600, %add3A_601 : vector<16xf32>
        %add3A_605 = arith.addf %add3A_602, %add3A_603 : vector<16xf32>
        %add3A_606 = arith.addf %add3A_604, %add3A_605 : vector<16xf32>
        tpu.vector_store_idx %arg6[%gather3A_88, %add3A_10], %add3A_606 {add = true} : memref<1024x64xf32, #tpu.memory_space<vmem>>[vector<16xi32>, vector<16xi32>], vector<16xf32>,
      } else {
      }
      %not3A = arith.constant true
      %not3A_95 = arith.xori %eq3A_91, %not3A : i1
      %convert_element_type3A_96 = arith.extui %not3A_95 : i1 to i32
      %cond3A_97 = arith.constant 0 : i32
      %cond3A_98 = arith.cmpi ne, %convert_element_type3A_96, %cond3A_97 : i32
      scf.if %cond3A_98 {
        %broadcast_in_dim3A_99 = arith.constant 0 : i32
        %broadcast_in_dim3A_100 = vector.broadcast %broadcast_in_dim3A_99 : i32 to vector<16x1xi32>
        %gather3A_101 = vector.shape_cast %broadcast_in_dim3A_100 : vector<16x1xi32> to vector<16xi32>
        %gather3A_102 = tpu.dynamic_gather %min3A_85[%gather3A_101] in [0] : vector<16xi32>, vector<16xi32> -> vector<16xi32>
        %add3A_103 = arith.constant 0 : i32
        %add3A_104 = arith.addi %mul3A_80, %add3A_103 : i32
        %get3A_105 = arith.constant 0 : i32
        %get3A_106 = arith.index_cast %get3A_105 : i32 to index
        %get3A_107 = arith.index_cast %add3A_104 : i32 to index
        %get3A_108 = arith.constant 0 : index
        %get3A_109 = tpu.vector_load %arg8[%get3A_106, %get3A_107, %get3A_108] {strides = array<i32>} : memref<2x160x64xf32, #tpu.memory_space<vmem>>, vector<16xf32>,
        tpu.vector_store_idx %arg6[%gather3A_102, %add3A_1], %get3A_109 {add = true} : memref<1024x64xf32, #tpu.memory_space<vmem>>[vector<16xi32>, vector<16xi32>], vector<16xf32>,
        %add3A_110 = arith.constant 0 : i32
        %add3A_111 = arith.addi %mul3A_80, %add3A_110 : i32
        %get3A_112 = arith.constant 0 : i32
        %get3A_113 = arith.index_cast %get3A_112 : i32 to index
        %get3A_114 = arith.index_cast %add3A_111 : i32 to index
        %get3A_115 = arith.constant 16 : index
        %get3A_116 = tpu.vector_load %arg8[%get3A_113, %get3A_114, %get3A_115] {strides = array<i32>} : memref<2x160x64xf32, #tpu.memory_space<vmem>>, vector<16xf32>,
        tpu.vector_store_idx %arg6[%gather3A_102, %add3A_4], %get3A_116 {add = true} : memref<1024x64xf32, #tpu.memory_space<vmem>>[vector<16xi32>, vector<16xi32>], vector<16xf32>,
        %add3A_117 = arith.constant 0 : i32
        %add3A_118 = arith.addi %mul3A_80, %add3A_117 : i32
        %get3A_119 = arith.constant 0 : i32
        %get3A_120 = arith.index_cast %get3A_119 : i32 to index
        %get3A_121 = arith.index_cast %add3A_118 : i32 to index
        %get3A_122 = arith.constant 32 : index
        %get3A_123 = tpu.vector_load %arg8[%get3A_120, %get3A_121, %get3A_122] {strides = array<i32>} : memref<2x160x64xf32, #tpu.memory_space<vmem>>, vector<16xf32>,
        tpu.vector_store_idx %arg6[%gather3A_102, %add3A_7], %get3A_123 {add = true} : memref<1024x64xf32, #tpu.memory_space<vmem>>[vector<16xi32>, vector<16xi32>], vector<16xf32>,
        %add3A_124 = arith.constant 0 : i32
        %add3A_125 = arith.addi %mul3A_80, %add3A_124 : i32
        %get3A_126 = arith.constant 0 : i32
        %get3A_127 = arith.index_cast %get3A_126 : i32 to index
        %get3A_128 = arith.index_cast %add3A_125 : i32 to index
        %get3A_129 = arith.constant 48 : index
        %get3A_130 = tpu.vector_load %arg8[%get3A_127, %get3A_128, %get3A_129] {strides = array<i32>} : memref<2x160x64xf32, #tpu.memory_space<vmem>>, vector<16xf32>,
        tpu.vector_store_idx %arg6[%gather3A_102, %add3A_10], %get3A_130 {add = true} : memref<1024x64xf32, #tpu.memory_space<vmem>>[vector<16xi32>, vector<16xi32>], vector<16xf32>,
        %broadcast_in_dim3A_131 = arith.constant 1 : i32
        %broadcast_in_dim3A_132 = vector.broadcast %broadcast_in_dim3A_131 : i32 to vector<16x1xi32>
        %gather3A_133 = vector.shape_cast %broadcast_in_dim3A_132 : vector<16x1xi32> to vector<16xi32>
        %gather3A_134 = tpu.dynamic_gather %min3A_85[%gather3A_133] in [0] : vector<16xi32>, vector<16xi32> -> vector<16xi32>
        %add3A_135 = arith.constant 1 : i32
        %add3A_136 = arith.addi %mul3A_80, %add3A_135 : i32
        %get3A_137 = arith.constant 0 : i32
        %get3A_138 = arith.index_cast %get3A_137 : i32 to index
        %get3A_139 = arith.index_cast %add3A_136 : i32 to index
        %get3A_140 = arith.constant 0 : index
        %get3A_141 = tpu.vector_load %arg8[%get3A_138, %get3A_139, %get3A_140] {strides = array<i32>} : memref<2x160x64xf32, #tpu.memory_space<vmem>>, vector<16xf32>,
        tpu.vector_store_idx %arg6[%gather3A_134, %add3A_1], %get3A_141 {add = true} : memref<1024x64xf32, #tpu.memory_space<vmem>>[vector<16xi32>, vector<16xi32>], vector<16xf32>,
        %add3A_142 = arith.constant 1 : i32
        %add3A_143 = arith.addi %mul3A_80, %add3A_142 : i32
        %get3A_144 = arith.constant 0 : i32
        %get3A_145 = arith.index_cast %get3A_144 : i32 to index
        %get3A_146 = arith.index_cast %add3A_143 : i32 to index
        %get3A_147 = arith.constant 16 : index
        %get3A_148 = tpu.vector_load %arg8[%get3A_145, %get3A_146, %get3A_147] {strides = array<i32>} : memref<2x160x64xf32, #tpu.memory_space<vmem>>, vector<16xf32>,
        tpu.vector_store_idx %arg6[%gather3A_134, %add3A_4], %get3A_148 {add = true} : memref<1024x64xf32, #tpu.memory_space<vmem>>[vector<16xi32>, vector<16xi32>], vector<16xf32>,
        %add3A_149 = arith.constant 1 : i32
        %add3A_150 = arith.addi %mul3A_80, %add3A_149 : i32
        %get3A_151 = arith.constant 0 : i32
        %get3A_152 = arith.index_cast %get3A_151 : i32 to index
        %get3A_153 = arith.index_cast %add3A_150 : i32 to index
        %get3A_154 = arith.constant 32 : index
        %get3A_155 = tpu.vector_load %arg8[%get3A_152, %get3A_153, %get3A_154] {strides = array<i32>} : memref<2x160x64xf32, #tpu.memory_space<vmem>>, vector<16xf32>,
        tpu.vector_store_idx %arg6[%gather3A_134, %add3A_7], %get3A_155 {add = true} : memref<1024x64xf32, #tpu.memory_space<vmem>>[vector<16xi32>, vector<16xi32>], vector<16xf32>,
        %add3A_156 = arith.constant 1 : i32
        %add3A_157 = arith.addi %mul3A_80, %add3A_156 : i32
        %get3A_158 = arith.constant 0 : i32
        %get3A_159 = arith.index_cast %get3A_158 : i32 to index
        %get3A_160 = arith.index_cast %add3A_157 : i32 to index
        %get3A_161 = arith.constant 48 : index
        %get3A_162 = tpu.vector_load %arg8[%get3A_159, %get3A_160, %get3A_161] {strides = array<i32>} : memref<2x160x64xf32, #tpu.memory_space<vmem>>, vector<16xf32>,
        tpu.vector_store_idx %arg6[%gather3A_134, %add3A_10], %get3A_162 {add = true} : memref<1024x64xf32, #tpu.memory_space<vmem>>[vector<16xi32>, vector<16xi32>], vector<16xf32>,
        %broadcast_in_dim3A_163 = arith.constant 2 : i32
        %broadcast_in_dim3A_164 = vector.broadcast %broadcast_in_dim3A_163 : i32 to vector<16x1xi32>
        %gather3A_165 = vector.shape_cast %broadcast_in_dim3A_164 : vector<16x1xi32> to vector<16xi32>
        %gather3A_166 = tpu.dynamic_gather %min3A_85[%gather3A_165] in [0] : vector<16xi32>, vector<16xi32> -> vector<16xi32>
        %add3A_167 = arith.constant 2 : i32
        %add3A_168 = arith.addi %mul3A_80, %add3A_167 : i32
        %get3A_169 = arith.constant 0 : i32
        %get3A_170 = arith.index_cast %get3A_169 : i32 to index
        %get3A_171 = arith.index_cast %add3A_168 : i32 to index
        %get3A_172 = arith.constant 0 : index
        %get3A_173 = tpu.vector_load %arg8[%get3A_170, %get3A_171, %get3A_172] {strides = array<i32>} : memref<2x160x64xf32, #tpu.memory_space<vmem>>, vector<16xf32>,
        tpu.vector_store_idx %arg6[%gather3A_166, %add3A_1], %get3A_173 {add = true} : memref<1024x64xf32, #tpu.memory_space<vmem>>[vector<16xi32>, vector<16xi32>], vector<16xf32>,
        %add3A_174 = arith.constant 2 : i32
        %add3A_175 = arith.addi %mul3A_80, %add3A_174 : i32
        %get3A_176 = arith.constant 0 : i32
        %get3A_177 = arith.index_cast %get3A_176 : i32 to index
        %get3A_178 = arith.index_cast %add3A_175 : i32 to index
        %get3A_179 = arith.constant 16 : index
        %get3A_180 = tpu.vector_load %arg8[%get3A_177, %get3A_178, %get3A_179] {strides = array<i32>} : memref<2x160x64xf32, #tpu.memory_space<vmem>>, vector<16xf32>,
        tpu.vector_store_idx %arg6[%gather3A_166, %add3A_4], %get3A_180 {add = true} : memref<1024x64xf32, #tpu.memory_space<vmem>>[vector<16xi32>, vector<16xi32>], vector<16xf32>,
        %add3A_181 = arith.constant 2 : i32
        %add3A_182 = arith.addi %mul3A_80, %add3A_181 : i32
        %get3A_183 = arith.constant 0 : i32
        %get3A_184 = arith.index_cast %get3A_183 : i32 to index
        %get3A_185 = arith.index_cast %add3A_182 : i32 to index
        %get3A_186 = arith.constant 32 : index
        %get3A_187 = tpu.vector_load %arg8[%get3A_184, %get3A_185, %get3A_186] {strides = array<i32>} : memref<2x160x64xf32, #tpu.memory_space<vmem>>, vector<16xf32>,
        tpu.vector_store_idx %arg6[%gather3A_166, %add3A_7], %get3A_187 {add = true} : memref<1024x64xf32, #tpu.memory_space<vmem>>[vector<16xi32>, vector<16xi32>], vector<16xf32>,
        %add3A_188 = arith.constant 2 : i32
        %add3A_189 = arith.addi %mul3A_80, %add3A_188 : i32
        %get3A_190 = arith.constant 0 : i32
        %get3A_191 = arith.index_cast %get3A_190 : i32 to index
        %get3A_192 = arith.index_cast %add3A_189 : i32 to index
        %get3A_193 = arith.constant 48 : index
        %get3A_194 = tpu.vector_load %arg8[%get3A_191, %get3A_192, %get3A_193] {strides = array<i32>} : memref<2x160x64xf32, #tpu.memory_space<vmem>>, vector<16xf32>,
        tpu.vector_store_idx %arg6[%gather3A_166, %add3A_10], %get3A_194 {add = true} : memref<1024x64xf32, #tpu.memory_space<vmem>>[vector<16xi32>, vector<16xi32>], vector<16xf32>,
        %broadcast_in_dim3A_195 = arith.constant 3 : i32
        %broadcast_in_dim3A_196 = vector.broadcast %broadcast_in_dim3A_195 : i32 to vector<16x1xi32>
        %gather3A_197 = vector.shape_cast %broadcast_in_dim3A_196 : vector<16x1xi32> to vector<16xi32>
        %gather3A_198 = tpu.dynamic_gather %min3A_85[%gather3A_197] in [0] : vector<16xi32>, vector<16xi32> -> vector<16xi32>
        %add3A_199 = arith.constant 3 : i32
        %add3A_200 = arith.addi %mul3A_80, %add3A_199 : i32
        %get3A_201 = arith.constant 0 : i32
        %get3A_202 = arith.index_cast %get3A_201 : i32 to index
        %get3A_203 = arith.index_cast %add3A_200 : i32 to index
        %get3A_204 = arith.constant 0 : index
        %get3A_205 = tpu.vector_load %arg8[%get3A_202, %get3A_203, %get3A_204] {strides = array<i32>} : memref<2x160x64xf32, #tpu.memory_space<vmem>>, vector<16xf32>,
        tpu.vector_store_idx %arg6[%gather3A_198, %add3A_1], %get3A_205 {add = true} : memref<1024x64xf32, #tpu.memory_space<vmem>>[vector<16xi32>, vector<16xi32>], vector<16xf32>,
        %add3A_206 = arith.constant 3 : i32
        %add3A_207 = arith.addi %mul3A_80, %add3A_206 : i32
        %get3A_208 = arith.constant 0 : i32
        %get3A_209 = arith.index_cast %get3A_208 : i32 to index
        %get3A_210 = arith.index_cast %add3A_207 : i32 to index
        %get3A_211 = arith.constant 16 : index
        %get3A_212 = tpu.vector_load %arg8[%get3A_209, %get3A_210, %get3A_211] {strides = array<i32>} : memref<2x160x64xf32, #tpu.memory_space<vmem>>, vector<16xf32>,
        tpu.vector_store_idx %arg6[%gather3A_198, %add3A_4], %get3A_212 {add = true} : memref<1024x64xf32, #tpu.memory_space<vmem>>[vector<16xi32>, vector<16xi32>], vector<16xf32>,
        %add3A_213 = arith.constant 3 : i32
        %add3A_214 = arith.addi %mul3A_80, %add3A_213 : i32
        %get3A_215 = arith.constant 0 : i32
        %get3A_216 = arith.index_cast %get3A_215 : i32 to index
        %get3A_217 = arith.index_cast %add3A_214 : i32 to index
        %get3A_218 = arith.constant 32 : index
        %get3A_219 = tpu.vector_load %arg8[%get3A_216, %get3A_217, %get3A_218] {strides = array<i32>} : memref<2x160x64xf32, #tpu.memory_space<vmem>>, vector<16xf32>,
        tpu.vector_store_idx %arg6[%gather3A_198, %add3A_7], %get3A_219 {add = true} : memref<1024x64xf32, #tpu.memory_space<vmem>>[vector<16xi32>, vector<16xi32>], vector<16xf32>,
        %add3A_220 = arith.constant 3 : i32
        %add3A_221 = arith.addi %mul3A_80, %add3A_220 : i32
        %get3A_222 = arith.constant 0 : i32
        %get3A_223 = arith.index_cast %get3A_222 : i32 to index
        %get3A_224 = arith.index_cast %add3A_221 : i32 to index
        %get3A_225 = arith.constant 48 : index
        %get3A_226 = tpu.vector_load %arg8[%get3A_223, %get3A_224, %get3A_225] {strides = array<i32>} : memref<2x160x64xf32, #tpu.memory_space<vmem>>, vector<16xf32>,
        tpu.vector_store_idx %arg6[%gather3A_198, %add3A_10], %get3A_226 {add = true} : memref<1024x64xf32, #tpu.memory_space<vmem>>[vector<16xi32>, vector<16xi32>], vector<16xf32>,
        %broadcast_in_dim3A_227 = arith.constant 4 : i32
        %broadcast_in_dim3A_228 = vector.broadcast %broadcast_in_dim3A_227 : i32 to vector<16x1xi32>
        %gather3A_229 = vector.shape_cast %broadcast_in_dim3A_228 : vector<16x1xi32> to vector<16xi32>
        %gather3A_230 = tpu.dynamic_gather %min3A_85[%gather3A_229] in [0] : vector<16xi32>, vector<16xi32> -> vector<16xi32>
        %add3A_231 = arith.constant 4 : i32
        %add3A_232 = arith.addi %mul3A_80, %add3A_231 : i32
        %get3A_233 = arith.constant 0 : i32
        %get3A_234 = arith.index_cast %get3A_233 : i32 to index
        %get3A_235 = arith.index_cast %add3A_232 : i32 to index
        %get3A_236 = arith.constant 0 : index
        %get3A_237 = tpu.vector_load %arg8[%get3A_234, %get3A_235, %get3A_236] {strides = array<i32>} : memref<2x160x64xf32, #tpu.memory_space<vmem>>, vector<16xf32>,
        tpu.vector_store_idx %arg6[%gather3A_230, %add3A_1], %get3A_237 {add = true} : memref<1024x64xf32, #tpu.memory_space<vmem>>[vector<16xi32>, vector<16xi32>], vector<16xf32>,
        %add3A_238 = arith.constant 4 : i32
        %add3A_239 = arith.addi %mul3A_80, %add3A_238 : i32
        %get3A_240 = arith.constant 0 : i32
        %get3A_241 = arith.index_cast %get3A_240 : i32 to index
        %get3A_242 = arith.index_cast %add3A_239 : i32 to index
        %get3A_243 = arith.constant 16 : index
        %get3A_244 = tpu.vector_load %arg8[%get3A_241, %get3A_242, %get3A_243] {strides = array<i32>} : memref<2x160x64xf32, #tpu.memory_space<vmem>>, vector<16xf32>,
        tpu.vector_store_idx %arg6[%gather3A_230, %add3A_4], %get3A_244 {add = true} : memref<1024x64xf32, #tpu.memory_space<vmem>>[vector<16xi32>, vector<16xi32>], vector<16xf32>,
        %add3A_245 = arith.constant 4 : i32
        %add3A_246 = arith.addi %mul3A_80, %add3A_245 : i32
        %get3A_247 = arith.constant 0 : i32
        %get3A_248 = arith.index_cast %get3A_247 : i32 to index
        %get3A_249 = arith.index_cast %add3A_246 : i32 to index
        %get3A_250 = arith.constant 32 : index
        %get3A_251 = tpu.vector_load %arg8[%get3A_248, %get3A_249, %get3A_250] {strides = array<i32>} : memref<2x160x64xf32, #tpu.memory_space<vmem>>, vector<16xf32>,
        tpu.vector_store_idx %arg6[%gather3A_230, %add3A_7], %get3A_251 {add = true} : memref<1024x64xf32, #tpu.memory_space<vmem>>[vector<16xi32>, vector<16xi32>], vector<16xf32>,
        %add3A_252 = arith.constant 4 : i32
        %add3A_253 = arith.addi %mul3A_80, %add3A_252 : i32
        %get3A_254 = arith.constant 0 : i32
        %get3A_255 = arith.index_cast %get3A_254 : i32 to index
        %get3A_256 = arith.index_cast %add3A_253 : i32 to index
        %get3A_257 = arith.constant 48 : index
        %get3A_258 = tpu.vector_load %arg8[%get3A_255, %get3A_256, %get3A_257] {strides = array<i32>} : memref<2x160x64xf32, #tpu.memory_space<vmem>>, vector<16xf32>,
        tpu.vector_store_idx %arg6[%gather3A_230, %add3A_10], %get3A_258 {add = true} : memref<1024x64xf32, #tpu.memory_space<vmem>>[vector<16xi32>, vector<16xi32>], vector<16xf32>,
        %broadcast_in_dim3A_259 = arith.constant 5 : i32
        %broadcast_in_dim3A_260 = vector.broadcast %broadcast_in_dim3A_259 : i32 to vector<16x1xi32>
        %gather3A_261 = vector.shape_cast %broadcast_in_dim3A_260 : vector<16x1xi32> to vector<16xi32>
        %gather3A_262 = tpu.dynamic_gather %min3A_85[%gather3A_261] in [0] : vector<16xi32>, vector<16xi32> -> vector<16xi32>
        %add3A_263 = arith.constant 5 : i32
        %add3A_264 = arith.addi %mul3A_80, %add3A_263 : i32
        %get3A_265 = arith.constant 0 : i32
        %get3A_266 = arith.index_cast %get3A_265 : i32 to index
        %get3A_267 = arith.index_cast %add3A_264 : i32 to index
        %get3A_268 = arith.constant 0 : index
        %get3A_269 = tpu.vector_load %arg8[%get3A_266, %get3A_267, %get3A_268] {strides = array<i32>} : memref<2x160x64xf32, #tpu.memory_space<vmem>>, vector<16xf32>,
        tpu.vector_store_idx %arg6[%gather3A_262, %add3A_1], %get3A_269 {add = true} : memref<1024x64xf32, #tpu.memory_space<vmem>>[vector<16xi32>, vector<16xi32>], vector<16xf32>,
        %add3A_270 = arith.constant 5 : i32
        %add3A_271 = arith.addi %mul3A_80, %add3A_270 : i32
        %get3A_272 = arith.constant 0 : i32
        %get3A_273 = arith.index_cast %get3A_272 : i32 to index
        %get3A_274 = arith.index_cast %add3A_271 : i32 to index
        %get3A_275 = arith.constant 16 : index
        %get3A_276 = tpu.vector_load %arg8[%get3A_273, %get3A_274, %get3A_275] {strides = array<i32>} : memref<2x160x64xf32, #tpu.memory_space<vmem>>, vector<16xf32>,
        tpu.vector_store_idx %arg6[%gather3A_262, %add3A_4], %get3A_276 {add = true} : memref<1024x64xf32, #tpu.memory_space<vmem>>[vector<16xi32>, vector<16xi32>], vector<16xf32>,
        %add3A_277 = arith.constant 5 : i32
        %add3A_278 = arith.addi %mul3A_80, %add3A_277 : i32
        %get3A_279 = arith.constant 0 : i32
        %get3A_280 = arith.index_cast %get3A_279 : i32 to index
        %get3A_281 = arith.index_cast %add3A_278 : i32 to index
        %get3A_282 = arith.constant 32 : index
        %get3A_283 = tpu.vector_load %arg8[%get3A_280, %get3A_281, %get3A_282] {strides = array<i32>} : memref<2x160x64xf32, #tpu.memory_space<vmem>>, vector<16xf32>,
        tpu.vector_store_idx %arg6[%gather3A_262, %add3A_7], %get3A_283 {add = true} : memref<1024x64xf32, #tpu.memory_space<vmem>>[vector<16xi32>, vector<16xi32>], vector<16xf32>,
        %add3A_284 = arith.constant 5 : i32
        %add3A_285 = arith.addi %mul3A_80, %add3A_284 : i32
        %get3A_286 = arith.constant 0 : i32
        %get3A_287 = arith.index_cast %get3A_286 : i32 to index
        %get3A_288 = arith.index_cast %add3A_285 : i32 to index
        %get3A_289 = arith.constant 48 : index
        %get3A_290 = tpu.vector_load %arg8[%get3A_287, %get3A_288, %get3A_289] {strides = array<i32>} : memref<2x160x64xf32, #tpu.memory_space<vmem>>, vector<16xf32>,
        tpu.vector_store_idx %arg6[%gather3A_262, %add3A_10], %get3A_290 {add = true} : memref<1024x64xf32, #tpu.memory_space<vmem>>[vector<16xi32>, vector<16xi32>], vector<16xf32>,
        %broadcast_in_dim3A_291 = arith.constant 6 : i32
        %broadcast_in_dim3A_292 = vector.broadcast %broadcast_in_dim3A_291 : i32 to vector<16x1xi32>
        %gather3A_293 = vector.shape_cast %broadcast_in_dim3A_292 : vector<16x1xi32> to vector<16xi32>
        %gather3A_294 = tpu.dynamic_gather %min3A_85[%gather3A_293] in [0] : vector<16xi32>, vector<16xi32> -> vector<16xi32>
        %add3A_295 = arith.constant 6 : i32
        %add3A_296 = arith.addi %mul3A_80, %add3A_295 : i32
        %get3A_297 = arith.constant 0 : i32
        %get3A_298 = arith.index_cast %get3A_297 : i32 to index
        %get3A_299 = arith.index_cast %add3A_296 : i32 to index
        %get3A_300 = arith.constant 0 : index
        %get3A_301 = tpu.vector_load %arg8[%get3A_298, %get3A_299, %get3A_300] {strides = array<i32>} : memref<2x160x64xf32, #tpu.memory_space<vmem>>, vector<16xf32>,
        tpu.vector_store_idx %arg6[%gather3A_294, %add3A_1], %get3A_301 {add = true} : memref<1024x64xf32, #tpu.memory_space<vmem>>[vector<16xi32>, vector<16xi32>], vector<16xf32>,
        %add3A_302 = arith.constant 6 : i32
        %add3A_303 = arith.addi %mul3A_80, %add3A_302 : i32
        %get3A_304 = arith.constant 0 : i32
        %get3A_305 = arith.index_cast %get3A_304 : i32 to index
        %get3A_306 = arith.index_cast %add3A_303 : i32 to index
        %get3A_307 = arith.constant 16 : index
        %get3A_308 = tpu.vector_load %arg8[%get3A_305, %get3A_306, %get3A_307] {strides = array<i32>} : memref<2x160x64xf32, #tpu.memory_space<vmem>>, vector<16xf32>,
        tpu.vector_store_idx %arg6[%gather3A_294, %add3A_4], %get3A_308 {add = true} : memref<1024x64xf32, #tpu.memory_space<vmem>>[vector<16xi32>, vector<16xi32>], vector<16xf32>,
        %add3A_309 = arith.constant 6 : i32
        %add3A_310 = arith.addi %mul3A_80, %add3A_309 : i32
        %get3A_311 = arith.constant 0 : i32
        %get3A_312 = arith.index_cast %get3A_311 : i32 to index
        %get3A_313 = arith.index_cast %add3A_310 : i32 to index
        %get3A_314 = arith.constant 32 : index
        %get3A_315 = tpu.vector_load %arg8[%get3A_312, %get3A_313, %get3A_314] {strides = array<i32>} : memref<2x160x64xf32, #tpu.memory_space<vmem>>, vector<16xf32>,
        tpu.vector_store_idx %arg6[%gather3A_294, %add3A_7], %get3A_315 {add = true} : memref<1024x64xf32, #tpu.memory_space<vmem>>[vector<16xi32>, vector<16xi32>], vector<16xf32>,
        %add3A_316 = arith.constant 6 : i32
        %add3A_317 = arith.addi %mul3A_80, %add3A_316 : i32
        %get3A_318 = arith.constant 0 : i32
        %get3A_319 = arith.index_cast %get3A_318 : i32 to index
        %get3A_320 = arith.index_cast %add3A_317 : i32 to index
        %get3A_321 = arith.constant 48 : index
        %get3A_322 = tpu.vector_load %arg8[%get3A_319, %get3A_320, %get3A_321] {strides = array<i32>} : memref<2x160x64xf32, #tpu.memory_space<vmem>>, vector<16xf32>,
        tpu.vector_store_idx %arg6[%gather3A_294, %add3A_10], %get3A_322 {add = true} : memref<1024x64xf32, #tpu.memory_space<vmem>>[vector<16xi32>, vector<16xi32>], vector<16xf32>,
        %broadcast_in_dim3A_323 = arith.constant 7 : i32
        %broadcast_in_dim3A_324 = vector.broadcast %broadcast_in_dim3A_323 : i32 to vector<16x1xi32>
        %gather3A_325 = vector.shape_cast %broadcast_in_dim3A_324 : vector<16x1xi32> to vector<16xi32>
        %gather3A_326 = tpu.dynamic_gather %min3A_85[%gather3A_325] in [0] : vector<16xi32>, vector<16xi32> -> vector<16xi32>
        %add3A_327 = arith.constant 7 : i32
        %add3A_328 = arith.addi %mul3A_80, %add3A_327 : i32
        %get3A_329 = arith.constant 0 : i32
        %get3A_330 = arith.index_cast %get3A_329 : i32 to index
        %get3A_331 = arith.index_cast %add3A_328 : i32 to index
        %get3A_332 = arith.constant 0 : index
        %get3A_333 = tpu.vector_load %arg8[%get3A_330, %get3A_331, %get3A_332] {strides = array<i32>} : memref<2x160x64xf32, #tpu.memory_space<vmem>>, vector<16xf32>,
        tpu.vector_store_idx %arg6[%gather3A_326, %add3A_1], %get3A_333 {add = true} : memref<1024x64xf32, #tpu.memory_space<vmem>>[vector<16xi32>, vector<16xi32>], vector<16xf32>,
        %add3A_334 = arith.constant 7 : i32
        %add3A_335 = arith.addi %mul3A_80, %add3A_334 : i32
        %get3A_336 = arith.constant 0 : i32
        %get3A_337 = arith.index_cast %get3A_336 : i32 to index
        %get3A_338 = arith.index_cast %add3A_335 : i32 to index
        %get3A_339 = arith.constant 16 : index
        %get3A_340 = tpu.vector_load %arg8[%get3A_337, %get3A_338, %get3A_339] {strides = array<i32>} : memref<2x160x64xf32, #tpu.memory_space<vmem>>, vector<16xf32>,
        tpu.vector_store_idx %arg6[%gather3A_326, %add3A_4], %get3A_340 {add = true} : memref<1024x64xf32, #tpu.memory_space<vmem>>[vector<16xi32>, vector<16xi32>], vector<16xf32>,
        %add3A_341 = arith.constant 7 : i32
        %add3A_342 = arith.addi %mul3A_80, %add3A_341 : i32
        %get3A_343 = arith.constant 0 : i32
        %get3A_344 = arith.index_cast %get3A_343 : i32 to index
        %get3A_345 = arith.index_cast %add3A_342 : i32 to index
        %get3A_346 = arith.constant 32 : index
        %get3A_347 = tpu.vector_load %arg8[%get3A_344, %get3A_345, %get3A_346] {strides = array<i32>} : memref<2x160x64xf32, #tpu.memory_space<vmem>>, vector<16xf32>,
        tpu.vector_store_idx %arg6[%gather3A_326, %add3A_7], %get3A_347 {add = true} : memref<1024x64xf32, #tpu.memory_space<vmem>>[vector<16xi32>, vector<16xi32>], vector<16xf32>,
        %add3A_348 = arith.constant 7 : i32
        %add3A_349 = arith.addi %mul3A_80, %add3A_348 : i32
        %get3A_350 = arith.constant 0 : i32
        %get3A_351 = arith.index_cast %get3A_350 : i32 to index
        %get3A_352 = arith.index_cast %add3A_349 : i32 to index
        %get3A_353 = arith.constant 48 : index
        %get3A_354 = tpu.vector_load %arg8[%get3A_351, %get3A_352, %get3A_353] {strides = array<i32>} : memref<2x160x64xf32, #tpu.memory_space<vmem>>, vector<16xf32>,
        tpu.vector_store_idx %arg6[%gather3A_326, %add3A_10], %get3A_354 {add = true} : memref<1024x64xf32, #tpu.memory_space<vmem>>[vector<16xi32>, vector<16xi32>], vector<16xf32>,
        %broadcast_in_dim3A_355 = arith.constant 8 : i32
        %broadcast_in_dim3A_356 = vector.broadcast %broadcast_in_dim3A_355 : i32 to vector<16x1xi32>
        %gather3A_357 = vector.shape_cast %broadcast_in_dim3A_356 : vector<16x1xi32> to vector<16xi32>
        %gather3A_358 = tpu.dynamic_gather %min3A_85[%gather3A_357] in [0] : vector<16xi32>, vector<16xi32> -> vector<16xi32>
        %add3A_359 = arith.constant 8 : i32
        %add3A_360 = arith.addi %mul3A_80, %add3A_359 : i32
        %get3A_361 = arith.constant 0 : i32
        %get3A_362 = arith.index_cast %get3A_361 : i32 to index
        %get3A_363 = arith.index_cast %add3A_360 : i32 to index
        %get3A_364 = arith.constant 0 : index
        %get3A_365 = tpu.vector_load %arg8[%get3A_362, %get3A_363, %get3A_364] {strides = array<i32>} : memref<2x160x64xf32, #tpu.memory_space<vmem>>, vector<16xf32>,
        tpu.vector_store_idx %arg6[%gather3A_358, %add3A_1], %get3A_365 {add = true} : memref<1024x64xf32, #tpu.memory_space<vmem>>[vector<16xi32>, vector<16xi32>], vector<16xf32>,
        %add3A_366 = arith.constant 8 : i32
        %add3A_367 = arith.addi %mul3A_80, %add3A_366 : i32
        %get3A_368 = arith.constant 0 : i32
        %get3A_369 = arith.index_cast %get3A_368 : i32 to index
        %get3A_370 = arith.index_cast %add3A_367 : i32 to index
        %get3A_371 = arith.constant 16 : index
        %get3A_372 = tpu.vector_load %arg8[%get3A_369, %get3A_370, %get3A_371] {strides = array<i32>} : memref<2x160x64xf32, #tpu.memory_space<vmem>>, vector<16xf32>,
        tpu.vector_store_idx %arg6[%gather3A_358, %add3A_4], %get3A_372 {add = true} : memref<1024x64xf32, #tpu.memory_space<vmem>>[vector<16xi32>, vector<16xi32>], vector<16xf32>,
        %add3A_373 = arith.constant 8 : i32
        %add3A_374 = arith.addi %mul3A_80, %add3A_373 : i32
        %get3A_375 = arith.constant 0 : i32
        %get3A_376 = arith.index_cast %get3A_375 : i32 to index
        %get3A_377 = arith.index_cast %add3A_374 : i32 to index
        %get3A_378 = arith.constant 32 : index
        %get3A_379 = tpu.vector_load %arg8[%get3A_376, %get3A_377, %get3A_378] {strides = array<i32>} : memref<2x160x64xf32, #tpu.memory_space<vmem>>, vector<16xf32>,
        tpu.vector_store_idx %arg6[%gather3A_358, %add3A_7], %get3A_379 {add = true} : memref<1024x64xf32, #tpu.memory_space<vmem>>[vector<16xi32>, vector<16xi32>], vector<16xf32>,
        %add3A_380 = arith.constant 8 : i32
        %add3A_381 = arith.addi %mul3A_80, %add3A_380 : i32
        %get3A_382 = arith.constant 0 : i32
        %get3A_383 = arith.index_cast %get3A_382 : i32 to index
        %get3A_384 = arith.index_cast %add3A_381 : i32 to index
        %get3A_385 = arith.constant 48 : index
        %get3A_386 = tpu.vector_load %arg8[%get3A_383, %get3A_384, %get3A_385] {strides = array<i32>} : memref<2x160x64xf32, #tpu.memory_space<vmem>>, vector<16xf32>,
        tpu.vector_store_idx %arg6[%gather3A_358, %add3A_10], %get3A_386 {add = true} : memref<1024x64xf32, #tpu.memory_space<vmem>>[vector<16xi32>, vector<16xi32>], vector<16xf32>,
        %broadcast_in_dim3A_387 = arith.constant 9 : i32
        %broadcast_in_dim3A_388 = vector.broadcast %broadcast_in_dim3A_387 : i32 to vector<16x1xi32>
        %gather3A_389 = vector.shape_cast %broadcast_in_dim3A_388 : vector<16x1xi32> to vector<16xi32>
        %gather3A_390 = tpu.dynamic_gather %min3A_85[%gather3A_389] in [0] : vector<16xi32>, vector<16xi32> -> vector<16xi32>
        %add3A_391 = arith.constant 9 : i32
        %add3A_392 = arith.addi %mul3A_80, %add3A_391 : i32
        %get3A_393 = arith.constant 0 : i32
        %get3A_394 = arith.index_cast %get3A_393 : i32 to index
        %get3A_395 = arith.index_cast %add3A_392 : i32 to index
        %get3A_396 = arith.constant 0 : index
        %get3A_397 = tpu.vector_load %arg8[%get3A_394, %get3A_395, %get3A_396] {strides = array<i32>} : memref<2x160x64xf32, #tpu.memory_space<vmem>>, vector<16xf32>,
        tpu.vector_store_idx %arg6[%gather3A_390, %add3A_1], %get3A_397 {add = true} : memref<1024x64xf32, #tpu.memory_space<vmem>>[vector<16xi32>, vector<16xi32>], vector<16xf32>,
        %add3A_398 = arith.constant 9 : i32
        %add3A_399 = arith.addi %mul3A_80, %add3A_398 : i32
        %get3A_400 = arith.constant 0 : i32
        %get3A_401 = arith.index_cast %get3A_400 : i32 to index
        %get3A_402 = arith.index_cast %add3A_399 : i32 to index
        %get3A_403 = arith.constant 16 : index
        %get3A_404 = tpu.vector_load %arg8[%get3A_401, %get3A_402, %get3A_403] {strides = array<i32>} : memref<2x160x64xf32, #tpu.memory_space<vmem>>, vector<16xf32>,
        tpu.vector_store_idx %arg6[%gather3A_390, %add3A_4], %get3A_404 {add = true} : memref<1024x64xf32, #tpu.memory_space<vmem>>[vector<16xi32>, vector<16xi32>], vector<16xf32>,
        %add3A_405 = arith.constant 9 : i32
        %add3A_406 = arith.addi %mul3A_80, %add3A_405 : i32
        %get3A_407 = arith.constant 0 : i32
        %get3A_408 = arith.index_cast %get3A_407 : i32 to index
        %get3A_409 = arith.index_cast %add3A_406 : i32 to index
        %get3A_410 = arith.constant 32 : index
        %get3A_411 = tpu.vector_load %arg8[%get3A_408, %get3A_409, %get3A_410] {strides = array<i32>} : memref<2x160x64xf32, #tpu.memory_space<vmem>>, vector<16xf32>,
        tpu.vector_store_idx %arg6[%gather3A_390, %add3A_7], %get3A_411 {add = true} : memref<1024x64xf32, #tpu.memory_space<vmem>>[vector<16xi32>, vector<16xi32>], vector<16xf32>,
        %add3A_412 = arith.constant 9 : i32
        %add3A_413 = arith.addi %mul3A_80, %add3A_412 : i32
        %get3A_414 = arith.constant 0 : i32
        %get3A_415 = arith.index_cast %get3A_414 : i32 to index
        %get3A_416 = arith.index_cast %add3A_413 : i32 to index
        %get3A_417 = arith.constant 48 : index
        %get3A_418 = tpu.vector_load %arg8[%get3A_415, %get3A_416, %get3A_417] {strides = array<i32>} : memref<2x160x64xf32, #tpu.memory_space<vmem>>, vector<16xf32>,
        tpu.vector_store_idx %arg6[%gather3A_390, %add3A_10], %get3A_418 {add = true} : memref<1024x64xf32, #tpu.memory_space<vmem>>[vector<16xi32>, vector<16xi32>], vector<16xf32>,
        %broadcast_in_dim3A_419 = arith.constant 10 : i32
        %broadcast_in_dim3A_420 = vector.broadcast %broadcast_in_dim3A_419 : i32 to vector<16x1xi32>
        %gather3A_421 = vector.shape_cast %broadcast_in_dim3A_420 : vector<16x1xi32> to vector<16xi32>
        %gather3A_422 = tpu.dynamic_gather %min3A_85[%gather3A_421] in [0] : vector<16xi32>, vector<16xi32> -> vector<16xi32>
        %add3A_423 = arith.constant 10 : i32
        %add3A_424 = arith.addi %mul3A_80, %add3A_423 : i32
        %get3A_425 = arith.constant 0 : i32
        %get3A_426 = arith.index_cast %get3A_425 : i32 to index
        %get3A_427 = arith.index_cast %add3A_424 : i32 to index
        %get3A_428 = arith.constant 0 : index
        %get3A_429 = tpu.vector_load %arg8[%get3A_426, %get3A_427, %get3A_428] {strides = array<i32>} : memref<2x160x64xf32, #tpu.memory_space<vmem>>, vector<16xf32>,
        tpu.vector_store_idx %arg6[%gather3A_422, %add3A_1], %get3A_429 {add = true} : memref<1024x64xf32, #tpu.memory_space<vmem>>[vector<16xi32>, vector<16xi32>], vector<16xf32>,
        %add3A_430 = arith.constant 10 : i32
        %add3A_431 = arith.addi %mul3A_80, %add3A_430 : i32
        %get3A_432 = arith.constant 0 : i32
        %get3A_433 = arith.index_cast %get3A_432 : i32 to index
        %get3A_434 = arith.index_cast %add3A_431 : i32 to index
        %get3A_435 = arith.constant 16 : index
        %get3A_436 = tpu.vector_load %arg8[%get3A_433, %get3A_434, %get3A_435] {strides = array<i32>} : memref<2x160x64xf32, #tpu.memory_space<vmem>>, vector<16xf32>,
        tpu.vector_store_idx %arg6[%gather3A_422, %add3A_4], %get3A_436 {add = true} : memref<1024x64xf32, #tpu.memory_space<vmem>>[vector<16xi32>, vector<16xi32>], vector<16xf32>,
        %add3A_437 = arith.constant 10 : i32
        %add3A_438 = arith.addi %mul3A_80, %add3A_437 : i32
        %get3A_439 = arith.constant 0 : i32
        %get3A_440 = arith.index_cast %get3A_439 : i32 to index
        %get3A_441 = arith.index_cast %add3A_438 : i32 to index
        %get3A_442 = arith.constant 32 : index
        %get3A_443 = tpu.vector_load %arg8[%get3A_440, %get3A_441, %get3A_442] {strides = array<i32>} : memref<2x160x64xf32, #tpu.memory_space<vmem>>, vector<16xf32>,
        tpu.vector_store_idx %arg6[%gather3A_422, %add3A_7], %get3A_443 {add = true} : memref<1024x64xf32, #tpu.memory_space<vmem>>[vector<16xi32>, vector<16xi32>], vector<16xf32>,
        %add3A_444 = arith.constant 10 : i32
        %add3A_445 = arith.addi %mul3A_80, %add3A_444 : i32
        %get3A_446 = arith.constant 0 : i32
        %get3A_447 = arith.index_cast %get3A_446 : i32 to index
        %get3A_448 = arith.index_cast %add3A_445 : i32 to index
        %get3A_449 = arith.constant 48 : index
        %get3A_450 = tpu.vector_load %arg8[%get3A_447, %get3A_448, %get3A_449] {strides = array<i32>} : memref<2x160x64xf32, #tpu.memory_space<vmem>>, vector<16xf32>,
        tpu.vector_store_idx %arg6[%gather3A_422, %add3A_10], %get3A_450 {add = true} : memref<1024x64xf32, #tpu.memory_space<vmem>>[vector<16xi32>, vector<16xi32>], vector<16xf32>,
        %broadcast_in_dim3A_451 = arith.constant 11 : i32
        %broadcast_in_dim3A_452 = vector.broadcast %broadcast_in_dim3A_451 : i32 to vector<16x1xi32>
        %gather3A_453 = vector.shape_cast %broadcast_in_dim3A_452 : vector<16x1xi32> to vector<16xi32>
        %gather3A_454 = tpu.dynamic_gather %min3A_85[%gather3A_453] in [0] : vector<16xi32>, vector<16xi32> -> vector<16xi32>
        %add3A_455 = arith.constant 11 : i32
        %add3A_456 = arith.addi %mul3A_80, %add3A_455 : i32
        %get3A_457 = arith.constant 0 : i32
        %get3A_458 = arith.index_cast %get3A_457 : i32 to index
        %get3A_459 = arith.index_cast %add3A_456 : i32 to index
        %get3A_460 = arith.constant 0 : index
        %get3A_461 = tpu.vector_load %arg8[%get3A_458, %get3A_459, %get3A_460] {strides = array<i32>} : memref<2x160x64xf32, #tpu.memory_space<vmem>>, vector<16xf32>,
        tpu.vector_store_idx %arg6[%gather3A_454, %add3A_1], %get3A_461 {add = true} : memref<1024x64xf32, #tpu.memory_space<vmem>>[vector<16xi32>, vector<16xi32>], vector<16xf32>,
        %add3A_462 = arith.constant 11 : i32
        %add3A_463 = arith.addi %mul3A_80, %add3A_462 : i32
        %get3A_464 = arith.constant 0 : i32
        %get3A_465 = arith.index_cast %get3A_464 : i32 to index
        %get3A_466 = arith.index_cast %add3A_463 : i32 to index
        %get3A_467 = arith.constant 16 : index
        %get3A_468 = tpu.vector_load %arg8[%get3A_465, %get3A_466, %get3A_467] {strides = array<i32>} : memref<2x160x64xf32, #tpu.memory_space<vmem>>, vector<16xf32>,
        tpu.vector_store_idx %arg6[%gather3A_454, %add3A_4], %get3A_468 {add = true} : memref<1024x64xf32, #tpu.memory_space<vmem>>[vector<16xi32>, vector<16xi32>], vector<16xf32>,
        %add3A_469 = arith.constant 11 : i32
        %add3A_470 = arith.addi %mul3A_80, %add3A_469 : i32
        %get3A_471 = arith.constant 0 : i32
        %get3A_472 = arith.index_cast %get3A_471 : i32 to index
        %get3A_473 = arith.index_cast %add3A_470 : i32 to index
        %get3A_474 = arith.constant 32 : index
        %get3A_475 = tpu.vector_load %arg8[%get3A_472, %get3A_473, %get3A_474] {strides = array<i32>} : memref<2x160x64xf32, #tpu.memory_space<vmem>>, vector<16xf32>,
        tpu.vector_store_idx %arg6[%gather3A_454, %add3A_7], %get3A_475 {add = true} : memref<1024x64xf32, #tpu.memory_space<vmem>>[vector<16xi32>, vector<16xi32>], vector<16xf32>,
        %add3A_476 = arith.constant 11 : i32
        %add3A_477 = arith.addi %mul3A_80, %add3A_476 : i32
        %get3A_478 = arith.constant 0 : i32
        %get3A_479 = arith.index_cast %get3A_478 : i32 to index
        %get3A_480 = arith.index_cast %add3A_477 : i32 to index
        %get3A_481 = arith.constant 48 : index
        %get3A_482 = tpu.vector_load %arg8[%get3A_479, %get3A_480, %get3A_481] {strides = array<i32>} : memref<2x160x64xf32, #tpu.memory_space<vmem>>, vector<16xf32>,
        tpu.vector_store_idx %arg6[%gather3A_454, %add3A_10], %get3A_482 {add = true} : memref<1024x64xf32, #tpu.memory_space<vmem>>[vector<16xi32>, vector<16xi32>], vector<16xf32>,
        %broadcast_in_dim3A_483 = arith.constant 12 : i32
        %broadcast_in_dim3A_484 = vector.broadcast %broadcast_in_dim3A_483 : i32 to vector<16x1xi32>
        %gather3A_485 = vector.shape_cast %broadcast_in_dim3A_484 : vector<16x1xi32> to vector<16xi32>
        %gather3A_486 = tpu.dynamic_gather %min3A_85[%gather3A_485] in [0] : vector<16xi32>, vector<16xi32> -> vector<16xi32>
        %add3A_487 = arith.constant 12 : i32
        %add3A_488 = arith.addi %mul3A_80, %add3A_487 : i32
        %get3A_489 = arith.constant 0 : i32
        %get3A_490 = arith.index_cast %get3A_489 : i32 to index
        %get3A_491 = arith.index_cast %add3A_488 : i32 to index
        %get3A_492 = arith.constant 0 : index
        %get3A_493 = tpu.vector_load %arg8[%get3A_490, %get3A_491, %get3A_492] {strides = array<i32>} : memref<2x160x64xf32, #tpu.memory_space<vmem>>, vector<16xf32>,
        tpu.vector_store_idx %arg6[%gather3A_486, %add3A_1], %get3A_493 {add = true} : memref<1024x64xf32, #tpu.memory_space<vmem>>[vector<16xi32>, vector<16xi32>], vector<16xf32>,
        %add3A_494 = arith.constant 12 : i32
        %add3A_495 = arith.addi %mul3A_80, %add3A_494 : i32
        %get3A_496 = arith.constant 0 : i32
        %get3A_497 = arith.index_cast %get3A_496 : i32 to index
        %get3A_498 = arith.index_cast %add3A_495 : i32 to index
        %get3A_499 = arith.constant 16 : index
        %get3A_500 = tpu.vector_load %arg8[%get3A_497, %get3A_498, %get3A_499] {strides = array<i32>} : memref<2x160x64xf32, #tpu.memory_space<vmem>>, vector<16xf32>,
        tpu.vector_store_idx %arg6[%gather3A_486, %add3A_4], %get3A_500 {add = true} : memref<1024x64xf32, #tpu.memory_space<vmem>>[vector<16xi32>, vector<16xi32>], vector<16xf32>,
        %add3A_501 = arith.constant 12 : i32
        %add3A_502 = arith.addi %mul3A_80, %add3A_501 : i32
        %get3A_503 = arith.constant 0 : i32
        %get3A_504 = arith.index_cast %get3A_503 : i32 to index
        %get3A_505 = arith.index_cast %add3A_502 : i32 to index
        %get3A_506 = arith.constant 32 : index
        %get3A_507 = tpu.vector_load %arg8[%get3A_504, %get3A_505, %get3A_506] {strides = array<i32>} : memref<2x160x64xf32, #tpu.memory_space<vmem>>, vector<16xf32>,
        tpu.vector_store_idx %arg6[%gather3A_486, %add3A_7], %get3A_507 {add = true} : memref<1024x64xf32, #tpu.memory_space<vmem>>[vector<16xi32>, vector<16xi32>], vector<16xf32>,
        %add3A_508 = arith.constant 12 : i32
        %add3A_509 = arith.addi %mul3A_80, %add3A_508 : i32
        %get3A_510 = arith.constant 0 : i32
        %get3A_511 = arith.index_cast %get3A_510 : i32 to index
        %get3A_512 = arith.index_cast %add3A_509 : i32 to index
        %get3A_513 = arith.constant 48 : index
        %get3A_514 = tpu.vector_load %arg8[%get3A_511, %get3A_512, %get3A_513] {strides = array<i32>} : memref<2x160x64xf32, #tpu.memory_space<vmem>>, vector<16xf32>,
        tpu.vector_store_idx %arg6[%gather3A_486, %add3A_10], %get3A_514 {add = true} : memref<1024x64xf32, #tpu.memory_space<vmem>>[vector<16xi32>, vector<16xi32>], vector<16xf32>,
        %broadcast_in_dim3A_515 = arith.constant 13 : i32
        %broadcast_in_dim3A_516 = vector.broadcast %broadcast_in_dim3A_515 : i32 to vector<16x1xi32>
        %gather3A_517 = vector.shape_cast %broadcast_in_dim3A_516 : vector<16x1xi32> to vector<16xi32>
        %gather3A_518 = tpu.dynamic_gather %min3A_85[%gather3A_517] in [0] : vector<16xi32>, vector<16xi32> -> vector<16xi32>
        %add3A_519 = arith.constant 13 : i32
        %add3A_520 = arith.addi %mul3A_80, %add3A_519 : i32
        %get3A_521 = arith.constant 0 : i32
        %get3A_522 = arith.index_cast %get3A_521 : i32 to index
        %get3A_523 = arith.index_cast %add3A_520 : i32 to index
        %get3A_524 = arith.constant 0 : index
        %get3A_525 = tpu.vector_load %arg8[%get3A_522, %get3A_523, %get3A_524] {strides = array<i32>} : memref<2x160x64xf32, #tpu.memory_space<vmem>>, vector<16xf32>,
        tpu.vector_store_idx %arg6[%gather3A_518, %add3A_1], %get3A_525 {add = true} : memref<1024x64xf32, #tpu.memory_space<vmem>>[vector<16xi32>, vector<16xi32>], vector<16xf32>,
        %add3A_526 = arith.constant 13 : i32
        %add3A_527 = arith.addi %mul3A_80, %add3A_526 : i32
        %get3A_528 = arith.constant 0 : i32
        %get3A_529 = arith.index_cast %get3A_528 : i32 to index
        %get3A_530 = arith.index_cast %add3A_527 : i32 to index
        %get3A_531 = arith.constant 16 : index
        %get3A_532 = tpu.vector_load %arg8[%get3A_529, %get3A_530, %get3A_531] {strides = array<i32>} : memref<2x160x64xf32, #tpu.memory_space<vmem>>, vector<16xf32>,
        tpu.vector_store_idx %arg6[%gather3A_518, %add3A_4], %get3A_532 {add = true} : memref<1024x64xf32, #tpu.memory_space<vmem>>[vector<16xi32>, vector<16xi32>], vector<16xf32>,
        %add3A_533 = arith.constant 13 : i32
        %add3A_534 = arith.addi %mul3A_80, %add3A_533 : i32
        %get3A_535 = arith.constant 0 : i32
        %get3A_536 = arith.index_cast %get3A_535 : i32 to index
        %get3A_537 = arith.index_cast %add3A_534 : i32 to index
        %get3A_538 = arith.constant 32 : index
        %get3A_539 = tpu.vector_load %arg8[%get3A_536, %get3A_537, %get3A_538] {strides = array<i32>} : memref<2x160x64xf32, #tpu.memory_space<vmem>>, vector<16xf32>,
        tpu.vector_store_idx %arg6[%gather3A_518, %add3A_7], %get3A_539 {add = true} : memref<1024x64xf32, #tpu.memory_space<vmem>>[vector<16xi32>, vector<16xi32>], vector<16xf32>,
        %add3A_540 = arith.constant 13 : i32
        %add3A_541 = arith.addi %mul3A_80, %add3A_540 : i32
        %get3A_542 = arith.constant 0 : i32
        %get3A_543 = arith.index_cast %get3A_542 : i32 to index
        %get3A_544 = arith.index_cast %add3A_541 : i32 to index
        %get3A_545 = arith.constant 48 : index
        %get3A_546 = tpu.vector_load %arg8[%get3A_543, %get3A_544, %get3A_545] {strides = array<i32>} : memref<2x160x64xf32, #tpu.memory_space<vmem>>, vector<16xf32>,
        tpu.vector_store_idx %arg6[%gather3A_518, %add3A_10], %get3A_546 {add = true} : memref<1024x64xf32, #tpu.memory_space<vmem>>[vector<16xi32>, vector<16xi32>], vector<16xf32>,
        %broadcast_in_dim3A_547 = arith.constant 14 : i32
        %broadcast_in_dim3A_548 = vector.broadcast %broadcast_in_dim3A_547 : i32 to vector<16x1xi32>
        %gather3A_549 = vector.shape_cast %broadcast_in_dim3A_548 : vector<16x1xi32> to vector<16xi32>
        %gather3A_550 = tpu.dynamic_gather %min3A_85[%gather3A_549] in [0] : vector<16xi32>, vector<16xi32> -> vector<16xi32>
        %add3A_551 = arith.constant 14 : i32
        %add3A_552 = arith.addi %mul3A_80, %add3A_551 : i32
        %get3A_553 = arith.constant 0 : i32
        %get3A_554 = arith.index_cast %get3A_553 : i32 to index
        %get3A_555 = arith.index_cast %add3A_552 : i32 to index
        %get3A_556 = arith.constant 0 : index
        %get3A_557 = tpu.vector_load %arg8[%get3A_554, %get3A_555, %get3A_556] {strides = array<i32>} : memref<2x160x64xf32, #tpu.memory_space<vmem>>, vector<16xf32>,
        tpu.vector_store_idx %arg6[%gather3A_550, %add3A_1], %get3A_557 {add = true} : memref<1024x64xf32, #tpu.memory_space<vmem>>[vector<16xi32>, vector<16xi32>], vector<16xf32>,
        %add3A_558 = arith.constant 14 : i32
        %add3A_559 = arith.addi %mul3A_80, %add3A_558 : i32
        %get3A_560 = arith.constant 0 : i32
        %get3A_561 = arith.index_cast %get3A_560 : i32 to index
        %get3A_562 = arith.index_cast %add3A_559 : i32 to index
        %get3A_563 = arith.constant 16 : index
        %get3A_564 = tpu.vector_load %arg8[%get3A_561, %get3A_562, %get3A_563] {strides = array<i32>} : memref<2x160x64xf32, #tpu.memory_space<vmem>>, vector<16xf32>,
        tpu.vector_store_idx %arg6[%gather3A_550, %add3A_4], %get3A_564 {add = true} : memref<1024x64xf32, #tpu.memory_space<vmem>>[vector<16xi32>, vector<16xi32>], vector<16xf32>,
        %add3A_565 = arith.constant 14 : i32
        %add3A_566 = arith.addi %mul3A_80, %add3A_565 : i32
        %get3A_567 = arith.constant 0 : i32
        %get3A_568 = arith.index_cast %get3A_567 : i32 to index
        %get3A_569 = arith.index_cast %add3A_566 : i32 to index
        %get3A_570 = arith.constant 32 : index
        %get3A_571 = tpu.vector_load %arg8[%get3A_568, %get3A_569, %get3A_570] {strides = array<i32>} : memref<2x160x64xf32, #tpu.memory_space<vmem>>, vector<16xf32>,
        tpu.vector_store_idx %arg6[%gather3A_550, %add3A_7], %get3A_571 {add = true} : memref<1024x64xf32, #tpu.memory_space<vmem>>[vector<16xi32>, vector<16xi32>], vector<16xf32>,
        %add3A_572 = arith.constant 14 : i32
        %add3A_573 = arith.addi %mul3A_80, %add3A_572 : i32
        %get3A_574 = arith.constant 0 : i32
        %get3A_575 = arith.index_cast %get3A_574 : i32 to index
        %get3A_576 = arith.index_cast %add3A_573 : i32 to index
        %get3A_577 = arith.constant 48 : index
        %get3A_578 = tpu.vector_load %arg8[%get3A_575, %get3A_576, %get3A_577] {strides = array<i32>} : memref<2x160x64xf32, #tpu.memory_space<vmem>>, vector<16xf32>,
        tpu.vector_store_idx %arg6[%gather3A_550, %add3A_10], %get3A_578 {add = true} : memref<1024x64xf32, #tpu.memory_space<vmem>>[vector<16xi32>, vector<16xi32>], vector<16xf32>,
        %broadcast_in_dim3A_579 = arith.constant 15 : i32
        %broadcast_in_dim3A_580 = vector.broadcast %broadcast_in_dim3A_579 : i32 to vector<16x1xi32>
        %gather3A_581 = vector.shape_cast %broadcast_in_dim3A_580 : vector<16x1xi32> to vector<16xi32>
        %gather3A_582 = tpu.dynamic_gather %min3A_85[%gather3A_581] in [0] : vector<16xi32>, vector<16xi32> -> vector<16xi32>
        %add3A_583 = arith.constant 15 : i32
        %add3A_584 = arith.addi %mul3A_80, %add3A_583 : i32
        %get3A_585 = arith.constant 0 : i32
        %get3A_586 = arith.index_cast %get3A_585 : i32 to index
        %get3A_587 = arith.index_cast %add3A_584 : i32 to index
        %get3A_588 = arith.constant 0 : index
        %get3A_589 = tpu.vector_load %arg8[%get3A_586, %get3A_587, %get3A_588] {strides = array<i32>} : memref<2x160x64xf32, #tpu.memory_space<vmem>>, vector<16xf32>,
        tpu.vector_store_idx %arg6[%gather3A_582, %add3A_1], %get3A_589 {add = true} : memref<1024x64xf32, #tpu.memory_space<vmem>>[vector<16xi32>, vector<16xi32>], vector<16xf32>,
        %add3A_590 = arith.constant 15 : i32
        %add3A_591 = arith.addi %mul3A_80, %add3A_590 : i32
        %get3A_592 = arith.constant 0 : i32
        %get3A_593 = arith.index_cast %get3A_592 : i32 to index
        %get3A_594 = arith.index_cast %add3A_591 : i32 to index
        %get3A_595 = arith.constant 16 : index
        %get3A_596 = tpu.vector_load %arg8[%get3A_593, %get3A_594, %get3A_595] {strides = array<i32>} : memref<2x160x64xf32, #tpu.memory_space<vmem>>, vector<16xf32>,
        tpu.vector_store_idx %arg6[%gather3A_582, %add3A_4], %get3A_596 {add = true} : memref<1024x64xf32, #tpu.memory_space<vmem>>[vector<16xi32>, vector<16xi32>], vector<16xf32>,
        %add3A_597 = arith.constant 15 : i32
        %add3A_598 = arith.addi %mul3A_80, %add3A_597 : i32
        %get3A_599 = arith.constant 0 : i32
        %get3A_600 = arith.index_cast %get3A_599 : i32 to index
        %get3A_601 = arith.index_cast %add3A_598 : i32 to index
        %get3A_602 = arith.constant 32 : index
        %get3A_603 = tpu.vector_load %arg8[%get3A_600, %get3A_601, %get3A_602] {strides = array<i32>} : memref<2x160x64xf32, #tpu.memory_space<vmem>>, vector<16xf32>,
        tpu.vector_store_idx %arg6[%gather3A_582, %add3A_7], %get3A_603 {add = true} : memref<1024x64xf32, #tpu.memory_space<vmem>>[vector<16xi32>, vector<16xi32>], vector<16xf32>,
        %add3A_604 = arith.constant 15 : i32
        %add3A_605 = arith.addi %mul3A_80, %add3A_604 : i32
        %get3A_606 = arith.constant 0 : i32
        %get3A_607 = arith.index_cast %get3A_606 : i32 to index
        %get3A_608 = arith.index_cast %add3A_605 : i32 to index
        %get3A_609 = arith.constant 48 : index
        %get3A_610 = tpu.vector_load %arg8[%get3A_607, %get3A_608, %get3A_609] {strides = array<i32>} : memref<2x160x64xf32, #tpu.memory_space<vmem>>, vector<16xf32>,
        tpu.vector_store_idx %arg6[%gather3A_582, %add3A_10], %get3A_610 {add = true} : memref<1024x64xf32, #tpu.memory_space<vmem>>[vector<16xi32>, vector<16xi32>], vector<16xf32>,
      } else {
      }
    }
    %scan3A_71 = arith.constant 10 : i32
    "tpu.region"() ({
      %run_scoped3A = tpu.sem_alloc : memref<!tpu.dma_semaphore, #tpu.memory_space<semaphore_mem>>
      %dma_start3A_74 = arith.constant 0 : i32
      %dma_start3A_75 = tpu.memref_slice %arg4[%arg1, %dma_start3A_74, %mul3A_16] : memref<16x1024x128xf32, #tpu.memory_space<hbm>> -> memref<1x1024x64xf32, #tpu.memory_space<hbm>>
      %dma_start3A_76 = tpu.memref_squeeze %dma_start3A_75 : memref<1x1024x64xf32, #tpu.memory_space<hbm>> -> memref<1024x64xf32, #tpu.memory_space<hbm>>
      %dma_start3A_77 = arith.constant 0 : i32
      %dma_start3A_78 = tpu.memref_slice %arg4[%arg1, %dma_start3A_77, %mul3A_16] : memref<16x1024x128xf32, #tpu.memory_space<hbm>> -> memref<1x1024x64xf32, #tpu.memory_space<hbm>>
      %dma_start3A_79 = tpu.memref_squeeze %dma_start3A_78 : memref<1x1024x64xf32, #tpu.memory_space<hbm>> -> memref<1024x64xf32, #tpu.memory_space<hbm>>
      tpu.enqueue_dma source(%arg6 : memref<1024x64xf32, #tpu.memory_space<vmem>>) target(%dma_start3A_79 : memref<1024x64xf32, #tpu.memory_space<hbm>>) target_semaphore(%run_scoped3A : memref<!tpu.dma_semaphore, #tpu.memory_space<semaphore_mem>>)
      %dma_wait3A_80 = arith.constant 0 : i32
      %dma_wait3A_81 = tpu.memref_slice %arg4[%arg1, %dma_wait3A_80, %mul3A_16] : memref<16x1024x128xf32, #tpu.memory_space<hbm>> -> memref<1x1024x64xf32, #tpu.memory_space<hbm>>
      %dma_wait3A_82 = tpu.memref_squeeze %dma_wait3A_81 : memref<1x1024x64xf32, #tpu.memory_space<hbm>> -> memref<1024x64xf32, #tpu.memory_space<hbm>>
      %dma_wait3A_83 = arith.constant 0 : i32
      %dma_wait3A_84 = tpu.memref_slice %arg4[%arg1, %dma_wait3A_83, %mul3A_16] : memref<16x1024x128xf32, #tpu.memory_space<hbm>> -> memref<1x1024x64xf32, #tpu.memory_space<hbm>>
      %dma_wait3A_85 = tpu.memref_squeeze %dma_wait3A_84 : memref<1x1024x64xf32, #tpu.memory_space<hbm>> -> memref<1024x64xf32, #tpu.memory_space<hbm>>
      tpu.wait_dma2 semaphore(%run_scoped3A : memref<!tpu.dma_semaphore, #tpu.memory_space<semaphore_mem>>) src(%arg6 : memref<1024x64xf32, #tpu.memory_space<vmem>>) dst(%dma_wait3A_85 : memref<1024x64xf32, #tpu.memory_space<hbm>>)
      tpu.yield
    }) : () -> ()
    %eq3A = arith.constant 0 : i32
    %eq3A_72 = arith.cmpi eq, %arg0, %eq3A : i32
    %convert_element_type3A = arith.extui %eq3A_72 : i1 to i32
    %cond3A = arith.constant 0 : i32
    %cond3A_73 = arith.cmpi ne, %convert_element_type3A, %cond3A : i32
    scf.if %cond3A_73 {
      "tpu.region"() ({
        %run_scoped3A = tpu.sem_alloc : memref<!tpu.dma_semaphore, #tpu.memory_space<semaphore_mem>>
        %dma_start3A_74 = arith.constant 0 : i32
        %dma_start3A_75 = arith.constant 0 : i32
        %dma_start3A_76 = tpu.memref_slice %arg5[%arg1, %dma_start3A_74, %dma_start3A_75] : memref<16x1024x16xf32, #tpu.memory_space<hbm>> -> memref<1x1024x16xf32, #tpu.memory_space<hbm>>
        %dma_start3A_77 = tpu.memref_squeeze %dma_start3A_76 : memref<1x1024x16xf32, #tpu.memory_space<hbm>> -> memref<1024x16xf32, #tpu.memory_space<hbm>>
        %dma_start3A_78 = arith.constant 0 : i32
        %dma_start3A_79 = arith.constant 0 : i32
        %dma_start3A_80 = tpu.memref_slice %arg5[%arg1, %dma_start3A_78, %dma_start3A_79] : memref<16x1024x16xf32, #tpu.memory_space<hbm>> -> memref<1x1024x16xf32, #tpu.memory_space<hbm>>
        %dma_start3A_81 = tpu.memref_squeeze %dma_start3A_80 : memref<1x1024x16xf32, #tpu.memory_space<hbm>> -> memref<1024x16xf32, #tpu.memory_space<hbm>>
        tpu.enqueue_dma source(%arg7 : memref<1024x16xf32, #tpu.memory_space<vmem>>) target(%dma_start3A_81 : memref<1024x16xf32, #tpu.memory_space<hbm>>) target_semaphore(%run_scoped3A : memref<!tpu.dma_semaphore, #tpu.memory_space<semaphore_mem>>)
        %dma_wait3A_82 = arith.constant 0 : i32
        %dma_wait3A_83 = arith.constant 0 : i32
        %dma_wait3A_84 = tpu.memref_slice %arg5[%arg1, %dma_wait3A_82, %dma_wait3A_83] : memref<16x1024x16xf32, #tpu.memory_space<hbm>> -> memref<1x1024x16xf32, #tpu.memory_space<hbm>>
        %dma_wait3A_85 = tpu.memref_squeeze %dma_wait3A_84 : memref<1x1024x16xf32, #tpu.memory_space<hbm>> -> memref<1024x16xf32, #tpu.memory_space<hbm>>
        %dma_wait3A_86 = arith.constant 0 : i32
        %dma_wait3A_87 = arith.constant 0 : i32
        %dma_wait3A_88 = tpu.memref_slice %arg5[%arg1, %dma_wait3A_86, %dma_wait3A_87] : memref<16x1024x16xf32, #tpu.memory_space<hbm>> -> memref<1x1024x16xf32, #tpu.memory_space<hbm>>
        %dma_wait3A_89 = tpu.memref_squeeze %dma_wait3A_88 : memref<1x1024x16xf32, #tpu.memory_space<hbm>> -> memref<1024x16xf32, #tpu.memory_space<hbm>>
        tpu.wait_dma2 semaphore(%run_scoped3A : memref<!tpu.dma_semaphore, #tpu.memory_space<semaphore_mem>>) src(%arg7 : memref<1024x16xf32, #tpu.memory_space<vmem>>) dst(%dma_wait3A_89 : memref<1024x16xf32, #tpu.memory_space<hbm>>)
        tpu.yield
      }) : () -> ()
    } else {
    }
    return
  }
}

module attributes {stable_mosaic.version = 14 : i64} {
  func.func @body(%arg0: memref<16x1024x128xf32, #tpu.memory_space<vmem>>, %arg1: memref<16x1024x16xf32, #tpu.memory_space<vmem>>, %arg2: memref<256x128xf32, #tpu.memory_space<vmem>>, %arg3: memref<128xf32, #tpu.memory_space<vmem>>, %arg4: memref<128x1xf32, #tpu.memory_space<vmem>>, %arg5: memref<1xf32, #tpu.memory_space<vmem>>, %arg6: memref<1024x1xf32, #tpu.memory_space<vmem>>) attributes {dimension_semantics = [], scalar_prefetch = 0 : i64, scratch_operands = 0 : i64, tpu.core_type = #tpu.core_type<tc>} {
    %get3A = arith.constant 0 : index
    %get3A_0 = arith.constant 0 : index
    %get3A_1 = arith.constant 0 : index
    %get3A_2 = vector.load %arg0[%get3A, %get3A_0, %get3A_1] : memref<16x1024x128xf32, #tpu.memory_space<vmem>>, vector<16x1024x128xf32>
    %reduce_sum3A = arith.constant dense<0.000000e+00> : vector<1024x128xf32>
    %reduce_sum3A_3 = vector.multi_reduction <add>, %get3A_2, %reduce_sum3A [0] : vector<16x1024x128xf32> to vector<1024x128xf32>
    %get3A_4 = arith.constant 0 : index
    %get3A_5 = arith.constant 0 : index
    %get3A_6 = arith.constant 0 : index
    %get3A_7 = vector.load %arg1[%get3A_4, %get3A_5, %get3A_6] : memref<16x1024x16xf32, #tpu.memory_space<vmem>>, vector<16x1024x16xf32>
    %reduce_sum3A_8 = arith.constant dense<0.000000e+00> : vector<1024xf32>
    %reduce_sum3A_9 = vector.multi_reduction <add>, %get3A_7, %reduce_sum3A_8 [0, 2] : vector<16x1024x16xf32> to vector<1024xf32>
    %max3A = arith.constant 1.000000e+00 : f32
    %max3A_10 = vector.broadcast %max3A : f32 to vector<1024xf32>
    %max3A_11 = arith.maximumf %reduce_sum3A_9, %max3A_10 : vector<1024xf32>
    %broadcast_in_dim3A = vector.shape_cast %max3A_11 : vector<1024xf32> to vector<1024x1xf32>
    %div3A = vector.broadcast %broadcast_in_dim3A : vector<1024x1xf32> to vector<1024x128xf32>
    %div3A_12 = arith.divf %reduce_sum3A_3, %div3A : vector<1024x128xf32>
    %get3A_13 = arith.constant 0 : index
    %get3A_14 = arith.constant 0 : index
    %get3A_15 = vector.load %arg2[%get3A_13, %get3A_14] : memref<256x128xf32, #tpu.memory_space<vmem>>, vector<128x128xf32>
    %get3A_16 = arith.constant 128 : index
    %get3A_17 = arith.constant 0 : index
    %get3A_18 = vector.load %arg2[%get3A_16, %get3A_17] : memref<256x128xf32, #tpu.memory_space<vmem>>, vector<128x128xf32>
    %dot_general3A = arith.constant dense<0.000000e+00> : vector<1024x128xf32>
    %dot_general3A_19 = tpu.matmul %reduce_sum3A_3, %get3A_15, %dot_general3A {dimension_numbers = #tpu.dot_dimension_numbers<[1], [0], [0], [1], [0, 0, 1, 1], [], []>, transpose_lhs_hint = false} : vector<1024x128xf32>, vector<128x128xf32>, vector<1024x128xf32> -> vector<1024x128xf32>
    %dot_general3A_20 = arith.constant dense<0.000000e+00> : vector<1024x128xf32>
    %dot_general3A_21 = tpu.matmul %div3A_12, %get3A_18, %dot_general3A_20 {dimension_numbers = #tpu.dot_dimension_numbers<[1], [0], [0], [1], [0, 0, 1, 1], [], []>, transpose_lhs_hint = false} : vector<1024x128xf32>, vector<128x128xf32>, vector<1024x128xf32> -> vector<1024x128xf32>
    %add3A = arith.addf %dot_general3A_19, %dot_general3A_21 : vector<1024x128xf32>
    %get3A_22 = arith.constant 0 : index
    %get3A_23 = vector.load %arg3[%get3A_22] : memref<128xf32, #tpu.memory_space<vmem>>, vector<128xf32>
    %broadcast_in_dim3A_24 = vector.shape_cast %get3A_23 : vector<128xf32> to vector<1x128xf32>
    %add3A_25 = vector.broadcast %broadcast_in_dim3A_24 : vector<1x128xf32> to vector<1024x128xf32>
    %add3A_26 = arith.addf %add3A, %add3A_25 : vector<1024x128xf32>
    %max3A_27 = arith.constant 0.000000e+00 : f32
    %max3A_28 = vector.broadcast %max3A_27 : f32 to vector<1024x128xf32>
    %max3A_29 = arith.maximumf %add3A_26, %max3A_28 : vector<1024x128xf32>
    %get3A_30 = arith.constant 0 : index
    %get3A_31 = arith.constant 0 : index
    %get3A_32 = vector.load %arg4[%get3A_30, %get3A_31] : memref<128x1xf32, #tpu.memory_space<vmem>>, vector<128x1xf32>
    %dot_general3A_33 = arith.constant dense<0.000000e+00> : vector<1024x1xf32>
    %dot_general3A_34 = tpu.matmul %max3A_29, %get3A_32, %dot_general3A_33 {dimension_numbers = #tpu.dot_dimension_numbers<[1], [0], [0], [1], [0, 0, 1, 1], [], []>, transpose_lhs_hint = false} : vector<1024x128xf32>, vector<128x1xf32>, vector<1024x1xf32> -> vector<1024x1xf32>
    %get3A_35 = arith.constant 0 : index
    %get3A_36 = vector.load %arg5[%get3A_35] : memref<1xf32, #tpu.memory_space<vmem>>, vector<1xf32>
    %broadcast_in_dim3A_37 = vector.shape_cast %get3A_36 : vector<1xf32> to vector<1x1xf32>
    %add3A_38 = vector.broadcast %broadcast_in_dim3A_37 : vector<1x1xf32> to vector<1024x1xf32>
    %add3A_39 = arith.addf %dot_general3A_34, %add3A_38 : vector<1024x1xf32>
    %swap3A = arith.constant 0 : index
    %swap3A_40 = arith.constant 0 : index
    %swap3A_41 = vector.load %arg6[%swap3A, %swap3A_40] : memref<1024x1xf32, #tpu.memory_space<vmem>>, vector<1024x1xf32>
    tpu.vector_store %arg6[%swap3A, %swap3A_40], %add3A_39 {strides = array<i32>} : memref<1024x1xf32, #tpu.memory_space<vmem>>, vector<1024x1xf32>,
    return
  }
}

</mosaic_0001>

<sc_bundles>
// kernel: kernel.4.cloned.1.call-start
scs
__scs_entry_jumppad:
0x0: {  	(pc) =	sbr.rel $0x88, $3  }
0x1: {  	(tag) =	ssettag $0x0;
	lr =	simm.s32 $0x1  }
0x2: {  	[smem:$0x3F9B] =	sst lr;
	_ =	strace $0xD0000000  }
0x3: {  	_ = 	snop  }
0x4: {  	_ = 	snop  }
0x5: {  	_ = 	snop  }
0x6: {  	_ = 	snop  }
0x7: {  	_ = 	snop  }
__scs_overlays_trampoline_lowered:
0x8: {  	[smem:$0x3FAA] =	sst s0  }
0x9: {  	[smem:$0x3FAB] =	sst s1  }
0xa: {  	[smem:$0x3FAC] =	sst s2  }
0xb: {  	[smem:$0x3FAD] =	sst s3  }
0xc: {  	[smem:$0x3FAE] =	sst s4  }
0xd: {  	[smem:$0x3FAF] =	sst s5  }
0xe: {  	[smem:$0x3FB0] =	sst s6  }
0xf: {  	[smem:$0x3FB1] =	sst s7  }
0x10: {  	[smem:$0x3FB2] =	sst s8  }
0x11: {  	[smem:$0x3FB3] =	sst s9;
	s0 =	simm.s32 @!p0 $0x0  }
0x12: {  	s1 =	sld [smem:$0x3F99];
	s0 =	simm.s32 @p0 $0x1  }
0x13: {  	[smem:$0x3FB4] =	sst s0;
	s0 =	simm.s32 @!p1 $0x0  }
0x14: {  	s2 =	sld [smem:$0x3F98];
	s0 =	simm.s32 @p1 $0x1  }
0x15: {  	[smem:$0x3FB5] =	sst s0;
	s0 =	simm.s32 @!p2 $0x0  }
0x16: {  	s3 =	sld [smem:$0x3FDB];
	s0 =	simm.s32 @p2 $0x1  }
0x17: {  	s4 =	simm.s32 $0x1BF5;
	[smem:$0x3FB7] =	sst s0  }
0x18: {  	s0 =	sld [smem:$0x3F9A];
	_ =	swait.ge [sflag:s4], $0x0  }
0x19: {  	s7 =	sld [smem:$0x3F9B]  }
0x1a: {  	s8 =	sadd.s32 $0xFFFFE003, lr  }
0x1b: {  	s9 =	sadd.s32 $0xFFFFFEF7, lr;
	s5 =	simm.s32 $0xFFFFFFFF;
	p2 =	slt.u32 s8, $0xFFFFF086  }
0x1c: {  	p1 =	slt.u32 s9, $0xF7A;
	s5 =	simm.s32 @!p2 $0x0  }
0x1d: {  	s5 =	simm.s32 @p1 $0x1;
	p0 =	seq.s32 s7, s2  }
0x1e: {  	s7 =	smul.u32 @!p0 $0xF7A, s2;
	p2 =	seq.s32 @!p0 s5, $0x0  }
0x1f: {  	s9 =	smul.u32 $0xF7A, s1;
	s8 =	simm.s32 @!p0 $0x1BF5;
	p2 =	por !p2, p0  }
0x20: {  	[sflag:s8] =	ssyncset.s32 @!p0 $0xFFFFF086;
	s6 =	sadd.s32 @!p0 s3, s7;
	s7 =	simm.s32 @!p0 $0x108  }
0x21: {  	s3 =	sadd.s32 s3, s9;
	s6 =	sadd.s32 @!p0 $0x88, s6;
	s7 =	simm.s32 @p2 $0x1082  }
0x22: {  	[simem:s7], [sflag:s8] =	dma.local @!p0 [hbm:s6], $0xF7A  }
0x23: {  	s9 =	sor.u32 $0xD0000000, s2;
	s6 =	simm.s32 $0x108;
	_ =	swait.ge @!p0 [sflag:s8], $0x0  }
0x24: {  	s3 =	sadd.s32 $0x88, s3;
	s6 =	simm.s32 @!p1 $0x1082;
	[sflag:s4] =	ssyncset.s32 $0xFFFFF086  }
0x25: {  	[simem:s6], [sflag:s4] =	dma.local [hbm:s3], $0xF7A  }
0x26: {  	[smem:$0x3F9B] =	sst s1;
	(tag) =	ssettag s2;
	_ =	strace s9  }
0x27: {  	s1 =	sld [smem:$0x3FAB]  }
0x28: {  	s2 =	sld [smem:$0x3FAC]  }
0x29: {  	s4 =	sld [smem:$0x3FAE]  }
0x2a: {  	p0 =	seq.s32 s5, $0x0;
	s5 =	sld [smem:$0x3FAF]  }
0x2b: {  	s6 =	sld [smem:$0x3FB0]  }
0x2c: {  	s7 =	sld [smem:$0x3FB1]  }
0x2d: {  	s3 =	simm.s32 $0x108;
	s8 =	sld [smem:$0x3FB2]  }
0x2e: {  	s3 =	simm.s32 @!p0 $0x1082;
	s9 =	sld [smem:$0x3FB3]  }
0x2f: {  	lr =	sadd.s32 s0, s3;
	s0 =	sld [smem:$0x3FAA]  }
0x30: {  	s3 =	sld [smem:$0x3FAD]  }
0x31: {  	[smem:$0x3FB6] =	sst s10  }
0x32: {  	s10 =	sld [smem:$0x3FB4];
	_ =	sdelay $0x3  }
0x33: {  	p0 =	seq.s32 s10, $0x1;
	s10 =	sld [smem:$0x3FB6];
	_ =	sdelay $0x3  }
0x34: {  	[smem:$0x3FB6] =	sst s10  }
0x35: {  	s10 =	sld [smem:$0x3FB5];
	_ =	sdelay $0x3  }
0x36: {  	p1 =	seq.s32 s10, $0x1;
	s10 =	sld [smem:$0x3FB6];
	_ =	sdelay $0x3  }
0x37: {  	[smem:$0x3FB6] =	sst s10  }
0x38: {  	s10 =	sld [smem:$0x3FB7]  }
0x39: {  	_ = 	snop;
	(pc) =	sbr.ind lr, $3  }
0x3a: {  	_ = 	snop  }
0x3b: {  	_ = 	snop  }
0x3c: {  	p2 =	seq.s32 s10, $0x1;
	s10 =	sld [smem:$0x3FB6]  }
0x3d: {  	_ =	shalt  }
0x3e: {  	_ =	shalt  }
0x3f: {  	_ =	shalt  }
0x40: {  	_ =	shalt  }
0x41: {  	_ =	shalt  }
0x42: {  	_ =	shalt  }
0x43: {  	_ =	shalt  }
0x44: {  	_ =	shalt  }
0x45: {  	_ =	shalt  }
0x46: {  	_ =	shalt  }
0x47: {  	_ =	shalt  }
0x48: {  	_ =	shalt  }
0x49: {  	_ =	shalt  }
0x4a: {  	_ =	shalt  }
0x4b: {  	_ =	shalt  }
0x4c: {  	_ =	shalt  }
0x4d: {  	_ =	shalt  }
0x4e: {  	_ =	shalt  }
0x4f: {  	_ =	shalt  }
0x50: {  	_ =	shalt  }
0x51: {  	_ =	shalt  }
0x52: {  	_ =	shalt  }
0x53: {  	_ =	shalt  }
0x54: {  	_ =	shalt  }
0x55: {  	_ =	shalt  }
0x56: {  	_ =	shalt  }
0x57: {  	_ =	shalt  }
0x58: {  	_ =	shalt  }
0x59: {  	_ =	shalt  }
0x5a: {  	_ =	shalt  }
0x5b: {  	_ =	shalt  }
0x5c: {  	_ =	shalt  }
0x5d: {  	_ =	shalt  }
0x5e: {  	_ =	shalt  }
0x5f: {  	_ =	shalt  }
0x60: {  	_ =	shalt  }
0x61: {  	_ =	shalt  }
0x62: {  	_ =	shalt  }
0x63: {  	_ =	shalt  }
0x64: {  	_ =	shalt  }
0x65: {  	_ =	shalt  }
0x66: {  	_ =	shalt  }
0x67: {  	_ =	shalt  }
0x68: {  	_ =	shalt  }
0x69: {  	_ =	shalt  }
0x6a: {  	_ =	shalt  }
0x6b: {  	_ =	shalt  }
0x6c: {  	_ =	shalt  }
0x6d: {  	_ =	shalt  }
0x6e: {  	_ =	shalt  }
0x6f: {  	_ =	shalt  }
0x70: {  	_ =	shalt  }
0x71: {  	_ =	shalt  }
0x72: {  	_ =	shalt  }
0x73: {  	_ =	shalt  }
0x74: {  	_ =	shalt  }
0x75: {  	_ =	shalt  }
0x76: {  	_ =	shalt  }
0x77: {  	_ =	shalt  }
0x78: {  	_ =	shalt  }
0x79: {  	_ =	shalt  }
0x7a: {  	_ =	shalt  }
0x7b: {  	_ =	shalt  }
0x7c: {  	_ =	shalt  }
0x7d: {  	_ =	shalt  }
0x7e: {  	_ =	shalt  }
0x7f: {  	_ =	shalt  }
0x80: {  	_ =	shalt  }
0x81: {  	_ =	shalt  }
0x82: {  	_ =	shalt  }
0x83: {  	_ =	shalt  }
0x84: {  	_ =	shalt  }
0x85: {  	_ =	shalt  }
0x86: {  	_ =	shalt  }
0x87: {  	_ =	shalt  }
.Lfunc_end0:
.L_simem_size_0:
called_computation_lowered:
.L_overlay_start_0:
0x88: {  	s2 =	sld [smem:$0x3FD9]  }
0x89: {  	s3 =	sld [smem:$0x3FFE];
	_ =	sdelay $0x1  }
0x8a: {  	s1 =	srdreg.scid  }
0x8b: {  	s0 =	sand.u32 $0x1, s1  }
0x8c: {  	s17 =	sshll.u32 s0, $0xA;
	s2 =	sadd.s32 s3, s2  }
0x8d: {  	s2 =	sadd.s32 s2, s17  }
0x8e: {  	[smem:$0x3FC2] =	sst s2  }
0x8f: {  	_ = 	snop  }
0x90: {  	s2 =	sld [smem:$0x3FC9]  }
0x91: {  	s18 =	sld [smem:$0x3FC8];
	(tm) =	ssettm $0x1  }
0x92: {  	s4 =	sld [smem:$0x3FFB];
	_ =	sdelay $0x3  }
0x93: {  	_ =	strace s4  }
0x94: {  	s4 =	sld [smem:$0x3FFC];
	_ =	sdelay $0x3  }
0x95: {  	_ =	strace s4  }
0x96: {  	s4 =	sld [smem:$0x3FFD];
	_ =	sdelay $0x3  }
0x97: {  	_ =	strace s4  }
0x98: {  	_ =	strace $0x8FFFFFFF  }
0x99: {  	s19 =	sld [smem:$0x3FDB];
	_ =	sdelay $0x1  }
0x9a: {  	s5 =	simm.s32 $_scs_section_size  }
0x9b: {  	s6 =	simm.s32 $_size__tile_overlayer_lowered;
	s7 =	simm.s32 $_tile_overlayer_lowered  }
0x9c: {  	s22 =	simm.s32 $0x1BFF;
	s21 =	sshll.u32 s7, $0x1;
	s4 =	sadd.s32 s5, s19  }
0x9d: {  	s8 =	simm.s32 $0x0;
	s20 =	sshll.u32 s6, $0x1;
	s6 =	sadd.s32 s21, s4  }
0x9e: {  	[timem:s8], [sflag:s22] =	dma.local [hbm:s6], s20  }
0x9f: {  	_ =	swait.ge [sflag:s22], s20  }
0xa0: {  	s5 =	ssub.s32 $0x0, s20;
	[sflag:s22] =	ssyncset.done $0x0  }
0xa1: {  	[sflag:s22] =	ssyncadd.s32 s5;
	_ =	sdelay $0x1  }
0xa2: {  	s23 =	simm.s32 $0x1B8B  }
0xa3: {  	_ =	swait.ge [sflag:s23], $0x1  }
0xa4: {  	[sflag:s23] =	ssyncset.done $0x0  }
0xa5: {  	s25 =	simm.s32 $0x1B8E;
	s24 =	sld [smem:$0x3FFE];
	[sflag:s23] =	ssyncadd.s32 $0xFFFFFFFF  }
0xa6: {  	s26 =	simm.s32 $execute0_lowered;
	[smem:$0x3FD2] =	sst s25  }
0xa7: {  	s6 =	sshll.u32 s26, $0x1;
	_ =	strace $0x80000046;
	[dreg:$0x1] =	wrdreg $0xFFFFFFFF  }
0xa8: {  	s28 =	simm.s32 $_size_execute0_lowered;
	s4 =	sadd.s32 s4, s6;
	[dreg:$0x0] =	wrdreg $0x0  }
0xa9: {  	s6 =	sshll.u32 s28, $0x1;
	[dreg:$0x2] =	wrdreg s4  }
0xaa: {  	[dreg:$0x3] =	wrdreg s6  }
0xab: {  	[dreg:$0x4] =	wrdreg $0xC0  }
0xac: {  	_ =	task [dreg:s8], $0x5FFFF  }
0xad: {  	[dreg:$0x1] =	wrdreg $0xFFFFFFFF  }
0xae: {  	[dreg:$0x0] =	wrdreg $0x60  }
0xaf: {  	[dreg:$0x2] =	wrdreg s2  }
0xb0: {  	[dreg:$0x3] =	wrdreg s18  }
0xb1: {  	[dreg:$0x4] =	wrdreg s24  }
0xb2: {  	[dreg:$0x5] =	wrdreg $0x9  }
0xb3: {  	_ =	task.clear_ibuf [dreg:s8], $0x6FFFF;
	_ =	strace $0x90000046  }
0xb4: {  	s29 =	simm.s32 $0x9;
	_ =	strace $0x80000048  }
0xb5: {  	_ =	swait.ge [sflag:s29], $0x1  }
0xb6: {  	[sflag:s29] =	ssyncadd.s32 $0xFFFFFFFF  }
0xb7: {  	_ =	strace $0x90000048  }
0xb8: {  	_ =	sfence  }
0xb9: {  	s30 =	sld [smem:$0x0];
	_ =	sdelay $0x2  }
0xba: {  	s31 =	sshll.u32 s1, $0xD;
	s1 =	sshrl.u32 s1, $0x2  }
0xbb: {  	s3 =	sand.u32 $0x4000, s31;
	s1 =	sadd.s32 s1, s30  }
0xbc: {  	s0 =	sor.u32 s3, s0;
	s1 =	sshll.u32 s1, $0x11  }
0xbd: {  	s0 =	sor.u32 s1, s0  }
0xbe: {  	s0 =	sadd.s32 $0x8F2B, s0  }
0xbf: {  	[sflag:s0] =	ssyncadd.remote.s32 $0x1  }
0xc0: {  	_ =	sfence.sel $0xFFFF  }
0xc1: {  	[dreg:$0x0] =	wrdreg $0xFFFFFFFF;
	(pc) =	sbr.abs _section_cstart, $3  }
0xc2: {  	[dreg:$0x1] =	wrdreg $0xFFFFFFFF  }
0xc3: {  	_ =	task.clear_ibuf [dreg:s8], $0x2FFFF;
	_ =	strace $0x9FFFFFFF  }
0xc4: {  	(tm) =	ssettm $0x7FFFFFFF  }
0xc5: {  	_ =	shalt  }
tec
execute0_lowered:
.L_overlay_start_1:
0x0: {  	(tag) =	ssettag $0x1  }
0x1: {  	s1 =	rddreg [dreg:$0x0]  }
0x2: {  	s5 =	rddreg [dreg:$0x1]  }
0x3: {  	s6 =	rddreg [dreg:$0x2]  }
0x4: {  	s3 =	srdreg.scid;
	s2 =	stileid.u32  }
0x5: {  	s15 =	simm.s32 $0x80;
	s16 =	simm.s32 $0x14000;
	s17 =	simm.s32 $0x16800  }
0x6: {  	s18 =	simm.s32 $0x10000;
	s19 =	simm.s32 $0x3;
	s20 =	simm.s32 $0x1  }
0x7: {  	s21 =	simm.s32 $0x2;
	s23 =	simm.s32 $0x0;
	s22 =	sand.u32 $0x1, s3  }
0x8: {  	s3 =	simm.s32 $0x0;
	s7 =	sshll.u32 s2, $0x11;
	s8 =	smul.u32 $0x271000, s2  }
0x9: {  	s9 =	sshll.u32 s2, $0xB;
	s12 =	smul.u32 $0x4E20, s2;
	s4 =	sshll.u32 s22, $0x6  }
0xa: {  	[smem:$0x7FF] =	sst s3;
	s26 =	ssub.s32 $0x2, s22;
	s13 =	sadd.s32 s9, s6  }
0xb: {  	v0 =	vlaneseq.u32;
	p0 =	sne.s32 s22, $0x0;
	s22 =	simm.s32 $0x4;
	s7 =	sor.u32 s4, s7  }
0xc: {  	v1 =	vimm.f32 $0.0e+00;
	v5 =	vimm.f32 $1.000000000e+00;
	v6 =	vimm.s32 $0x0;
	_ =	strace $0x80000047;
	s11 =	sshrl.u32 s26, $0x1;
	s28 =	sor.u32 s4, s8  }
0xd: {  	v7 =	vimm.s32 $0x6;
	v8 =	vimm.s32 $0x1;
	v9 =	vimm.s32 $0x2;
	s29 =	sshrl.u32 s12, $0x3;
	s9 =	sadd.s32 $0x1E0, s12;
	s7 =	sshrl.u32 s7, $0x3  }
.Ltmp0:
0xe: {  	v10 =	vimm.s32 $0x3;
	v11 =	vimm.s32 $0x4;
	v12 =	vimm.s32 $0x5;
	s14 =	ssub.s32 s26, s11;
	s8 =	sshrl.u32 s28, $0x3;
	(pc) =	sbr.rel .LBB2_1-.Ltmp0, $4  }
0xf: {  	v13 =	vimm.s32 $0x7;
	v14 =	vimm.s32 $0x8;
	v15 =	vimm.s32 $0x9;
	s30 =	sadd.s32 $0x5000, s28;
	s5 =	sadd.s32 s5, s29;
	s11 =	sadd.s32 $0x1000, s13  }
0x10: {  	v16 =	vimm.s32 $0xA;
	v17 =	vimm.s32 $0xB;
	v18 =	vimm.s32 $0xC;
	s13 =	simm.s32 $0x19000;
	s10 =	sadd.s32 s7, s6;
	s6 =	sadd.s32 s1, s8  }
0x11: {  	v19 =	vimm.s32 $0xD;
	v20 =	vimm.s32 $0xE;
	v21 =	vimm.s32 $0xF;
	s31 =	sshrl.u32 s30, $0x3;
	s8 =	sadd.s32 $0x140, s12;
	s12 =	smax.u32 s14, $0x1  }
0x12: {  	v2 =	vor.u32 $0x10, v0;
	v3 =	vor.u32 $0x20, v0;
	v4 =	vor.u32 $0x30, v0;
	s14 =	simm.s32 $0x40;
	s7 =	sadd.s32 s1, s31;
	s10 =	sadd.s32 $0x9000, s10  }
.LBB2_21:
0x13: {  	[hbm4b:s10+s14] =	stream.strided.scatter [tilespmem:s3], [sflag:$0x4], $0x10000, s15, s14, $0x38;
	[tilespmem:$0x1DE20] =	vst v63  }
0x14: {  	_ =	swait.ge [sflag:s22], $0x10000  }
0x15: {  	s0 =	simm.s32 @!p0 $0x0;
	s23 =	sadd.s32 $0x1, s23;
	[sflag:s22] =	ssyncset.done $0x0  }
0x16: {  	s24 =	simm.s32 @!p0 $0x10000;
	p1 =	sne.s32 s23, s12;
	[sflag:s22] =	ssyncadd.s32 $0xFFFF0000  }
0x17: {  	[hbm4b:s11+s0] =	stream.linear.scatter @!p0 [tilespmem:s24], [sflag:$0x4], $0x4000, $0x38;
	[tilespmem:$0x1DE20] =	vst v63  }
.Ltmp1:
0x18: {  	_ = 	snop;
	(pc) =	sbr.rel @!p1 .LBB2_22-.Ltmp1, $4  }
0x19: {  	s0 =	simm.s32 @!p0 $0x4  }
0x1a: {  	_ =	swait.ge @!p0 [sflag:s0], $0x4000  }
0x1b: {  	[sflag:s0] =	ssyncset.done @!p0 $0x0  }
0x1c: {  	[sflag:s0] =	ssyncadd.s32 @!p0 $0xFFFFC000  }
.LBB2_1:
0x1d: {  	v23 =	vmov s3  }
0x1e: {  	v22 =	vshll.u32 v23, $0x6  }
0x1f: {  	[tilespmem:s13], [sflag:$0x3] =	stream.linear.gather [hbm4b:s5+s3], $0x4E20, $0x38;
	v24 =	vor.u32 v0, v22;
	[tilespmem:$0x1DE20] =	vst v63  }
0x20: {  	s24 =	simm.s32 $0x1;
	v25 =	vor.u32 v2, v22  }
0x21: {  	[tilespmem:s16], [sflag:$0x1] =	stream.strided.gather [hbm4b:s6+s14], $0x2800, s15, s14, $0x38;
	v28 =	vor.u32 v3, v22;
	[tilespmem:$0x1DE20] =	vst v63  }
0x22: {  	v23 =	vshll.u32 v23, $0x4;
	v29 =	vor.u32 v4, v22;
	v22 =	vmov s24  }
0x23: {  	v26 =	vor.u32 v0, v23;
	v27 =	vshll.u32 v22, $0x6;
	[tilespmem:s17], [sflag:$0x2] =	stream.strided.gather [hbm4b:s7+s14], $0x2800, s15, s14, $0x38;
	[tilespmem:$0x1DE20] =	vst v63  }
0x24: {  	v23 =	vor.u32 v0, v27;
	[tilespmem:v24+s3+$0x0] =	vst.idx.msk $0xffff, v1  }
0x25: {  	[tilespmem:v25+s3+$0x0] =	vst.idx.msk $0xffff, v1  }
0x26: {  	v24 =	vor.u32 v2, v27;
	[tilespmem:v28+s3+$0x0] =	vst.idx.msk $0xffff, v1  }
0x27: {  	s24 =	simm.s32 $0x2;
	v25 =	vor.u32 v3, v27;
	[tilespmem:v29+s3+$0x0] =	vst.idx.msk $0xffff, v1  }
.LBB2_2:
0x28: {  	v28 =	vor.u32 v4, v27;
	v29 =	vshll.u32 v22, $0x4;
	v22 =	vmov s24;
	[tilespmem:v26+s18+$0x0] =	vst.idx.msk $0xffff, v1;
	p1 =	sne.s32 s24, $0x3FF  }
.Ltmp2:
0x29: {  	v27 =	vshll.u32 v22, $0x6;
	[tilespmem:v23+s3+$0x0] =	vst.idx.msk $0xffff, v1;
	v26 =	vor.u32 v0, v29;
	(pc) =	sbr.rel @p1 .LBB2_2-.Ltmp2, $4  }
0x2a: {  	v23 =	vor.u32 v0, v27  }
0x2b: {  	[tilespmem:v24+s3+$0x0] =	vst.idx.msk $0xffff, v1  }
0x2c: {  	v24 =	vor.u32 v2, v27;
	[tilespmem:v25+s3+$0x0] =	vst.idx.msk $0xffff, v1  }
0x2d: {  	s24 =	sadd.s32 $0x1, s24;
	v25 =	vor.u32 v3, v27;
	[tilespmem:v28+s3+$0x0] =	vst.idx.msk $0xffff, v1  }
0x2e: {  	_ =	sdelay $0x2  }
0x2f: {  	v27 =	vor.u32 v4, v27;
	v22 =	vshll.u32 v22, $0x4  }
0x30: {  	[tilespmem:v26+s18+$0x0] =	vst.idx.msk $0xffff, v1;
	v22 =	vor.u32 v0, v22  }
0x31: {  	[tilespmem:v23+s3+$0x0] =	vst.idx.msk $0xffff, v1  }
0x32: {  	[tilespmem:v24+s3+$0x0] =	vst.idx.msk $0xffff, v1  }
0x33: {  	[tilespmem:v25+s3+$0x0] =	vst.idx.msk $0xffff, v1  }
0x34: {  	[tilespmem:v27+s3+$0x0] =	vst.idx.msk $0xffff, v1  }
0x35: {  	[tilespmem:v22+s18+$0x0] =	vst.idx.msk $0xffff, v1  }
0x36: {  	_ =	swait.ge [sflag:s19], $0x4E20  }
0x37: {  	s24 =	simm.s32 $0x0;
	[sflag:s19] =	ssyncset.done $0x0  }
0x38: {  	s25 =	simm.s32 $0x19000;
	s26 =	simm.s32 $0x190A0;
	[sflag:s19] =	ssyncadd.s32 $0xFFFFB1E0  }
.LBB2_4:
.Ltmp3:
0x39: {  	(pc) =	sbr.rel .LBB2_5-.Ltmp3, $4  }
0x3a: {  	_ = 	snop  }
0x3b: {  	_ =	swait.ge [sflag:s20], $0x2800  }
0x3c: {  	[sflag:s20] =	ssyncset.done $0x0  }
0x3d: {  	s28 =	simm.s32 $0x14200;
	v22 =	vmov s25;
	s29 =	simm.s32 $0x0;
	[sflag:s20] =	ssyncadd.s32 $0xFFFFD800  }
.LBB2_7:
0x3e: {  	v24 =	vshll.u32 v24, $0x6  }
0x3f: {  	v26 =	vor.u32 v0, v24;
	_ =	sdelay $0x4  }
0x40: {  	[tilespmem:v26+s3+$0x0] =	vst.idx.add.f32.msk $0xffff, v25  }
0x41: {  	v26 =	vor.u32 v2, v24;
	v25 =	vld [tilespmem:s28+$0xFFFFFE10];
	_ =	sdelay $0x4  }
0x42: {  	[tilespmem:v26+s3+$0x0] =	vst.idx.add.f32.msk $0xffff, v25  }
0x43: {  	v26 =	vor.u32 v3, v24;
	v25 =	vld [tilespmem:s28+$0xFFFFFE20];
	_ =	sdelay $0x4  }
0x44: {  	[tilespmem:v26+s3+$0x0] =	vst.idx.add.f32.msk $0xffff, v25  }
0x45: {  	v24 =	vor.u32 v4, v24;
	v25 =	vld [tilespmem:s28+$0xFFFFFE30];
	_ =	sdelay $0x2  }
0x46: {  	v26 =	vperm.xlane v23, v8;
	_ =	sdelay $0x1  }
0x47: {  	[tilespmem:v24+s3+$0x0] =	vst.idx.add.f32.msk $0xffff, v25;
	v24 =	vshll.u32 v26, $0x6  }
0x48: {  	v25 =	vld [tilespmem:s28+$0xFFFFFE40];
	v26 =	vor.u32 v0, v24;
	_ =	sdelay $0x4  }
0x49: {  	[tilespmem:v26+s3+$0x0] =	vst.idx.add.f32.msk $0xffff, v25  }
0x4a: {  	v26 =	vor.u32 v2, v24;
	v25 =	vld [tilespmem:s28+$0xFFFFFE50];
	_ =	sdelay $0x4  }
0x4b: {  	[tilespmem:v26+s3+$0x0] =	vst.idx.add.f32.msk $0xffff, v25  }
0x4c: {  	v26 =	vor.u32 v3, v24;
	v25 =	vld [tilespmem:s28+$0xFFFFFE60];
	_ =	sdelay $0x4  }
0x4d: {  	[tilespmem:v26+s3+$0x0] =	vst.idx.add.f32.msk $0xffff, v25  }
0x4e: {  	v24 =	vor.u32 v4, v24;
	v25 =	vld [tilespmem:s28+$0xFFFFFE70];
	_ =	sdelay $0x2  }
0x4f: {  	v26 =	vperm.xlane v23, v9;
	_ =	sdelay $0x1  }
0x50: {  	[tilespmem:v24+s3+$0x0] =	vst.idx.add.f32.msk $0xffff, v25;
	v24 =	vshll.u32 v26, $0x6  }
0x51: {  	v25 =	vld [tilespmem:s28+$0xFFFFFE80];
	v26 =	vor.u32 v0, v24;
	_ =	sdelay $0x4  }
0x52: {  	[tilespmem:v26+s3+$0x0] =	vst.idx.add.f32.msk $0xffff, v25  }
0x53: {  	v26 =	vor.u32 v2, v24;
	v25 =	vld [tilespmem:s28+$0xFFFFFE90];
	_ =	sdelay $0x4  }
0x54: {  	[tilespmem:v26+s3+$0x0] =	vst.idx.add.f32.msk $0xffff, v25  }
0x55: {  	v26 =	vor.u32 v3, v24;
	v25 =	vld [tilespmem:s28+$0xFFFFFEA0];
	_ =	sdelay $0x4  }
0x56: {  	[tilespmem:v26+s3+$0x0] =	vst.idx.add.f32.msk $0xffff, v25  }
0x57: {  	v24 =	vor.u32 v4, v24;
	v25 =	vld [tilespmem:s28+$0xFFFFFEB0];
	_ =	sdelay $0x2  }
0x58: {  	v26 =	vperm.xlane v23, v10;
	_ =	sdelay $0x1  }
0x59: {  	[tilespmem:v24+s3+$0x0] =	vst.idx.add.f32.msk $0xffff, v25;
	v24 =	vshll.u32 v26, $0x6  }
0x5a: {  	v25 =	vld [tilespmem:s28+$0xFFFFFEC0];
	v26 =	vor.u32 v0, v24;
	_ =	sdelay $0x4  }
0x5b: {  	[tilespmem:v26+s3+$0x0] =	vst.idx.add.f32.msk $0xffff, v25  }
0x5c: {  	v26 =	vor.u32 v2, v24;
	v25 =	vld [tilespmem:s28+$0xFFFFFED0];
	_ =	sdelay $0x4  }
0x5d: {  	[tilespmem:v26+s3+$0x0] =	vst.idx.add.f32.msk $0xffff, v25  }
0x5e: {  	v26 =	vor.u32 v3, v24;
	v25 =	vld [tilespmem:s28+$0xFFFFFEE0];
	_ =	sdelay $0x4  }
0x5f: {  	[tilespmem:v26+s3+$0x0] =	vst.idx.add.f32.msk $0xffff, v25  }
0x60: {  	v24 =	vor.u32 v4, v24;
	v25 =	vld [tilespmem:s28+$0xFFFFFEF0];
	_ =	sdelay $0x2  }
0x61: {  	v26 =	vperm.xlane v23, v11;
	_ =	sdelay $0x1  }
0x62: {  	[tilespmem:v24+s3+$0x0] =	vst.idx.add.f32.msk $0xffff, v25;
	v24 =	vshll.u32 v26, $0x6  }
0x63: {  	v25 =	vld [tilespmem:s28+$0xFFFFFF00];
	v26 =	vor.u32 v0, v24;
	_ =	sdelay $0x4  }
0x64: {  	[tilespmem:v26+s3+$0x0] =	vst.idx.add.f32.msk $0xffff, v25  }
0x65: {  	v26 =	vor.u32 v2, v24;
	v25 =	vld [tilespmem:s28+$0xFFFFFF10];
	_ =	sdelay $0x4  }
0x66: {  	[tilespmem:v26+s3+$0x0] =	vst.idx.add.f32.msk $0xffff, v25  }
0x67: {  	v26 =	vor.u32 v3, v24;
	v25 =	vld [tilespmem:s28+$0xFFFFFF20];
	_ =	sdelay $0x4  }
0x68: {  	[tilespmem:v26+s3+$0x0] =	vst.idx.add.f32.msk $0xffff, v25  }
0x69: {  	v24 =	vor.u32 v4, v24;
	v25 =	vld [tilespmem:s28+$0xFFFFFF30];
	_ =	sdelay $0x2  }
0x6a: {  	v26 =	vperm.xlane v23, v12;
	_ =	sdelay $0x1  }
0x6b: {  	[tilespmem:v24+s3+$0x0] =	vst.idx.add.f32.msk $0xffff, v25;
	v24 =	vshll.u32 v26, $0x6  }
0x6c: {  	v25 =	vld [tilespmem:s28+$0xFFFFFF40];
	v26 =	vor.u32 v0, v24;
	_ =	sdelay $0x4  }
0x6d: {  	[tilespmem:v26+s3+$0x0] =	vst.idx.add.f32.msk $0xffff, v25  }
0x6e: {  	v26 =	vor.u32 v2, v24;
	v25 =	vld [tilespmem:s28+$0xFFFFFF50];
	_ =	sdelay $0x4  }
0x6f: {  	[tilespmem:v26+s3+$0x0] =	vst.idx.add.f32.msk $0xffff, v25  }
0x70: {  	v26 =	vor.u32 v3, v24;
	v25 =	vld [tilespmem:s28+$0xFFFFFF60];
	_ =	sdelay $0x4  }
0x71: {  	[tilespmem:v26+s3+$0x0] =	vst.idx.add.f32.msk $0xffff, v25  }
0x72: {  	v24 =	vor.u32 v4, v24;
	v25 =	vld [tilespmem:s28+$0xFFFFFF70];
	_ =	sdelay $0x2  }
0x73: {  	v26 =	vperm.xlane v23, v7;
	_ =	sdelay $0x1  }
0x74: {  	[tilespmem:v24+s3+$0x0] =	vst.idx.add.f32.msk $0xffff, v25;
	v24 =	vshll.u32 v26, $0x6  }
0x75: {  	v25 =	vld [tilespmem:s28+$0xFFFFFF80];
	v26 =	vor.u32 v0, v24;
	_ =	sdelay $0x4  }
0x76: {  	[tilespmem:v26+s3+$0x0] =	vst.idx.add.f32.msk $0xffff, v25  }
0x77: {  	v26 =	vor.u32 v2, v24;
	v25 =	vld [tilespmem:s28+$0xFFFFFF90];
	_ =	sdelay $0x4  }
0x78: {  	[tilespmem:v26+s3+$0x0] =	vst.idx.add.f32.msk $0xffff, v25  }
0x79: {  	v26 =	vor.u32 v3, v24;
	v25 =	vld [tilespmem:s28+$0xFFFFFFA0];
	_ =	sdelay $0x4  }
0x7a: {  	[tilespmem:v26+s3+$0x0] =	vst.idx.add.f32.msk $0xffff, v25  }
0x7b: {  	v24 =	vor.u32 v4, v24;
	v25 =	vld [tilespmem:s28+$0xFFFFFFB0];
	_ =	sdelay $0x2  }
0x7c: {  	v26 =	vperm.xlane v23, v13;
	_ =	sdelay $0x1  }
0x7d: {  	[tilespmem:v24+s3+$0x0] =	vst.idx.add.f32.msk $0xffff, v25;
	v24 =	vshll.u32 v26, $0x6  }
0x7e: {  	v25 =	vld [tilespmem:s28+$0xFFFFFFC0];
	v26 =	vor.u32 v0, v24;
	_ =	sdelay $0x4  }
0x7f: {  	[tilespmem:v26+s3+$0x0] =	vst.idx.add.f32.msk $0xffff, v25  }
0x80: {  	v26 =	vor.u32 v2, v24;
	v25 =	vld [tilespmem:s28+$0xFFFFFFD0];
	_ =	sdelay $0x4  }
0x81: {  	[tilespmem:v26+s3+$0x0] =	vst.idx.add.f32.msk $0xffff, v25  }
0x82: {  	v26 =	vor.u32 v3, v24;
	v25 =	vld [tilespmem:s28+$0xFFFFFFE0];
	_ =	sdelay $0x4  }
0x83: {  	[tilespmem:v26+s3+$0x0] =	vst.idx.add.f32.msk $0xffff, v25  }
0x84: {  	v24 =	vor.u32 v4, v24;
	v25 =	vld [tilespmem:s28+$0xFFFFFFF0];
	_ =	sdelay $0x2  }
0x85: {  	v26 =	vperm.xlane v23, v14;
	_ =	sdelay $0x1  }
0x86: {  	[tilespmem:v24+s3+$0x0] =	vst.idx.add.f32.msk $0xffff, v25;
	v24 =	vshll.u32 v26, $0x6  }
0x87: {  	v25 =	vld [tilespmem:s28+$0x0];
	v26 =	vor.u32 v0, v24;
	_ =	sdelay $0x4  }
0x88: {  	[tilespmem:v26+s3+$0x0] =	vst.idx.add.f32.msk $0xffff, v25  }
0x89: {  	v26 =	vor.u32 v2, v24;
	v25 =	vld [tilespmem:s28+$0x10];
	_ =	sdelay $0x4  }
0x8a: {  	[tilespmem:v26+s3+$0x0] =	vst.idx.add.f32.msk $0xffff, v25  }
0x8b: {  	v26 =	vor.u32 v3, v24;
	v25 =	vld [tilespmem:s28+$0x20];
	_ =	sdelay $0x4  }
0x8c: {  	[tilespmem:v26+s3+$0x0] =	vst.idx.add.f32.msk $0xffff, v25  }
0x8d: {  	v24 =	vor.u32 v4, v24;
	v25 =	vld [tilespmem:s28+$0x30];
	_ =	sdelay $0x2  }
0x8e: {  	v26 =	vperm.xlane v23, v15;
	_ =	sdelay $0x1  }
0x8f: {  	[tilespmem:v24+s3+$0x0] =	vst.idx.add.f32.msk $0xffff, v25;
	v24 =	vshll.u32 v26, $0x6  }
0x90: {  	v25 =	vld [tilespmem:s28+$0x40];
	v26 =	vor.u32 v0, v24;
	_ =	sdelay $0x4  }
0x91: {  	[tilespmem:v26+s3+$0x0] =	vst.idx.add.f32.msk $0xffff, v25  }
0x92: {  	v26 =	vor.u32 v2, v24;
	v25 =	vld [tilespmem:s28+$0x50];
	_ =	sdelay $0x4  }
0x93: {  	[tilespmem:v26+s3+$0x0] =	vst.idx.add.f32.msk $0xffff, v25  }
0x94: {  	v26 =	vor.u32 v3, v24;
	v25 =	vld [tilespmem:s28+$0x60];
	_ =	sdelay $0x4  }
0x95: {  	[tilespmem:v26+s3+$0x0] =	vst.idx.add.f32.msk $0xffff, v25  }
0x96: {  	v24 =	vor.u32 v4, v24;
	v25 =	vld [tilespmem:s28+$0x70];
	_ =	sdelay $0x2  }
0x97: {  	v26 =	vperm.xlane v23, v16;
	_ =	sdelay $0x1  }
0x98: {  	[tilespmem:v24+s3+$0x0] =	vst.idx.add.f32.msk $0xffff, v25;
	v24 =	vshll.u32 v26, $0x6  }
0x99: {  	v25 =	vld [tilespmem:s28+$0x80];
	v26 =	vor.u32 v0, v24;
	_ =	sdelay $0x4  }
0x9a: {  	[tilespmem:v26+s3+$0x0] =	vst.idx.add.f32.msk $0xffff, v25  }
0x9b: {  	v26 =	vor.u32 v2, v24;
	v25 =	vld [tilespmem:s28+$0x90];
	_ =	sdelay $0x4  }
0x9c: {  	[tilespmem:v26+s3+$0x0] =	vst.idx.add.f32.msk $0xffff, v25  }
0x9d: {  	v26 =	vor.u32 v3, v24;
	v25 =	vld [tilespmem:s28+$0xA0];
	_ =	sdelay $0x4  }
0x9e: {  	[tilespmem:v26+s3+$0x0] =	vst.idx.add.f32.msk $0xffff, v25  }
0x9f: {  	v24 =	vor.u32 v4, v24;
	v25 =	vld [tilespmem:s28+$0xB0];
	_ =	sdelay $0x2  }
0xa0: {  	v26 =	vperm.xlane v23, v17;
	_ =	sdelay $0x1  }
0xa1: {  	[tilespmem:v24+s3+$0x0] =	vst.idx.add.f32.msk $0xffff, v25;
	v24 =	vshll.u32 v26, $0x6  }
0xa2: {  	v25 =	vld [tilespmem:s28+$0xC0];
	v26 =	vor.u32 v0, v24;
	_ =	sdelay $0x4  }
0xa3: {  	[tilespmem:v26+s3+$0x0] =	vst.idx.add.f32.msk $0xffff, v25  }
0xa4: {  	v26 =	vor.u32 v2, v24;
	v25 =	vld [tilespmem:s28+$0xD0];
	_ =	sdelay $0x4  }
0xa5: {  	[tilespmem:v26+s3+$0x0] =	vst.idx.add.f32.msk $0xffff, v25  }
0xa6: {  	v26 =	vor.u32 v3, v24;
	v25 =	vld [tilespmem:s28+$0xE0];
	_ =	sdelay $0x4  }
0xa7: {  	[tilespmem:v26+s3+$0x0] =	vst.idx.add.f32.msk $0xffff, v25  }
0xa8: {  	v24 =	vor.u32 v4, v24;
	v25 =	vld [tilespmem:s28+$0xF0];
	_ =	sdelay $0x2  }
0xa9: {  	v26 =	vperm.xlane v23, v18;
	_ =	sdelay $0x1  }
0xaa: {  	[tilespmem:v24+s3+$0x0] =	vst.idx.add.f32.msk $0xffff, v25;
	v24 =	vshll.u32 v26, $0x6  }
0xab: {  	v25 =	vld [tilespmem:s28+$0x100];
	v26 =	vor.u32 v0, v24;
	_ =	sdelay $0x4  }
0xac: {  	[tilespmem:v26+s3+$0x0] =	vst.idx.add.f32.msk $0xffff, v25  }
0xad: {  	v26 =	vor.u32 v2, v24;
	v25 =	vld [tilespmem:s28+$0x110];
	_ =	sdelay $0x4  }
0xae: {  	[tilespmem:v26+s3+$0x0] =	vst.idx.add.f32.msk $0xffff, v25  }
0xaf: {  	v26 =	vor.u32 v3, v24;
	v25 =	vld [tilespmem:s28+$0x120];
	_ =	sdelay $0x4  }
0xb0: {  	[tilespmem:v26+s3+$0x0] =	vst.idx.add.f32.msk $0xffff, v25  }
0xb1: {  	v24 =	vor.u32 v4, v24;
	v25 =	vld [tilespmem:s28+$0x130];
	_ =	sdelay $0x2  }
0xb2: {  	v26 =	vperm.xlane v23, v19;
	_ =	sdelay $0x1  }
0xb3: {  	[tilespmem:v24+s3+$0x0] =	vst.idx.add.f32.msk $0xffff, v25;
	v24 =	vshll.u32 v26, $0x6  }
0xb4: {  	v25 =	vld [tilespmem:s28+$0x140];
	v26 =	vor.u32 v0, v24;
	_ =	sdelay $0x4  }
0xb5: {  	[tilespmem:v26+s3+$0x0] =	vst.idx.add.f32.msk $0xffff, v25  }
0xb6: {  	v26 =	vor.u32 v2, v24;
	v25 =	vld [tilespmem:s28+$0x150];
	_ =	sdelay $0x4  }
0xb7: {  	[tilespmem:v26+s3+$0x0] =	vst.idx.add.f32.msk $0xffff, v25  }
0xb8: {  	v26 =	vor.u32 v3, v24;
	v25 =	vld [tilespmem:s28+$0x160];
	_ =	sdelay $0x4  }
0xb9: {  	[tilespmem:v26+s3+$0x0] =	vst.idx.add.f32.msk $0xffff, v25  }
0xba: {  	v24 =	vor.u32 v4, v24;
	v25 =	vld [tilespmem:s28+$0x170];
	_ =	sdelay $0x2  }
0xbb: {  	v26 =	vperm.xlane v23, v20;
	_ =	sdelay $0x1  }
0xbc: {  	[tilespmem:v24+s3+$0x0] =	vst.idx.add.f32.msk $0xffff, v25;
	v24 =	vshll.u32 v26, $0x6  }
0xbd: {  	v25 =	vld [tilespmem:s28+$0x180];
	v26 =	vor.u32 v0, v24;
	_ =	sdelay $0x4  }
0xbe: {  	[tilespmem:v26+s3+$0x0] =	vst.idx.add.f32.msk $0xffff, v25  }
0xbf: {  	v26 =	vor.u32 v2, v24;
	v25 =	vld [tilespmem:s28+$0x190];
	_ =	sdelay $0x4  }
0xc0: {  	[tilespmem:v26+s3+$0x0] =	vst.idx.add.f32.msk $0xffff, v25  }
0xc1: {  	v26 =	vor.u32 v3, v24;
	v25 =	vld [tilespmem:s28+$0x1A0];
	_ =	sdelay $0x4  }
0xc2: {  	[tilespmem:v26+s3+$0x0] =	vst.idx.add.f32.msk $0xffff, v25  }
0xc3: {  	v24 =	vor.u32 v4, v24;
	v25 =	vld [tilespmem:s28+$0x1B0];
	_ =	sdelay $0x2  }
0xc4: {  	v23 =	vperm.xlane v23, v21;
	_ =	sdelay $0x1  }
0xc5: {  	v23 =	vshll.u32 v23, $0x6;
	[tilespmem:v24+s3+$0x0] =	vst.idx.add.f32.msk $0xffff, v25  }
0xc6: {  	v25 =	vor.u32 v0, v23;
	v24 =	vld [tilespmem:s28+$0x1C0];
	_ =	sdelay $0x4  }
0xc7: {  	[tilespmem:v25+s3+$0x0] =	vst.idx.add.f32.msk $0xffff, v24  }
0xc8: {  	v25 =	vor.u32 v2, v23;
	v24 =	vld [tilespmem:s28+$0x1D0];
	_ =	sdelay $0x4  }
0xc9: {  	[tilespmem:v25+s3+$0x0] =	vst.idx.add.f32.msk $0xffff, v24  }
0xca: {  	v25 =	vor.u32 v3, v23;
	v24 =	vld [tilespmem:s28+$0x1E0];
	_ =	sdelay $0x4  }
0xcb: {  	[tilespmem:v25+s3+$0x0] =	vst.idx.add.f32.msk $0xffff, v24  }
0xcc: {  	v24 =	vld [tilespmem:s28+$0x1F0]  }
.LBB2_8:
0xcd: {  	s29 =	sadd.s32 $0x40, s29  }
0xce: {  	v23 =	vor.u32 v4, v23;
	p1 =	sne.s32 s29, $0x280  }
.Ltmp4:
0xcf: {  	_ = 	snop;
	(pc) =	sbr.rel @!p1 .LBB2_9-.Ltmp4, $2  }
0xd0: {  	_ =	sdelay $0x2  }
0xd1: {  	s28 =	sadd.s32 $0x400, s28;
	[tilespmem:v23+s3+$0x0] =	vst.idx.add.f32.msk $0xffff, v24  }
.LBB2_5:
0xd2: {  	_ =	sdelay $0x2  }
0xd3: {  	s30 =	sshra.s32 s29, $0x2  }
0xd4: {  	v23 =	vld.idx.msk [tilespmem:v22+s30+$0x0 ss:$0x1], $0xffff;
	_ =	sdelay $0x4  }
0xd5: {  	vm0 =	vlt.s32 v23, $0x3FF  }
0xd6: {  	v23 =	vnsel vm0, $0x3FF, v23  }
0xd7: {  	(v2sf) =	vpush v23, $0x0  }
0xd8: {  	(v2sf) =	vpush v23, $0xF;
	_ =	sdelay $0xd  }
0xd9: {  	v24 =	vshll.u32 v23, $0x4;
	s0 =	spop (v2sf)  }
0xda: {  	v24 =	vor.u32 v0, v24;
	s31 =	spop (v2sf)  }
0xdb: {  	p1 =	sne.s32 s0, s31  }
.Ltmp5:
0xdc: {  	_ = 	snop;
	(pc) =	sbr.rel @p1 .LBB2_7-.Ltmp5, $3  }
0xdd: {  	_ =	sdelay $0x1  }
0xde: {  	[tilespmem:v24+s18+$0x0] =	vst.idx.add.f32.msk $0xffff, v5;
	v24 =	vperm.xlane v23, v6  }
0xdf: {  	v25 =	vld [tilespmem:s28+$0xFFFFFE00]  }
0xe0: {  	v23 =	vld [tilespmem:s28+$0xFFFFFE40]  }
0xe1: {  	v26 =	vld [tilespmem:s28+$0xFFFFFE80]  }
0xe2: {  	v27 =	vld [tilespmem:s28+$0xFFFFFEC0]  }
0xe3: {  	v28 =	vld [tilespmem:s28+$0xFFFFFF00]  }
0xe4: {  	v29 =	vld [tilespmem:s28+$0xFFFFFF40]  }
0xe5: {  	v30 =	vld [tilespmem:s28+$0xFFFFFF80]  }
0xe6: {  	v31 =	vld [tilespmem:s28+$0xFFFFFFC0]  }
0xe7: {  	v32 =	vld [tilespmem:s28+$0x0]  }
0xe8: {  	v33 =	vld [tilespmem:s28+$0x40]  }
0xe9: {  	v34 =	vld [tilespmem:s28+$0x80]  }
0xea: {  	v35 =	vld [tilespmem:s28+$0xC0]  }
0xeb: {  	v36 =	vld [tilespmem:s28+$0x100]  }
0xec: {  	v37 =	vld [tilespmem:s28+$0x140]  }
0xed: {  	v38 =	vld [tilespmem:s28+$0x180]  }
0xee: {  	v39 =	vld [tilespmem:s28+$0x1C0];
	_ =	sdelay $0x1  }
0xef: {  	v23 =	vadd.f32 v23, v25;
	v25 =	vadd.f32 v27, v26  }
0xf0: {  	v26 =	vadd.f32 v29, v28;
	v27 =	vadd.f32 v31, v30  }
0xf1: {  	v55 =	vadd.f32 v33, v32;
	v56 =	vadd.f32 v35, v34  }
0xf2: {  	v57 =	vadd.f32 v37, v36;
	v58 =	vadd.f32 v39, v38  }
0xf3: {  	v25 =	vadd.f32 v25, v23;
	v26 =	vadd.f32 v27, v26  }
0xf4: {  	v27 =	vadd.f32 v56, v55;
	v59 =	vadd.f32 v58, v57;
	v23 =	vshll.u32 v24, $0x6  }
0xf5: {  	v24 =	vor.u32 v0, v23  }
0xf6: {  	v25 =	vadd.f32 v26, v25;
	v26 =	vadd.f32 v59, v27;
	_ =	sdelay $0x1  }
0xf7: {  	v25 =	vadd.f32 v26, v25;
	_ =	sdelay $0x1  }
0xf8: {  	[tilespmem:v24+s3+$0x0] =	vst.idx.add.f32.msk $0xffff, v25  }
0xf9: {  	v24 =	vld [tilespmem:s28+$0xFFFFFE10]  }
0xfa: {  	v25 =	vld [tilespmem:s28+$0xFFFFFE50]  }
0xfb: {  	v26 =	vld [tilespmem:s28+$0xFFFFFE90]  }
0xfc: {  	v27 =	vld [tilespmem:s28+$0xFFFFFED0]  }
0xfd: {  	v60 =	vld [tilespmem:s28+$0xFFFFFF10]  }
0xfe: {  	v61 =	vld [tilespmem:s28+$0xFFFFFF50]  }
0xff: {  	v62 =	vld [tilespmem:s28+$0xFFFFFF90]  }
0x100: {  	v63 =	vld [tilespmem:s28+$0xFFFFFFD0]  }
0x101: {  	v42 =	vld [tilespmem:s28+$0x10]  }
0x102: {  	v43 =	vld [tilespmem:s28+$0x50]  }
0x103: {  	v44 =	vld [tilespmem:s28+$0x90]  }
0x104: {  	v45 =	vld [tilespmem:s28+$0xD0]  }
0x105: {  	v46 =	vld [tilespmem:s28+$0x110]  }
0x106: {  	v47 =	vld [tilespmem:s28+$0x150]  }
0x107: {  	v48 =	vld [tilespmem:s28+$0x190]  }
0x108: {  	v49 =	vld [tilespmem:s28+$0x1D0];
	_ =	sdelay $0x1  }
0x109: {  	v24 =	vadd.f32 v25, v24;
	v25 =	vadd.f32 v27, v26  }
0x10a: {  	v26 =	vadd.f32 v61, v60;
	v27 =	vadd.f32 v63, v62  }
0x10b: {  	v50 =	vadd.f32 v43, v42;
	v51 =	vadd.f32 v45, v44  }
0x10c: {  	v52 =	vadd.f32 v47, v46;
	v53 =	vadd.f32 v49, v48  }
0x10d: {  	v24 =	vadd.f32 v25, v24;
	v25 =	vadd.f32 v27, v26  }
0x10e: {  	v26 =	vadd.f32 v51, v50;
	v27 =	vadd.f32 v53, v52  }
0x10f: {  	v54 =	vor.u32 v2, v23  }
0x110: {  	v24 =	vadd.f32 v25, v24;
	v25 =	vadd.f32 v27, v26;
	_ =	sdelay $0x1  }
0x111: {  	v24 =	vadd.f32 v25, v24;
	_ =	sdelay $0x1  }
0x112: {  	[tilespmem:v54+s3+$0x0] =	vst.idx.add.f32.msk $0xffff, v24  }
0x113: {  	v24 =	vld [tilespmem:s28+$0xFFFFFE20]  }
0x114: {  	v25 =	vld [tilespmem:s28+$0xFFFFFE60]  }
0x115: {  	v26 =	vld [tilespmem:s28+$0xFFFFFEA0]  }
0x116: {  	v27 =	vld [tilespmem:s28+$0xFFFFFEE0]  }
0x117: {  	v28 =	vld [tilespmem:s28+$0xFFFFFF20]  }
0x118: {  	v55 =	vld [tilespmem:s28+$0xFFFFFF60]  }
0x119: {  	v56 =	vld [tilespmem:s28+$0xFFFFFFA0]  }
0x11a: {  	v57 =	vld [tilespmem:s28+$0xFFFFFFE0]  }
0x11b: {  	v58 =	vld [tilespmem:s28+$0x20]  }
0x11c: {  	v59 =	vld [tilespmem:s28+$0x60]  }
0x11d: {  	v60 =	vld [tilespmem:s28+$0xA0]  }
0x11e: {  	v61 =	vld [tilespmem:s28+$0xE0]  }
0x11f: {  	v62 =	vld [tilespmem:s28+$0x120]  }
0x120: {  	v63 =	vld [tilespmem:s28+$0x160]  }
0x121: {  	v42 =	vld [tilespmem:s28+$0x1A0]  }
0x122: {  	v43 =	vld [tilespmem:s28+$0x1E0];
	_ =	sdelay $0x1  }
0x123: {  	v24 =	vadd.f32 v25, v24;
	v25 =	vadd.f32 v27, v26  }
0x124: {  	v26 =	vadd.f32 v55, v28;
	v27 =	vadd.f32 v57, v56  }
0x125: {  	v44 =	vadd.f32 v59, v58;
	v45 =	vadd.f32 v61, v60  }
0x126: {  	v46 =	vadd.f32 v63, v62;
	v47 =	vadd.f32 v43, v42  }
0x127: {  	v24 =	vadd.f32 v25, v24;
	v25 =	vadd.f32 v27, v26  }
0x128: {  	v26 =	vadd.f32 v45, v44;
	v27 =	vadd.f32 v47, v46  }
0x129: {  	v48 =	vor.u32 v3, v23  }
0x12a: {  	v24 =	vadd.f32 v25, v24;
	v25 =	vadd.f32 v27, v26;
	_ =	sdelay $0x1  }
0x12b: {  	v24 =	vadd.f32 v25, v24;
	_ =	sdelay $0x1  }
0x12c: {  	[tilespmem:v48+s3+$0x0] =	vst.idx.add.f32.msk $0xffff, v24  }
0x12d: {  	v24 =	vld [tilespmem:s28+$0xFFFFFE30]  }
0x12e: {  	v25 =	vld [tilespmem:s28+$0xFFFFFE70]  }
0x12f: {  	v26 =	vld [tilespmem:s28+$0xFFFFFEB0]  }
0x130: {  	v27 =	vld [tilespmem:s28+$0xFFFFFEF0]  }
0x131: {  	v28 =	vld [tilespmem:s28+$0xFFFFFF30]  }
0x132: {  	v49 =	vld [tilespmem:s28+$0xFFFFFF70]  }
0x133: {  	v50 =	vld [tilespmem:s28+$0xFFFFFFB0]  }
0x134: {  	v51 =	vld [tilespmem:s28+$0xFFFFFFF0]  }
0x135: {  	v52 =	vld [tilespmem:s28+$0x30]  }
0x136: {  	v53 =	vld [tilespmem:s28+$0x70]  }
0x137: {  	v54 =	vld [tilespmem:s28+$0xB0]  }
0x138: {  	v55 =	vld [tilespmem:s28+$0xF0]  }
0x139: {  	v56 =	vld [tilespmem:s28+$0x130]  }
0x13a: {  	v57 =	vld [tilespmem:s28+$0x170]  }
0x13b: {  	v58 =	vld [tilespmem:s28+$0x1B0]  }
0x13c: {  	v59 =	vld [tilespmem:s28+$0x1F0];
	_ =	sdelay $0x1  }
0x13d: {  	v24 =	vadd.f32 v25, v24;
	v25 =	vadd.f32 v27, v26  }
0x13e: {  	v26 =	vadd.f32 v49, v28;
	v27 =	vadd.f32 v51, v50  }
0x13f: {  	v60 =	vadd.f32 v53, v52;
	v61 =	vadd.f32 v55, v54  }
0x140: {  	v62 =	vadd.f32 v57, v56;
	v63 =	vadd.f32 v59, v58  }
0x141: {  	v24 =	vadd.f32 v25, v24;
	v25 =	vadd.f32 v27, v26  }
.Ltmp6:
0x142: {  	v26 =	vadd.f32 v61, v60;
	v27 =	vadd.f32 v63, v62;
	(pc) =	sbr.rel .LBB2_8-.Ltmp6, $3  }
0x143: {  	_ = 	snop  }
0x144: {  	v24 =	vadd.f32 v25, v24;
	v25 =	vadd.f32 v27, v26;
	_ =	sdelay $0x1  }
0x145: {  	v24 =	vadd.f32 v25, v24  }
.LBB2_9:
0x146: {  	s28 =	smul.u32 $0x140, s24;
	_ =	sdelay $0x1  }
0x147: {  	s29 =	sadd.s32 s28, s8  }
0x148: {  	s29 =	sshll.u32 s29, $0x7  }
0x149: {  	s29 =	sor.u32 s4, s29  }
0x14a: {  	s29 =	sshrl.u32 s29, $0x3  }
.Ltmp7:
0x14b: {  	s29 =	sadd.s32 s1, s29;
	(pc) =	sbr.rel .LBB2_10-.Ltmp7, $4  }
0x14c: {  	[tilespmem:s16], [sflag:$0x1] =	stream.strided.gather [hbm4b:s29+s14], $0x2800, s15, s14, $0x38;
	[tilespmem:$0x1DE20] =	vst v63  }
0x14d: {  	_ =	swait.ge [sflag:s21], $0x2800  }
0x14e: {  	[sflag:s21] =	ssyncset.done $0x0  }
0x14f: {  	s30 =	simm.s32 $0x16BF0;
	v22 =	vmov s26;
	s29 =	simm.s32 $0x0;
	[sflag:s21] =	ssyncadd.s32 $0xFFFFD800  }
.LBB2_12:
0x150: {  	v24 =	vshll.u32 v24, $0x6  }
0x151: {  	v26 =	vor.u32 v0, v24;
	_ =	sdelay $0x4  }
0x152: {  	[tilespmem:v26+s3+$0x0] =	vst.idx.add.f32.msk $0xffff, v25  }
0x153: {  	v26 =	vor.u32 v2, v24;
	v25 =	vld [tilespmem:s30+$0xFFFFFC20];
	_ =	sdelay $0x4  }
0x154: {  	[tilespmem:v26+s3+$0x0] =	vst.idx.add.f32.msk $0xffff, v25  }
0x155: {  	v26 =	vor.u32 v3, v24;
	v25 =	vld [tilespmem:s30+$0xFFFFFC30];
	_ =	sdelay $0x4  }
0x156: {  	[tilespmem:v26+s3+$0x0] =	vst.idx.add.f32.msk $0xffff, v25  }
0x157: {  	v24 =	vor.u32 v4, v24;
	v25 =	vld [tilespmem:s30+$0xFFFFFC40];
	_ =	sdelay $0x2  }
0x158: {  	v26 =	vperm.xlane v23, v8;
	_ =	sdelay $0x1  }
0x159: {  	[tilespmem:v24+s3+$0x0] =	vst.idx.add.f32.msk $0xffff, v25;
	v24 =	vshll.u32 v26, $0x6  }
0x15a: {  	v25 =	vld [tilespmem:s30+$0xFFFFFC50];
	v26 =	vor.u32 v0, v24;
	_ =	sdelay $0x4  }
0x15b: {  	[tilespmem:v26+s3+$0x0] =	vst.idx.add.f32.msk $0xffff, v25  }
0x15c: {  	v26 =	vor.u32 v2, v24;
	v25 =	vld [tilespmem:s30+$0xFFFFFC60];
	_ =	sdelay $0x4  }
0x15d: {  	[tilespmem:v26+s3+$0x0] =	vst.idx.add.f32.msk $0xffff, v25  }
0x15e: {  	v26 =	vor.u32 v3, v24;
	v25 =	vld [tilespmem:s30+$0xFFFFFC70];
	_ =	sdelay $0x4  }
0x15f: {  	[tilespmem:v26+s3+$0x0] =	vst.idx.add.f32.msk $0xffff, v25  }
0x160: {  	v24 =	vor.u32 v4, v24;
	v25 =	vld [tilespmem:s30+$0xFFFFFC80];
	_ =	sdelay $0x2  }
0x161: {  	v26 =	vperm.xlane v23, v9;
	_ =	sdelay $0x1  }
0x162: {  	[tilespmem:v24+s3+$0x0] =	vst.idx.add.f32.msk $0xffff, v25;
	v24 =	vshll.u32 v26, $0x6  }
0x163: {  	v25 =	vld [tilespmem:s30+$0xFFFFFC90];
	v26 =	vor.u32 v0, v24;
	_ =	sdelay $0x4  }
0x164: {  	[tilespmem:v26+s3+$0x0] =	vst.idx.add.f32.msk $0xffff, v25  }
0x165: {  	v26 =	vor.u32 v2, v24;
	v25 =	vld [tilespmem:s30+$0xFFFFFCA0];
	_ =	sdelay $0x4  }
0x166: {  	[tilespmem:v26+s3+$0x0] =	vst.idx.add.f32.msk $0xffff, v25  }
0x167: {  	v26 =	vor.u32 v3, v24;
	v25 =	vld [tilespmem:s30+$0xFFFFFCB0];
	_ =	sdelay $0x4  }
0x168: {  	[tilespmem:v26+s3+$0x0] =	vst.idx.add.f32.msk $0xffff, v25  }
0x169: {  	v24 =	vor.u32 v4, v24;
	v25 =	vld [tilespmem:s30+$0xFFFFFCC0];
	_ =	sdelay $0x2  }
0x16a: {  	v26 =	vperm.xlane v23, v10;
	_ =	sdelay $0x1  }
0x16b: {  	[tilespmem:v24+s3+$0x0] =	vst.idx.add.f32.msk $0xffff, v25;
	v24 =	vshll.u32 v26, $0x6  }
0x16c: {  	v25 =	vld [tilespmem:s30+$0xFFFFFCD0];
	v26 =	vor.u32 v0, v24;
	_ =	sdelay $0x4  }
0x16d: {  	[tilespmem:v26+s3+$0x0] =	vst.idx.add.f32.msk $0xffff, v25  }
0x16e: {  	v26 =	vor.u32 v2, v24;
	v25 =	vld [tilespmem:s30+$0xFFFFFCE0];
	_ =	sdelay $0x4  }
0x16f: {  	[tilespmem:v26+s3+$0x0] =	vst.idx.add.f32.msk $0xffff, v25  }
0x170: {  	v26 =	vor.u32 v3, v24;
	v25 =	vld [tilespmem:s30+$0xFFFFFCF0];
	_ =	sdelay $0x4  }
0x171: {  	[tilespmem:v26+s3+$0x0] =	vst.idx.add.f32.msk $0xffff, v25  }
0x172: {  	v24 =	vor.u32 v4, v24;
	v25 =	vld [tilespmem:s30+$0xFFFFFD00];
	_ =	sdelay $0x2  }
0x173: {  	v26 =	vperm.xlane v23, v11;
	_ =	sdelay $0x1  }
0x174: {  	[tilespmem:v24+s3+$0x0] =	vst.idx.add.f32.msk $0xffff, v25;
	v24 =	vshll.u32 v26, $0x6  }
0x175: {  	v25 =	vld [tilespmem:s30+$0xFFFFFD10];
	v26 =	vor.u32 v0, v24;
	_ =	sdelay $0x4  }
0x176: {  	[tilespmem:v26+s3+$0x0] =	vst.idx.add.f32.msk $0xffff, v25  }
0x177: {  	v26 =	vor.u32 v2, v24;
	v25 =	vld [tilespmem:s30+$0xFFFFFD20];
	_ =	sdelay $0x4  }
0x178: {  	[tilespmem:v26+s3+$0x0] =	vst.idx.add.f32.msk $0xffff, v25  }
0x179: {  	v26 =	vor.u32 v3, v24;
	v25 =	vld [tilespmem:s30+$0xFFFFFD30];
	_ =	sdelay $0x4  }
0x17a: {  	[tilespmem:v26+s3+$0x0] =	vst.idx.add.f32.msk $0xffff, v25  }
0x17b: {  	v24 =	vor.u32 v4, v24;
	v25 =	vld [tilespmem:s30+$0xFFFFFD40];
	_ =	sdelay $0x2  }
0x17c: {  	v26 =	vperm.xlane v23, v12;
	_ =	sdelay $0x1  }
0x17d: {  	[tilespmem:v24+s3+$0x0] =	vst.idx.add.f32.msk $0xffff, v25;
	v24 =	vshll.u32 v26, $0x6  }
0x17e: {  	v25 =	vld [tilespmem:s30+$0xFFFFFD50];
	v26 =	vor.u32 v0, v24;
	_ =	sdelay $0x4  }
0x17f: {  	[tilespmem:v26+s3+$0x0] =	vst.idx.add.f32.msk $0xffff, v25  }
0x180: {  	v26 =	vor.u32 v2, v24;
	v25 =	vld [tilespmem:s30+$0xFFFFFD60];
	_ =	sdelay $0x4  }
0x181: {  	[tilespmem:v26+s3+$0x0] =	vst.idx.add.f32.msk $0xffff, v25  }
0x182: {  	v26 =	vor.u32 v3, v24;
	v25 =	vld [tilespmem:s30+$0xFFFFFD70];
	_ =	sdelay $0x4  }
0x183: {  	[tilespmem:v26+s3+$0x0] =	vst.idx.add.f32.msk $0xffff, v25  }
0x184: {  	v24 =	vor.u32 v4, v24;
	v25 =	vld [tilespmem:s30+$0xFFFFFD80];
	_ =	sdelay $0x2  }
0x185: {  	v26 =	vperm.xlane v23, v7;
	_ =	sdelay $0x1  }
0x186: {  	[tilespmem:v24+s3+$0x0] =	vst.idx.add.f32.msk $0xffff, v25;
	v24 =	vshll.u32 v26, $0x6  }
0x187: {  	v25 =	vld [tilespmem:s30+$0xFFFFFD90];
	v26 =	vor.u32 v0, v24;
	_ =	sdelay $0x4  }
0x188: {  	[tilespmem:v26+s3+$0x0] =	vst.idx.add.f32.msk $0xffff, v25  }
0x189: {  	v26 =	vor.u32 v2, v24;
	v25 =	vld [tilespmem:s30+$0xFFFFFDA0];
	_ =	sdelay $0x4  }
0x18a: {  	[tilespmem:v26+s3+$0x0] =	vst.idx.add.f32.msk $0xffff, v25  }
0x18b: {  	v26 =	vor.u32 v3, v24;
	v25 =	vld [tilespmem:s30+$0xFFFFFDB0];
	_ =	sdelay $0x4  }
0x18c: {  	[tilespmem:v26+s3+$0x0] =	vst.idx.add.f32.msk $0xffff, v25  }
0x18d: {  	v24 =	vor.u32 v4, v24;
	v25 =	vld [tilespmem:s30+$0xFFFFFDC0];
	_ =	sdelay $0x2  }
0x18e: {  	v26 =	vperm.xlane v23, v13;
	_ =	sdelay $0x1  }
0x18f: {  	[tilespmem:v24+s3+$0x0] =	vst.idx.add.f32.msk $0xffff, v25;
	v24 =	vshll.u32 v26, $0x6  }
0x190: {  	v25 =	vld [tilespmem:s30+$0xFFFFFDD0];
	v26 =	vor.u32 v0, v24;
	_ =	sdelay $0x4  }
0x191: {  	[tilespmem:v26+s3+$0x0] =	vst.idx.add.f32.msk $0xffff, v25  }
0x192: {  	v26 =	vor.u32 v2, v24;
	v25 =	vld [tilespmem:s30+$0xFFFFFDE0];
	_ =	sdelay $0x4  }
0x193: {  	[tilespmem:v26+s3+$0x0] =	vst.idx.add.f32.msk $0xffff, v25  }
0x194: {  	v26 =	vor.u32 v3, v24;
	v25 =	vld [tilespmem:s30+$0xFFFFFDF0];
	_ =	sdelay $0x4  }
0x195: {  	[tilespmem:v26+s3+$0x0] =	vst.idx.add.f32.msk $0xffff, v25  }
0x196: {  	v24 =	vor.u32 v4, v24;
	v25 =	vld [tilespmem:s30+$0xFFFFFE00];
	_ =	sdelay $0x2  }
0x197: {  	v26 =	vperm.xlane v23, v14;
	_ =	sdelay $0x1  }
0x198: {  	[tilespmem:v24+s3+$0x0] =	vst.idx.add.f32.msk $0xffff, v25;
	v24 =	vshll.u32 v26, $0x6  }
0x199: {  	v25 =	vld [tilespmem:s30+$0xFFFFFE10];
	v26 =	vor.u32 v0, v24;
	_ =	sdelay $0x4  }
0x19a: {  	[tilespmem:v26+s3+$0x0] =	vst.idx.add.f32.msk $0xffff, v25  }
0x19b: {  	v26 =	vor.u32 v2, v24;
	v25 =	vld [tilespmem:s30+$0xFFFFFE20];
	_ =	sdelay $0x4  }
0x19c: {  	[tilespmem:v26+s3+$0x0] =	vst.idx.add.f32.msk $0xffff, v25  }
0x19d: {  	v26 =	vor.u32 v3, v24;
	v25 =	vld [tilespmem:s30+$0xFFFFFE30];
	_ =	sdelay $0x4  }
0x19e: {  	[tilespmem:v26+s3+$0x0] =	vst.idx.add.f32.msk $0xffff, v25  }
0x19f: {  	v24 =	vor.u32 v4, v24;
	v25 =	vld [tilespmem:s30+$0xFFFFFE40];
	_ =	sdelay $0x2  }
0x1a0: {  	v26 =	vperm.xlane v23, v15;
	_ =	sdelay $0x1  }
0x1a1: {  	[tilespmem:v24+s3+$0x0] =	vst.idx.add.f32.msk $0xffff, v25;
	v24 =	vshll.u32 v26, $0x6  }
0x1a2: {  	v25 =	vld [tilespmem:s30+$0xFFFFFE50];
	v26 =	vor.u32 v0, v24;
	_ =	sdelay $0x4  }
0x1a3: {  	[tilespmem:v26+s3+$0x0] =	vst.idx.add.f32.msk $0xffff, v25  }
0x1a4: {  	v26 =	vor.u32 v2, v24;
	v25 =	vld [tilespmem:s30+$0xFFFFFE60];
	_ =	sdelay $0x4  }
0x1a5: {  	[tilespmem:v26+s3+$0x0] =	vst.idx.add.f32.msk $0xffff, v25  }
0x1a6: {  	v26 =	vor.u32 v3, v24;
	v25 =	vld [tilespmem:s30+$0xFFFFFE70];
	_ =	sdelay $0x4  }
0x1a7: {  	[tilespmem:v26+s3+$0x0] =	vst.idx.add.f32.msk $0xffff, v25  }
0x1a8: {  	v24 =	vor.u32 v4, v24;
	v25 =	vld [tilespmem:s30+$0xFFFFFE80];
	_ =	sdelay $0x2  }
0x1a9: {  	v26 =	vperm.xlane v23, v16;
	_ =	sdelay $0x1  }
0x1aa: {  	[tilespmem:v24+s3+$0x0] =	vst.idx.add.f32.msk $0xffff, v25;
	v24 =	vshll.u32 v26, $0x6  }
0x1ab: {  	v25 =	vld [tilespmem:s30+$0xFFFFFE90];
	v26 =	vor.u32 v0, v24;
	_ =	sdelay $0x4  }
0x1ac: {  	[tilespmem:v26+s3+$0x0] =	vst.idx.add.f32.msk $0xffff, v25  }
0x1ad: {  	v26 =	vor.u32 v2, v24;
	v25 =	vld [tilespmem:s30+$0xFFFFFEA0];
	_ =	sdelay $0x4  }
0x1ae: {  	[tilespmem:v26+s3+$0x0] =	vst.idx.add.f32.msk $0xffff, v25  }
0x1af: {  	v26 =	vor.u32 v3, v24;
	v25 =	vld [tilespmem:s30+$0xFFFFFEB0];
	_ =	sdelay $0x4  }
0x1b0: {  	[tilespmem:v26+s3+$0x0] =	vst.idx.add.f32.msk $0xffff, v25  }
0x1b1: {  	v24 =	vor.u32 v4, v24;
	v25 =	vld [tilespmem:s30+$0xFFFFFEC0];
	_ =	sdelay $0x2  }
0x1b2: {  	v26 =	vperm.xlane v23, v17;
	_ =	sdelay $0x1  }
0x1b3: {  	[tilespmem:v24+s3+$0x0] =	vst.idx.add.f32.msk $0xffff, v25;
	v24 =	vshll.u32 v26, $0x6  }
0x1b4: {  	v25 =	vld [tilespmem:s30+$0xFFFFFED0];
	v26 =	vor.u32 v0, v24;
	_ =	sdelay $0x4  }
0x1b5: {  	[tilespmem:v26+s3+$0x0] =	vst.idx.add.f32.msk $0xffff, v25  }
0x1b6: {  	v26 =	vor.u32 v2, v24;
	v25 =	vld [tilespmem:s30+$0xFFFFFEE0];
	_ =	sdelay $0x4  }
0x1b7: {  	[tilespmem:v26+s3+$0x0] =	vst.idx.add.f32.msk $0xffff, v25  }
0x1b8: {  	v26 =	vor.u32 v3, v24;
	v25 =	vld [tilespmem:s30+$0xFFFFFEF0];
	_ =	sdelay $0x4  }
0x1b9: {  	[tilespmem:v26+s3+$0x0] =	vst.idx.add.f32.msk $0xffff, v25  }
0x1ba: {  	v24 =	vor.u32 v4, v24;
	v25 =	vld [tilespmem:s30+$0xFFFFFF00];
	_ =	sdelay $0x2  }
0x1bb: {  	v26 =	vperm.xlane v23, v18;
	_ =	sdelay $0x1  }
0x1bc: {  	[tilespmem:v24+s3+$0x0] =	vst.idx.add.f32.msk $0xffff, v25;
	v24 =	vshll.u32 v26, $0x6  }
0x1bd: {  	v25 =	vld [tilespmem:s30+$0xFFFFFF10];
	v26 =	vor.u32 v0, v24;
	_ =	sdelay $0x4  }
0x1be: {  	[tilespmem:v26+s3+$0x0] =	vst.idx.add.f32.msk $0xffff, v25  }
0x1bf: {  	v26 =	vor.u32 v2, v24;
	v25 =	vld [tilespmem:s30+$0xFFFFFF20];
	_ =	sdelay $0x4  }
0x1c0: {  	[tilespmem:v26+s3+$0x0] =	vst.idx.add.f32.msk $0xffff, v25  }
0x1c1: {  	v26 =	vor.u32 v3, v24;
	v25 =	vld [tilespmem:s30+$0xFFFFFF30];
	_ =	sdelay $0x4  }
0x1c2: {  	[tilespmem:v26+s3+$0x0] =	vst.idx.add.f32.msk $0xffff, v25  }
0x1c3: {  	v24 =	vor.u32 v4, v24;
	v25 =	vld [tilespmem:s30+$0xFFFFFF40];
	_ =	sdelay $0x2  }
0x1c4: {  	v26 =	vperm.xlane v23, v19;
	_ =	sdelay $0x1  }
0x1c5: {  	[tilespmem:v24+s3+$0x0] =	vst.idx.add.f32.msk $0xffff, v25;
	v24 =	vshll.u32 v26, $0x6  }
0x1c6: {  	v25 =	vld [tilespmem:s30+$0xFFFFFF50];
	v26 =	vor.u32 v0, v24;
	_ =	sdelay $0x4  }
0x1c7: {  	[tilespmem:v26+s3+$0x0] =	vst.idx.add.f32.msk $0xffff, v25  }
0x1c8: {  	v26 =	vor.u32 v2, v24;
	v25 =	vld [tilespmem:s30+$0xFFFFFF60];
	_ =	sdelay $0x4  }
0x1c9: {  	[tilespmem:v26+s3+$0x0] =	vst.idx.add.f32.msk $0xffff, v25  }
0x1ca: {  	v26 =	vor.u32 v3, v24;
	v25 =	vld [tilespmem:s30+$0xFFFFFF70];
	_ =	sdelay $0x4  }
0x1cb: {  	[tilespmem:v26+s3+$0x0] =	vst.idx.add.f32.msk $0xffff, v25  }
0x1cc: {  	v24 =	vor.u32 v4, v24;
	v25 =	vld [tilespmem:s30+$0xFFFFFF80];
	_ =	sdelay $0x2  }
0x1cd: {  	v26 =	vperm.xlane v23, v20;
	_ =	sdelay $0x1  }
0x1ce: {  	[tilespmem:v24+s3+$0x0] =	vst.idx.add.f32.msk $0xffff, v25;
	v24 =	vshll.u32 v26, $0x6  }
0x1cf: {  	v25 =	vld [tilespmem:s30+$0xFFFFFF90];
	v26 =	vor.u32 v0, v24;
	_ =	sdelay $0x4  }
0x1d0: {  	[tilespmem:v26+s3+$0x0] =	vst.idx.add.f32.msk $0xffff, v25  }
0x1d1: {  	v26 =	vor.u32 v2, v24;
	v25 =	vld [tilespmem:s30+$0xFFFFFFA0];
	_ =	sdelay $0x4  }
0x1d2: {  	[tilespmem:v26+s3+$0x0] =	vst.idx.add.f32.msk $0xffff, v25  }
0x1d3: {  	v26 =	vor.u32 v3, v24;
	v25 =	vld [tilespmem:s30+$0xFFFFFFB0];
	_ =	sdelay $0x4  }
0x1d4: {  	[tilespmem:v26+s3+$0x0] =	vst.idx.add.f32.msk $0xffff, v25  }
0x1d5: {  	v24 =	vor.u32 v4, v24;
	v25 =	vld [tilespmem:s30+$0xFFFFFFC0];
	_ =	sdelay $0x2  }
0x1d6: {  	v23 =	vperm.xlane v23, v21;
	_ =	sdelay $0x1  }
0x1d7: {  	v23 =	vshll.u32 v23, $0x6;
	[tilespmem:v24+s3+$0x0] =	vst.idx.add.f32.msk $0xffff, v25  }
0x1d8: {  	v25 =	vor.u32 v0, v23;
	v24 =	vld [tilespmem:s30+$0xFFFFFFD0];
	_ =	sdelay $0x4  }
0x1d9: {  	[tilespmem:v25+s3+$0x0] =	vst.idx.add.f32.msk $0xffff, v24  }
0x1da: {  	v25 =	vor.u32 v2, v23;
	v24 =	vld [tilespmem:s30+$0xFFFFFFE0];
	_ =	sdelay $0x4  }
0x1db: {  	[tilespmem:v25+s3+$0x0] =	vst.idx.add.f32.msk $0xffff, v24  }
0x1dc: {  	v25 =	vor.u32 v3, v23;
	v24 =	vld [tilespmem:s30+$0xFFFFFFF0];
	_ =	sdelay $0x4  }
0x1dd: {  	[tilespmem:v25+s3+$0x0] =	vst.idx.add.f32.msk $0xffff, v24  }
0x1de: {  	v24 =	vld [tilespmem:s30+$0x0]  }
.LBB2_13:
0x1df: {  	s29 =	sadd.s32 $0x40, s29  }
0x1e0: {  	v23 =	vor.u32 v4, v23;
	p1 =	sne.s32 s29, $0x280  }
.Ltmp8:
0x1e1: {  	_ = 	snop;
	(pc) =	sbr.rel @!p1 .LBB2_14-.Ltmp8, $2  }
0x1e2: {  	_ =	sdelay $0x2  }
0x1e3: {  	s30 =	sadd.s32 $0x400, s30;
	[tilespmem:v23+s3+$0x0] =	vst.idx.add.f32.msk $0xffff, v24  }
.LBB2_10:
0x1e4: {  	_ =	sdelay $0x2  }
0x1e5: {  	s31 =	sshra.s32 s29, $0x2  }
0x1e6: {  	v23 =	vld.idx.msk [tilespmem:v22+s31+$0x0 ss:$0x1], $0xffff;
	_ =	sdelay $0x4  }
0x1e7: {  	vm0 =	vlt.s32 v23, $0x3FF  }
0x1e8: {  	v23 =	vnsel vm0, $0x3FF, v23  }
0x1e9: {  	(v2sf) =	vpush v23, $0x0  }
0x1ea: {  	(v2sf) =	vpush v23, $0xF;
	_ =	sdelay $0xd  }
0x1eb: {  	v24 =	vshll.u32 v23, $0x4;
	s31 =	spop (v2sf)  }
0x1ec: {  	v24 =	vor.u32 v0, v24;
	s0 =	spop (v2sf)  }
0x1ed: {  	p1 =	sne.s32 s31, s0  }
.Ltmp9:
0x1ee: {  	_ = 	snop;
	(pc) =	sbr.rel @p1 .LBB2_12-.Ltmp9, $3  }
0x1ef: {  	_ =	sdelay $0x1  }
0x1f0: {  	[tilespmem:v24+s18+$0x0] =	vst.idx.add.f32.msk $0xffff, v5;
	v24 =	vperm.xlane v23, v6  }
0x1f1: {  	v25 =	vld [tilespmem:s30+$0xFFFFFC10]  }
0x1f2: {  	v23 =	vld [tilespmem:s30+$0xFFFFFC50]  }
0x1f3: {  	v26 =	vld [tilespmem:s30+$0xFFFFFC90]  }
0x1f4: {  	v27 =	vld [tilespmem:s30+$0xFFFFFCD0]  }
0x1f5: {  	v28 =	vld [tilespmem:s30+$0xFFFFFD10]  }
0x1f6: {  	v29 =	vld [tilespmem:s30+$0xFFFFFD50]  }
0x1f7: {  	v30 =	vld [tilespmem:s30+$0xFFFFFD90]  }
0x1f8: {  	v31 =	vld [tilespmem:s30+$0xFFFFFDD0]  }
0x1f9: {  	v32 =	vld [tilespmem:s30+$0xFFFFFE10]  }
0x1fa: {  	v33 =	vld [tilespmem:s30+$0xFFFFFE50]  }
0x1fb: {  	v34 =	vld [tilespmem:s30+$0xFFFFFE90]  }
0x1fc: {  	v35 =	vld [tilespmem:s30+$0xFFFFFED0]  }
0x1fd: {  	v36 =	vld [tilespmem:s30+$0xFFFFFF10]  }
0x1fe: {  	v37 =	vld [tilespmem:s30+$0xFFFFFF50]  }
0x1ff: {  	v38 =	vld [tilespmem:s30+$0xFFFFFF90]  }
0x200: {  	v39 =	vld [tilespmem:s30+$0xFFFFFFD0];
	_ =	sdelay $0x1  }
0x201: {  	v23 =	vadd.f32 v23, v25;
	v25 =	vadd.f32 v27, v26  }
0x202: {  	v26 =	vadd.f32 v29, v28;
	v27 =	vadd.f32 v31, v30  }
0x203: {  	v55 =	vadd.f32 v33, v32;
	v56 =	vadd.f32 v35, v34  }
0x204: {  	v57 =	vadd.f32 v37, v36;
	v58 =	vadd.f32 v39, v38  }
0x205: {  	v25 =	vadd.f32 v25, v23;
	v26 =	vadd.f32 v27, v26  }
0x206: {  	v27 =	vadd.f32 v56, v55;
	v59 =	vadd.f32 v58, v57;
	v23 =	vshll.u32 v24, $0x6  }
0x207: {  	v24 =	vor.u32 v0, v23  }
0x208: {  	v25 =	vadd.f32 v26, v25;
	v26 =	vadd.f32 v59, v27;
	_ =	sdelay $0x1  }
0x209: {  	v25 =	vadd.f32 v26, v25;
	_ =	sdelay $0x1  }
0x20a: {  	[tilespmem:v24+s3+$0x0] =	vst.idx.add.f32.msk $0xffff, v25  }
0x20b: {  	v24 =	vld [tilespmem:s30+$0xFFFFFC20]  }
0x20c: {  	v25 =	vld [tilespmem:s30+$0xFFFFFC60]  }
0x20d: {  	v26 =	vld [tilespmem:s30+$0xFFFFFCA0]  }
0x20e: {  	v27 =	vld [tilespmem:s30+$0xFFFFFCE0]  }
0x20f: {  	v60 =	vld [tilespmem:s30+$0xFFFFFD20]  }
0x210: {  	v61 =	vld [tilespmem:s30+$0xFFFFFD60]  }
0x211: {  	v62 =	vld [tilespmem:s30+$0xFFFFFDA0]  }
0x212: {  	v63 =	vld [tilespmem:s30+$0xFFFFFDE0]  }
0x213: {  	v42 =	vld [tilespmem:s30+$0xFFFFFE20]  }
0x214: {  	v43 =	vld [tilespmem:s30+$0xFFFFFE60]  }
0x215: {  	v44 =	vld [tilespmem:s30+$0xFFFFFEA0]  }
0x216: {  	v45 =	vld [tilespmem:s30+$0xFFFFFEE0]  }
0x217: {  	v46 =	vld [tilespmem:s30+$0xFFFFFF20]  }
0x218: {  	v47 =	vld [tilespmem:s30+$0xFFFFFF60]  }
0x219: {  	v48 =	vld [tilespmem:s30+$0xFFFFFFA0]  }
0x21a: {  	v49 =	vld [tilespmem:s30+$0xFFFFFFE0];
	_ =	sdelay $0x1  }
0x21b: {  	v24 =	vadd.f32 v25, v24;
	v25 =	vadd.f32 v27, v26  }
0x21c: {  	v26 =	vadd.f32 v61, v60;
	v27 =	vadd.f32 v63, v62  }
0x21d: {  	v50 =	vadd.f32 v43, v42;
	v51 =	vadd.f32 v45, v44  }
0x21e: {  	v52 =	vadd.f32 v47, v46;
	v53 =	vadd.f32 v49, v48  }
0x21f: {  	v24 =	vadd.f32 v25, v24;
	v25 =	vadd.f32 v27, v26  }
0x220: {  	v26 =	vadd.f32 v51, v50;
	v27 =	vadd.f32 v53, v52  }
0x221: {  	v54 =	vor.u32 v2, v23  }
0x222: {  	v24 =	vadd.f32 v25, v24;
	v25 =	vadd.f32 v27, v26;
	_ =	sdelay $0x1  }
0x223: {  	v24 =	vadd.f32 v25, v24;
	_ =	sdelay $0x1  }
0x224: {  	[tilespmem:v54+s3+$0x0] =	vst.idx.add.f32.msk $0xffff, v24  }
0x225: {  	v24 =	vld [tilespmem:s30+$0xFFFFFC30]  }
0x226: {  	v25 =	vld [tilespmem:s30+$0xFFFFFC70]  }
0x227: {  	v26 =	vld [tilespmem:s30+$0xFFFFFCB0]  }
0x228: {  	v27 =	vld [tilespmem:s30+$0xFFFFFCF0]  }
0x229: {  	v28 =	vld [tilespmem:s30+$0xFFFFFD30]  }
0x22a: {  	v55 =	vld [tilespmem:s30+$0xFFFFFD70]  }
0x22b: {  	v56 =	vld [tilespmem:s30+$0xFFFFFDB0]  }
0x22c: {  	v57 =	vld [tilespmem:s30+$0xFFFFFDF0]  }
0x22d: {  	v58 =	vld [tilespmem:s30+$0xFFFFFE30]  }
0x22e: {  	v59 =	vld [tilespmem:s30+$0xFFFFFE70]  }
0x22f: {  	v60 =	vld [tilespmem:s30+$0xFFFFFEB0]  }
0x230: {  	v61 =	vld [tilespmem:s30+$0xFFFFFEF0]  }
0x231: {  	v62 =	vld [tilespmem:s30+$0xFFFFFF30]  }
0x232: {  	v63 =	vld [tilespmem:s30+$0xFFFFFF70]  }
0x233: {  	v42 =	vld [tilespmem:s30+$0xFFFFFFB0]  }
0x234: {  	v43 =	vld [tilespmem:s30+$0xFFFFFFF0];
	_ =	sdelay $0x1  }
0x235: {  	v24 =	vadd.f32 v25, v24;
	v25 =	vadd.f32 v27, v26  }
0x236: {  	v26 =	vadd.f32 v55, v28;
	v27 =	vadd.f32 v57, v56  }
0x237: {  	v44 =	vadd.f32 v59, v58;
	v45 =	vadd.f32 v61, v60  }
0x238: {  	v46 =	vadd.f32 v63, v62;
	v47 =	vadd.f32 v43, v42  }
0x239: {  	v24 =	vadd.f32 v25, v24;
	v25 =	vadd.f32 v27, v26  }
0x23a: {  	v26 =	vadd.f32 v45, v44;
	v27 =	vadd.f32 v47, v46  }
0x23b: {  	v48 =	vor.u32 v3, v23  }
0x23c: {  	v24 =	vadd.f32 v25, v24;
	v25 =	vadd.f32 v27, v26;
	_ =	sdelay $0x1  }
0x23d: {  	v24 =	vadd.f32 v25, v24;
	_ =	sdelay $0x1  }
0x23e: {  	[tilespmem:v48+s3+$0x0] =	vst.idx.add.f32.msk $0xffff, v24  }
0x23f: {  	v24 =	vld [tilespmem:s30+$0xFFFFFC40]  }
0x240: {  	v25 =	vld [tilespmem:s30+$0xFFFFFC80]  }
0x241: {  	v26 =	vld [tilespmem:s30+$0xFFFFFCC0]  }
0x242: {  	v27 =	vld [tilespmem:s30+$0xFFFFFD00]  }
0x243: {  	v28 =	vld [tilespmem:s30+$0xFFFFFD40]  }
0x244: {  	v49 =	vld [tilespmem:s30+$0xFFFFFD80]  }
0x245: {  	v50 =	vld [tilespmem:s30+$0xFFFFFDC0]  }
0x246: {  	v51 =	vld [tilespmem:s30+$0xFFFFFE00]  }
0x247: {  	v52 =	vld [tilespmem:s30+$0xFFFFFE40]  }
0x248: {  	v53 =	vld [tilespmem:s30+$0xFFFFFE80]  }
0x249: {  	v54 =	vld [tilespmem:s30+$0xFFFFFEC0]  }
0x24a: {  	v55 =	vld [tilespmem:s30+$0xFFFFFF00]  }
0x24b: {  	v56 =	vld [tilespmem:s30+$0xFFFFFF40]  }
0x24c: {  	v57 =	vld [tilespmem:s30+$0xFFFFFF80]  }
0x24d: {  	v58 =	vld [tilespmem:s30+$0xFFFFFFC0]  }
0x24e: {  	v59 =	vld [tilespmem:s30+$0x0];
	_ =	sdelay $0x1  }
0x24f: {  	v24 =	vadd.f32 v25, v24;
	v25 =	vadd.f32 v27, v26  }
0x250: {  	v26 =	vadd.f32 v49, v28;
	v27 =	vadd.f32 v51, v50  }
0x251: {  	v60 =	vadd.f32 v53, v52;
	v61 =	vadd.f32 v55, v54  }
0x252: {  	v62 =	vadd.f32 v57, v56;
	v63 =	vadd.f32 v59, v58  }
0x253: {  	v24 =	vadd.f32 v25, v24;
	v25 =	vadd.f32 v27, v26  }
.Ltmp10:
0x254: {  	v26 =	vadd.f32 v61, v60;
	v27 =	vadd.f32 v63, v62;
	(pc) =	sbr.rel .LBB2_13-.Ltmp10, $3  }
0x255: {  	_ = 	snop  }
0x256: {  	v24 =	vadd.f32 v25, v24;
	v25 =	vadd.f32 v27, v26;
	_ =	sdelay $0x1  }
0x257: {  	v24 =	vadd.f32 v25, v24  }
.LBB2_14:
0x258: {  	p1 =	seq.s32 s24, $0x3D  }
.Ltmp11:
0x259: {  	_ = 	snop;
	(pc) =	sbr.rel @p1 .LBB2_16-.Ltmp11, $1  }
0x25a: {  	_ =	sdelay $0x3  }
0x25b: {  	s0 =	sadd.s32 s28, s9  }
.Ltmp12:
0x25c: {  	s0 =	sshll.u32 s0, $0x7;
	(pc) =	sbr.rel .LBB2_4-.Ltmp12, $4  }
0x25d: {  	s0 =	sor.u32 s4, s0  }
0x25e: {  	s24 =	sadd.s32 $0x1, s24;
	s0 =	sshrl.u32 s0, $0x3  }
0x25f: {  	s25 =	sadd.s32 $0x140, s25;
	s26 =	sadd.s32 $0x140, s26;
	s0 =	sadd.s32 s1, s0  }
0x260: {  	[tilespmem:s17], [sflag:$0x2] =	stream.strided.gather [hbm4b:s0+s14], $0x2800, s15, s14, $0x38;
	[tilespmem:$0x1DE20] =	vst v63  }
.LBB2_16:
.Ltmp13:
0x261: {  	(pc) =	sbr.rel .LBB2_17-.Ltmp13, $4  }
0x262: {  	_ = 	snop  }
0x263: {  	_ =	swait.ge [sflag:s20], $0x2800  }
0x264: {  	[sflag:s20] =	ssyncset.done $0x0  }
0x265: {  	s24 =	simm.s32 $0x0;
	s25 =	simm.s32 $0x14200;
	[sflag:s20] =	ssyncadd.s32 $0xFFFFD800  }
.LBB2_19:
0x266: {  	v23 =	vshll.u32 v23, $0x6  }
0x267: {  	v25 =	vor.u32 v0, v23;
	_ =	sdelay $0x4  }
0x268: {  	[tilespmem:v25+s3+$0x0] =	vst.idx.add.f32.msk $0xffff, v24  }
0x269: {  	v53 =	vor.u32 v2, v23;
	v24 =	vld [tilespmem:s25+$0xFFFFFE10];
	_ =	sdelay $0x4  }
0x26a: {  	[tilespmem:v53+s3+$0x0] =	vst.idx.add.f32.msk $0xffff, v24  }
0x26b: {  	v54 =	vor.u32 v3, v23;
	v24 =	vld [tilespmem:s25+$0xFFFFFE20];
	_ =	sdelay $0x4  }
0x26c: {  	[tilespmem:v54+s3+$0x0] =	vst.idx.add.f32.msk $0xffff, v24  }
0x26d: {  	v23 =	vor.u32 v4, v23;
	v24 =	vld [tilespmem:s25+$0xFFFFFE30];
	_ =	sdelay $0x2  }
0x26e: {  	v55 =	vperm.xlane v22, v8;
	_ =	sdelay $0x1  }
0x26f: {  	[tilespmem:v23+s3+$0x0] =	vst.idx.add.f32.msk $0xffff, v24;
	v23 =	vshll.u32 v55, $0x6  }
0x270: {  	v24 =	vld [tilespmem:s25+$0xFFFFFE40];
	v25 =	vor.u32 v0, v23;
	_ =	sdelay $0x4  }
0x271: {  	[tilespmem:v25+s3+$0x0] =	vst.idx.add.f32.msk $0xffff, v24  }
0x272: {  	v56 =	vor.u32 v2, v23;
	v24 =	vld [tilespmem:s25+$0xFFFFFE50];
	_ =	sdelay $0x4  }
0x273: {  	[tilespmem:v56+s3+$0x0] =	vst.idx.add.f32.msk $0xffff, v24  }
0x274: {  	v57 =	vor.u32 v3, v23;
	v24 =	vld [tilespmem:s25+$0xFFFFFE60];
	_ =	sdelay $0x4  }
0x275: {  	[tilespmem:v57+s3+$0x0] =	vst.idx.add.f32.msk $0xffff, v24  }
0x276: {  	v23 =	vor.u32 v4, v23;
	v24 =	vld [tilespmem:s25+$0xFFFFFE70];
	_ =	sdelay $0x2  }
0x277: {  	v58 =	vperm.xlane v22, v9;
	_ =	sdelay $0x1  }
0x278: {  	[tilespmem:v23+s3+$0x0] =	vst.idx.add.f32.msk $0xffff, v24;
	v23 =	vshll.u32 v58, $0x6  }
0x279: {  	v24 =	vld [tilespmem:s25+$0xFFFFFE80];
	v25 =	vor.u32 v0, v23;
	_ =	sdelay $0x4  }
0x27a: {  	[tilespmem:v25+s3+$0x0] =	vst.idx.add.f32.msk $0xffff, v24  }
0x27b: {  	v59 =	vor.u32 v2, v23;
	v24 =	vld [tilespmem:s25+$0xFFFFFE90];
	_ =	sdelay $0x4  }
0x27c: {  	[tilespmem:v59+s3+$0x0] =	vst.idx.add.f32.msk $0xffff, v24  }
0x27d: {  	v60 =	vor.u32 v3, v23;
	v24 =	vld [tilespmem:s25+$0xFFFFFEA0];
	_ =	sdelay $0x4  }
0x27e: {  	[tilespmem:v60+s3+$0x0] =	vst.idx.add.f32.msk $0xffff, v24  }
0x27f: {  	v23 =	vor.u32 v4, v23;
	v24 =	vld [tilespmem:s25+$0xFFFFFEB0];
	_ =	sdelay $0x2  }
0x280: {  	v61 =	vperm.xlane v22, v10;
	_ =	sdelay $0x1  }
0x281: {  	[tilespmem:v23+s3+$0x0] =	vst.idx.add.f32.msk $0xffff, v24;
	v23 =	vshll.u32 v61, $0x6  }
0x282: {  	v24 =	vld [tilespmem:s25+$0xFFFFFEC0];
	v25 =	vor.u32 v0, v23;
	_ =	sdelay $0x4  }
0x283: {  	[tilespmem:v25+s3+$0x0] =	vst.idx.add.f32.msk $0xffff, v24  }
0x284: {  	v62 =	vor.u32 v2, v23;
	v24 =	vld [tilespmem:s25+$0xFFFFFED0];
	_ =	sdelay $0x4  }
0x285: {  	[tilespmem:v62+s3+$0x0] =	vst.idx.add.f32.msk $0xffff, v24  }
0x286: {  	v63 =	vor.u32 v3, v23;
	v24 =	vld [tilespmem:s25+$0xFFFFFEE0];
	_ =	sdelay $0x4  }
0x287: {  	[tilespmem:v63+s3+$0x0] =	vst.idx.add.f32.msk $0xffff, v24  }
0x288: {  	v23 =	vor.u32 v4, v23;
	v24 =	vld [tilespmem:s25+$0xFFFFFEF0];
	_ =	sdelay $0x2  }
0x289: {  	v28 =	vperm.xlane v22, v11;
	_ =	sdelay $0x1  }
0x28a: {  	[tilespmem:v23+s3+$0x0] =	vst.idx.add.f32.msk $0xffff, v24;
	v23 =	vshll.u32 v28, $0x6  }
0x28b: {  	v24 =	vld [tilespmem:s25+$0xFFFFFF00];
	v25 =	vor.u32 v0, v23;
	_ =	sdelay $0x4  }
0x28c: {  	[tilespmem:v25+s3+$0x0] =	vst.idx.add.f32.msk $0xffff, v24  }
0x28d: {  	v29 =	vor.u32 v2, v23;
	v24 =	vld [tilespmem:s25+$0xFFFFFF10];
	_ =	sdelay $0x4  }
0x28e: {  	[tilespmem:v29+s3+$0x0] =	vst.idx.add.f32.msk $0xffff, v24  }
0x28f: {  	v30 =	vor.u32 v3, v23;
	v24 =	vld [tilespmem:s25+$0xFFFFFF20];
	_ =	sdelay $0x4  }
0x290: {  	[tilespmem:v30+s3+$0x0] =	vst.idx.add.f32.msk $0xffff, v24  }
0x291: {  	v23 =	vor.u32 v4, v23;
	v24 =	vld [tilespmem:s25+$0xFFFFFF30];
	_ =	sdelay $0x2  }
0x292: {  	v31 =	vperm.xlane v22, v12;
	_ =	sdelay $0x1  }
0x293: {  	[tilespmem:v23+s3+$0x0] =	vst.idx.add.f32.msk $0xffff, v24;
	v23 =	vshll.u32 v31, $0x6  }
0x294: {  	v24 =	vld [tilespmem:s25+$0xFFFFFF40];
	v25 =	vor.u32 v0, v23;
	_ =	sdelay $0x4  }
0x295: {  	[tilespmem:v25+s3+$0x0] =	vst.idx.add.f32.msk $0xffff, v24  }
0x296: {  	v32 =	vor.u32 v2, v23;
	v24 =	vld [tilespmem:s25+$0xFFFFFF50];
	_ =	sdelay $0x4  }
0x297: {  	[tilespmem:v32+s3+$0x0] =	vst.idx.add.f32.msk $0xffff, v24  }
0x298: {  	v33 =	vor.u32 v3, v23;
	v24 =	vld [tilespmem:s25+$0xFFFFFF60];
	_ =	sdelay $0x4  }
0x299: {  	[tilespmem:v33+s3+$0x0] =	vst.idx.add.f32.msk $0xffff, v24  }
0x29a: {  	v23 =	vor.u32 v4, v23;
	v24 =	vld [tilespmem:s25+$0xFFFFFF70];
	_ =	sdelay $0x2  }
0x29b: {  	v34 =	vperm.xlane v22, v7;
	_ =	sdelay $0x1  }
0x29c: {  	[tilespmem:v23+s3+$0x0] =	vst.idx.add.f32.msk $0xffff, v24;
	v23 =	vshll.u32 v34, $0x6  }
0x29d: {  	v24 =	vld [tilespmem:s25+$0xFFFFFF80];
	v25 =	vor.u32 v0, v23;
	_ =	sdelay $0x4  }
0x29e: {  	[tilespmem:v25+s3+$0x0] =	vst.idx.add.f32.msk $0xffff, v24  }
0x29f: {  	v35 =	vor.u32 v2, v23;
	v24 =	vld [tilespmem:s25+$0xFFFFFF90];
	_ =	sdelay $0x4  }
0x2a0: {  	[tilespmem:v35+s3+$0x0] =	vst.idx.add.f32.msk $0xffff, v24  }
0x2a1: {  	v36 =	vor.u32 v3, v23;
	v24 =	vld [tilespmem:s25+$0xFFFFFFA0];
	_ =	sdelay $0x4  }
0x2a2: {  	[tilespmem:v36+s3+$0x0] =	vst.idx.add.f32.msk $0xffff, v24  }
0x2a3: {  	v23 =	vor.u32 v4, v23;
	v24 =	vld [tilespmem:s25+$0xFFFFFFB0];
	_ =	sdelay $0x2  }
0x2a4: {  	v37 =	vperm.xlane v22, v13;
	_ =	sdelay $0x1  }
0x2a5: {  	[tilespmem:v23+s3+$0x0] =	vst.idx.add.f32.msk $0xffff, v24;
	v23 =	vshll.u32 v37, $0x6  }
0x2a6: {  	v24 =	vld [tilespmem:s25+$0xFFFFFFC0];
	v25 =	vor.u32 v0, v23;
	_ =	sdelay $0x4  }
0x2a7: {  	[tilespmem:v25+s3+$0x0] =	vst.idx.add.f32.msk $0xffff, v24  }
0x2a8: {  	v38 =	vor.u32 v2, v23;
	v24 =	vld [tilespmem:s25+$0xFFFFFFD0];
	_ =	sdelay $0x4  }
0x2a9: {  	[tilespmem:v38+s3+$0x0] =	vst.idx.add.f32.msk $0xffff, v24  }
0x2aa: {  	v39 =	vor.u32 v3, v23;
	v24 =	vld [tilespmem:s25+$0xFFFFFFE0];
	_ =	sdelay $0x4  }
0x2ab: {  	[tilespmem:v39+s3+$0x0] =	vst.idx.add.f32.msk $0xffff, v24  }
0x2ac: {  	v23 =	vor.u32 v4, v23;
	v24 =	vld [tilespmem:s25+$0xFFFFFFF0];
	_ =	sdelay $0x2  }
0x2ad: {  	v40 =	vperm.xlane v22, v14;
	_ =	sdelay $0x1  }
0x2ae: {  	[tilespmem:v23+s3+$0x0] =	vst.idx.add.f32.msk $0xffff, v24;
	v23 =	vshll.u32 v40, $0x6  }
0x2af: {  	v24 =	vld [tilespmem:s25+$0x0];
	v25 =	vor.u32 v0, v23;
	_ =	sdelay $0x4  }
0x2b0: {  	[tilespmem:v25+s3+$0x0] =	vst.idx.add.f32.msk $0xffff, v24  }
0x2b1: {  	v41 =	vor.u32 v2, v23;
	v24 =	vld [tilespmem:s25+$0x10];
	_ =	sdelay $0x4  }
0x2b2: {  	[tilespmem:v41+s3+$0x0] =	vst.idx.add.f32.msk $0xffff, v24  }
0x2b3: {  	v42 =	vor.u32 v3, v23;
	v24 =	vld [tilespmem:s25+$0x20];
	_ =	sdelay $0x4  }
0x2b4: {  	[tilespmem:v42+s3+$0x0] =	vst.idx.add.f32.msk $0xffff, v24  }
0x2b5: {  	v23 =	vor.u32 v4, v23;
	v24 =	vld [tilespmem:s25+$0x30];
	_ =	sdelay $0x2  }
0x2b6: {  	v43 =	vperm.xlane v22, v15;
	_ =	sdelay $0x1  }
0x2b7: {  	[tilespmem:v23+s3+$0x0] =	vst.idx.add.f32.msk $0xffff, v24;
	v23 =	vshll.u32 v43, $0x6  }
0x2b8: {  	v24 =	vld [tilespmem:s25+$0x40];
	v25 =	vor.u32 v0, v23;
	_ =	sdelay $0x4  }
0x2b9: {  	[tilespmem:v25+s3+$0x0] =	vst.idx.add.f32.msk $0xffff, v24  }
0x2ba: {  	v44 =	vor.u32 v2, v23;
	v24 =	vld [tilespmem:s25+$0x50];
	_ =	sdelay $0x4  }
0x2bb: {  	[tilespmem:v44+s3+$0x0] =	vst.idx.add.f32.msk $0xffff, v24  }
0x2bc: {  	v45 =	vor.u32 v3, v23;
	v24 =	vld [tilespmem:s25+$0x60];
	_ =	sdelay $0x4  }
0x2bd: {  	[tilespmem:v45+s3+$0x0] =	vst.idx.add.f32.msk $0xffff, v24  }
0x2be: {  	v23 =	vor.u32 v4, v23;
	v24 =	vld [tilespmem:s25+$0x70];
	_ =	sdelay $0x2  }
0x2bf: {  	v46 =	vperm.xlane v22, v16;
	_ =	sdelay $0x1  }
0x2c0: {  	[tilespmem:v23+s3+$0x0] =	vst.idx.add.f32.msk $0xffff, v24;
	v23 =	vshll.u32 v46, $0x6  }
0x2c1: {  	v24 =	vld [tilespmem:s25+$0x80];
	v25 =	vor.u32 v0, v23;
	_ =	sdelay $0x4  }
0x2c2: {  	[tilespmem:v25+s3+$0x0] =	vst.idx.add.f32.msk $0xffff, v24  }
0x2c3: {  	v47 =	vor.u32 v2, v23;
	v24 =	vld [tilespmem:s25+$0x90];
	_ =	sdelay $0x4  }
0x2c4: {  	[tilespmem:v47+s3+$0x0] =	vst.idx.add.f32.msk $0xffff, v24  }
0x2c5: {  	v48 =	vor.u32 v3, v23;
	v24 =	vld [tilespmem:s25+$0xA0];
	_ =	sdelay $0x4  }
0x2c6: {  	[tilespmem:v48+s3+$0x0] =	vst.idx.add.f32.msk $0xffff, v24  }
0x2c7: {  	v23 =	vor.u32 v4, v23;
	v24 =	vld [tilespmem:s25+$0xB0];
	_ =	sdelay $0x2  }
0x2c8: {  	v49 =	vperm.xlane v22, v17;
	_ =	sdelay $0x1  }
0x2c9: {  	[tilespmem:v23+s3+$0x0] =	vst.idx.add.f32.msk $0xffff, v24;
	v23 =	vshll.u32 v49, $0x6  }
0x2ca: {  	v24 =	vld [tilespmem:s25+$0xC0];
	v25 =	vor.u32 v0, v23;
	_ =	sdelay $0x4  }
0x2cb: {  	[tilespmem:v25+s3+$0x0] =	vst.idx.add.f32.msk $0xffff, v24  }
0x2cc: {  	v50 =	vor.u32 v2, v23;
	v24 =	vld [tilespmem:s25+$0xD0];
	_ =	sdelay $0x4  }
0x2cd: {  	[tilespmem:v50+s3+$0x0] =	vst.idx.add.f32.msk $0xffff, v24  }
0x2ce: {  	v51 =	vor.u32 v3, v23;
	v24 =	vld [tilespmem:s25+$0xE0];
	_ =	sdelay $0x4  }
0x2cf: {  	[tilespmem:v51+s3+$0x0] =	vst.idx.add.f32.msk $0xffff, v24  }
0x2d0: {  	v23 =	vor.u32 v4, v23;
	v24 =	vld [tilespmem:s25+$0xF0];
	_ =	sdelay $0x2  }
0x2d1: {  	v52 =	vperm.xlane v22, v18;
	_ =	sdelay $0x1  }
0x2d2: {  	[tilespmem:v23+s3+$0x0] =	vst.idx.add.f32.msk $0xffff, v24;
	v23 =	vshll.u32 v52, $0x6  }
0x2d3: {  	v24 =	vld [tilespmem:s25+$0x100];
	v25 =	vor.u32 v0, v23;
	_ =	sdelay $0x4  }
0x2d4: {  	[tilespmem:v25+s3+$0x0] =	vst.idx.add.f32.msk $0xffff, v24  }
0x2d5: {  	v53 =	vor.u32 v2, v23;
	v24 =	vld [tilespmem:s25+$0x110];
	_ =	sdelay $0x4  }
0x2d6: {  	[tilespmem:v53+s3+$0x0] =	vst.idx.add.f32.msk $0xffff, v24  }
0x2d7: {  	v54 =	vor.u32 v3, v23;
	v24 =	vld [tilespmem:s25+$0x120];
	_ =	sdelay $0x4  }
0x2d8: {  	[tilespmem:v54+s3+$0x0] =	vst.idx.add.f32.msk $0xffff, v24  }
0x2d9: {  	v23 =	vor.u32 v4, v23;
	v24 =	vld [tilespmem:s25+$0x130];
	_ =	sdelay $0x2  }
0x2da: {  	v55 =	vperm.xlane v22, v19;
	_ =	sdelay $0x1  }
0x2db: {  	[tilespmem:v23+s3+$0x0] =	vst.idx.add.f32.msk $0xffff, v24;
	v23 =	vshll.u32 v55, $0x6  }
0x2dc: {  	v24 =	vld [tilespmem:s25+$0x140];
	v25 =	vor.u32 v0, v23;
	_ =	sdelay $0x4  }
0x2dd: {  	[tilespmem:v25+s3+$0x0] =	vst.idx.add.f32.msk $0xffff, v24  }
0x2de: {  	v56 =	vor.u32 v2, v23;
	v24 =	vld [tilespmem:s25+$0x150];
	_ =	sdelay $0x4  }
0x2df: {  	[tilespmem:v56+s3+$0x0] =	vst.idx.add.f32.msk $0xffff, v24  }
0x2e0: {  	v57 =	vor.u32 v3, v23;
	v24 =	vld [tilespmem:s25+$0x160];
	_ =	sdelay $0x4  }
0x2e1: {  	[tilespmem:v57+s3+$0x0] =	vst.idx.add.f32.msk $0xffff, v24  }
0x2e2: {  	v23 =	vor.u32 v4, v23;
	v24 =	vld [tilespmem:s25+$0x170];
	_ =	sdelay $0x2  }
0x2e3: {  	v58 =	vperm.xlane v22, v20;
	_ =	sdelay $0x1  }
0x2e4: {  	[tilespmem:v23+s3+$0x0] =	vst.idx.add.f32.msk $0xffff, v24;
	v23 =	vshll.u32 v58, $0x6  }
0x2e5: {  	v24 =	vld [tilespmem:s25+$0x180];
	v25 =	vor.u32 v0, v23;
	_ =	sdelay $0x4  }
0x2e6: {  	[tilespmem:v25+s3+$0x0] =	vst.idx.add.f32.msk $0xffff, v24  }
0x2e7: {  	v59 =	vor.u32 v2, v23;
	v24 =	vld [tilespmem:s25+$0x190];
	_ =	sdelay $0x4  }
0x2e8: {  	[tilespmem:v59+s3+$0x0] =	vst.idx.add.f32.msk $0xffff, v24  }
0x2e9: {  	v60 =	vor.u32 v3, v23;
	v24 =	vld [tilespmem:s25+$0x1A0];
	_ =	sdelay $0x4  }
0x2ea: {  	[tilespmem:v60+s3+$0x0] =	vst.idx.add.f32.msk $0xffff, v24  }
0x2eb: {  	v23 =	vor.u32 v4, v23;
	v24 =	vld [tilespmem:s25+$0x1B0];
	_ =	sdelay $0x2  }
0x2ec: {  	v22 =	vperm.xlane v22, v21;
	_ =	sdelay $0x1  }
0x2ed: {  	v22 =	vshll.u32 v22, $0x6;
	[tilespmem:v23+s3+$0x0] =	vst.idx.add.f32.msk $0xffff, v24  }
0x2ee: {  	v61 =	vor.u32 v0, v22;
	v23 =	vld [tilespmem:s25+$0x1C0];
	_ =	sdelay $0x4  }
0x2ef: {  	[tilespmem:v61+s3+$0x0] =	vst.idx.add.f32.msk $0xffff, v23  }
0x2f0: {  	v62 =	vor.u32 v2, v22;
	v23 =	vld [tilespmem:s25+$0x1D0];
	_ =	sdelay $0x4  }
0x2f1: {  	[tilespmem:v62+s3+$0x0] =	vst.idx.add.f32.msk $0xffff, v23  }
0x2f2: {  	v63 =	vor.u32 v3, v22;
	v23 =	vld [tilespmem:s25+$0x1E0];
	_ =	sdelay $0x4  }
0x2f3: {  	[tilespmem:v63+s3+$0x0] =	vst.idx.add.f32.msk $0xffff, v23  }
0x2f4: {  	v23 =	vld [tilespmem:s25+$0x1F0]  }
.LBB2_20:
0x2f5: {  	s24 =	sadd.s32 $0x40, s24  }
0x2f6: {  	v22 =	vor.u32 v4, v22;
	p1 =	sne.s32 s24, $0x280  }
.Ltmp14:
0x2f7: {  	_ = 	snop;
	(pc) =	sbr.rel @!p1 .LBB2_21-.Ltmp14, $2  }
0x2f8: {  	_ =	sdelay $0x2  }
0x2f9: {  	s25 =	sadd.s32 $0x400, s25;
	[tilespmem:v22+s3+$0x0] =	vst.idx.add.f32.msk $0xffff, v23  }
.LBB2_17:
0x2fa: {  	s0 =	sshra.s32 s24, $0x2  }
0x2fb: {  	v22 =	vld [tilespmem:s0+$0x1DD80];
	_ =	sdelay $0x4  }
0x2fc: {  	vm0 =	vlt.s32 v22, $0x3FF  }
0x2fd: {  	v22 =	vnsel vm0, $0x3FF, v22  }
0x2fe: {  	(v2sf) =	vpush v22, $0x0  }
0x2ff: {  	(v2sf) =	vpush v22, $0xF;
	_ =	sdelay $0xd  }
0x300: {  	v23 =	vshll.u32 v22, $0x4;
	s31 =	spop (v2sf)  }
0x301: {  	v23 =	vor.u32 v0, v23;
	s26 =	spop (v2sf)  }
0x302: {  	p1 =	sne.s32 s31, s26  }
.Ltmp15:
0x303: {  	_ = 	snop;
	(pc) =	sbr.rel @p1 .LBB2_19-.Ltmp15, $3  }
0x304: {  	_ =	sdelay $0x1  }
0x305: {  	[tilespmem:v23+s18+$0x0] =	vst.idx.add.f32.msk $0xffff, v5;
	v23 =	vperm.xlane v22, v6  }
0x306: {  	v24 =	vld [tilespmem:s25+$0xFFFFFE00]  }
0x307: {  	v22 =	vld [tilespmem:s25+$0xFFFFFE40]  }
0x308: {  	v25 =	vld [tilespmem:s25+$0xFFFFFE80]  }
0x309: {  	v26 =	vld [tilespmem:s25+$0xFFFFFEC0]  }
0x30a: {  	v27 =	vld [tilespmem:s25+$0xFFFFFF00]  }
0x30b: {  	v28 =	vld [tilespmem:s25+$0xFFFFFF40]  }
0x30c: {  	v29 =	vld [tilespmem:s25+$0xFFFFFF80]  }
0x30d: {  	v30 =	vld [tilespmem:s25+$0xFFFFFFC0]  }
0x30e: {  	v31 =	vld [tilespmem:s25+$0x0]  }
0x30f: {  	v32 =	vld [tilespmem:s25+$0x40]  }
0x310: {  	v33 =	vld [tilespmem:s25+$0x80]  }
0x311: {  	v34 =	vld [tilespmem:s25+$0xC0]  }
0x312: {  	v35 =	vld [tilespmem:s25+$0x100]  }
0x313: {  	v36 =	vld [tilespmem:s25+$0x140]  }
0x314: {  	v37 =	vld [tilespmem:s25+$0x180]  }
0x315: {  	v38 =	vld [tilespmem:s25+$0x1C0];
	_ =	sdelay $0x1  }
0x316: {  	v22 =	vadd.f32 v22, v24;
	v49 =	vadd.f32 v26, v25  }
0x317: {  	v50 =	vadd.f32 v28, v27;
	v51 =	vadd.f32 v30, v29  }
0x318: {  	v52 =	vadd.f32 v32, v31;
	v53 =	vadd.f32 v34, v33  }
0x319: {  	v54 =	vadd.f32 v36, v35;
	v55 =	vadd.f32 v38, v37  }
0x31a: {  	v24 =	vadd.f32 v49, v22;
	v25 =	vadd.f32 v51, v50  }
0x31b: {  	v56 =	vadd.f32 v53, v52;
	v57 =	vadd.f32 v55, v54;
	v22 =	vshll.u32 v23, $0x6  }
0x31c: {  	v23 =	vor.u32 v0, v22  }
0x31d: {  	v24 =	vadd.f32 v25, v24;
	v58 =	vadd.f32 v57, v56;
	_ =	sdelay $0x1  }
0x31e: {  	v24 =	vadd.f32 v58, v24;
	_ =	sdelay $0x1  }
0x31f: {  	[tilespmem:v23+s3+$0x0] =	vst.idx.add.f32.msk $0xffff, v24  }
0x320: {  	v23 =	vld [tilespmem:s25+$0xFFFFFE10]  }
0x321: {  	v24 =	vld [tilespmem:s25+$0xFFFFFE50]  }
0x322: {  	v59 =	vld [tilespmem:s25+$0xFFFFFE90]  }
0x323: {  	v60 =	vld [tilespmem:s25+$0xFFFFFED0]  }
0x324: {  	v61 =	vld [tilespmem:s25+$0xFFFFFF10]  }
0x325: {  	v62 =	vld [tilespmem:s25+$0xFFFFFF50]  }
0x326: {  	v63 =	vld [tilespmem:s25+$0xFFFFFF90]  }
0x327: {  	v40 =	vld [tilespmem:s25+$0xFFFFFFD0]  }
0x328: {  	v41 =	vld [tilespmem:s25+$0x10]  }
0x329: {  	v42 =	vld [tilespmem:s25+$0x50]  }
0x32a: {  	v43 =	vld [tilespmem:s25+$0x90]  }
0x32b: {  	v44 =	vld [tilespmem:s25+$0xD0]  }
0x32c: {  	v45 =	vld [tilespmem:s25+$0x110]  }
0x32d: {  	v46 =	vld [tilespmem:s25+$0x150]  }
0x32e: {  	v47 =	vld [tilespmem:s25+$0x190]  }
0x32f: {  	v48 =	vld [tilespmem:s25+$0x1D0];
	_ =	sdelay $0x1  }
0x330: {  	v23 =	vadd.f32 v24, v23;
	v49 =	vadd.f32 v60, v59  }
0x331: {  	v50 =	vadd.f32 v62, v61;
	v51 =	vadd.f32 v40, v63  }
0x332: {  	v52 =	vadd.f32 v42, v41;
	v53 =	vadd.f32 v44, v43  }
0x333: {  	v54 =	vadd.f32 v46, v45;
	v55 =	vadd.f32 v48, v47  }
0x334: {  	v23 =	vadd.f32 v49, v23;
	v56 =	vadd.f32 v51, v50  }
0x335: {  	v57 =	vadd.f32 v53, v52;
	v58 =	vadd.f32 v55, v54  }
0x336: {  	v59 =	vor.u32 v2, v22  }
0x337: {  	v23 =	vadd.f32 v56, v23;
	v60 =	vadd.f32 v58, v57;
	_ =	sdelay $0x1  }
0x338: {  	v23 =	vadd.f32 v60, v23;
	_ =	sdelay $0x1  }
0x339: {  	[tilespmem:v59+s3+$0x0] =	vst.idx.add.f32.msk $0xffff, v23  }
0x33a: {  	v23 =	vld [tilespmem:s25+$0xFFFFFE20]  }
0x33b: {  	v61 =	vld [tilespmem:s25+$0xFFFFFE60]  }
0x33c: {  	v62 =	vld [tilespmem:s25+$0xFFFFFEA0]  }
0x33d: {  	v63 =	vld [tilespmem:s25+$0xFFFFFEE0]  }
0x33e: {  	v27 =	vld [tilespmem:s25+$0xFFFFFF20]  }
0x33f: {  	v40 =	vld [tilespmem:s25+$0xFFFFFF60]  }
0x340: {  	v41 =	vld [tilespmem:s25+$0xFFFFFFA0]  }
0x341: {  	v42 =	vld [tilespmem:s25+$0xFFFFFFE0]  }
0x342: {  	v43 =	vld [tilespmem:s25+$0x20]  }
0x343: {  	v44 =	vld [tilespmem:s25+$0x60]  }
0x344: {  	v45 =	vld [tilespmem:s25+$0xA0]  }
0x345: {  	v46 =	vld [tilespmem:s25+$0xE0]  }
0x346: {  	v47 =	vld [tilespmem:s25+$0x120]  }
0x347: {  	v48 =	vld [tilespmem:s25+$0x160]  }
0x348: {  	v49 =	vld [tilespmem:s25+$0x1A0]  }
0x349: {  	v50 =	vld [tilespmem:s25+$0x1E0];
	_ =	sdelay $0x1  }
0x34a: {  	v23 =	vadd.f32 v61, v23;
	v51 =	vadd.f32 v63, v62  }
0x34b: {  	v52 =	vadd.f32 v40, v27;
	v53 =	vadd.f32 v42, v41  }
0x34c: {  	v54 =	vadd.f32 v44, v43;
	v55 =	vadd.f32 v46, v45  }
0x34d: {  	v56 =	vadd.f32 v48, v47;
	v57 =	vadd.f32 v50, v49  }
0x34e: {  	v23 =	vadd.f32 v51, v23;
	v58 =	vadd.f32 v53, v52  }
0x34f: {  	v59 =	vadd.f32 v55, v54;
	v60 =	vadd.f32 v57, v56  }
0x350: {  	v61 =	vor.u32 v3, v22  }
0x351: {  	v23 =	vadd.f32 v58, v23;
	v62 =	vadd.f32 v60, v59;
	_ =	sdelay $0x1  }
0x352: {  	v23 =	vadd.f32 v62, v23;
	_ =	sdelay $0x1  }
0x353: {  	[tilespmem:v61+s3+$0x0] =	vst.idx.add.f32.msk $0xffff, v23  }
0x354: {  	v23 =	vld [tilespmem:s25+$0xFFFFFE30]  }
0x355: {  	v63 =	vld [tilespmem:s25+$0xFFFFFE70]  }
0x356: {  	v40 =	vld [tilespmem:s25+$0xFFFFFEB0]  }
0x357: {  	v41 =	vld [tilespmem:s25+$0xFFFFFEF0]  }
0x358: {  	v27 =	vld [tilespmem:s25+$0xFFFFFF30]  }
0x359: {  	v42 =	vld [tilespmem:s25+$0xFFFFFF70]  }
0x35a: {  	v43 =	vld [tilespmem:s25+$0xFFFFFFB0]  }
0x35b: {  	v44 =	vld [tilespmem:s25+$0xFFFFFFF0]  }
0x35c: {  	v45 =	vld [tilespmem:s25+$0x30]  }
0x35d: {  	v46 =	vld [tilespmem:s25+$0x70]  }
0x35e: {  	v47 =	vld [tilespmem:s25+$0xB0]  }
0x35f: {  	v48 =	vld [tilespmem:s25+$0xF0]  }
0x360: {  	v49 =	vld [tilespmem:s25+$0x130]  }
0x361: {  	v50 =	vld [tilespmem:s25+$0x170]  }
0x362: {  	v51 =	vld [tilespmem:s25+$0x1B0]  }
0x363: {  	v52 =	vld [tilespmem:s25+$0x1F0];
	_ =	sdelay $0x1  }
0x364: {  	v23 =	vadd.f32 v63, v23;
	v53 =	vadd.f32 v41, v40  }
0x365: {  	v54 =	vadd.f32 v42, v27;
	v55 =	vadd.f32 v44, v43  }
0x366: {  	v56 =	vadd.f32 v46, v45;
	v57 =	vadd.f32 v48, v47  }
0x367: {  	v58 =	vadd.f32 v50, v49;
	v59 =	vadd.f32 v52, v51  }
0x368: {  	v23 =	vadd.f32 v53, v23;
	v60 =	vadd.f32 v55, v54  }
.Ltmp16:
0x369: {  	v61 =	vadd.f32 v57, v56;
	v62 =	vadd.f32 v59, v58;
	(pc) =	sbr.rel .LBB2_20-.Ltmp16, $3  }
0x36a: {  	_ = 	snop  }
0x36b: {  	v23 =	vadd.f32 v60, v23;
	v63 =	vadd.f32 v62, v61;
	_ =	sdelay $0x1  }
0x36c: {  	v23 =	vadd.f32 v63, v23  }
.LBB2_22:
0x36d: {  	_ =	sfence.sel $0x180000  }
0x36e: {  	[bflag:$0x0] =	sbarrier.arrive $0xFFFF  }
0x36f: {  	_ =	strace $0x90000047  }
0x370: {  	[bflag:$0x2] =	sbarrier.arrive $0xFFFF  }
0x371: {  	p0 =	sne.s32 s2, $0x0;
	s0 =	rddreg [dreg:$0x3]  }
0x372: {  	s0 =	sadd.s32 @!p0 $0x100000, s0  }
0x373: {  	[sflag:s0] =	ssyncadd.tile.s32 @!p0 $0x1;
	_ =	shalt  }
.Lfunc_end2:
_tile_overlayer_lowered:
.L_overlay_start_2:
0x374: {  	(tag) =	ssettag $0x2  }
0x375: {  	s0 =	rddreg [dreg:$0x0];
	s2 =	stileid.u32  }
0x376: {  	s1 =	rddreg [dreg:$0x1];
	p0 =	sne.s32 s2, $0x0  }
0x377: {  	s3 =	rddreg [dreg:$0x2];
	[bflag:$0x3] =	sbarrier.arrive $0xFFFF;
	s2 =	simm.s32 @!p0 $0x1C04  }
0x378: {  	[timem:s3], [sflag:s2] =	dma.local @!p0 [hbm:s0], s1  }
0x379: {  	s0 =	simm.s32 @!p0 $0x4  }
0x37a: {  	_ =	swait.ge @!p0 [sflag:s0], s1  }
0x37b: {  	s1 =	ssub.s32 @!p0 $0x0, s1;
	[sflag:s0] =	ssyncset.done @!p0 $0x0  }
0x37c: {  	[sflag:s0] =	ssyncadd.s32 @!p0 s1  }
0x37d: {  	[bflag:$0x3] =	sbarrier.arrive $0xFFFF  }
0x37e: {  	_ =	shalt  }

</sc_bundles>
